<compile_context>
chip_gen: v7x
topology: tpu7x:2x2x1
jax: 0.10.2.dev20260603
libtpu: 0.0.44.dev20260713+nightly
codegen_flags: <defaults>
</compile_context>

<pallas_src>
import functools

import jax
import jax.numpy as jnp
from jax import lax
from jax.experimental import pallas as pl
from jax.experimental.pallas import tpu as pltpu
from jax.experimental.pallas import tpu_sc as plsc

NC = 2
NS = 16
NW = NC * NS
LANES = 16
CHUNK = 128
BM = 512
SHIFT = 14


def _i0():
    return jnp.int32(0)


def _sc_degree(packed_idx, npad):
    k_chunks = packed_idx.shape[1]
    rows_per_tile = npad // NS
    mesh = plsc.VectorSubcoreMesh(core_axis_name="c", subcore_axis_name="s")

    @functools.partial(
        pl.kernel,
        out_type=(
            jax.ShapeDtypeStruct((NC, npad), jnp.float32),
            jax.ShapeDtypeStruct((NC, npad), jnp.float32),
        ),
        mesh=mesh,
        scratch_types=[
            pltpu.VMEM((k_chunks, CHUNK), jnp.int32),
            pltpu.VMEM((8, CHUNK), jnp.int32),
            pltpu.VMEM((CHUNK,), jnp.float32),
            pltpu.VMEM((8, CHUNK), jnp.float32),
            pltpu.VMEM((rows_per_tile,), jnp.float32),
            pltpu.VMEM_SHARED((npad,), jnp.float32),
            pltpu.VMEM_SHARED((npad,), jnp.float32),
            pltpu.SemaphoreType.DMA,
            pltpu.SemaphoreType.DMA,
        ],
    )
    def deg_kernel(pk_hbm, deg_out, self_out,
                   pk, idxr, ones_v, sval, zb, deg_s, self_s, sem0, sem1):
        c = lax.axis_index("c")
        s = lax.axis_index("s")
        wid = c * NS + s
        base = s * rows_per_tile

        zeros16 = jnp.zeros((LANES,), jnp.float32)
        ones16 = jnp.ones((LANES,), jnp.float32)

        def zb_body(i, _):
            zb[pl.ds(i * LANES, LANES)] = zeros16
            return _
        lax.fori_loop(jnp.int32(0), jnp.int32(rows_per_tile // LANES), zb_body, jnp.int32(0))

        for j in range(CHUNK // LANES):
            ones_v[pl.ds(j * LANES, LANES)] = ones16

        pltpu.sync_copy(zb, deg_s.at[pl.ds(base, rows_per_tile)])
        pltpu.sync_copy(zb, self_s.at[pl.ds(base, rows_per_tile)])
        pltpu.sync_copy(pk_hbm.at[wid], pk)
        plsc.subcore_barrier()

        slot0 = jnp.int32(0)
        slot1 = jnp.int32(1)
        sems = (sem0, sem1)
        slots = (slot0, slot1)

        def unpack(k, slot):
            for j in range(CHUNK // LANES):
                pv = pk[k, pl.ds(j * LANES, LANES)]
                rv = lax.shift_right_logical(pv, jnp.int32(SHIFT))
                cv = lax.bitwise_and(pv, jnp.int32((1 << SHIFT) - 1))
                idxr[slot, pl.ds(j * LANES, LANES)] = rv
                eq = 1 - jnp.minimum(jnp.abs(rv - cv), 1)
                sval[slot, pl.ds(j * LANES, LANES)] = eq.astype(jnp.float32)

        def fire(slot):
            sl, sm = slots[slot], sems[slot]
            pltpu.async_copy(ones_v, deg_s.at[idxr.at[sl]], sm, add=True)
            pltpu.async_copy(sval.at[sl], self_s.at[idxr.at[sl]], sm, add=True)

        def drain(slot):
            sl, sm = slots[slot], sems[slot]
            pltpu.make_async_copy(ones_v, deg_s.at[idxr.at[sl]], sm).wait()
            pltpu.make_async_copy(sval.at[sl], self_s.at[idxr.at[sl]], sm).wait()

        unpack(jnp.int32(0), 0)
        fire(0)

        def body(h, _):
            k0 = 2 * h
            unpack(k0 + 1, 1)
            fire(1)
            drain(0)

            @pl.when(k0 + 2 < k_chunks)
            def _prefetch():
                unpack(k0 + 2, 0)
                fire(0)

            drain(1)
            return _
        lax.fori_loop(jnp.int32(0), jnp.int32(k_chunks // 2), body, jnp.int32(0))

        plsc.subcore_barrier()
        pltpu.sync_copy(deg_s.at[pl.ds(base, rows_per_tile)],
                        deg_out.at[c, pl.ds(base, rows_per_tile)])
        pltpu.sync_copy(self_s.at[pl.ds(base, rows_per_tile)],
                        self_out.at[c, pl.ds(base, rows_per_tile)])

    return deg_kernel(packed_idx)


def _sc_segment_sum(y, packed_idx, npad, d):
    k_chunks = packed_idx.shape[1]
    rows_per_tile = npad // NS
    mesh = plsc.VectorSubcoreMesh(core_axis_name="c", subcore_axis_name="s")

    @functools.partial(
        pl.kernel,
        out_type=jax.ShapeDtypeStruct((NC, npad, d), jnp.float32),
        mesh=mesh,
        scratch_types=[
            pltpu.VMEM((k_chunks, CHUNK), jnp.int32),
            pltpu.VMEM((8, CHUNK), jnp.int32),
            pltpu.VMEM((8, CHUNK), jnp.int32),
            pltpu.VMEM((CHUNK, d), jnp.float32),
            pltpu.VMEM((CHUNK, d), jnp.float32),
            pltpu.VMEM((8, d), jnp.float32),
            pltpu.VMEM_SHARED((npad, d), jnp.float32),
            pltpu.SemaphoreType.DMA,
            pltpu.SemaphoreType.DMA,
        ],
    )
    def seg_kernel(y_hbm, pk_hbm, s_out,
                   pk, idxr, idxc, rows0, rows1, zb, acc_s, sem0, sem1):
        c = lax.axis_index("c")
        s = lax.axis_index("s")
        wid = c * NS + s
        base = s * rows_per_tile

        zeros16 = jnp.zeros((LANES,), jnp.float32)

        def zb_body(i, _):
            r = i // (d // LANES)
            col0 = (i % (d // LANES)) * LANES
            zb[r, pl.ds(col0, LANES)] = zeros16
            return _
        lax.fori_loop(jnp.int32(0), jnp.int32(8 * d // LANES), zb_body, jnp.int32(0))

        def zacc_fire(i, _):
            pltpu.async_copy(zb, acc_s.at[pl.ds(base + i * 8, 8)], sem0)
            return _
        lax.fori_loop(jnp.int32(0), jnp.int32(rows_per_tile // 8), zacc_fire, jnp.int32(0))
        pltpu.sync_copy(pk_hbm.at[wid], pk)

        def zacc_drain(i, _):
            pltpu.make_async_copy(zb, acc_s.at[pl.ds(base + i * 8, 8)], sem0).wait()
            return _
        lax.fori_loop(jnp.int32(0), jnp.int32(rows_per_tile // 8), zacc_drain, jnp.int32(0))
        plsc.subcore_barrier()

        slot0 = jnp.int32(0)
        slot1 = jnp.int32(1)

        def unpack(k, slot):
            for j in range(CHUNK // LANES):
                pv = pk[k, pl.ds(j * LANES, LANES)]
                idxr[slot, pl.ds(j * LANES, LANES)] = lax.shift_right_logical(
                    pv, jnp.int32(SHIFT))
                idxc[slot, pl.ds(j * LANES, LANES)] = lax.bitwise_and(
                    pv, jnp.int32((1 << SHIFT) - 1))

        unpack(jnp.int32(0), 0)
        pltpu.async_copy(y_hbm.at[idxc.at[slot0]], rows0, sem0)

        def body(h, _):
            k0 = 2 * h
            unpack(k0 + 1, 1)
            g1 = pltpu.async_copy(y_hbm.at[idxc.at[slot1]], rows1, sem1)
            pltpu.make_async_copy(y_hbm.at[idxc.at[slot0]], rows0, sem0).wait()
            pltpu.sync_copy(rows0, acc_s.at[idxr.at[slot0]], add=True)

            @pl.when(k0 + 2 < k_chunks)
            def _prefetch():
                unpack(k0 + 2, 0)
                pltpu.async_copy(y_hbm.at[idxc.at[slot0]], rows0, sem0)

            g1.wait()
            pltpu.sync_copy(rows1, acc_s.at[idxr.at[slot1]], add=True)
            return _
        lax.fori_loop(jnp.int32(0), jnp.int32(k_chunks // 2), body, jnp.int32(0))

        plsc.subcore_barrier()
        pltpu.sync_copy(acc_s.at[pl.ds(base, rows_per_tile)],
                        s_out.at[c, pl.ds(base, rows_per_tile)])

    return seg_kernel(y, packed_idx)


def _tc_transform(x, w, deg_t, n, npad, d):
    bm = 400
    assert n % bm == 0

    def body(x_ref, w_ref, deg_ref, y_ref):
        deg = jnp.sum(deg_ref[...], axis=1, keepdims=True)
        dinv = jnp.where(deg > 0, lax.rsqrt(deg), 0.0)
        y_ref[...] = dinv * jnp.dot(x_ref[...], w_ref[...],
                                    preferred_element_type=jnp.float32)

    return pl.pallas_call(
        body,
        grid=(n // bm,),
        in_specs=[
            pl.BlockSpec((bm, d), lambda i: (i, _i0())),
            pl.BlockSpec((d, d), lambda i: (_i0(), _i0())),
            pl.BlockSpec((bm, NC), lambda i: (i, _i0())),
        ],
        out_specs=pl.BlockSpec((bm, d), lambda i: (i, _i0())),
        out_shape=jax.ShapeDtypeStruct((npad, d), jnp.float32),
    )(x, w, deg_t)


def _tc_final(s_parts, y, deg_t, self_t, b2, n, d):
    def body(s_ref, y_ref, deg_ref, self_ref, b_ref, o_ref):
        deg = jnp.sum(deg_ref[...], axis=1, keepdims=True)
        dinv = jnp.where(deg > 0, lax.rsqrt(deg), 0.0)
        selfc = jnp.sum(self_ref[...], axis=1, keepdims=True)
        total = s_ref[0] + s_ref[1]
        o_ref[...] = dinv * total + (1.0 - selfc) * dinv * y_ref[...] + b_ref[...]

    bm = 400
    return pl.pallas_call(
        body,
        grid=(n // bm,),
        in_specs=[
            pl.BlockSpec((NC, bm, d), lambda i: (_i0(), i, _i0())),
            pl.BlockSpec((bm, d), lambda i: (i, _i0())),
            pl.BlockSpec((bm, NC), lambda i: (i, _i0())),
            pl.BlockSpec((bm, NC), lambda i: (i, _i0())),
            pl.BlockSpec((1, d), lambda i: (_i0(), _i0())),
        ],
        out_specs=pl.BlockSpec((bm, d), lambda i: (i, _i0())),
        out_shape=jax.ShapeDtypeStruct((n, d), jnp.float32),
    )(s_parts, y, deg_t, self_t, b2)


def kernel(x, edge_index, W, b):
    n, d = x.shape
    e = edge_index.shape[1]
    assert n < (1 << SHIFT), "node ids must fit the packed edge encoding"

    x = x.astype(jnp.float32)
    W = W.astype(jnp.float32)
    b = b.astype(jnp.float32)

    npad = -(-(n + 1) // (NS * CHUNK)) * (NS * CHUNK)
    k_chunks = -(-e // (NW * CHUNK))
    k_chunks += k_chunks % 2
    epad = NW * CHUNK * k_chunks

    row = edge_index[0].astype(jnp.int32)
    col = edge_index[1].astype(jnp.int32)
    packed = jnp.bitwise_or(jnp.left_shift(row, SHIFT), col)
    pad_val = jnp.full((epad - e,), (n << SHIFT) | n, dtype=jnp.int32)
    packed = jnp.concatenate([packed, pad_val]).reshape(NW, k_chunks, CHUNK)

    deg_parts, self_parts = _sc_degree(packed, npad)
    deg_t = deg_parts.T
    self_t = self_parts.T

    y = _tc_transform(x, W, deg_t, n, npad, d)
    s_parts = _sc_segment_sum(y, packed, npad, d)
    return _tc_final(s_parts, y, deg_t, self_t, b.reshape(1, d), n, d)

# --- scband reference (transcript-rebuilt; emitter-appended) ---
"""Pipeline reference for scband-gcnconv-4440996184785 (READ-ONLY COPY).

The authoritative reference and input builder live on the scoring server;
editing this copy changes nothing except your own understanding.
"""

import jax
jax.config.update("jax_enable_x64", True)
import jax.numpy as jnp
import numpy as np

N_NODES = 10000
N_EDGES = 320000
D_IN = 128
D_OUT = 128


def setup_inputs(seed: int = 0) -> dict:
    key = jax.random.key(seed)
    k1, k2, k3, k4 = jax.random.split(key, 4)
    x = jax.random.normal(k1, (N_NODES, D_IN), dtype=jnp.float32)
    edge_index = jax.random.randint(k2, (2, N_EDGES), 0, N_NODES, dtype=jnp.int64)
    bound = 1.0 / np.sqrt(D_IN)
    W = jax.random.uniform(k3, (D_IN, D_OUT), minval=-bound, maxval=bound, dtype=jnp.float32)
    b = jax.random.uniform(k4, (D_OUT,), minval=-bound, maxval=bound, dtype=jnp.float32)
    return {"x": x, "edge_index": edge_index, "W": W, "b": b}


def reference(x, edge_index, W, b):
    row = edge_index[0]
    col = edge_index[1]
    num_nodes = x.shape[0]
    # degree of source/row nodes over original edges (edge_attr defaults to ones)
    deg = jnp.zeros((num_nodes,), dtype=x.dtype).at[row].add(1.0)
    dinv = jnp.where(deg > 0, deg ** -0.5, 0.0)
    # normalized edge weights D^{-1/2} A D^{-1/2}
    w = dinv[row] * dinv[col]
    # remove self loops (zero their weight -> equivalent to dropping those edges)
    w = jnp.where(row == col, jnp.zeros_like(w), w)
    # dense transform
    out = x @ W
    # sparse matmul: agg[i] = sum_{e: row[e]=i} w[e] * out[col[e]]
    agg = jnp.zeros_like(out).at[row].add(w[:, None] * out[col])
    # add self loops with weight deg^{-1} (= dinv * dinv)
    agg = agg + (dinv * dinv)[:, None] * out
    return agg + b

if __name__ == "__main__":
    import jax
    _d = setup_inputs()
    print(jax.jit(kernel)(*tuple(_d.values())))

</pallas_src>

<mosaic_0001>
#map = affine_map<(d0, d1) -> (0, 0)>
#map1 = affine_map<(d0, d1) -> (0, 0, 0)>
module attributes {stable_mosaic.version = 14 : i64} {
  func.func @seg_kernel(%arg0: i32, %arg1: i32, %arg2: memref<10240x128xf32, #tpu.memory_space<hbm>>, %arg3: memref<32x80x128xi32, #tpu.memory_space<hbm>>, %arg4: memref<2x10240x128xf32, #tpu.memory_space<hbm>>, %arg5: memref<80x128xi32, #tpu.memory_space<vmem>>, %arg6: memref<8x128xi32, #tpu.memory_space<vmem>>, %arg7: memref<8x128xi32, #tpu.memory_space<vmem>>, %arg8: memref<128x128xf32, #tpu.memory_space<vmem>>, %arg9: memref<128x128xf32, #tpu.memory_space<vmem>>, %arg10: memref<8x128xf32, #tpu.memory_space<vmem>>, %arg11: memref<10240x128xf32, #tpu.memory_space<vmem_shared>>, %arg12: memref<!tpu.dma_semaphore, #tpu.memory_space<semaphore_mem>>, %arg13: memref<!tpu.dma_semaphore, #tpu.memory_space<semaphore_mem>>) attributes {dimension_semantics = [#tpu.dimension_semantics<core_parallel>, #tpu.dimension_semantics<subcore_parallel>], iteration_bounds = array<i64: 2, 16>, scalar_prefetch = 0 : i64, scratch_operands = 9 : i64, tpu.core_type = #tpu.core_type<sc_vector_subcore>, window_params = [{transform_indices = #map}, {transform_indices = #map1}, {transform_indices = #map1}]} {
    %mul3A = arith.constant 16 : i32
    %mul3A_0 = arith.muli %arg0, %mul3A : i32
    %add3A = arith.addi %mul3A_0, %arg1 : i32
    %mul3A_1 = arith.constant 640 : i32
    %mul3A_2 = arith.muli %arg1, %mul3A_1 : i32
    %broadcast_in_dim3A = arith.constant 0.000000e+00 : f32
    %broadcast_in_dim3A_3 = vector.broadcast %broadcast_in_dim3A : f32 to vector<16xf32>
    %while3A = arith.constant 0 : i32
    %while3A_4 = arith.constant 0 : i32
    %while3A_5 = arith.constant 64 : i32
    %while3A_6 = arith.subi %while3A_5, %while3A_4 : i32
    %while3A_7 = arith.addi %while3A_4, %while3A_6 : i32
    %while3A_8 = arith.constant 1 : i32
    %while3A_9 = arith.divsi %while3A_6, %while3A_8 : i32
    %while3A_10 = arith.muli %while3A_9, %while3A_8 : i32
    %while3A_11 = arith.addi %while3A_4, %while3A_10 : i32
    %while3A_12 = arith.constant 1 : i32
    scf.for %while3A_236 = %while3A_4 to %while3A_11 step %while3A_12  : i32 {
      %jit3A = arith.constant 8 : i64
      %convert_element_type3A = arith.trunci %jit3A : i64 to i32
      %div3A = arith.divsi %while3A_236, %convert_element_type3A : i32
      %sign3A = arith.constant 0 : i32
      %sign3A_237 = arith.cmpi sgt, %while3A_236, %sign3A : i32
      %sign3A_238 = arith.extui %sign3A_237 : i1 to i32
      %sign3A_239 = arith.constant 0 : i32
      %sign3A_240 = arith.cmpi slt, %while3A_236, %sign3A_239 : i32
      %sign3A_241 = arith.extui %sign3A_240 : i1 to i32
      %sign3A_242 = arith.subi %sign3A_238, %sign3A_241 : i32
      %sign3A_243 = arith.constant 0 : i32
      %sign3A_244 = arith.cmpi sgt, %convert_element_type3A, %sign3A_243 : i32
      %sign3A_245 = arith.extui %sign3A_244 : i1 to i32
      %sign3A_246 = arith.constant 0 : i32
      %sign3A_247 = arith.cmpi slt, %convert_element_type3A, %sign3A_246 : i32
      %sign3A_248 = arith.extui %sign3A_247 : i1 to i32
      %sign3A_249 = arith.subi %sign3A_245, %sign3A_248 : i32
      %ne3A = arith.cmpi ne, %sign3A_242, %sign3A_249 : i32
      %rem3A = arith.remsi %while3A_236, %convert_element_type3A : i32
      %ne3A_250 = arith.constant 0 : i32
      %ne3A_251 = arith.cmpi ne, %rem3A, %ne3A_250 : i32
      %and3A_252 = arith.andi %ne3A, %ne3A_251 : i1
      %sub3A = arith.constant 1 : i32
      %sub3A_253 = arith.subi %div3A, %sub3A : i32
      %select_n3A = arith.select %and3A_252, %sub3A_253, %div3A : i32
      %jit3A_254 = arith.constant 8 : i64
      %convert_element_type3A_255 = arith.trunci %jit3A_254 : i64 to i32
      %eq3A = arith.constant 0 : i32
      %eq3A_256 = arith.cmpi eq, %convert_element_type3A_255, %eq3A : i32
      %jit3A_257 = arith.constant 1 : i32
      %select_n3A_258 = arith.select %eq3A_256, %jit3A_257, %convert_element_type3A_255 : i32
      %rem3A_259 = arith.remsi %while3A_236, %select_n3A_258 : i32
      %ne3A_260 = arith.constant 0 : i32
      %ne3A_261 = arith.cmpi ne, %rem3A_259, %ne3A_260 : i32
      %lt3A = arith.constant 0 : i32
      %lt3A_262 = arith.cmpi slt, %rem3A_259, %lt3A : i32
      %lt3A_263 = arith.constant 0 : i32
      %lt3A_264 = arith.cmpi slt, %select_n3A_258, %lt3A_263 : i32
      %ne3A_265 = arith.xori %lt3A_262, %lt3A_264 : i1
      %and3A_266 = arith.andi %ne3A_265, %ne3A_261 : i1
      %add3A_267 = arith.addi %rem3A_259, %select_n3A_258 : i32
      %select_n3A_268 = arith.select %and3A_266, %add3A_267, %rem3A_259 : i32
      %mul3A_269 = arith.constant 16 : i32
      %mul3A_270 = arith.muli %select_n3A_268, %mul3A_269 : i32
      %swap3A_271 = arith.index_cast %select_n3A : i32 to index
      %swap3A_272 = arith.index_cast %mul3A_270 : i32 to index
      %swap3A_273 = tpu.vector_load %arg10[%swap3A_271, %swap3A_272] {strides = array<i32>} : memref<8x128xf32, #tpu.memory_space<vmem>>, vector<1x16xf32>,
      %swap3A_274 = vector.shape_cast %swap3A_273 : vector<1x16xf32> to vector<16xf32>
      %swap3A_275 = vector.shape_cast %broadcast_in_dim3A_3 : vector<16xf32> to vector<1x16xf32>
      tpu.vector_store %arg10[%swap3A_271, %swap3A_272], %swap3A_275 {strides = array<i32>} : memref<8x128xf32, #tpu.memory_space<vmem>>, vector<1x16xf32>,
    }
    %while3A_13 = arith.constant 1 : i32
    scf.for %while3A_236 = %while3A_11 to %while3A_7 step %while3A_13  : i32 {
      %jit3A = arith.constant 8 : i64
      %convert_element_type3A = arith.trunci %jit3A : i64 to i32
      %div3A = arith.divsi %while3A_236, %convert_element_type3A : i32
      %sign3A = arith.constant 0 : i32
      %sign3A_237 = arith.cmpi sgt, %while3A_236, %sign3A : i32
      %sign3A_238 = arith.extui %sign3A_237 : i1 to i32
      %sign3A_239 = arith.constant 0 : i32
      %sign3A_240 = arith.cmpi slt, %while3A_236, %sign3A_239 : i32
      %sign3A_241 = arith.extui %sign3A_240 : i1 to i32
      %sign3A_242 = arith.subi %sign3A_238, %sign3A_241 : i32
      %sign3A_243 = arith.constant 0 : i32
      %sign3A_244 = arith.cmpi sgt, %convert_element_type3A, %sign3A_243 : i32
      %sign3A_245 = arith.extui %sign3A_244 : i1 to i32
      %sign3A_246 = arith.constant 0 : i32
      %sign3A_247 = arith.cmpi slt, %convert_element_type3A, %sign3A_246 : i32
      %sign3A_248 = arith.extui %sign3A_247 : i1 to i32
      %sign3A_249 = arith.subi %sign3A_245, %sign3A_248 : i32
      %ne3A = arith.cmpi ne, %sign3A_242, %sign3A_249 : i32
      %rem3A = arith.remsi %while3A_236, %convert_element_type3A : i32
      %ne3A_250 = arith.constant 0 : i32
      %ne3A_251 = arith.cmpi ne, %rem3A, %ne3A_250 : i32
      %and3A_252 = arith.andi %ne3A, %ne3A_251 : i1
      %sub3A = arith.constant 1 : i32
      %sub3A_253 = arith.subi %div3A, %sub3A : i32
      %select_n3A = arith.select %and3A_252, %sub3A_253, %div3A : i32
      %jit3A_254 = arith.constant 8 : i64
      %convert_element_type3A_255 = arith.trunci %jit3A_254 : i64 to i32
      %eq3A = arith.constant 0 : i32
      %eq3A_256 = arith.cmpi eq, %convert_element_type3A_255, %eq3A : i32
      %jit3A_257 = arith.constant 1 : i32
      %select_n3A_258 = arith.select %eq3A_256, %jit3A_257, %convert_element_type3A_255 : i32
      %rem3A_259 = arith.remsi %while3A_236, %select_n3A_258 : i32
      %ne3A_260 = arith.constant 0 : i32
      %ne3A_261 = arith.cmpi ne, %rem3A_259, %ne3A_260 : i32
      %lt3A = arith.constant 0 : i32
      %lt3A_262 = arith.cmpi slt, %rem3A_259, %lt3A : i32
      %lt3A_263 = arith.constant 0 : i32
      %lt3A_264 = arith.cmpi slt, %select_n3A_258, %lt3A_263 : i32
      %ne3A_265 = arith.xori %lt3A_262, %lt3A_264 : i1
      %and3A_266 = arith.andi %ne3A_265, %ne3A_261 : i1
      %add3A_267 = arith.addi %rem3A_259, %select_n3A_258 : i32
      %select_n3A_268 = arith.select %and3A_266, %add3A_267, %rem3A_259 : i32
      %mul3A_269 = arith.constant 16 : i32
      %mul3A_270 = arith.muli %select_n3A_268, %mul3A_269 : i32
      %swap3A_271 = arith.index_cast %select_n3A : i32 to index
      %swap3A_272 = arith.index_cast %mul3A_270 : i32 to index
      %swap3A_273 = tpu.vector_load %arg10[%swap3A_271, %swap3A_272] {strides = array<i32>} : memref<8x128xf32, #tpu.memory_space<vmem>>, vector<1x16xf32>,
      %swap3A_274 = vector.shape_cast %swap3A_273 : vector<1x16xf32> to vector<16xf32>
      %swap3A_275 = vector.shape_cast %broadcast_in_dim3A_3 : vector<16xf32> to vector<1x16xf32>
      tpu.vector_store %arg10[%swap3A_271, %swap3A_272], %swap3A_275 {strides = array<i32>} : memref<8x128xf32, #tpu.memory_space<vmem>>, vector<1x16xf32>,
    }
    %while3A_14 = arith.constant 0 : i32
    %while3A_15 = arith.constant 0 : i32
    %while3A_16 = arith.constant 80 : i32
    %while3A_17 = arith.subi %while3A_16, %while3A_15 : i32
    %while3A_18 = arith.addi %while3A_15, %while3A_17 : i32
    %while3A_19 = arith.constant 1 : i32
    %while3A_20 = arith.divsi %while3A_17, %while3A_19 : i32
    %while3A_21 = arith.muli %while3A_20, %while3A_19 : i32
    %while3A_22 = arith.addi %while3A_15, %while3A_21 : i32
    %while3A_23 = arith.constant 1 : i32
    scf.for %while3A_236 = %while3A_15 to %while3A_22 step %while3A_23  : i32 {
      %mul3A_237 = arith.constant 8 : i32
      %mul3A_238 = arith.muli %while3A_236, %mul3A_237 : i32
      %add3A_239 = arith.addi %mul3A_2, %mul3A_238 : i32
      %dma_start3A_240 = arith.constant 0 : i32
      %dma_start3A_241 = tpu.memref_slice %arg11[%add3A_239, %dma_start3A_240] : memref<10240x128xf32, #tpu.memory_space<vmem_shared>> -> memref<8x128xf32, #tpu.memory_space<vmem_shared>>
      %dma_start3A_242 = arith.constant 0 : i32
      %dma_start3A_243 = tpu.memref_slice %arg11[%add3A_239, %dma_start3A_242] : memref<10240x128xf32, #tpu.memory_space<vmem_shared>> -> memref<8x128xf32, #tpu.memory_space<vmem_shared>>
      tpu.enqueue_dma source(%arg10 : memref<8x128xf32, #tpu.memory_space<vmem>>) target(%dma_start3A_243 : memref<8x128xf32, #tpu.memory_space<vmem_shared>>) target_semaphore(%arg12 : memref<!tpu.dma_semaphore, #tpu.memory_space<semaphore_mem>>)
    }
    %while3A_24 = arith.constant 1 : i32
    scf.for %while3A_236 = %while3A_22 to %while3A_18 step %while3A_24  : i32 {
      %mul3A_237 = arith.constant 8 : i32
      %mul3A_238 = arith.muli %while3A_236, %mul3A_237 : i32
      %add3A_239 = arith.addi %mul3A_2, %mul3A_238 : i32
      %dma_start3A_240 = arith.constant 0 : i32
      %dma_start3A_241 = tpu.memref_slice %arg11[%add3A_239, %dma_start3A_240] : memref<10240x128xf32, #tpu.memory_space<vmem_shared>> -> memref<8x128xf32, #tpu.memory_space<vmem_shared>>
      %dma_start3A_242 = arith.constant 0 : i32
      %dma_start3A_243 = tpu.memref_slice %arg11[%add3A_239, %dma_start3A_242] : memref<10240x128xf32, #tpu.memory_space<vmem_shared>> -> memref<8x128xf32, #tpu.memory_space<vmem_shared>>
      tpu.enqueue_dma source(%arg10 : memref<8x128xf32, #tpu.memory_space<vmem>>) target(%dma_start3A_243 : memref<8x128xf32, #tpu.memory_space<vmem_shared>>) target_semaphore(%arg12 : memref<!tpu.dma_semaphore, #tpu.memory_space<semaphore_mem>>)
    }
    "tpu.region"() ({
      %run_scoped3A = tpu.sem_alloc : memref<!tpu.dma_semaphore, #tpu.memory_space<semaphore_mem>>
      %dma_start3A_236 = arith.constant 0 : i32
      %dma_start3A_237 = arith.constant 0 : i32
      %dma_start3A_238 = tpu.memref_slice %arg3[%add3A, %dma_start3A_236, %dma_start3A_237] : memref<32x80x128xi32, #tpu.memory_space<hbm>> -> memref<1x80x128xi32, #tpu.memory_space<hbm>>
      %dma_start3A_239 = tpu.memref_squeeze %dma_start3A_238 : memref<1x80x128xi32, #tpu.memory_space<hbm>> -> memref<80x128xi32, #tpu.memory_space<hbm>>
      %dma_start3A_240 = arith.constant 0 : i32
      %dma_start3A_241 = arith.constant 0 : i32
      %dma_start3A_242 = tpu.memref_slice %arg3[%add3A, %dma_start3A_240, %dma_start3A_241] : memref<32x80x128xi32, #tpu.memory_space<hbm>> -> memref<1x80x128xi32, #tpu.memory_space<hbm>>
      %dma_start3A_243 = tpu.memref_squeeze %dma_start3A_242 : memref<1x80x128xi32, #tpu.memory_space<hbm>> -> memref<80x128xi32, #tpu.memory_space<hbm>>
      tpu.enqueue_dma source(%dma_start3A_243 : memref<80x128xi32, #tpu.memory_space<hbm>>) target(%arg5 : memref<80x128xi32, #tpu.memory_space<vmem>>) target_semaphore(%run_scoped3A : memref<!tpu.dma_semaphore, #tpu.memory_space<semaphore_mem>>)
      %dma_wait3A = arith.constant 0 : i32
      %dma_wait3A_244 = arith.constant 0 : i32
      %dma_wait3A_245 = tpu.memref_slice %arg3[%add3A, %dma_wait3A, %dma_wait3A_244] : memref<32x80x128xi32, #tpu.memory_space<hbm>> -> memref<1x80x128xi32, #tpu.memory_space<hbm>>
      %dma_wait3A_246 = tpu.memref_squeeze %dma_wait3A_245 : memref<1x80x128xi32, #tpu.memory_space<hbm>> -> memref<80x128xi32, #tpu.memory_space<hbm>>
      %dma_wait3A_247 = arith.constant 0 : i32
      %dma_wait3A_248 = arith.constant 0 : i32
      %dma_wait3A_249 = tpu.memref_slice %arg3[%add3A, %dma_wait3A_247, %dma_wait3A_248] : memref<32x80x128xi32, #tpu.memory_space<hbm>> -> memref<1x80x128xi32, #tpu.memory_space<hbm>>
      %dma_wait3A_250 = tpu.memref_squeeze %dma_wait3A_249 : memref<1x80x128xi32, #tpu.memory_space<hbm>> -> memref<80x128xi32, #tpu.memory_space<hbm>>
      tpu.wait_dma2 semaphore(%run_scoped3A : memref<!tpu.dma_semaphore, #tpu.memory_space<semaphore_mem>>) src(%dma_wait3A_250 : memref<80x128xi32, #tpu.memory_space<hbm>>) dst(%arg5 : memref<80x128xi32, #tpu.memory_space<vmem>>)
      tpu.yield
    }) : () -> ()
    %while3A_25 = arith.constant 0 : i32
    %while3A_26 = arith.constant 0 : i32
    %while3A_27 = arith.constant 80 : i32
    %while3A_28 = arith.subi %while3A_27, %while3A_26 : i32
    %while3A_29 = arith.addi %while3A_26, %while3A_28 : i32
    %while3A_30 = arith.constant 1 : i32
    %while3A_31 = arith.divsi %while3A_28, %while3A_30 : i32
    %while3A_32 = arith.muli %while3A_31, %while3A_30 : i32
    %while3A_33 = arith.addi %while3A_26, %while3A_32 : i32
    %while3A_34 = arith.constant 1 : i32
    scf.for %while3A_236 = %while3A_26 to %while3A_33 step %while3A_34  : i32 {
      %mul3A_237 = arith.constant 8 : i32
      %mul3A_238 = arith.muli %while3A_236, %mul3A_237 : i32
      %add3A_239 = arith.addi %mul3A_2, %mul3A_238 : i32
      %dma_wait3A = arith.constant 0 : i32
      %dma_wait3A_240 = tpu.memref_slice %arg11[%add3A_239, %dma_wait3A] : memref<10240x128xf32, #tpu.memory_space<vmem_shared>> -> memref<8x128xf32, #tpu.memory_space<vmem_shared>>
      %dma_wait3A_241 = arith.constant 0 : i32
      %dma_wait3A_242 = tpu.memref_slice %arg11[%add3A_239, %dma_wait3A_241] : memref<10240x128xf32, #tpu.memory_space<vmem_shared>> -> memref<8x128xf32, #tpu.memory_space<vmem_shared>>
      tpu.wait_dma2 semaphore(%arg12 : memref<!tpu.dma_semaphore, #tpu.memory_space<semaphore_mem>>) src(%arg10 : memref<8x128xf32, #tpu.memory_space<vmem>>) dst(%dma_wait3A_242 : memref<8x128xf32, #tpu.memory_space<vmem_shared>>)
    }
    %while3A_35 = arith.constant 1 : i32
    scf.for %while3A_236 = %while3A_33 to %while3A_29 step %while3A_35  : i32 {
      %mul3A_237 = arith.constant 8 : i32
      %mul3A_238 = arith.muli %while3A_236, %mul3A_237 : i32
      %add3A_239 = arith.addi %mul3A_2, %mul3A_238 : i32
      %dma_wait3A = arith.constant 0 : i32
      %dma_wait3A_240 = tpu.memref_slice %arg11[%add3A_239, %dma_wait3A] : memref<10240x128xf32, #tpu.memory_space<vmem_shared>> -> memref<8x128xf32, #tpu.memory_space<vmem_shared>>
      %dma_wait3A_241 = arith.constant 0 : i32
      %dma_wait3A_242 = tpu.memref_slice %arg11[%add3A_239, %dma_wait3A_241] : memref<10240x128xf32, #tpu.memory_space<vmem_shared>> -> memref<8x128xf32, #tpu.memory_space<vmem_shared>>
      tpu.wait_dma2 semaphore(%arg12 : memref<!tpu.dma_semaphore, #tpu.memory_space<semaphore_mem>>) src(%arg10 : memref<8x128xf32, #tpu.memory_space<vmem>>) dst(%dma_wait3A_242 : memref<8x128xf32, #tpu.memory_space<vmem_shared>>)
    }
    %barrier3A = arith.constant 0 : index
    tpu.barrier barrier_id(%barrier3A)
    %get3A = arith.constant 0 : i32
    %get3A_36 = arith.index_cast %get3A : i32 to index
    %get3A_37 = arith.constant 0 : index
    %get3A_38 = tpu.vector_load %arg5[%get3A_36, %get3A_37] {strides = array<i32>} : memref<80x128xi32, #tpu.memory_space<vmem>>, vector<1x16xi32>,
    %get3A_39 = vector.shape_cast %get3A_38 : vector<1x16xi32> to vector<16xi32>
    %shift_right_logical3A = arith.constant 14 : i32
    %shift_right_logical3A_40 = vector.broadcast %shift_right_logical3A : i32 to vector<16xi32>
    %shift_right_logical3A_41 = arith.shrui %get3A_39, %shift_right_logical3A_40 : vector<16xi32>
    %swap3A = arith.constant 0 : i64
    %swap3A_42 = arith.index_cast %swap3A : i64 to index
    %swap3A_43 = arith.constant 0 : index
    %swap3A_44 = tpu.vector_load %arg6[%swap3A_42, %swap3A_43] {strides = array<i32>} : memref<8x128xi32, #tpu.memory_space<vmem>>, vector<1x16xi32>,
    %swap3A_45 = vector.shape_cast %swap3A_44 : vector<1x16xi32> to vector<16xi32>
    %swap3A_46 = vector.shape_cast %shift_right_logical3A_41 : vector<16xi32> to vector<1x16xi32>
    tpu.vector_store %arg6[%swap3A_42, %swap3A_43], %swap3A_46 {strides = array<i32>} : memref<8x128xi32, #tpu.memory_space<vmem>>, vector<1x16xi32>,
    %and3A = arith.constant 16383 : i32
    %and3A_47 = vector.broadcast %and3A : i32 to vector<16xi32>
    %and3A_48 = arith.andi %get3A_39, %and3A_47 : vector<16xi32>
    %swap3A_49 = arith.constant 0 : i64
    %swap3A_50 = arith.index_cast %swap3A_49 : i64 to index
    %swap3A_51 = arith.constant 0 : index
    %swap3A_52 = tpu.vector_load %arg7[%swap3A_50, %swap3A_51] {strides = array<i32>} : memref<8x128xi32, #tpu.memory_space<vmem>>, vector<1x16xi32>,
    %swap3A_53 = vector.shape_cast %swap3A_52 : vector<1x16xi32> to vector<16xi32>
    %swap3A_54 = vector.shape_cast %and3A_48 : vector<16xi32> to vector<1x16xi32>
    tpu.vector_store %arg7[%swap3A_50, %swap3A_51], %swap3A_54 {strides = array<i32>} : memref<8x128xi32, #tpu.memory_space<vmem>>, vector<1x16xi32>,
    %get3A_55 = arith.constant 0 : i32
    %get3A_56 = arith.index_cast %get3A_55 : i32 to index
    %get3A_57 = arith.constant 16 : index
    %get3A_58 = tpu.vector_load %arg5[%get3A_56, %get3A_57] {strides = array<i32>} : memref<80x128xi32, #tpu.memory_space<vmem>>, vector<1x16xi32>,
    %get3A_59 = vector.shape_cast %get3A_58 : vector<1x16xi32> to vector<16xi32>
    %shift_right_logical3A_60 = arith.constant 14 : i32
    %shift_right_logical3A_61 = vector.broadcast %shift_right_logical3A_60 : i32 to vector<16xi32>
    %shift_right_logical3A_62 = arith.shrui %get3A_59, %shift_right_logical3A_61 : vector<16xi32>
    %swap3A_63 = arith.constant 0 : i64
    %swap3A_64 = arith.index_cast %swap3A_63 : i64 to index
    %swap3A_65 = arith.constant 16 : index
    %swap3A_66 = tpu.vector_load %arg6[%swap3A_64, %swap3A_65] {strides = array<i32>} : memref<8x128xi32, #tpu.memory_space<vmem>>, vector<1x16xi32>,
    %swap3A_67 = vector.shape_cast %swap3A_66 : vector<1x16xi32> to vector<16xi32>
    %swap3A_68 = vector.shape_cast %shift_right_logical3A_62 : vector<16xi32> to vector<1x16xi32>
    tpu.vector_store %arg6[%swap3A_64, %swap3A_65], %swap3A_68 {strides = array<i32>} : memref<8x128xi32, #tpu.memory_space<vmem>>, vector<1x16xi32>,
    %and3A_69 = arith.constant 16383 : i32
    %and3A_70 = vector.broadcast %and3A_69 : i32 to vector<16xi32>
    %and3A_71 = arith.andi %get3A_59, %and3A_70 : vector<16xi32>
    %swap3A_72 = arith.constant 0 : i64
    %swap3A_73 = arith.index_cast %swap3A_72 : i64 to index
    %swap3A_74 = arith.constant 16 : index
    %swap3A_75 = tpu.vector_load %arg7[%swap3A_73, %swap3A_74] {strides = array<i32>} : memref<8x128xi32, #tpu.memory_space<vmem>>, vector<1x16xi32>,
    %swap3A_76 = vector.shape_cast %swap3A_75 : vector<1x16xi32> to vector<16xi32>
    %swap3A_77 = vector.shape_cast %and3A_71 : vector<16xi32> to vector<1x16xi32>
    tpu.vector_store %arg7[%swap3A_73, %swap3A_74], %swap3A_77 {strides = array<i32>} : memref<8x128xi32, #tpu.memory_space<vmem>>, vector<1x16xi32>,
    %get3A_78 = arith.constant 0 : i32
    %get3A_79 = arith.index_cast %get3A_78 : i32 to index
    %get3A_80 = arith.constant 32 : index
    %get3A_81 = tpu.vector_load %arg5[%get3A_79, %get3A_80] {strides = array<i32>} : memref<80x128xi32, #tpu.memory_space<vmem>>, vector<1x16xi32>,
    %get3A_82 = vector.shape_cast %get3A_81 : vector<1x16xi32> to vector<16xi32>
    %shift_right_logical3A_83 = arith.constant 14 : i32
    %shift_right_logical3A_84 = vector.broadcast %shift_right_logical3A_83 : i32 to vector<16xi32>
    %shift_right_logical3A_85 = arith.shrui %get3A_82, %shift_right_logical3A_84 : vector<16xi32>
    %swap3A_86 = arith.constant 0 : i64
    %swap3A_87 = arith.index_cast %swap3A_86 : i64 to index
    %swap3A_88 = arith.constant 32 : index
    %swap3A_89 = tpu.vector_load %arg6[%swap3A_87, %swap3A_88] {strides = array<i32>} : memref<8x128xi32, #tpu.memory_space<vmem>>, vector<1x16xi32>,
    %swap3A_90 = vector.shape_cast %swap3A_89 : vector<1x16xi32> to vector<16xi32>
    %swap3A_91 = vector.shape_cast %shift_right_logical3A_85 : vector<16xi32> to vector<1x16xi32>
    tpu.vector_store %arg6[%swap3A_87, %swap3A_88], %swap3A_91 {strides = array<i32>} : memref<8x128xi32, #tpu.memory_space<vmem>>, vector<1x16xi32>,
    %and3A_92 = arith.constant 16383 : i32
    %and3A_93 = vector.broadcast %and3A_92 : i32 to vector<16xi32>
    %and3A_94 = arith.andi %get3A_82, %and3A_93 : vector<16xi32>
    %swap3A_95 = arith.constant 0 : i64
    %swap3A_96 = arith.index_cast %swap3A_95 : i64 to index
    %swap3A_97 = arith.constant 32 : index
    %swap3A_98 = tpu.vector_load %arg7[%swap3A_96, %swap3A_97] {strides = array<i32>} : memref<8x128xi32, #tpu.memory_space<vmem>>, vector<1x16xi32>,
    %swap3A_99 = vector.shape_cast %swap3A_98 : vector<1x16xi32> to vector<16xi32>
    %swap3A_100 = vector.shape_cast %and3A_94 : vector<16xi32> to vector<1x16xi32>
    tpu.vector_store %arg7[%swap3A_96, %swap3A_97], %swap3A_100 {strides = array<i32>} : memref<8x128xi32, #tpu.memory_space<vmem>>, vector<1x16xi32>,
    %get3A_101 = arith.constant 0 : i32
    %get3A_102 = arith.index_cast %get3A_101 : i32 to index
    %get3A_103 = arith.constant 48 : index
    %get3A_104 = tpu.vector_load %arg5[%get3A_102, %get3A_103] {strides = array<i32>} : memref<80x128xi32, #tpu.memory_space<vmem>>, vector<1x16xi32>,
    %get3A_105 = vector.shape_cast %get3A_104 : vector<1x16xi32> to vector<16xi32>
    %shift_right_logical3A_106 = arith.constant 14 : i32
    %shift_right_logical3A_107 = vector.broadcast %shift_right_logical3A_106 : i32 to vector<16xi32>
    %shift_right_logical3A_108 = arith.shrui %get3A_105, %shift_right_logical3A_107 : vector<16xi32>
    %swap3A_109 = arith.constant 0 : i64
    %swap3A_110 = arith.index_cast %swap3A_109 : i64 to index
    %swap3A_111 = arith.constant 48 : index
    %swap3A_112 = tpu.vector_load %arg6[%swap3A_110, %swap3A_111] {strides = array<i32>} : memref<8x128xi32, #tpu.memory_space<vmem>>, vector<1x16xi32>,
    %swap3A_113 = vector.shape_cast %swap3A_112 : vector<1x16xi32> to vector<16xi32>
    %swap3A_114 = vector.shape_cast %shift_right_logical3A_108 : vector<16xi32> to vector<1x16xi32>
    tpu.vector_store %arg6[%swap3A_110, %swap3A_111], %swap3A_114 {strides = array<i32>} : memref<8x128xi32, #tpu.memory_space<vmem>>, vector<1x16xi32>,
    %and3A_115 = arith.constant 16383 : i32
    %and3A_116 = vector.broadcast %and3A_115 : i32 to vector<16xi32>
    %and3A_117 = arith.andi %get3A_105, %and3A_116 : vector<16xi32>
    %swap3A_118 = arith.constant 0 : i64
    %swap3A_119 = arith.index_cast %swap3A_118 : i64 to index
    %swap3A_120 = arith.constant 48 : index
    %swap3A_121 = tpu.vector_load %arg7[%swap3A_119, %swap3A_120] {strides = array<i32>} : memref<8x128xi32, #tpu.memory_space<vmem>>, vector<1x16xi32>,
    %swap3A_122 = vector.shape_cast %swap3A_121 : vector<1x16xi32> to vector<16xi32>
    %swap3A_123 = vector.shape_cast %and3A_117 : vector<16xi32> to vector<1x16xi32>
    tpu.vector_store %arg7[%swap3A_119, %swap3A_120], %swap3A_123 {strides = array<i32>} : memref<8x128xi32, #tpu.memory_space<vmem>>, vector<1x16xi32>,
    %get3A_124 = arith.constant 0 : i32
    %get3A_125 = arith.index_cast %get3A_124 : i32 to index
    %get3A_126 = arith.constant 64 : index
    %get3A_127 = tpu.vector_load %arg5[%get3A_125, %get3A_126] {strides = array<i32>} : memref<80x128xi32, #tpu.memory_space<vmem>>, vector<1x16xi32>,
    %get3A_128 = vector.shape_cast %get3A_127 : vector<1x16xi32> to vector<16xi32>
    %shift_right_logical3A_129 = arith.constant 14 : i32
    %shift_right_logical3A_130 = vector.broadcast %shift_right_logical3A_129 : i32 to vector<16xi32>
    %shift_right_logical3A_131 = arith.shrui %get3A_128, %shift_right_logical3A_130 : vector<16xi32>
    %swap3A_132 = arith.constant 0 : i64
    %swap3A_133 = arith.index_cast %swap3A_132 : i64 to index
    %swap3A_134 = arith.constant 64 : index
    %swap3A_135 = tpu.vector_load %arg6[%swap3A_133, %swap3A_134] {strides = array<i32>} : memref<8x128xi32, #tpu.memory_space<vmem>>, vector<1x16xi32>,
    %swap3A_136 = vector.shape_cast %swap3A_135 : vector<1x16xi32> to vector<16xi32>
    %swap3A_137 = vector.shape_cast %shift_right_logical3A_131 : vector<16xi32> to vector<1x16xi32>
    tpu.vector_store %arg6[%swap3A_133, %swap3A_134], %swap3A_137 {strides = array<i32>} : memref<8x128xi32, #tpu.memory_space<vmem>>, vector<1x16xi32>,
    %and3A_138 = arith.constant 16383 : i32
    %and3A_139 = vector.broadcast %and3A_138 : i32 to vector<16xi32>
    %and3A_140 = arith.andi %get3A_128, %and3A_139 : vector<16xi32>
    %swap3A_141 = arith.constant 0 : i64
    %swap3A_142 = arith.index_cast %swap3A_141 : i64 to index
    %swap3A_143 = arith.constant 64 : index
    %swap3A_144 = tpu.vector_load %arg7[%swap3A_142, %swap3A_143] {strides = array<i32>} : memref<8x128xi32, #tpu.memory_space<vmem>>, vector<1x16xi32>,
    %swap3A_145 = vector.shape_cast %swap3A_144 : vector<1x16xi32> to vector<16xi32>
    %swap3A_146 = vector.shape_cast %and3A_140 : vector<16xi32> to vector<1x16xi32>
    tpu.vector_store %arg7[%swap3A_142, %swap3A_143], %swap3A_146 {strides = array<i32>} : memref<8x128xi32, #tpu.memory_space<vmem>>, vector<1x16xi32>,
    %get3A_147 = arith.constant 0 : i32
    %get3A_148 = arith.index_cast %get3A_147 : i32 to index
    %get3A_149 = arith.constant 80 : index
    %get3A_150 = tpu.vector_load %arg5[%get3A_148, %get3A_149] {strides = array<i32>} : memref<80x128xi32, #tpu.memory_space<vmem>>, vector<1x16xi32>,
    %get3A_151 = vector.shape_cast %get3A_150 : vector<1x16xi32> to vector<16xi32>
    %shift_right_logical3A_152 = arith.constant 14 : i32
    %shift_right_logical3A_153 = vector.broadcast %shift_right_logical3A_152 : i32 to vector<16xi32>
    %shift_right_logical3A_154 = arith.shrui %get3A_151, %shift_right_logical3A_153 : vector<16xi32>
    %swap3A_155 = arith.constant 0 : i64
    %swap3A_156 = arith.index_cast %swap3A_155 : i64 to index
    %swap3A_157 = arith.constant 80 : index
    %swap3A_158 = tpu.vector_load %arg6[%swap3A_156, %swap3A_157] {strides = array<i32>} : memref<8x128xi32, #tpu.memory_space<vmem>>, vector<1x16xi32>,
    %swap3A_159 = vector.shape_cast %swap3A_158 : vector<1x16xi32> to vector<16xi32>
    %swap3A_160 = vector.shape_cast %shift_right_logical3A_154 : vector<16xi32> to vector<1x16xi32>
    tpu.vector_store %arg6[%swap3A_156, %swap3A_157], %swap3A_160 {strides = array<i32>} : memref<8x128xi32, #tpu.memory_space<vmem>>, vector<1x16xi32>,
    %and3A_161 = arith.constant 16383 : i32
    %and3A_162 = vector.broadcast %and3A_161 : i32 to vector<16xi32>
    %and3A_163 = arith.andi %get3A_151, %and3A_162 : vector<16xi32>
    %swap3A_164 = arith.constant 0 : i64
    %swap3A_165 = arith.index_cast %swap3A_164 : i64 to index
    %swap3A_166 = arith.constant 80 : index
    %swap3A_167 = tpu.vector_load %arg7[%swap3A_165, %swap3A_166] {strides = array<i32>} : memref<8x128xi32, #tpu.memory_space<vmem>>, vector<1x16xi32>,
    %swap3A_168 = vector.shape_cast %swap3A_167 : vector<1x16xi32> to vector<16xi32>
    %swap3A_169 = vector.shape_cast %and3A_163 : vector<16xi32> to vector<1x16xi32>
    tpu.vector_store %arg7[%swap3A_165, %swap3A_166], %swap3A_169 {strides = array<i32>} : memref<8x128xi32, #tpu.memory_space<vmem>>, vector<1x16xi32>,
    %get3A_170 = arith.constant 0 : i32
    %get3A_171 = arith.index_cast %get3A_170 : i32 to index
    %get3A_172 = arith.constant 96 : index
    %get3A_173 = tpu.vector_load %arg5[%get3A_171, %get3A_172] {strides = array<i32>} : memref<80x128xi32, #tpu.memory_space<vmem>>, vector<1x16xi32>,
    %get3A_174 = vector.shape_cast %get3A_173 : vector<1x16xi32> to vector<16xi32>
    %shift_right_logical3A_175 = arith.constant 14 : i32
    %shift_right_logical3A_176 = vector.broadcast %shift_right_logical3A_175 : i32 to vector<16xi32>
    %shift_right_logical3A_177 = arith.shrui %get3A_174, %shift_right_logical3A_176 : vector<16xi32>
    %swap3A_178 = arith.constant 0 : i64
    %swap3A_179 = arith.index_cast %swap3A_178 : i64 to index
    %swap3A_180 = arith.constant 96 : index
    %swap3A_181 = tpu.vector_load %arg6[%swap3A_179, %swap3A_180] {strides = array<i32>} : memref<8x128xi32, #tpu.memory_space<vmem>>, vector<1x16xi32>,
    %swap3A_182 = vector.shape_cast %swap3A_181 : vector<1x16xi32> to vector<16xi32>
    %swap3A_183 = vector.shape_cast %shift_right_logical3A_177 : vector<16xi32> to vector<1x16xi32>
    tpu.vector_store %arg6[%swap3A_179, %swap3A_180], %swap3A_183 {strides = array<i32>} : memref<8x128xi32, #tpu.memory_space<vmem>>, vector<1x16xi32>,
    %and3A_184 = arith.constant 16383 : i32
    %and3A_185 = vector.broadcast %and3A_184 : i32 to vector<16xi32>
    %and3A_186 = arith.andi %get3A_174, %and3A_185 : vector<16xi32>
    %swap3A_187 = arith.constant 0 : i64
    %swap3A_188 = arith.index_cast %swap3A_187 : i64 to index
    %swap3A_189 = arith.constant 96 : index
    %swap3A_190 = tpu.vector_load %arg7[%swap3A_188, %swap3A_189] {strides = array<i32>} : memref<8x128xi32, #tpu.memory_space<vmem>>, vector<1x16xi32>,
    %swap3A_191 = vector.shape_cast %swap3A_190 : vector<1x16xi32> to vector<16xi32>
    %swap3A_192 = vector.shape_cast %and3A_186 : vector<16xi32> to vector<1x16xi32>
    tpu.vector_store %arg7[%swap3A_188, %swap3A_189], %swap3A_192 {strides = array<i32>} : memref<8x128xi32, #tpu.memory_space<vmem>>, vector<1x16xi32>,
    %get3A_193 = arith.constant 0 : i32
    %get3A_194 = arith.index_cast %get3A_193 : i32 to index
    %get3A_195 = arith.constant 112 : index
    %get3A_196 = tpu.vector_load %arg5[%get3A_194, %get3A_195] {strides = array<i32>} : memref<80x128xi32, #tpu.memory_space<vmem>>, vector<1x16xi32>,
    %get3A_197 = vector.shape_cast %get3A_196 : vector<1x16xi32> to vector<16xi32>
    %shift_right_logical3A_198 = arith.constant 14 : i32
    %shift_right_logical3A_199 = vector.broadcast %shift_right_logical3A_198 : i32 to vector<16xi32>
    %shift_right_logical3A_200 = arith.shrui %get3A_197, %shift_right_logical3A_199 : vector<16xi32>
    %swap3A_201 = arith.constant 0 : i64
    %swap3A_202 = arith.index_cast %swap3A_201 : i64 to index
    %swap3A_203 = arith.constant 112 : index
    %swap3A_204 = tpu.vector_load %arg6[%swap3A_202, %swap3A_203] {strides = array<i32>} : memref<8x128xi32, #tpu.memory_space<vmem>>, vector<1x16xi32>,
    %swap3A_205 = vector.shape_cast %swap3A_204 : vector<1x16xi32> to vector<16xi32>
    %swap3A_206 = vector.shape_cast %shift_right_logical3A_200 : vector<16xi32> to vector<1x16xi32>
    tpu.vector_store %arg6[%swap3A_202, %swap3A_203], %swap3A_206 {strides = array<i32>} : memref<8x128xi32, #tpu.memory_space<vmem>>, vector<1x16xi32>,
    %and3A_207 = arith.constant 16383 : i32
    %and3A_208 = vector.broadcast %and3A_207 : i32 to vector<16xi32>
    %and3A_209 = arith.andi %get3A_197, %and3A_208 : vector<16xi32>
    %swap3A_210 = arith.constant 0 : i64
    %swap3A_211 = arith.index_cast %swap3A_210 : i64 to index
    %swap3A_212 = arith.constant 112 : index
    %swap3A_213 = tpu.vector_load %arg7[%swap3A_211, %swap3A_212] {strides = array<i32>} : memref<8x128xi32, #tpu.memory_space<vmem>>, vector<1x16xi32>,
    %swap3A_214 = vector.shape_cast %swap3A_213 : vector<1x16xi32> to vector<16xi32>
    %swap3A_215 = vector.shape_cast %and3A_209 : vector<16xi32> to vector<1x16xi32>
    tpu.vector_store %arg7[%swap3A_211, %swap3A_212], %swap3A_215 {strides = array<i32>} : memref<8x128xi32, #tpu.memory_space<vmem>>, vector<1x16xi32>,
    %dma_start3A = arith.constant 0 : i32
    %dma_start3A_216 = arith.constant 0 : i32
    %dma_start3A_217 = tpu.memref_slice %arg7[%dma_start3A, %dma_start3A_216] : memref<8x128xi32, #tpu.memory_space<vmem>> -> memref<1x128xi32, #tpu.memory_space<vmem>>
    %dma_start3A_218 = tpu.memref_squeeze %dma_start3A_217 : memref<1x128xi32, #tpu.memory_space<vmem>> -> memref<128xi32, #tpu.memory_space<vmem>>
    %dma_start3A_219 = arith.constant 0 : i32
    %dma_start3A_220 = arith.constant 0 : i32
    %dma_start3A_221 = tpu.memref_slice %arg2[%dma_start3A_219, %dma_start3A_220] : memref<10240x128xf32, #tpu.memory_space<hbm>> -> memref<10240x128xf32, #tpu.memory_space<hbm>>
    tpu.enqueue_indirect_dma source(%dma_start3A_221 : memref<10240x128xf32, #tpu.memory_space<hbm>>) target(%arg8 : memref<128x128xf32, #tpu.memory_space<vmem>>) offsets(%dma_start3A_218 : memref<128xi32, #tpu.memory_space<vmem>>) semaphore(%arg12 : memref<!tpu.dma_semaphore, #tpu.memory_space<semaphore_mem>>)
    %while3A_222 = arith.constant 0 : i32
    %while3A_223 = arith.constant 1 : i32
    %while3A_224 = arith.constant 0 : i32
    %while3A_225 = arith.constant 0 : i32
    %while3A_226 = arith.constant 40 : i32
    %while3A_227 = arith.subi %while3A_226, %while3A_225 : i32
    %while3A_228 = arith.addi %while3A_225, %while3A_227 : i32
    %while3A_229 = arith.constant 1 : i32
    %while3A_230 = arith.divsi %while3A_227, %while3A_229 : i32
    %while3A_231 = arith.muli %while3A_230, %while3A_229 : i32
    %while3A_232 = arith.addi %while3A_225, %while3A_231 : i32
    %while3A_233 = arith.constant 1 : i32
    scf.for %while3A_236 = %while3A_225 to %while3A_232 step %while3A_233  : i32 {
      %mul3A_237 = arith.constant 2 : i32
      %mul3A_238 = arith.muli %mul3A_237, %while3A_236 : i32
      %add3A_239 = arith.constant 1 : i32
      %add3A_240 = arith.addi %mul3A_238, %add3A_239 : i32
      %get3A_241 = arith.index_cast %add3A_240 : i32 to index
      %get3A_242 = arith.constant 0 : index
      %get3A_243 = tpu.vector_load %arg5[%get3A_241, %get3A_242] {strides = array<i32>} : memref<80x128xi32, #tpu.memory_space<vmem>>, vector<1x16xi32>,
      %get3A_244 = vector.shape_cast %get3A_243 : vector<1x16xi32> to vector<16xi32>
      %shift_right_logical3A_245 = arith.constant 14 : i32
      %shift_right_logical3A_246 = vector.broadcast %shift_right_logical3A_245 : i32 to vector<16xi32>
      %shift_right_logical3A_247 = arith.shrui %get3A_244, %shift_right_logical3A_246 : vector<16xi32>
      %swap3A_248 = arith.constant 1 : i64
      %swap3A_249 = arith.index_cast %swap3A_248 : i64 to index
      %swap3A_250 = arith.constant 0 : index
      %swap3A_251 = tpu.vector_load %arg6[%swap3A_249, %swap3A_250] {strides = array<i32>} : memref<8x128xi32, #tpu.memory_space<vmem>>, vector<1x16xi32>,
      %swap3A_252 = vector.shape_cast %swap3A_251 : vector<1x16xi32> to vector<16xi32>
      %swap3A_253 = vector.shape_cast %shift_right_logical3A_247 : vector<16xi32> to vector<1x16xi32>
      tpu.vector_store %arg6[%swap3A_249, %swap3A_250], %swap3A_253 {strides = array<i32>} : memref<8x128xi32, #tpu.memory_space<vmem>>, vector<1x16xi32>,
      %and3A_254 = arith.constant 16383 : i32
      %and3A_255 = vector.broadcast %and3A_254 : i32 to vector<16xi32>
      %and3A_256 = arith.andi %get3A_244, %and3A_255 : vector<16xi32>
      %swap3A_257 = arith.constant 1 : i64
      %swap3A_258 = arith.index_cast %swap3A_257 : i64 to index
      %swap3A_259 = arith.constant 0 : index
      %swap3A_260 = tpu.vector_load %arg7[%swap3A_258, %swap3A_259] {strides = array<i32>} : memref<8x128xi32, #tpu.memory_space<vmem>>, vector<1x16xi32>,
      %swap3A_261 = vector.shape_cast %swap3A_260 : vector<1x16xi32> to vector<16xi32>
      %swap3A_262 = vector.shape_cast %and3A_256 : vector<16xi32> to vector<1x16xi32>
      tpu.vector_store %arg7[%swap3A_258, %swap3A_259], %swap3A_262 {strides = array<i32>} : memref<8x128xi32, #tpu.memory_space<vmem>>, vector<1x16xi32>,
      %get3A_263 = arith.index_cast %add3A_240 : i32 to index
      %get3A_264 = arith.constant 16 : index
      %get3A_265 = tpu.vector_load %arg5[%get3A_263, %get3A_264] {strides = array<i32>} : memref<80x128xi32, #tpu.memory_space<vmem>>, vector<1x16xi32>,
      %get3A_266 = vector.shape_cast %get3A_265 : vector<1x16xi32> to vector<16xi32>
      %shift_right_logical3A_267 = arith.constant 14 : i32
      %shift_right_logical3A_268 = vector.broadcast %shift_right_logical3A_267 : i32 to vector<16xi32>
      %shift_right_logical3A_269 = arith.shrui %get3A_266, %shift_right_logical3A_268 : vector<16xi32>
      %swap3A_270 = arith.constant 1 : i64
      %swap3A_271 = arith.index_cast %swap3A_270 : i64 to index
      %swap3A_272 = arith.constant 16 : index
      %swap3A_273 = tpu.vector_load %arg6[%swap3A_271, %swap3A_272] {strides = array<i32>} : memref<8x128xi32, #tpu.memory_space<vmem>>, vector<1x16xi32>,
      %swap3A_274 = vector.shape_cast %swap3A_273 : vector<1x16xi32> to vector<16xi32>
      %swap3A_275 = vector.shape_cast %shift_right_logical3A_269 : vector<16xi32> to vector<1x16xi32>
      tpu.vector_store %arg6[%swap3A_271, %swap3A_272], %swap3A_275 {strides = array<i32>} : memref<8x128xi32, #tpu.memory_space<vmem>>, vector<1x16xi32>,
      %and3A_276 = arith.constant 16383 : i32
      %and3A_277 = vector.broadcast %and3A_276 : i32 to vector<16xi32>
      %and3A_278 = arith.andi %get3A_266, %and3A_277 : vector<16xi32>
      %swap3A_279 = arith.constant 1 : i64
      %swap3A_280 = arith.index_cast %swap3A_279 : i64 to index
      %swap3A_281 = arith.constant 16 : index
      %swap3A_282 = tpu.vector_load %arg7[%swap3A_280, %swap3A_281] {strides = array<i32>} : memref<8x128xi32, #tpu.memory_space<vmem>>, vector<1x16xi32>,
      %swap3A_283 = vector.shape_cast %swap3A_282 : vector<1x16xi32> to vector<16xi32>
      %swap3A_284 = vector.shape_cast %and3A_278 : vector<16xi32> to vector<1x16xi32>
      tpu.vector_store %arg7[%swap3A_280, %swap3A_281], %swap3A_284 {strides = array<i32>} : memref<8x128xi32, #tpu.memory_space<vmem>>, vector<1x16xi32>,
      %get3A_285 = arith.index_cast %add3A_240 : i32 to index
      %get3A_286 = arith.constant 32 : index
      %get3A_287 = tpu.vector_load %arg5[%get3A_285, %get3A_286] {strides = array<i32>} : memref<80x128xi32, #tpu.memory_space<vmem>>, vector<1x16xi32>,
      %get3A_288 = vector.shape_cast %get3A_287 : vector<1x16xi32> to vector<16xi32>
      %shift_right_logical3A_289 = arith.constant 14 : i32
      %shift_right_logical3A_290 = vector.broadcast %shift_right_logical3A_289 : i32 to vector<16xi32>
      %shift_right_logical3A_291 = arith.shrui %get3A_288, %shift_right_logical3A_290 : vector<16xi32>
      %swap3A_292 = arith.constant 1 : i64
      %swap3A_293 = arith.index_cast %swap3A_292 : i64 to index
      %swap3A_294 = arith.constant 32 : index
      %swap3A_295 = tpu.vector_load %arg6[%swap3A_293, %swap3A_294] {strides = array<i32>} : memref<8x128xi32, #tpu.memory_space<vmem>>, vector<1x16xi32>,
      %swap3A_296 = vector.shape_cast %swap3A_295 : vector<1x16xi32> to vector<16xi32>
      %swap3A_297 = vector.shape_cast %shift_right_logical3A_291 : vector<16xi32> to vector<1x16xi32>
      tpu.vector_store %arg6[%swap3A_293, %swap3A_294], %swap3A_297 {strides = array<i32>} : memref<8x128xi32, #tpu.memory_space<vmem>>, vector<1x16xi32>,
      %and3A_298 = arith.constant 16383 : i32
      %and3A_299 = vector.broadcast %and3A_298 : i32 to vector<16xi32>
      %and3A_300 = arith.andi %get3A_288, %and3A_299 : vector<16xi32>
      %swap3A_301 = arith.constant 1 : i64
      %swap3A_302 = arith.index_cast %swap3A_301 : i64 to index
      %swap3A_303 = arith.constant 32 : index
      %swap3A_304 = tpu.vector_load %arg7[%swap3A_302, %swap3A_303] {strides = array<i32>} : memref<8x128xi32, #tpu.memory_space<vmem>>, vector<1x16xi32>,
      %swap3A_305 = vector.shape_cast %swap3A_304 : vector<1x16xi32> to vector<16xi32>
      %swap3A_306 = vector.shape_cast %and3A_300 : vector<16xi32> to vector<1x16xi32>
      tpu.vector_store %arg7[%swap3A_302, %swap3A_303], %swap3A_306 {strides = array<i32>} : memref<8x128xi32, #tpu.memory_space<vmem>>, vector<1x16xi32>,
      %get3A_307 = arith.index_cast %add3A_240 : i32 to index
      %get3A_308 = arith.constant 48 : index
      %get3A_309 = tpu.vector_load %arg5[%get3A_307, %get3A_308] {strides = array<i32>} : memref<80x128xi32, #tpu.memory_space<vmem>>, vector<1x16xi32>,
      %get3A_310 = vector.shape_cast %get3A_309 : vector<1x16xi32> to vector<16xi32>
      %shift_right_logical3A_311 = arith.constant 14 : i32
      %shift_right_logical3A_312 = vector.broadcast %shift_right_logical3A_311 : i32 to vector<16xi32>
      %shift_right_logical3A_313 = arith.shrui %get3A_310, %shift_right_logical3A_312 : vector<16xi32>
      %swap3A_314 = arith.constant 1 : i64
      %swap3A_315 = arith.index_cast %swap3A_314 : i64 to index
      %swap3A_316 = arith.constant 48 : index
      %swap3A_317 = tpu.vector_load %arg6[%swap3A_315, %swap3A_316] {strides = array<i32>} : memref<8x128xi32, #tpu.memory_space<vmem>>, vector<1x16xi32>,
      %swap3A_318 = vector.shape_cast %swap3A_317 : vector<1x16xi32> to vector<16xi32>
      %swap3A_319 = vector.shape_cast %shift_right_logical3A_313 : vector<16xi32> to vector<1x16xi32>
      tpu.vector_store %arg6[%swap3A_315, %swap3A_316], %swap3A_319 {strides = array<i32>} : memref<8x128xi32, #tpu.memory_space<vmem>>, vector<1x16xi32>,
      %and3A_320 = arith.constant 16383 : i32
      %and3A_321 = vector.broadcast %and3A_320 : i32 to vector<16xi32>
      %and3A_322 = arith.andi %get3A_310, %and3A_321 : vector<16xi32>
      %swap3A_323 = arith.constant 1 : i64
      %swap3A_324 = arith.index_cast %swap3A_323 : i64 to index
      %swap3A_325 = arith.constant 48 : index
      %swap3A_326 = tpu.vector_load %arg7[%swap3A_324, %swap3A_325] {strides = array<i32>} : memref<8x128xi32, #tpu.memory_space<vmem>>, vector<1x16xi32>,
      %swap3A_327 = vector.shape_cast %swap3A_326 : vector<1x16xi32> to vector<16xi32>
      %swap3A_328 = vector.shape_cast %and3A_322 : vector<16xi32> to vector<1x16xi32>
      tpu.vector_store %arg7[%swap3A_324, %swap3A_325], %swap3A_328 {strides = array<i32>} : memref<8x128xi32, #tpu.memory_space<vmem>>, vector<1x16xi32>,
      %get3A_329 = arith.index_cast %add3A_240 : i32 to index
      %get3A_330 = arith.constant 64 : index
      %get3A_331 = tpu.vector_load %arg5[%get3A_329, %get3A_330] {strides = array<i32>} : memref<80x128xi32, #tpu.memory_space<vmem>>, vector<1x16xi32>,
      %get3A_332 = vector.shape_cast %get3A_331 : vector<1x16xi32> to vector<16xi32>
      %shift_right_logical3A_333 = arith.constant 14 : i32
      %shift_right_logical3A_334 = vector.broadcast %shift_right_logical3A_333 : i32 to vector<16xi32>
      %shift_right_logical3A_335 = arith.shrui %get3A_332, %shift_right_logical3A_334 : vector<16xi32>
      %swap3A_336 = arith.constant 1 : i64
      %swap3A_337 = arith.index_cast %swap3A_336 : i64 to index
      %swap3A_338 = arith.constant 64 : index
      %swap3A_339 = tpu.vector_load %arg6[%swap3A_337, %swap3A_338] {strides = array<i32>} : memref<8x128xi32, #tpu.memory_space<vmem>>, vector<1x16xi32>,
      %swap3A_340 = vector.shape_cast %swap3A_339 : vector<1x16xi32> to vector<16xi32>
      %swap3A_341 = vector.shape_cast %shift_right_logical3A_335 : vector<16xi32> to vector<1x16xi32>
      tpu.vector_store %arg6[%swap3A_337, %swap3A_338], %swap3A_341 {strides = array<i32>} : memref<8x128xi32, #tpu.memory_space<vmem>>, vector<1x16xi32>,
      %and3A_342 = arith.constant 16383 : i32
      %and3A_343 = vector.broadcast %and3A_342 : i32 to vector<16xi32>
      %and3A_344 = arith.andi %get3A_332, %and3A_343 : vector<16xi32>
      %swap3A_345 = arith.constant 1 : i64
      %swap3A_346 = arith.index_cast %swap3A_345 : i64 to index
      %swap3A_347 = arith.constant 64 : index
      %swap3A_348 = tpu.vector_load %arg7[%swap3A_346, %swap3A_347] {strides = array<i32>} : memref<8x128xi32, #tpu.memory_space<vmem>>, vector<1x16xi32>,
      %swap3A_349 = vector.shape_cast %swap3A_348 : vector<1x16xi32> to vector<16xi32>
      %swap3A_350 = vector.shape_cast %and3A_344 : vector<16xi32> to vector<1x16xi32>
      tpu.vector_store %arg7[%swap3A_346, %swap3A_347], %swap3A_350 {strides = array<i32>} : memref<8x128xi32, #tpu.memory_space<vmem>>, vector<1x16xi32>,
      %get3A_351 = arith.index_cast %add3A_240 : i32 to index
      %get3A_352 = arith.constant 80 : index
      %get3A_353 = tpu.vector_load %arg5[%get3A_351, %get3A_352] {strides = array<i32>} : memref<80x128xi32, #tpu.memory_space<vmem>>, vector<1x16xi32>,
      %get3A_354 = vector.shape_cast %get3A_353 : vector<1x16xi32> to vector<16xi32>
      %shift_right_logical3A_355 = arith.constant 14 : i32
      %shift_right_logical3A_356 = vector.broadcast %shift_right_logical3A_355 : i32 to vector<16xi32>
      %shift_right_logical3A_357 = arith.shrui %get3A_354, %shift_right_logical3A_356 : vector<16xi32>
      %swap3A_358 = arith.constant 1 : i64
      %swap3A_359 = arith.index_cast %swap3A_358 : i64 to index
      %swap3A_360 = arith.constant 80 : index
      %swap3A_361 = tpu.vector_load %arg6[%swap3A_359, %swap3A_360] {strides = array<i32>} : memref<8x128xi32, #tpu.memory_space<vmem>>, vector<1x16xi32>,
      %swap3A_362 = vector.shape_cast %swap3A_361 : vector<1x16xi32> to vector<16xi32>
      %swap3A_363 = vector.shape_cast %shift_right_logical3A_357 : vector<16xi32> to vector<1x16xi32>
      tpu.vector_store %arg6[%swap3A_359, %swap3A_360], %swap3A_363 {strides = array<i32>} : memref<8x128xi32, #tpu.memory_space<vmem>>, vector<1x16xi32>,
      %and3A_364 = arith.constant 16383 : i32
      %and3A_365 = vector.broadcast %and3A_364 : i32 to vector<16xi32>
      %and3A_366 = arith.andi %get3A_354, %and3A_365 : vector<16xi32>
      %swap3A_367 = arith.constant 1 : i64
      %swap3A_368 = arith.index_cast %swap3A_367 : i64 to index
      %swap3A_369 = arith.constant 80 : index
      %swap3A_370 = tpu.vector_load %arg7[%swap3A_368, %swap3A_369] {strides = array<i32>} : memref<8x128xi32, #tpu.memory_space<vmem>>, vector<1x16xi32>,
      %swap3A_371 = vector.shape_cast %swap3A_370 : vector<1x16xi32> to vector<16xi32>
      %swap3A_372 = vector.shape_cast %and3A_366 : vector<16xi32> to vector<1x16xi32>
      tpu.vector_store %arg7[%swap3A_368, %swap3A_369], %swap3A_372 {strides = array<i32>} : memref<8x128xi32, #tpu.memory_space<vmem>>, vector<1x16xi32>,
      %get3A_373 = arith.index_cast %add3A_240 : i32 to index
      %get3A_374 = arith.constant 96 : index
      %get3A_375 = tpu.vector_load %arg5[%get3A_373, %get3A_374] {strides = array<i32>} : memref<80x128xi32, #tpu.memory_space<vmem>>, vector<1x16xi32>,
      %get3A_376 = vector.shape_cast %get3A_375 : vector<1x16xi32> to vector<16xi32>
      %shift_right_logical3A_377 = arith.constant 14 : i32
      %shift_right_logical3A_378 = vector.broadcast %shift_right_logical3A_377 : i32 to vector<16xi32>
      %shift_right_logical3A_379 = arith.shrui %get3A_376, %shift_right_logical3A_378 : vector<16xi32>
      %swap3A_380 = arith.constant 1 : i64
      %swap3A_381 = arith.index_cast %swap3A_380 : i64 to index
      %swap3A_382 = arith.constant 96 : index
      %swap3A_383 = tpu.vector_load %arg6[%swap3A_381, %swap3A_382] {strides = array<i32>} : memref<8x128xi32, #tpu.memory_space<vmem>>, vector<1x16xi32>,
      %swap3A_384 = vector.shape_cast %swap3A_383 : vector<1x16xi32> to vector<16xi32>
      %swap3A_385 = vector.shape_cast %shift_right_logical3A_379 : vector<16xi32> to vector<1x16xi32>
      tpu.vector_store %arg6[%swap3A_381, %swap3A_382], %swap3A_385 {strides = array<i32>} : memref<8x128xi32, #tpu.memory_space<vmem>>, vector<1x16xi32>,
      %and3A_386 = arith.constant 16383 : i32
      %and3A_387 = vector.broadcast %and3A_386 : i32 to vector<16xi32>
      %and3A_388 = arith.andi %get3A_376, %and3A_387 : vector<16xi32>
      %swap3A_389 = arith.constant 1 : i64
      %swap3A_390 = arith.index_cast %swap3A_389 : i64 to index
      %swap3A_391 = arith.constant 96 : index
      %swap3A_392 = tpu.vector_load %arg7[%swap3A_390, %swap3A_391] {strides = array<i32>} : memref<8x128xi32, #tpu.memory_space<vmem>>, vector<1x16xi32>,
      %swap3A_393 = vector.shape_cast %swap3A_392 : vector<1x16xi32> to vector<16xi32>
      %swap3A_394 = vector.shape_cast %and3A_388 : vector<16xi32> to vector<1x16xi32>
      tpu.vector_store %arg7[%swap3A_390, %swap3A_391], %swap3A_394 {strides = array<i32>} : memref<8x128xi32, #tpu.memory_space<vmem>>, vector<1x16xi32>,
      %get3A_395 = arith.index_cast %add3A_240 : i32 to index
      %get3A_396 = arith.constant 112 : index
      %get3A_397 = tpu.vector_load %arg5[%get3A_395, %get3A_396] {strides = array<i32>} : memref<80x128xi32, #tpu.memory_space<vmem>>, vector<1x16xi32>,
      %get3A_398 = vector.shape_cast %get3A_397 : vector<1x16xi32> to vector<16xi32>
      %shift_right_logical3A_399 = arith.constant 14 : i32
      %shift_right_logical3A_400 = vector.broadcast %shift_right_logical3A_399 : i32 to vector<16xi32>
      %shift_right_logical3A_401 = arith.shrui %get3A_398, %shift_right_logical3A_400 : vector<16xi32>
      %swap3A_402 = arith.constant 1 : i64
      %swap3A_403 = arith.index_cast %swap3A_402 : i64 to index
      %swap3A_404 = arith.constant 112 : index
      %swap3A_405 = tpu.vector_load %arg6[%swap3A_403, %swap3A_404] {strides = array<i32>} : memref<8x128xi32, #tpu.memory_space<vmem>>, vector<1x16xi32>,
      %swap3A_406 = vector.shape_cast %swap3A_405 : vector<1x16xi32> to vector<16xi32>
      %swap3A_407 = vector.shape_cast %shift_right_logical3A_401 : vector<16xi32> to vector<1x16xi32>
      tpu.vector_store %arg6[%swap3A_403, %swap3A_404], %swap3A_407 {strides = array<i32>} : memref<8x128xi32, #tpu.memory_space<vmem>>, vector<1x16xi32>,
      %and3A_408 = arith.constant 16383 : i32
      %and3A_409 = vector.broadcast %and3A_408 : i32 to vector<16xi32>
      %and3A_410 = arith.andi %get3A_398, %and3A_409 : vector<16xi32>
      %swap3A_411 = arith.constant 1 : i64
      %swap3A_412 = arith.index_cast %swap3A_411 : i64 to index
      %swap3A_413 = arith.constant 112 : index
      %swap3A_414 = tpu.vector_load %arg7[%swap3A_412, %swap3A_413] {strides = array<i32>} : memref<8x128xi32, #tpu.memory_space<vmem>>, vector<1x16xi32>,
      %swap3A_415 = vector.shape_cast %swap3A_414 : vector<1x16xi32> to vector<16xi32>
      %swap3A_416 = vector.shape_cast %and3A_410 : vector<16xi32> to vector<1x16xi32>
      tpu.vector_store %arg7[%swap3A_412, %swap3A_413], %swap3A_416 {strides = array<i32>} : memref<8x128xi32, #tpu.memory_space<vmem>>, vector<1x16xi32>,
      %dma_start3A_417 = arith.constant 0 : i32
      %dma_start3A_418 = tpu.memref_slice %arg7[%while3A_223, %dma_start3A_417] : memref<8x128xi32, #tpu.memory_space<vmem>> -> memref<1x128xi32, #tpu.memory_space<vmem>>
      %dma_start3A_419 = tpu.memref_squeeze %dma_start3A_418 : memref<1x128xi32, #tpu.memory_space<vmem>> -> memref<128xi32, #tpu.memory_space<vmem>>
      %dma_start3A_420 = arith.constant 0 : i32
      %dma_start3A_421 = arith.constant 0 : i32
      %dma_start3A_422 = tpu.memref_slice %arg2[%dma_start3A_420, %dma_start3A_421] : memref<10240x128xf32, #tpu.memory_space<hbm>> -> memref<10240x128xf32, #tpu.memory_space<hbm>>
      tpu.enqueue_indirect_dma source(%dma_start3A_422 : memref<10240x128xf32, #tpu.memory_space<hbm>>) target(%arg9 : memref<128x128xf32, #tpu.memory_space<vmem>>) offsets(%dma_start3A_419 : memref<128xi32, #tpu.memory_space<vmem>>) semaphore(%arg13 : memref<!tpu.dma_semaphore, #tpu.memory_space<semaphore_mem>>)
      %dma_wait3A = arith.constant 0 : i32
      %dma_wait3A_423 = tpu.memref_slice %arg7[%while3A_224, %dma_wait3A] : memref<8x128xi32, #tpu.memory_space<vmem>> -> memref<1x128xi32, #tpu.memory_space<vmem>>
      %dma_wait3A_424 = tpu.memref_squeeze %dma_wait3A_423 : memref<1x128xi32, #tpu.memory_space<vmem>> -> memref<128xi32, #tpu.memory_space<vmem>>
      %dma_wait3A_425 = arith.constant 0 : i32
      %dma_wait3A_426 = arith.constant 0 : i32
      %dma_wait3A_427 = tpu.memref_slice %arg2[%dma_wait3A_425, %dma_wait3A_426] : memref<10240x128xf32, #tpu.memory_space<hbm>> -> memref<10240x128xf32, #tpu.memory_space<hbm>>
      tpu.wait_indirect_dma semaphore(%arg12 : memref<!tpu.dma_semaphore, #tpu.memory_space<semaphore_mem>>) src(%dma_wait3A_427 : memref<10240x128xf32, #tpu.memory_space<hbm>>) dst(%arg8 : memref<128x128xf32, #tpu.memory_space<vmem>>)
      "tpu.region"() ({
        %run_scoped3A = tpu.sem_alloc : memref<!tpu.dma_semaphore, #tpu.memory_space<semaphore_mem>>
        %dma_start3A_438 = arith.constant 0 : i32
        %dma_start3A_439 = tpu.memref_slice %arg6[%while3A_224, %dma_start3A_438] : memref<8x128xi32, #tpu.memory_space<vmem>> -> memref<1x128xi32, #tpu.memory_space<vmem>>
        %dma_start3A_440 = tpu.memref_squeeze %dma_start3A_439 : memref<1x128xi32, #tpu.memory_space<vmem>> -> memref<128xi32, #tpu.memory_space<vmem>>
        %dma_start3A_441 = arith.constant 0 : i32
        %dma_start3A_442 = arith.constant 0 : i32
        %dma_start3A_443 = tpu.memref_slice %arg11[%dma_start3A_441, %dma_start3A_442] : memref<10240x128xf32, #tpu.memory_space<vmem_shared>> -> memref<10240x128xf32, #tpu.memory_space<vmem_shared>>
        tpu.enqueue_indirect_dma source(%arg8 : memref<128x128xf32, #tpu.memory_space<vmem>>) target(%dma_start3A_443 : memref<10240x128xf32, #tpu.memory_space<vmem_shared>>) offsets(%dma_start3A_440 : memref<128xi32, #tpu.memory_space<vmem>>) semaphore(%run_scoped3A : memref<!tpu.dma_semaphore, #tpu.memory_space<semaphore_mem>>) {add = true}
        %dma_wait3A_444 = arith.constant 0 : i32
        %dma_wait3A_445 = tpu.memref_slice %arg6[%while3A_224, %dma_wait3A_444] : memref<8x128xi32, #tpu.memory_space<vmem>> -> memref<1x128xi32, #tpu.memory_space<vmem>>
        %dma_wait3A_446 = tpu.memref_squeeze %dma_wait3A_445 : memref<1x128xi32, #tpu.memory_space<vmem>> -> memref<128xi32, #tpu.memory_space<vmem>>
        %dma_wait3A_447 = arith.constant 0 : i32
        %dma_wait3A_448 = arith.constant 0 : i32
        %dma_wait3A_449 = tpu.memref_slice %arg11[%dma_wait3A_447, %dma_wait3A_448] : memref<10240x128xf32, #tpu.memory_space<vmem_shared>> -> memref<10240x128xf32, #tpu.memory_space<vmem_shared>>
        tpu.wait_indirect_dma semaphore(%run_scoped3A : memref<!tpu.dma_semaphore, #tpu.memory_space<semaphore_mem>>) src(%arg8 : memref<128x128xf32, #tpu.memory_space<vmem>>) dst(%dma_wait3A_449 : memref<10240x128xf32, #tpu.memory_space<vmem_shared>>)
        tpu.yield
      }) : () -> ()
      %add3A_428 = arith.constant 2 : i32
      %add3A_429 = arith.addi %mul3A_238, %add3A_428 : i32
      %lt3A = arith.constant 80 : i32
      %lt3A_430 = arith.cmpi slt, %add3A_429, %lt3A : i32
      %convert_element_type3A = arith.extui %lt3A_430 : i1 to i32
      %cond3A = arith.constant 0 : i32
      %cond3A_431 = arith.cmpi ne, %convert_element_type3A, %cond3A : i32
      scf.if %cond3A_431 {
        %add3A_438 = arith.constant 2 : i32
        %add3A_439 = arith.addi %mul3A_238, %add3A_438 : i32
        %get3A_440 = arith.index_cast %add3A_439 : i32 to index
        %get3A_441 = arith.constant 0 : index
        %get3A_442 = tpu.vector_load %arg5[%get3A_440, %get3A_441] {strides = array<i32>} : memref<80x128xi32, #tpu.memory_space<vmem>>, vector<1x16xi32>,
        %get3A_443 = vector.shape_cast %get3A_442 : vector<1x16xi32> to vector<16xi32>
        %shift_right_logical3A_444 = arith.constant 14 : i32
        %shift_right_logical3A_445 = vector.broadcast %shift_right_logical3A_444 : i32 to vector<16xi32>
        %shift_right_logical3A_446 = arith.shrui %get3A_443, %shift_right_logical3A_445 : vector<16xi32>
        %swap3A_447 = arith.constant 0 : i64
        %swap3A_448 = arith.index_cast %swap3A_447 : i64 to index
        %swap3A_449 = arith.constant 0 : index
        %swap3A_450 = tpu.vector_load %arg6[%swap3A_448, %swap3A_449] {strides = array<i32>} : memref<8x128xi32, #tpu.memory_space<vmem>>, vector<1x16xi32>,
        %swap3A_451 = vector.shape_cast %swap3A_450 : vector<1x16xi32> to vector<16xi32>
        %swap3A_452 = vector.shape_cast %shift_right_logical3A_446 : vector<16xi32> to vector<1x16xi32>
        tpu.vector_store %arg6[%swap3A_448, %swap3A_449], %swap3A_452 {strides = array<i32>} : memref<8x128xi32, #tpu.memory_space<vmem>>, vector<1x16xi32>,
        %and3A_453 = arith.constant 16383 : i32
        %and3A_454 = vector.broadcast %and3A_453 : i32 to vector<16xi32>
        %and3A_455 = arith.andi %get3A_443, %and3A_454 : vector<16xi32>
        %swap3A_456 = arith.constant 0 : i64
        %swap3A_457 = arith.index_cast %swap3A_456 : i64 to index
        %swap3A_458 = arith.constant 0 : index
        %swap3A_459 = tpu.vector_load %arg7[%swap3A_457, %swap3A_458] {strides = array<i32>} : memref<8x128xi32, #tpu.memory_space<vmem>>, vector<1x16xi32>,
        %swap3A_460 = vector.shape_cast %swap3A_459 : vector<1x16xi32> to vector<16xi32>
        %swap3A_461 = vector.shape_cast %and3A_455 : vector<16xi32> to vector<1x16xi32>
        tpu.vector_store %arg7[%swap3A_457, %swap3A_458], %swap3A_461 {strides = array<i32>} : memref<8x128xi32, #tpu.memory_space<vmem>>, vector<1x16xi32>,
        %get3A_462 = arith.index_cast %add3A_439 : i32 to index
        %get3A_463 = arith.constant 16 : index
        %get3A_464 = tpu.vector_load %arg5[%get3A_462, %get3A_463] {strides = array<i32>} : memref<80x128xi32, #tpu.memory_space<vmem>>, vector<1x16xi32>,
        %get3A_465 = vector.shape_cast %get3A_464 : vector<1x16xi32> to vector<16xi32>
        %shift_right_logical3A_466 = arith.constant 14 : i32
        %shift_right_logical3A_467 = vector.broadcast %shift_right_logical3A_466 : i32 to vector<16xi32>
        %shift_right_logical3A_468 = arith.shrui %get3A_465, %shift_right_logical3A_467 : vector<16xi32>
        %swap3A_469 = arith.constant 0 : i64
        %swap3A_470 = arith.index_cast %swap3A_469 : i64 to index
        %swap3A_471 = arith.constant 16 : index
        %swap3A_472 = tpu.vector_load %arg6[%swap3A_470, %swap3A_471] {strides = array<i32>} : memref<8x128xi32, #tpu.memory_space<vmem>>, vector<1x16xi32>,
        %swap3A_473 = vector.shape_cast %swap3A_472 : vector<1x16xi32> to vector<16xi32>
        %swap3A_474 = vector.shape_cast %shift_right_logical3A_468 : vector<16xi32> to vector<1x16xi32>
        tpu.vector_store %arg6[%swap3A_470, %swap3A_471], %swap3A_474 {strides = array<i32>} : memref<8x128xi32, #tpu.memory_space<vmem>>, vector<1x16xi32>,
        %and3A_475 = arith.constant 16383 : i32
        %and3A_476 = vector.broadcast %and3A_475 : i32 to vector<16xi32>
        %and3A_477 = arith.andi %get3A_465, %and3A_476 : vector<16xi32>
        %swap3A_478 = arith.constant 0 : i64
        %swap3A_479 = arith.index_cast %swap3A_478 : i64 to index
        %swap3A_480 = arith.constant 16 : index
        %swap3A_481 = tpu.vector_load %arg7[%swap3A_479, %swap3A_480] {strides = array<i32>} : memref<8x128xi32, #tpu.memory_space<vmem>>, vector<1x16xi32>,
        %swap3A_482 = vector.shape_cast %swap3A_481 : vector<1x16xi32> to vector<16xi32>
        %swap3A_483 = vector.shape_cast %and3A_477 : vector<16xi32> to vector<1x16xi32>
        tpu.vector_store %arg7[%swap3A_479, %swap3A_480], %swap3A_483 {strides = array<i32>} : memref<8x128xi32, #tpu.memory_space<vmem>>, vector<1x16xi32>,
        %get3A_484 = arith.index_cast %add3A_439 : i32 to index
        %get3A_485 = arith.constant 32 : index
        %get3A_486 = tpu.vector_load %arg5[%get3A_484, %get3A_485] {strides = array<i32>} : memref<80x128xi32, #tpu.memory_space<vmem>>, vector<1x16xi32>,
        %get3A_487 = vector.shape_cast %get3A_486 : vector<1x16xi32> to vector<16xi32>
        %shift_right_logical3A_488 = arith.constant 14 : i32
        %shift_right_logical3A_489 = vector.broadcast %shift_right_logical3A_488 : i32 to vector<16xi32>
        %shift_right_logical3A_490 = arith.shrui %get3A_487, %shift_right_logical3A_489 : vector<16xi32>
        %swap3A_491 = arith.constant 0 : i64
        %swap3A_492 = arith.index_cast %swap3A_491 : i64 to index
        %swap3A_493 = arith.constant 32 : index
        %swap3A_494 = tpu.vector_load %arg6[%swap3A_492, %swap3A_493] {strides = array<i32>} : memref<8x128xi32, #tpu.memory_space<vmem>>, vector<1x16xi32>,
        %swap3A_495 = vector.shape_cast %swap3A_494 : vector<1x16xi32> to vector<16xi32>
        %swap3A_496 = vector.shape_cast %shift_right_logical3A_490 : vector<16xi32> to vector<1x16xi32>
        tpu.vector_store %arg6[%swap3A_492, %swap3A_493], %swap3A_496 {strides = array<i32>} : memref<8x128xi32, #tpu.memory_space<vmem>>, vector<1x16xi32>,
        %and3A_497 = arith.constant 16383 : i32
        %and3A_498 = vector.broadcast %and3A_497 : i32 to vector<16xi32>
        %and3A_499 = arith.andi %get3A_487, %and3A_498 : vector<16xi32>
        %swap3A_500 = arith.constant 0 : i64
        %swap3A_501 = arith.index_cast %swap3A_500 : i64 to index
        %swap3A_502 = arith.constant 32 : index
        %swap3A_503 = tpu.vector_load %arg7[%swap3A_501, %swap3A_502] {strides = array<i32>} : memref<8x128xi32, #tpu.memory_space<vmem>>, vector<1x16xi32>,
        %swap3A_504 = vector.shape_cast %swap3A_503 : vector<1x16xi32> to vector<16xi32>
        %swap3A_505 = vector.shape_cast %and3A_499 : vector<16xi32> to vector<1x16xi32>
        tpu.vector_store %arg7[%swap3A_501, %swap3A_502], %swap3A_505 {strides = array<i32>} : memref<8x128xi32, #tpu.memory_space<vmem>>, vector<1x16xi32>,
        %get3A_506 = arith.index_cast %add3A_439 : i32 to index
        %get3A_507 = arith.constant 48 : index
        %get3A_508 = tpu.vector_load %arg5[%get3A_506, %get3A_507] {strides = array<i32>} : memref<80x128xi32, #tpu.memory_space<vmem>>, vector<1x16xi32>,
        %get3A_509 = vector.shape_cast %get3A_508 : vector<1x16xi32> to vector<16xi32>
        %shift_right_logical3A_510 = arith.constant 14 : i32
        %shift_right_logical3A_511 = vector.broadcast %shift_right_logical3A_510 : i32 to vector<16xi32>
        %shift_right_logical3A_512 = arith.shrui %get3A_509, %shift_right_logical3A_511 : vector<16xi32>
        %swap3A_513 = arith.constant 0 : i64
        %swap3A_514 = arith.index_cast %swap3A_513 : i64 to index
        %swap3A_515 = arith.constant 48 : index
        %swap3A_516 = tpu.vector_load %arg6[%swap3A_514, %swap3A_515] {strides = array<i32>} : memref<8x128xi32, #tpu.memory_space<vmem>>, vector<1x16xi32>,
        %swap3A_517 = vector.shape_cast %swap3A_516 : vector<1x16xi32> to vector<16xi32>
        %swap3A_518 = vector.shape_cast %shift_right_logical3A_512 : vector<16xi32> to vector<1x16xi32>
        tpu.vector_store %arg6[%swap3A_514, %swap3A_515], %swap3A_518 {strides = array<i32>} : memref<8x128xi32, #tpu.memory_space<vmem>>, vector<1x16xi32>,
        %and3A_519 = arith.constant 16383 : i32
        %and3A_520 = vector.broadcast %and3A_519 : i32 to vector<16xi32>
        %and3A_521 = arith.andi %get3A_509, %and3A_520 : vector<16xi32>
        %swap3A_522 = arith.constant 0 : i64
        %swap3A_523 = arith.index_cast %swap3A_522 : i64 to index
        %swap3A_524 = arith.constant 48 : index
        %swap3A_525 = tpu.vector_load %arg7[%swap3A_523, %swap3A_524] {strides = array<i32>} : memref<8x128xi32, #tpu.memory_space<vmem>>, vector<1x16xi32>,
        %swap3A_526 = vector.shape_cast %swap3A_525 : vector<1x16xi32> to vector<16xi32>
        %swap3A_527 = vector.shape_cast %and3A_521 : vector<16xi32> to vector<1x16xi32>
        tpu.vector_store %arg7[%swap3A_523, %swap3A_524], %swap3A_527 {strides = array<i32>} : memref<8x128xi32, #tpu.memory_space<vmem>>, vector<1x16xi32>,
        %get3A_528 = arith.index_cast %add3A_439 : i32 to index
        %get3A_529 = arith.constant 64 : index
        %get3A_530 = tpu.vector_load %arg5[%get3A_528, %get3A_529] {strides = array<i32>} : memref<80x128xi32, #tpu.memory_space<vmem>>, vector<1x16xi32>,
        %get3A_531 = vector.shape_cast %get3A_530 : vector<1x16xi32> to vector<16xi32>
        %shift_right_logical3A_532 = arith.constant 14 : i32
        %shift_right_logical3A_533 = vector.broadcast %shift_right_logical3A_532 : i32 to vector<16xi32>
        %shift_right_logical3A_534 = arith.shrui %get3A_531, %shift_right_logical3A_533 : vector<16xi32>
        %swap3A_535 = arith.constant 0 : i64
        %swap3A_536 = arith.index_cast %swap3A_535 : i64 to index
        %swap3A_537 = arith.constant 64 : index
        %swap3A_538 = tpu.vector_load %arg6[%swap3A_536, %swap3A_537] {strides = array<i32>} : memref<8x128xi32, #tpu.memory_space<vmem>>, vector<1x16xi32>,
        %swap3A_539 = vector.shape_cast %swap3A_538 : vector<1x16xi32> to vector<16xi32>
        %swap3A_540 = vector.shape_cast %shift_right_logical3A_534 : vector<16xi32> to vector<1x16xi32>
        tpu.vector_store %arg6[%swap3A_536, %swap3A_537], %swap3A_540 {strides = array<i32>} : memref<8x128xi32, #tpu.memory_space<vmem>>, vector<1x16xi32>,
        %and3A_541 = arith.constant 16383 : i32
        %and3A_542 = vector.broadcast %and3A_541 : i32 to vector<16xi32>
        %and3A_543 = arith.andi %get3A_531, %and3A_542 : vector<16xi32>
        %swap3A_544 = arith.constant 0 : i64
        %swap3A_545 = arith.index_cast %swap3A_544 : i64 to index
        %swap3A_546 = arith.constant 64 : index
        %swap3A_547 = tpu.vector_load %arg7[%swap3A_545, %swap3A_546] {strides = array<i32>} : memref<8x128xi32, #tpu.memory_space<vmem>>, vector<1x16xi32>,
        %swap3A_548 = vector.shape_cast %swap3A_547 : vector<1x16xi32> to vector<16xi32>
        %swap3A_549 = vector.shape_cast %and3A_543 : vector<16xi32> to vector<1x16xi32>
        tpu.vector_store %arg7[%swap3A_545, %swap3A_546], %swap3A_549 {strides = array<i32>} : memref<8x128xi32, #tpu.memory_space<vmem>>, vector<1x16xi32>,
        %get3A_550 = arith.index_cast %add3A_439 : i32 to index
        %get3A_551 = arith.constant 80 : index
        %get3A_552 = tpu.vector_load %arg5[%get3A_550, %get3A_551] {strides = array<i32>} : memref<80x128xi32, #tpu.memory_space<vmem>>, vector<1x16xi32>,
        %get3A_553 = vector.shape_cast %get3A_552 : vector<1x16xi32> to vector<16xi32>
        %shift_right_logical3A_554 = arith.constant 14 : i32
        %shift_right_logical3A_555 = vector.broadcast %shift_right_logical3A_554 : i32 to vector<16xi32>
        %shift_right_logical3A_556 = arith.shrui %get3A_553, %shift_right_logical3A_555 : vector<16xi32>
        %swap3A_557 = arith.constant 0 : i64
        %swap3A_558 = arith.index_cast %swap3A_557 : i64 to index
        %swap3A_559 = arith.constant 80 : index
        %swap3A_560 = tpu.vector_load %arg6[%swap3A_558, %swap3A_559] {strides = array<i32>} : memref<8x128xi32, #tpu.memory_space<vmem>>, vector<1x16xi32>,
        %swap3A_561 = vector.shape_cast %swap3A_560 : vector<1x16xi32> to vector<16xi32>
        %swap3A_562 = vector.shape_cast %shift_right_logical3A_556 : vector<16xi32> to vector<1x16xi32>
        tpu.vector_store %arg6[%swap3A_558, %swap3A_559], %swap3A_562 {strides = array<i32>} : memref<8x128xi32, #tpu.memory_space<vmem>>, vector<1x16xi32>,
        %and3A_563 = arith.constant 16383 : i32
        %and3A_564 = vector.broadcast %and3A_563 : i32 to vector<16xi32>
        %and3A_565 = arith.andi %get3A_553, %and3A_564 : vector<16xi32>
        %swap3A_566 = arith.constant 0 : i64
        %swap3A_567 = arith.index_cast %swap3A_566 : i64 to index
        %swap3A_568 = arith.constant 80 : index
        %swap3A_569 = tpu.vector_load %arg7[%swap3A_567, %swap3A_568] {strides = array<i32>} : memref<8x128xi32, #tpu.memory_space<vmem>>, vector<1x16xi32>,
        %swap3A_570 = vector.shape_cast %swap3A_569 : vector<1x16xi32> to vector<16xi32>
        %swap3A_571 = vector.shape_cast %and3A_565 : vector<16xi32> to vector<1x16xi32>
        tpu.vector_store %arg7[%swap3A_567, %swap3A_568], %swap3A_571 {strides = array<i32>} : memref<8x128xi32, #tpu.memory_space<vmem>>, vector<1x16xi32>,
        %get3A_572 = arith.index_cast %add3A_439 : i32 to index
        %get3A_573 = arith.constant 96 : index
        %get3A_574 = tpu.vector_load %arg5[%get3A_572, %get3A_573] {strides = array<i32>} : memref<80x128xi32, #tpu.memory_space<vmem>>, vector<1x16xi32>,
        %get3A_575 = vector.shape_cast %get3A_574 : vector<1x16xi32> to vector<16xi32>
        %shift_right_logical3A_576 = arith.constant 14 : i32
        %shift_right_logical3A_577 = vector.broadcast %shift_right_logical3A_576 : i32 to vector<16xi32>
        %shift_right_logical3A_578 = arith.shrui %get3A_575, %shift_right_logical3A_577 : vector<16xi32>
        %swap3A_579 = arith.constant 0 : i64
        %swap3A_580 = arith.index_cast %swap3A_579 : i64 to index
        %swap3A_581 = arith.constant 96 : index
        %swap3A_582 = tpu.vector_load %arg6[%swap3A_580, %swap3A_581] {strides = array<i32>} : memref<8x128xi32, #tpu.memory_space<vmem>>, vector<1x16xi32>,
        %swap3A_583 = vector.shape_cast %swap3A_582 : vector<1x16xi32> to vector<16xi32>
        %swap3A_584 = vector.shape_cast %shift_right_logical3A_578 : vector<16xi32> to vector<1x16xi32>
        tpu.vector_store %arg6[%swap3A_580, %swap3A_581], %swap3A_584 {strides = array<i32>} : memref<8x128xi32, #tpu.memory_space<vmem>>, vector<1x16xi32>,
        %and3A_585 = arith.constant 16383 : i32
        %and3A_586 = vector.broadcast %and3A_585 : i32 to vector<16xi32>
        %and3A_587 = arith.andi %get3A_575, %and3A_586 : vector<16xi32>
        %swap3A_588 = arith.constant 0 : i64
        %swap3A_589 = arith.index_cast %swap3A_588 : i64 to index
        %swap3A_590 = arith.constant 96 : index
        %swap3A_591 = tpu.vector_load %arg7[%swap3A_589, %swap3A_590] {strides = array<i32>} : memref<8x128xi32, #tpu.memory_space<vmem>>, vector<1x16xi32>,
        %swap3A_592 = vector.shape_cast %swap3A_591 : vector<1x16xi32> to vector<16xi32>
        %swap3A_593 = vector.shape_cast %and3A_587 : vector<16xi32> to vector<1x16xi32>
        tpu.vector_store %arg7[%swap3A_589, %swap3A_590], %swap3A_593 {strides = array<i32>} : memref<8x128xi32, #tpu.memory_space<vmem>>, vector<1x16xi32>,
        %get3A_594 = arith.index_cast %add3A_439 : i32 to index
        %get3A_595 = arith.constant 112 : index
        %get3A_596 = tpu.vector_load %arg5[%get3A_594, %get3A_595] {strides = array<i32>} : memref<80x128xi32, #tpu.memory_space<vmem>>, vector<1x16xi32>,
        %get3A_597 = vector.shape_cast %get3A_596 : vector<1x16xi32> to vector<16xi32>
        %shift_right_logical3A_598 = arith.constant 14 : i32
        %shift_right_logical3A_599 = vector.broadcast %shift_right_logical3A_598 : i32 to vector<16xi32>
        %shift_right_logical3A_600 = arith.shrui %get3A_597, %shift_right_logical3A_599 : vector<16xi32>
        %swap3A_601 = arith.constant 0 : i64
        %swap3A_602 = arith.index_cast %swap3A_601 : i64 to index
        %swap3A_603 = arith.constant 112 : index
        %swap3A_604 = tpu.vector_load %arg6[%swap3A_602, %swap3A_603] {strides = array<i32>} : memref<8x128xi32, #tpu.memory_space<vmem>>, vector<1x16xi32>,
        %swap3A_605 = vector.shape_cast %swap3A_604 : vector<1x16xi32> to vector<16xi32>
        %swap3A_606 = vector.shape_cast %shift_right_logical3A_600 : vector<16xi32> to vector<1x16xi32>
        tpu.vector_store %arg6[%swap3A_602, %swap3A_603], %swap3A_606 {strides = array<i32>} : memref<8x128xi32, #tpu.memory_space<vmem>>, vector<1x16xi32>,
        %and3A_607 = arith.constant 16383 : i32
        %and3A_608 = vector.broadcast %and3A_607 : i32 to vector<16xi32>
        %and3A_609 = arith.andi %get3A_597, %and3A_608 : vector<16xi32>
        %swap3A_610 = arith.constant 0 : i64
        %swap3A_611 = arith.index_cast %swap3A_610 : i64 to index
        %swap3A_612 = arith.constant 112 : index
        %swap3A_613 = tpu.vector_load %arg7[%swap3A_611, %swap3A_612] {strides = array<i32>} : memref<8x128xi32, #tpu.memory_space<vmem>>, vector<1x16xi32>,
        %swap3A_614 = vector.shape_cast %swap3A_613 : vector<1x16xi32> to vector<16xi32>
        %swap3A_615 = vector.shape_cast %and3A_609 : vector<16xi32> to vector<1x16xi32>
        tpu.vector_store %arg7[%swap3A_611, %swap3A_612], %swap3A_615 {strides = array<i32>} : memref<8x128xi32, #tpu.memory_space<vmem>>, vector<1x16xi32>,
        %dma_start3A_616 = arith.constant 0 : i32
        %dma_start3A_617 = tpu.memref_slice %arg7[%while3A_224, %dma_start3A_616] : memref<8x128xi32, #tpu.memory_space<vmem>> -> memref<1x128xi32, #tpu.memory_space<vmem>>
        %dma_start3A_618 = tpu.memref_squeeze %dma_start3A_617 : memref<1x128xi32, #tpu.memory_space<vmem>> -> memref<128xi32, #tpu.memory_space<vmem>>
        %dma_start3A_619 = arith.constant 0 : i32
        %dma_start3A_620 = arith.constant 0 : i32
        %dma_start3A_621 = tpu.memref_slice %arg2[%dma_start3A_619, %dma_start3A_620] : memref<10240x128xf32, #tpu.memory_space<hbm>> -> memref<10240x128xf32, #tpu.memory_space<hbm>>
        tpu.enqueue_indirect_dma source(%dma_start3A_621 : memref<10240x128xf32, #tpu.memory_space<hbm>>) target(%arg8 : memref<128x128xf32, #tpu.memory_space<vmem>>) offsets(%dma_start3A_618 : memref<128xi32, #tpu.memory_space<vmem>>) semaphore(%arg12 : memref<!tpu.dma_semaphore, #tpu.memory_space<semaphore_mem>>)
      } else {
      }
      %dma_wait3A_432 = arith.constant 0 : i32
      %dma_wait3A_433 = tpu.memref_slice %arg7[%while3A_223, %dma_wait3A_432] : memref<8x128xi32, #tpu.memory_space<vmem>> -> memref<1x128xi32, #tpu.memory_space<vmem>>
      %dma_wait3A_434 = tpu.memref_squeeze %dma_wait3A_433 : memref<1x128xi32, #tpu.memory_space<vmem>> -> memref<128xi32, #tpu.memory_space<vmem>>
      %dma_wait3A_435 = arith.constant 0 : i32
      %dma_wait3A_436 = arith.constant 0 : i32
      %dma_wait3A_437 = tpu.memref_slice %arg2[%dma_wait3A_435, %dma_wait3A_436] : memref<10240x128xf32, #tpu.memory_space<hbm>> -> memref<10240x128xf32, #tpu.memory_space<hbm>>
      tpu.wait_indirect_dma semaphore(%arg13 : memref<!tpu.dma_semaphore, #tpu.memory_space<semaphore_mem>>) src(%dma_wait3A_437 : memref<10240x128xf32, #tpu.memory_space<hbm>>) dst(%arg9 : memref<128x128xf32, #tpu.memory_space<vmem>>)
      "tpu.region"() ({
        %run_scoped3A = tpu.sem_alloc : memref<!tpu.dma_semaphore, #tpu.memory_space<semaphore_mem>>
        %dma_start3A_438 = arith.constant 0 : i32
        %dma_start3A_439 = tpu.memref_slice %arg6[%while3A_223, %dma_start3A_438] : memref<8x128xi32, #tpu.memory_space<vmem>> -> memref<1x128xi32, #tpu.memory_space<vmem>>
        %dma_start3A_440 = tpu.memref_squeeze %dma_start3A_439 : memref<1x128xi32, #tpu.memory_space<vmem>> -> memref<128xi32, #tpu.memory_space<vmem>>
        %dma_start3A_441 = arith.constant 0 : i32
        %dma_start3A_442 = arith.constant 0 : i32
        %dma_start3A_443 = tpu.memref_slice %arg11[%dma_start3A_441, %dma_start3A_442] : memref<10240x128xf32, #tpu.memory_space<vmem_shared>> -> memref<10240x128xf32, #tpu.memory_space<vmem_shared>>
        tpu.enqueue_indirect_dma source(%arg9 : memref<128x128xf32, #tpu.memory_space<vmem>>) target(%dma_start3A_443 : memref<10240x128xf32, #tpu.memory_space<vmem_shared>>) offsets(%dma_start3A_440 : memref<128xi32, #tpu.memory_space<vmem>>) semaphore(%run_scoped3A : memref<!tpu.dma_semaphore, #tpu.memory_space<semaphore_mem>>) {add = true}
        %dma_wait3A_444 = arith.constant 0 : i32
        %dma_wait3A_445 = tpu.memref_slice %arg6[%while3A_223, %dma_wait3A_444] : memref<8x128xi32, #tpu.memory_space<vmem>> -> memref<1x128xi32, #tpu.memory_space<vmem>>
        %dma_wait3A_446 = tpu.memref_squeeze %dma_wait3A_445 : memref<1x128xi32, #tpu.memory_space<vmem>> -> memref<128xi32, #tpu.memory_space<vmem>>
        %dma_wait3A_447 = arith.constant 0 : i32
        %dma_wait3A_448 = arith.constant 0 : i32
        %dma_wait3A_449 = tpu.memref_slice %arg11[%dma_wait3A_447, %dma_wait3A_448] : memref<10240x128xf32, #tpu.memory_space<vmem_shared>> -> memref<10240x128xf32, #tpu.memory_space<vmem_shared>>
        tpu.wait_indirect_dma semaphore(%run_scoped3A : memref<!tpu.dma_semaphore, #tpu.memory_space<semaphore_mem>>) src(%arg9 : memref<128x128xf32, #tpu.memory_space<vmem>>) dst(%dma_wait3A_449 : memref<10240x128xf32, #tpu.memory_space<vmem_shared>>)
        tpu.yield
      }) : () -> ()
    }
    %while3A_234 = arith.constant 1 : i32
    scf.for %while3A_236 = %while3A_232 to %while3A_228 step %while3A_234  : i32 {
      %mul3A_237 = arith.constant 2 : i32
      %mul3A_238 = arith.muli %mul3A_237, %while3A_236 : i32
      %add3A_239 = arith.constant 1 : i32
      %add3A_240 = arith.addi %mul3A_238, %add3A_239 : i32
      %get3A_241 = arith.index_cast %add3A_240 : i32 to index
      %get3A_242 = arith.constant 0 : index
      %get3A_243 = tpu.vector_load %arg5[%get3A_241, %get3A_242] {strides = array<i32>} : memref<80x128xi32, #tpu.memory_space<vmem>>, vector<1x16xi32>,
      %get3A_244 = vector.shape_cast %get3A_243 : vector<1x16xi32> to vector<16xi32>
      %shift_right_logical3A_245 = arith.constant 14 : i32
      %shift_right_logical3A_246 = vector.broadcast %shift_right_logical3A_245 : i32 to vector<16xi32>
      %shift_right_logical3A_247 = arith.shrui %get3A_244, %shift_right_logical3A_246 : vector<16xi32>
      %swap3A_248 = arith.constant 1 : i64
      %swap3A_249 = arith.index_cast %swap3A_248 : i64 to index
      %swap3A_250 = arith.constant 0 : index
      %swap3A_251 = tpu.vector_load %arg6[%swap3A_249, %swap3A_250] {strides = array<i32>} : memref<8x128xi32, #tpu.memory_space<vmem>>, vector<1x16xi32>,
      %swap3A_252 = vector.shape_cast %swap3A_251 : vector<1x16xi32> to vector<16xi32>
      %swap3A_253 = vector.shape_cast %shift_right_logical3A_247 : vector<16xi32> to vector<1x16xi32>
      tpu.vector_store %arg6[%swap3A_249, %swap3A_250], %swap3A_253 {strides = array<i32>} : memref<8x128xi32, #tpu.memory_space<vmem>>, vector<1x16xi32>,
      %and3A_254 = arith.constant 16383 : i32
      %and3A_255 = vector.broadcast %and3A_254 : i32 to vector<16xi32>
      %and3A_256 = arith.andi %get3A_244, %and3A_255 : vector<16xi32>
      %swap3A_257 = arith.constant 1 : i64
      %swap3A_258 = arith.index_cast %swap3A_257 : i64 to index
      %swap3A_259 = arith.constant 0 : index
      %swap3A_260 = tpu.vector_load %arg7[%swap3A_258, %swap3A_259] {strides = array<i32>} : memref<8x128xi32, #tpu.memory_space<vmem>>, vector<1x16xi32>,
      %swap3A_261 = vector.shape_cast %swap3A_260 : vector<1x16xi32> to vector<16xi32>
      %swap3A_262 = vector.shape_cast %and3A_256 : vector<16xi32> to vector<1x16xi32>
      tpu.vector_store %arg7[%swap3A_258, %swap3A_259], %swap3A_262 {strides = array<i32>} : memref<8x128xi32, #tpu.memory_space<vmem>>, vector<1x16xi32>,
      %get3A_263 = arith.index_cast %add3A_240 : i32 to index
      %get3A_264 = arith.constant 16 : index
      %get3A_265 = tpu.vector_load %arg5[%get3A_263, %get3A_264] {strides = array<i32>} : memref<80x128xi32, #tpu.memory_space<vmem>>, vector<1x16xi32>,
      %get3A_266 = vector.shape_cast %get3A_265 : vector<1x16xi32> to vector<16xi32>
      %shift_right_logical3A_267 = arith.constant 14 : i32
      %shift_right_logical3A_268 = vector.broadcast %shift_right_logical3A_267 : i32 to vector<16xi32>
      %shift_right_logical3A_269 = arith.shrui %get3A_266, %shift_right_logical3A_268 : vector<16xi32>
      %swap3A_270 = arith.constant 1 : i64
      %swap3A_271 = arith.index_cast %swap3A_270 : i64 to index
      %swap3A_272 = arith.constant 16 : index
      %swap3A_273 = tpu.vector_load %arg6[%swap3A_271, %swap3A_272] {strides = array<i32>} : memref<8x128xi32, #tpu.memory_space<vmem>>, vector<1x16xi32>,
      %swap3A_274 = vector.shape_cast %swap3A_273 : vector<1x16xi32> to vector<16xi32>
      %swap3A_275 = vector.shape_cast %shift_right_logical3A_269 : vector<16xi32> to vector<1x16xi32>
      tpu.vector_store %arg6[%swap3A_271, %swap3A_272], %swap3A_275 {strides = array<i32>} : memref<8x128xi32, #tpu.memory_space<vmem>>, vector<1x16xi32>,
      %and3A_276 = arith.constant 16383 : i32
      %and3A_277 = vector.broadcast %and3A_276 : i32 to vector<16xi32>
      %and3A_278 = arith.andi %get3A_266, %and3A_277 : vector<16xi32>
      %swap3A_279 = arith.constant 1 : i64
      %swap3A_280 = arith.index_cast %swap3A_279 : i64 to index
      %swap3A_281 = arith.constant 16 : index
      %swap3A_282 = tpu.vector_load %arg7[%swap3A_280, %swap3A_281] {strides = array<i32>} : memref<8x128xi32, #tpu.memory_space<vmem>>, vector<1x16xi32>,
      %swap3A_283 = vector.shape_cast %swap3A_282 : vector<1x16xi32> to vector<16xi32>
      %swap3A_284 = vector.shape_cast %and3A_278 : vector<16xi32> to vector<1x16xi32>
      tpu.vector_store %arg7[%swap3A_280, %swap3A_281], %swap3A_284 {strides = array<i32>} : memref<8x128xi32, #tpu.memory_space<vmem>>, vector<1x16xi32>,
      %get3A_285 = arith.index_cast %add3A_240 : i32 to index
      %get3A_286 = arith.constant 32 : index
      %get3A_287 = tpu.vector_load %arg5[%get3A_285, %get3A_286] {strides = array<i32>} : memref<80x128xi32, #tpu.memory_space<vmem>>, vector<1x16xi32>,
      %get3A_288 = vector.shape_cast %get3A_287 : vector<1x16xi32> to vector<16xi32>
      %shift_right_logical3A_289 = arith.constant 14 : i32
      %shift_right_logical3A_290 = vector.broadcast %shift_right_logical3A_289 : i32 to vector<16xi32>
      %shift_right_logical3A_291 = arith.shrui %get3A_288, %shift_right_logical3A_290 : vector<16xi32>
      %swap3A_292 = arith.constant 1 : i64
      %swap3A_293 = arith.index_cast %swap3A_292 : i64 to index
      %swap3A_294 = arith.constant 32 : index
      %swap3A_295 = tpu.vector_load %arg6[%swap3A_293, %swap3A_294] {strides = array<i32>} : memref<8x128xi32, #tpu.memory_space<vmem>>, vector<1x16xi32>,
      %swap3A_296 = vector.shape_cast %swap3A_295 : vector<1x16xi32> to vector<16xi32>
      %swap3A_297 = vector.shape_cast %shift_right_logical3A_291 : vector<16xi32> to vector<1x16xi32>
      tpu.vector_store %arg6[%swap3A_293, %swap3A_294], %swap3A_297 {strides = array<i32>} : memref<8x128xi32, #tpu.memory_space<vmem>>, vector<1x16xi32>,
      %and3A_298 = arith.constant 16383 : i32
      %and3A_299 = vector.broadcast %and3A_298 : i32 to vector<16xi32>
      %and3A_300 = arith.andi %get3A_288, %and3A_299 : vector<16xi32>
      %swap3A_301 = arith.constant 1 : i64
      %swap3A_302 = arith.index_cast %swap3A_301 : i64 to index
      %swap3A_303 = arith.constant 32 : index
      %swap3A_304 = tpu.vector_load %arg7[%swap3A_302, %swap3A_303] {strides = array<i32>} : memref<8x128xi32, #tpu.memory_space<vmem>>, vector<1x16xi32>,
      %swap3A_305 = vector.shape_cast %swap3A_304 : vector<1x16xi32> to vector<16xi32>
      %swap3A_306 = vector.shape_cast %and3A_300 : vector<16xi32> to vector<1x16xi32>
      tpu.vector_store %arg7[%swap3A_302, %swap3A_303], %swap3A_306 {strides = array<i32>} : memref<8x128xi32, #tpu.memory_space<vmem>>, vector<1x16xi32>,
      %get3A_307 = arith.index_cast %add3A_240 : i32 to index
      %get3A_308 = arith.constant 48 : index
      %get3A_309 = tpu.vector_load %arg5[%get3A_307, %get3A_308] {strides = array<i32>} : memref<80x128xi32, #tpu.memory_space<vmem>>, vector<1x16xi32>,
      %get3A_310 = vector.shape_cast %get3A_309 : vector<1x16xi32> to vector<16xi32>
      %shift_right_logical3A_311 = arith.constant 14 : i32
      %shift_right_logical3A_312 = vector.broadcast %shift_right_logical3A_311 : i32 to vector<16xi32>
      %shift_right_logical3A_313 = arith.shrui %get3A_310, %shift_right_logical3A_312 : vector<16xi32>
      %swap3A_314 = arith.constant 1 : i64
      %swap3A_315 = arith.index_cast %swap3A_314 : i64 to index
      %swap3A_316 = arith.constant 48 : index
      %swap3A_317 = tpu.vector_load %arg6[%swap3A_315, %swap3A_316] {strides = array<i32>} : memref<8x128xi32, #tpu.memory_space<vmem>>, vector<1x16xi32>,
      %swap3A_318 = vector.shape_cast %swap3A_317 : vector<1x16xi32> to vector<16xi32>
      %swap3A_319 = vector.shape_cast %shift_right_logical3A_313 : vector<16xi32> to vector<1x16xi32>
      tpu.vector_store %arg6[%swap3A_315, %swap3A_316], %swap3A_319 {strides = array<i32>} : memref<8x128xi32, #tpu.memory_space<vmem>>, vector<1x16xi32>,
      %and3A_320 = arith.constant 16383 : i32
      %and3A_321 = vector.broadcast %and3A_320 : i32 to vector<16xi32>
      %and3A_322 = arith.andi %get3A_310, %and3A_321 : vector<16xi32>
      %swap3A_323 = arith.constant 1 : i64
      %swap3A_324 = arith.index_cast %swap3A_323 : i64 to index
      %swap3A_325 = arith.constant 48 : index
      %swap3A_326 = tpu.vector_load %arg7[%swap3A_324, %swap3A_325] {strides = array<i32>} : memref<8x128xi32, #tpu.memory_space<vmem>>, vector<1x16xi32>,
      %swap3A_327 = vector.shape_cast %swap3A_326 : vector<1x16xi32> to vector<16xi32>
      %swap3A_328 = vector.shape_cast %and3A_322 : vector<16xi32> to vector<1x16xi32>
      tpu.vector_store %arg7[%swap3A_324, %swap3A_325], %swap3A_328 {strides = array<i32>} : memref<8x128xi32, #tpu.memory_space<vmem>>, vector<1x16xi32>,
      %get3A_329 = arith.index_cast %add3A_240 : i32 to index
      %get3A_330 = arith.constant 64 : index
      %get3A_331 = tpu.vector_load %arg5[%get3A_329, %get3A_330] {strides = array<i32>} : memref<80x128xi32, #tpu.memory_space<vmem>>, vector<1x16xi32>,
      %get3A_332 = vector.shape_cast %get3A_331 : vector<1x16xi32> to vector<16xi32>
      %shift_right_logical3A_333 = arith.constant 14 : i32
      %shift_right_logical3A_334 = vector.broadcast %shift_right_logical3A_333 : i32 to vector<16xi32>
      %shift_right_logical3A_335 = arith.shrui %get3A_332, %shift_right_logical3A_334 : vector<16xi32>
      %swap3A_336 = arith.constant 1 : i64
      %swap3A_337 = arith.index_cast %swap3A_336 : i64 to index
      %swap3A_338 = arith.constant 64 : index
      %swap3A_339 = tpu.vector_load %arg6[%swap3A_337, %swap3A_338] {strides = array<i32>} : memref<8x128xi32, #tpu.memory_space<vmem>>, vector<1x16xi32>,
      %swap3A_340 = vector.shape_cast %swap3A_339 : vector<1x16xi32> to vector<16xi32>
      %swap3A_341 = vector.shape_cast %shift_right_logical3A_335 : vector<16xi32> to vector<1x16xi32>
      tpu.vector_store %arg6[%swap3A_337, %swap3A_338], %swap3A_341 {strides = array<i32>} : memref<8x128xi32, #tpu.memory_space<vmem>>, vector<1x16xi32>,
      %and3A_342 = arith.constant 16383 : i32
      %and3A_343 = vector.broadcast %and3A_342 : i32 to vector<16xi32>
      %and3A_344 = arith.andi %get3A_332, %and3A_343 : vector<16xi32>
      %swap3A_345 = arith.constant 1 : i64
      %swap3A_346 = arith.index_cast %swap3A_345 : i64 to index
      %swap3A_347 = arith.constant 64 : index
      %swap3A_348 = tpu.vector_load %arg7[%swap3A_346, %swap3A_347] {strides = array<i32>} : memref<8x128xi32, #tpu.memory_space<vmem>>, vector<1x16xi32>,
      %swap3A_349 = vector.shape_cast %swap3A_348 : vector<1x16xi32> to vector<16xi32>
      %swap3A_350 = vector.shape_cast %and3A_344 : vector<16xi32> to vector<1x16xi32>
      tpu.vector_store %arg7[%swap3A_346, %swap3A_347], %swap3A_350 {strides = array<i32>} : memref<8x128xi32, #tpu.memory_space<vmem>>, vector<1x16xi32>,
      %get3A_351 = arith.index_cast %add3A_240 : i32 to index
      %get3A_352 = arith.constant 80 : index
      %get3A_353 = tpu.vector_load %arg5[%get3A_351, %get3A_352] {strides = array<i32>} : memref<80x128xi32, #tpu.memory_space<vmem>>, vector<1x16xi32>,
      %get3A_354 = vector.shape_cast %get3A_353 : vector<1x16xi32> to vector<16xi32>
      %shift_right_logical3A_355 = arith.constant 14 : i32
      %shift_right_logical3A_356 = vector.broadcast %shift_right_logical3A_355 : i32 to vector<16xi32>
      %shift_right_logical3A_357 = arith.shrui %get3A_354, %shift_right_logical3A_356 : vector<16xi32>
      %swap3A_358 = arith.constant 1 : i64
      %swap3A_359 = arith.index_cast %swap3A_358 : i64 to index
      %swap3A_360 = arith.constant 80 : index
      %swap3A_361 = tpu.vector_load %arg6[%swap3A_359, %swap3A_360] {strides = array<i32>} : memref<8x128xi32, #tpu.memory_space<vmem>>, vector<1x16xi32>,
      %swap3A_362 = vector.shape_cast %swap3A_361 : vector<1x16xi32> to vector<16xi32>
      %swap3A_363 = vector.shape_cast %shift_right_logical3A_357 : vector<16xi32> to vector<1x16xi32>
      tpu.vector_store %arg6[%swap3A_359, %swap3A_360], %swap3A_363 {strides = array<i32>} : memref<8x128xi32, #tpu.memory_space<vmem>>, vector<1x16xi32>,
      %and3A_364 = arith.constant 16383 : i32
      %and3A_365 = vector.broadcast %and3A_364 : i32 to vector<16xi32>
      %and3A_366 = arith.andi %get3A_354, %and3A_365 : vector<16xi32>
      %swap3A_367 = arith.constant 1 : i64
      %swap3A_368 = arith.index_cast %swap3A_367 : i64 to index
      %swap3A_369 = arith.constant 80 : index
      %swap3A_370 = tpu.vector_load %arg7[%swap3A_368, %swap3A_369] {strides = array<i32>} : memref<8x128xi32, #tpu.memory_space<vmem>>, vector<1x16xi32>,
      %swap3A_371 = vector.shape_cast %swap3A_370 : vector<1x16xi32> to vector<16xi32>
      %swap3A_372 = vector.shape_cast %and3A_366 : vector<16xi32> to vector<1x16xi32>
      tpu.vector_store %arg7[%swap3A_368, %swap3A_369], %swap3A_372 {strides = array<i32>} : memref<8x128xi32, #tpu.memory_space<vmem>>, vector<1x16xi32>,
      %get3A_373 = arith.index_cast %add3A_240 : i32 to index
      %get3A_374 = arith.constant 96 : index
      %get3A_375 = tpu.vector_load %arg5[%get3A_373, %get3A_374] {strides = array<i32>} : memref<80x128xi32, #tpu.memory_space<vmem>>, vector<1x16xi32>,
      %get3A_376 = vector.shape_cast %get3A_375 : vector<1x16xi32> to vector<16xi32>
      %shift_right_logical3A_377 = arith.constant 14 : i32
      %shift_right_logical3A_378 = vector.broadcast %shift_right_logical3A_377 : i32 to vector<16xi32>
      %shift_right_logical3A_379 = arith.shrui %get3A_376, %shift_right_logical3A_378 : vector<16xi32>
      %swap3A_380 = arith.constant 1 : i64
      %swap3A_381 = arith.index_cast %swap3A_380 : i64 to index
      %swap3A_382 = arith.constant 96 : index
      %swap3A_383 = tpu.vector_load %arg6[%swap3A_381, %swap3A_382] {strides = array<i32>} : memref<8x128xi32, #tpu.memory_space<vmem>>, vector<1x16xi32>,
      %swap3A_384 = vector.shape_cast %swap3A_383 : vector<1x16xi32> to vector<16xi32>
      %swap3A_385 = vector.shape_cast %shift_right_logical3A_379 : vector<16xi32> to vector<1x16xi32>
      tpu.vector_store %arg6[%swap3A_381, %swap3A_382], %swap3A_385 {strides = array<i32>} : memref<8x128xi32, #tpu.memory_space<vmem>>, vector<1x16xi32>,
      %and3A_386 = arith.constant 16383 : i32
      %and3A_387 = vector.broadcast %and3A_386 : i32 to vector<16xi32>
      %and3A_388 = arith.andi %get3A_376, %and3A_387 : vector<16xi32>
      %swap3A_389 = arith.constant 1 : i64
      %swap3A_390 = arith.index_cast %swap3A_389 : i64 to index
      %swap3A_391 = arith.constant 96 : index
      %swap3A_392 = tpu.vector_load %arg7[%swap3A_390, %swap3A_391] {strides = array<i32>} : memref<8x128xi32, #tpu.memory_space<vmem>>, vector<1x16xi32>,
      %swap3A_393 = vector.shape_cast %swap3A_392 : vector<1x16xi32> to vector<16xi32>
      %swap3A_394 = vector.shape_cast %and3A_388 : vector<16xi32> to vector<1x16xi32>
      tpu.vector_store %arg7[%swap3A_390, %swap3A_391], %swap3A_394 {strides = array<i32>} : memref<8x128xi32, #tpu.memory_space<vmem>>, vector<1x16xi32>,
      %get3A_395 = arith.index_cast %add3A_240 : i32 to index
      %get3A_396 = arith.constant 112 : index
      %get3A_397 = tpu.vector_load %arg5[%get3A_395, %get3A_396] {strides = array<i32>} : memref<80x128xi32, #tpu.memory_space<vmem>>, vector<1x16xi32>,
      %get3A_398 = vector.shape_cast %get3A_397 : vector<1x16xi32> to vector<16xi32>
      %shift_right_logical3A_399 = arith.constant 14 : i32
      %shift_right_logical3A_400 = vector.broadcast %shift_right_logical3A_399 : i32 to vector<16xi32>
      %shift_right_logical3A_401 = arith.shrui %get3A_398, %shift_right_logical3A_400 : vector<16xi32>
      %swap3A_402 = arith.constant 1 : i64
      %swap3A_403 = arith.index_cast %swap3A_402 : i64 to index
      %swap3A_404 = arith.constant 112 : index
      %swap3A_405 = tpu.vector_load %arg6[%swap3A_403, %swap3A_404] {strides = array<i32>} : memref<8x128xi32, #tpu.memory_space<vmem>>, vector<1x16xi32>,
      %swap3A_406 = vector.shape_cast %swap3A_405 : vector<1x16xi32> to vector<16xi32>
      %swap3A_407 = vector.shape_cast %shift_right_logical3A_401 : vector<16xi32> to vector<1x16xi32>
      tpu.vector_store %arg6[%swap3A_403, %swap3A_404], %swap3A_407 {strides = array<i32>} : memref<8x128xi32, #tpu.memory_space<vmem>>, vector<1x16xi32>,
      %and3A_408 = arith.constant 16383 : i32
      %and3A_409 = vector.broadcast %and3A_408 : i32 to vector<16xi32>
      %and3A_410 = arith.andi %get3A_398, %and3A_409 : vector<16xi32>
      %swap3A_411 = arith.constant 1 : i64
      %swap3A_412 = arith.index_cast %swap3A_411 : i64 to index
      %swap3A_413 = arith.constant 112 : index
      %swap3A_414 = tpu.vector_load %arg7[%swap3A_412, %swap3A_413] {strides = array<i32>} : memref<8x128xi32, #tpu.memory_space<vmem>>, vector<1x16xi32>,
      %swap3A_415 = vector.shape_cast %swap3A_414 : vector<1x16xi32> to vector<16xi32>
      %swap3A_416 = vector.shape_cast %and3A_410 : vector<16xi32> to vector<1x16xi32>
      tpu.vector_store %arg7[%swap3A_412, %swap3A_413], %swap3A_416 {strides = array<i32>} : memref<8x128xi32, #tpu.memory_space<vmem>>, vector<1x16xi32>,
      %dma_start3A_417 = arith.constant 0 : i32
      %dma_start3A_418 = tpu.memref_slice %arg7[%while3A_223, %dma_start3A_417] : memref<8x128xi32, #tpu.memory_space<vmem>> -> memref<1x128xi32, #tpu.memory_space<vmem>>
      %dma_start3A_419 = tpu.memref_squeeze %dma_start3A_418 : memref<1x128xi32, #tpu.memory_space<vmem>> -> memref<128xi32, #tpu.memory_space<vmem>>
      %dma_start3A_420 = arith.constant 0 : i32
      %dma_start3A_421 = arith.constant 0 : i32
      %dma_start3A_422 = tpu.memref_slice %arg2[%dma_start3A_420, %dma_start3A_421] : memref<10240x128xf32, #tpu.memory_space<hbm>> -> memref<10240x128xf32, #tpu.memory_space<hbm>>
      tpu.enqueue_indirect_dma source(%dma_start3A_422 : memref<10240x128xf32, #tpu.memory_space<hbm>>) target(%arg9 : memref<128x128xf32, #tpu.memory_space<vmem>>) offsets(%dma_start3A_419 : memref<128xi32, #tpu.memory_space<vmem>>) semaphore(%arg13 : memref<!tpu.dma_semaphore, #tpu.memory_space<semaphore_mem>>)
      %dma_wait3A = arith.constant 0 : i32
      %dma_wait3A_423 = tpu.memref_slice %arg7[%while3A_224, %dma_wait3A] : memref<8x128xi32, #tpu.memory_space<vmem>> -> memref<1x128xi32, #tpu.memory_space<vmem>>
      %dma_wait3A_424 = tpu.memref_squeeze %dma_wait3A_423 : memref<1x128xi32, #tpu.memory_space<vmem>> -> memref<128xi32, #tpu.memory_space<vmem>>
      %dma_wait3A_425 = arith.constant 0 : i32
      %dma_wait3A_426 = arith.constant 0 : i32
      %dma_wait3A_427 = tpu.memref_slice %arg2[%dma_wait3A_425, %dma_wait3A_426] : memref<10240x128xf32, #tpu.memory_space<hbm>> -> memref<10240x128xf32, #tpu.memory_space<hbm>>
      tpu.wait_indirect_dma semaphore(%arg12 : memref<!tpu.dma_semaphore, #tpu.memory_space<semaphore_mem>>) src(%dma_wait3A_427 : memref<10240x128xf32, #tpu.memory_space<hbm>>) dst(%arg8 : memref<128x128xf32, #tpu.memory_space<vmem>>)
      "tpu.region"() ({
        %run_scoped3A = tpu.sem_alloc : memref<!tpu.dma_semaphore, #tpu.memory_space<semaphore_mem>>
        %dma_start3A_438 = arith.constant 0 : i32
        %dma_start3A_439 = tpu.memref_slice %arg6[%while3A_224, %dma_start3A_438] : memref<8x128xi32, #tpu.memory_space<vmem>> -> memref<1x128xi32, #tpu.memory_space<vmem>>
        %dma_start3A_440 = tpu.memref_squeeze %dma_start3A_439 : memref<1x128xi32, #tpu.memory_space<vmem>> -> memref<128xi32, #tpu.memory_space<vmem>>
        %dma_start3A_441 = arith.constant 0 : i32
        %dma_start3A_442 = arith.constant 0 : i32
        %dma_start3A_443 = tpu.memref_slice %arg11[%dma_start3A_441, %dma_start3A_442] : memref<10240x128xf32, #tpu.memory_space<vmem_shared>> -> memref<10240x128xf32, #tpu.memory_space<vmem_shared>>
        tpu.enqueue_indirect_dma source(%arg8 : memref<128x128xf32, #tpu.memory_space<vmem>>) target(%dma_start3A_443 : memref<10240x128xf32, #tpu.memory_space<vmem_shared>>) offsets(%dma_start3A_440 : memref<128xi32, #tpu.memory_space<vmem>>) semaphore(%run_scoped3A : memref<!tpu.dma_semaphore, #tpu.memory_space<semaphore_mem>>) {add = true}
        %dma_wait3A_444 = arith.constant 0 : i32
        %dma_wait3A_445 = tpu.memref_slice %arg6[%while3A_224, %dma_wait3A_444] : memref<8x128xi32, #tpu.memory_space<vmem>> -> memref<1x128xi32, #tpu.memory_space<vmem>>
        %dma_wait3A_446 = tpu.memref_squeeze %dma_wait3A_445 : memref<1x128xi32, #tpu.memory_space<vmem>> -> memref<128xi32, #tpu.memory_space<vmem>>
        %dma_wait3A_447 = arith.constant 0 : i32
        %dma_wait3A_448 = arith.constant 0 : i32
        %dma_wait3A_449 = tpu.memref_slice %arg11[%dma_wait3A_447, %dma_wait3A_448] : memref<10240x128xf32, #tpu.memory_space<vmem_shared>> -> memref<10240x128xf32, #tpu.memory_space<vmem_shared>>
        tpu.wait_indirect_dma semaphore(%run_scoped3A : memref<!tpu.dma_semaphore, #tpu.memory_space<semaphore_mem>>) src(%arg8 : memref<128x128xf32, #tpu.memory_space<vmem>>) dst(%dma_wait3A_449 : memref<10240x128xf32, #tpu.memory_space<vmem_shared>>)
        tpu.yield
      }) : () -> ()
      %add3A_428 = arith.constant 2 : i32
      %add3A_429 = arith.addi %mul3A_238, %add3A_428 : i32
      %lt3A = arith.constant 80 : i32
      %lt3A_430 = arith.cmpi slt, %add3A_429, %lt3A : i32
      %convert_element_type3A = arith.extui %lt3A_430 : i1 to i32
      %cond3A = arith.constant 0 : i32
      %cond3A_431 = arith.cmpi ne, %convert_element_type3A, %cond3A : i32
      scf.if %cond3A_431 {
        %add3A_438 = arith.constant 2 : i32
        %add3A_439 = arith.addi %mul3A_238, %add3A_438 : i32
        %get3A_440 = arith.index_cast %add3A_439 : i32 to index
        %get3A_441 = arith.constant 0 : index
        %get3A_442 = tpu.vector_load %arg5[%get3A_440, %get3A_441] {strides = array<i32>} : memref<80x128xi32, #tpu.memory_space<vmem>>, vector<1x16xi32>,
        %get3A_443 = vector.shape_cast %get3A_442 : vector<1x16xi32> to vector<16xi32>
        %shift_right_logical3A_444 = arith.constant 14 : i32
        %shift_right_logical3A_445 = vector.broadcast %shift_right_logical3A_444 : i32 to vector<16xi32>
        %shift_right_logical3A_446 = arith.shrui %get3A_443, %shift_right_logical3A_445 : vector<16xi32>
        %swap3A_447 = arith.constant 0 : i64
        %swap3A_448 = arith.index_cast %swap3A_447 : i64 to index
        %swap3A_449 = arith.constant 0 : index
        %swap3A_450 = tpu.vector_load %arg6[%swap3A_448, %swap3A_449] {strides = array<i32>} : memref<8x128xi32, #tpu.memory_space<vmem>>, vector<1x16xi32>,
        %swap3A_451 = vector.shape_cast %swap3A_450 : vector<1x16xi32> to vector<16xi32>
        %swap3A_452 = vector.shape_cast %shift_right_logical3A_446 : vector<16xi32> to vector<1x16xi32>
        tpu.vector_store %arg6[%swap3A_448, %swap3A_449], %swap3A_452 {strides = array<i32>} : memref<8x128xi32, #tpu.memory_space<vmem>>, vector<1x16xi32>,
        %and3A_453 = arith.constant 16383 : i32
        %and3A_454 = vector.broadcast %and3A_453 : i32 to vector<16xi32>
        %and3A_455 = arith.andi %get3A_443, %and3A_454 : vector<16xi32>
        %swap3A_456 = arith.constant 0 : i64
        %swap3A_457 = arith.index_cast %swap3A_456 : i64 to index
        %swap3A_458 = arith.constant 0 : index
        %swap3A_459 = tpu.vector_load %arg7[%swap3A_457, %swap3A_458] {strides = array<i32>} : memref<8x128xi32, #tpu.memory_space<vmem>>, vector<1x16xi32>,
        %swap3A_460 = vector.shape_cast %swap3A_459 : vector<1x16xi32> to vector<16xi32>
        %swap3A_461 = vector.shape_cast %and3A_455 : vector<16xi32> to vector<1x16xi32>
        tpu.vector_store %arg7[%swap3A_457, %swap3A_458], %swap3A_461 {strides = array<i32>} : memref<8x128xi32, #tpu.memory_space<vmem>>, vector<1x16xi32>,
        %get3A_462 = arith.index_cast %add3A_439 : i32 to index
        %get3A_463 = arith.constant 16 : index
        %get3A_464 = tpu.vector_load %arg5[%get3A_462, %get3A_463] {strides = array<i32>} : memref<80x128xi32, #tpu.memory_space<vmem>>, vector<1x16xi32>,
        %get3A_465 = vector.shape_cast %get3A_464 : vector<1x16xi32> to vector<16xi32>
        %shift_right_logical3A_466 = arith.constant 14 : i32
        %shift_right_logical3A_467 = vector.broadcast %shift_right_logical3A_466 : i32 to vector<16xi32>
        %shift_right_logical3A_468 = arith.shrui %get3A_465, %shift_right_logical3A_467 : vector<16xi32>
        %swap3A_469 = arith.constant 0 : i64
        %swap3A_470 = arith.index_cast %swap3A_469 : i64 to index
        %swap3A_471 = arith.constant 16 : index
        %swap3A_472 = tpu.vector_load %arg6[%swap3A_470, %swap3A_471] {strides = array<i32>} : memref<8x128xi32, #tpu.memory_space<vmem>>, vector<1x16xi32>,
        %swap3A_473 = vector.shape_cast %swap3A_472 : vector<1x16xi32> to vector<16xi32>
        %swap3A_474 = vector.shape_cast %shift_right_logical3A_468 : vector<16xi32> to vector<1x16xi32>
        tpu.vector_store %arg6[%swap3A_470, %swap3A_471], %swap3A_474 {strides = array<i32>} : memref<8x128xi32, #tpu.memory_space<vmem>>, vector<1x16xi32>,
        %and3A_475 = arith.constant 16383 : i32
        %and3A_476 = vector.broadcast %and3A_475 : i32 to vector<16xi32>
        %and3A_477 = arith.andi %get3A_465, %and3A_476 : vector<16xi32>
        %swap3A_478 = arith.constant 0 : i64
        %swap3A_479 = arith.index_cast %swap3A_478 : i64 to index
        %swap3A_480 = arith.constant 16 : index
        %swap3A_481 = tpu.vector_load %arg7[%swap3A_479, %swap3A_480] {strides = array<i32>} : memref<8x128xi32, #tpu.memory_space<vmem>>, vector<1x16xi32>,
        %swap3A_482 = vector.shape_cast %swap3A_481 : vector<1x16xi32> to vector<16xi32>
        %swap3A_483 = vector.shape_cast %and3A_477 : vector<16xi32> to vector<1x16xi32>
        tpu.vector_store %arg7[%swap3A_479, %swap3A_480], %swap3A_483 {strides = array<i32>} : memref<8x128xi32, #tpu.memory_space<vmem>>, vector<1x16xi32>,
        %get3A_484 = arith.index_cast %add3A_439 : i32 to index
        %get3A_485 = arith.constant 32 : index
        %get3A_486 = tpu.vector_load %arg5[%get3A_484, %get3A_485] {strides = array<i32>} : memref<80x128xi32, #tpu.memory_space<vmem>>, vector<1x16xi32>,
        %get3A_487 = vector.shape_cast %get3A_486 : vector<1x16xi32> to vector<16xi32>
        %shift_right_logical3A_488 = arith.constant 14 : i32
        %shift_right_logical3A_489 = vector.broadcast %shift_right_logical3A_488 : i32 to vector<16xi32>
        %shift_right_logical3A_490 = arith.shrui %get3A_487, %shift_right_logical3A_489 : vector<16xi32>
        %swap3A_491 = arith.constant 0 : i64
        %swap3A_492 = arith.index_cast %swap3A_491 : i64 to index
        %swap3A_493 = arith.constant 32 : index
        %swap3A_494 = tpu.vector_load %arg6[%swap3A_492, %swap3A_493] {strides = array<i32>} : memref<8x128xi32, #tpu.memory_space<vmem>>, vector<1x16xi32>,
        %swap3A_495 = vector.shape_cast %swap3A_494 : vector<1x16xi32> to vector<16xi32>
        %swap3A_496 = vector.shape_cast %shift_right_logical3A_490 : vector<16xi32> to vector<1x16xi32>
        tpu.vector_store %arg6[%swap3A_492, %swap3A_493], %swap3A_496 {strides = array<i32>} : memref<8x128xi32, #tpu.memory_space<vmem>>, vector<1x16xi32>,
        %and3A_497 = arith.constant 16383 : i32
        %and3A_498 = vector.broadcast %and3A_497 : i32 to vector<16xi32>
        %and3A_499 = arith.andi %get3A_487, %and3A_498 : vector<16xi32>
        %swap3A_500 = arith.constant 0 : i64
        %swap3A_501 = arith.index_cast %swap3A_500 : i64 to index
        %swap3A_502 = arith.constant 32 : index
        %swap3A_503 = tpu.vector_load %arg7[%swap3A_501, %swap3A_502] {strides = array<i32>} : memref<8x128xi32, #tpu.memory_space<vmem>>, vector<1x16xi32>,
        %swap3A_504 = vector.shape_cast %swap3A_503 : vector<1x16xi32> to vector<16xi32>
        %swap3A_505 = vector.shape_cast %and3A_499 : vector<16xi32> to vector<1x16xi32>
        tpu.vector_store %arg7[%swap3A_501, %swap3A_502], %swap3A_505 {strides = array<i32>} : memref<8x128xi32, #tpu.memory_space<vmem>>, vector<1x16xi32>,
        %get3A_506 = arith.index_cast %add3A_439 : i32 to index
        %get3A_507 = arith.constant 48 : index
        %get3A_508 = tpu.vector_load %arg5[%get3A_506, %get3A_507] {strides = array<i32>} : memref<80x128xi32, #tpu.memory_space<vmem>>, vector<1x16xi32>,
        %get3A_509 = vector.shape_cast %get3A_508 : vector<1x16xi32> to vector<16xi32>
        %shift_right_logical3A_510 = arith.constant 14 : i32
        %shift_right_logical3A_511 = vector.broadcast %shift_right_logical3A_510 : i32 to vector<16xi32>
        %shift_right_logical3A_512 = arith.shrui %get3A_509, %shift_right_logical3A_511 : vector<16xi32>
        %swap3A_513 = arith.constant 0 : i64
        %swap3A_514 = arith.index_cast %swap3A_513 : i64 to index
        %swap3A_515 = arith.constant 48 : index
        %swap3A_516 = tpu.vector_load %arg6[%swap3A_514, %swap3A_515] {strides = array<i32>} : memref<8x128xi32, #tpu.memory_space<vmem>>, vector<1x16xi32>,
        %swap3A_517 = vector.shape_cast %swap3A_516 : vector<1x16xi32> to vector<16xi32>
        %swap3A_518 = vector.shape_cast %shift_right_logical3A_512 : vector<16xi32> to vector<1x16xi32>
        tpu.vector_store %arg6[%swap3A_514, %swap3A_515], %swap3A_518 {strides = array<i32>} : memref<8x128xi32, #tpu.memory_space<vmem>>, vector<1x16xi32>,
        %and3A_519 = arith.constant 16383 : i32
        %and3A_520 = vector.broadcast %and3A_519 : i32 to vector<16xi32>
        %and3A_521 = arith.andi %get3A_509, %and3A_520 : vector<16xi32>
        %swap3A_522 = arith.constant 0 : i64
        %swap3A_523 = arith.index_cast %swap3A_522 : i64 to index
        %swap3A_524 = arith.constant 48 : index
        %swap3A_525 = tpu.vector_load %arg7[%swap3A_523, %swap3A_524] {strides = array<i32>} : memref<8x128xi32, #tpu.memory_space<vmem>>, vector<1x16xi32>,
        %swap3A_526 = vector.shape_cast %swap3A_525 : vector<1x16xi32> to vector<16xi32>
        %swap3A_527 = vector.shape_cast %and3A_521 : vector<16xi32> to vector<1x16xi32>
        tpu.vector_store %arg7[%swap3A_523, %swap3A_524], %swap3A_527 {strides = array<i32>} : memref<8x128xi32, #tpu.memory_space<vmem>>, vector<1x16xi32>,
        %get3A_528 = arith.index_cast %add3A_439 : i32 to index
        %get3A_529 = arith.constant 64 : index
        %get3A_530 = tpu.vector_load %arg5[%get3A_528, %get3A_529] {strides = array<i32>} : memref<80x128xi32, #tpu.memory_space<vmem>>, vector<1x16xi32>,
        %get3A_531 = vector.shape_cast %get3A_530 : vector<1x16xi32> to vector<16xi32>
        %shift_right_logical3A_532 = arith.constant 14 : i32
        %shift_right_logical3A_533 = vector.broadcast %shift_right_logical3A_532 : i32 to vector<16xi32>
        %shift_right_logical3A_534 = arith.shrui %get3A_531, %shift_right_logical3A_533 : vector<16xi32>
        %swap3A_535 = arith.constant 0 : i64
        %swap3A_536 = arith.index_cast %swap3A_535 : i64 to index
        %swap3A_537 = arith.constant 64 : index
        %swap3A_538 = tpu.vector_load %arg6[%swap3A_536, %swap3A_537] {strides = array<i32>} : memref<8x128xi32, #tpu.memory_space<vmem>>, vector<1x16xi32>,
        %swap3A_539 = vector.shape_cast %swap3A_538 : vector<1x16xi32> to vector<16xi32>
        %swap3A_540 = vector.shape_cast %shift_right_logical3A_534 : vector<16xi32> to vector<1x16xi32>
        tpu.vector_store %arg6[%swap3A_536, %swap3A_537], %swap3A_540 {strides = array<i32>} : memref<8x128xi32, #tpu.memory_space<vmem>>, vector<1x16xi32>,
        %and3A_541 = arith.constant 16383 : i32
        %and3A_542 = vector.broadcast %and3A_541 : i32 to vector<16xi32>
        %and3A_543 = arith.andi %get3A_531, %and3A_542 : vector<16xi32>
        %swap3A_544 = arith.constant 0 : i64
        %swap3A_545 = arith.index_cast %swap3A_544 : i64 to index
        %swap3A_546 = arith.constant 64 : index
        %swap3A_547 = tpu.vector_load %arg7[%swap3A_545, %swap3A_546] {strides = array<i32>} : memref<8x128xi32, #tpu.memory_space<vmem>>, vector<1x16xi32>,
        %swap3A_548 = vector.shape_cast %swap3A_547 : vector<1x16xi32> to vector<16xi32>
        %swap3A_549 = vector.shape_cast %and3A_543 : vector<16xi32> to vector<1x16xi32>
        tpu.vector_store %arg7[%swap3A_545, %swap3A_546], %swap3A_549 {strides = array<i32>} : memref<8x128xi32, #tpu.memory_space<vmem>>, vector<1x16xi32>,
        %get3A_550 = arith.index_cast %add3A_439 : i32 to index
        %get3A_551 = arith.constant 80 : index
        %get3A_552 = tpu.vector_load %arg5[%get3A_550, %get3A_551] {strides = array<i32>} : memref<80x128xi32, #tpu.memory_space<vmem>>, vector<1x16xi32>,
        %get3A_553 = vector.shape_cast %get3A_552 : vector<1x16xi32> to vector<16xi32>
        %shift_right_logical3A_554 = arith.constant 14 : i32
        %shift_right_logical3A_555 = vector.broadcast %shift_right_logical3A_554 : i32 to vector<16xi32>
        %shift_right_logical3A_556 = arith.shrui %get3A_553, %shift_right_logical3A_555 : vector<16xi32>
        %swap3A_557 = arith.constant 0 : i64
        %swap3A_558 = arith.index_cast %swap3A_557 : i64 to index
        %swap3A_559 = arith.constant 80 : index
        %swap3A_560 = tpu.vector_load %arg6[%swap3A_558, %swap3A_559] {strides = array<i32>} : memref<8x128xi32, #tpu.memory_space<vmem>>, vector<1x16xi32>,
        %swap3A_561 = vector.shape_cast %swap3A_560 : vector<1x16xi32> to vector<16xi32>
        %swap3A_562 = vector.shape_cast %shift_right_logical3A_556 : vector<16xi32> to vector<1x16xi32>
        tpu.vector_store %arg6[%swap3A_558, %swap3A_559], %swap3A_562 {strides = array<i32>} : memref<8x128xi32, #tpu.memory_space<vmem>>, vector<1x16xi32>,
        %and3A_563 = arith.constant 16383 : i32
        %and3A_564 = vector.broadcast %and3A_563 : i32 to vector<16xi32>
        %and3A_565 = arith.andi %get3A_553, %and3A_564 : vector<16xi32>
        %swap3A_566 = arith.constant 0 : i64
        %swap3A_567 = arith.index_cast %swap3A_566 : i64 to index
        %swap3A_568 = arith.constant 80 : index
        %swap3A_569 = tpu.vector_load %arg7[%swap3A_567, %swap3A_568] {strides = array<i32>} : memref<8x128xi32, #tpu.memory_space<vmem>>, vector<1x16xi32>,
        %swap3A_570 = vector.shape_cast %swap3A_569 : vector<1x16xi32> to vector<16xi32>
        %swap3A_571 = vector.shape_cast %and3A_565 : vector<16xi32> to vector<1x16xi32>
        tpu.vector_store %arg7[%swap3A_567, %swap3A_568], %swap3A_571 {strides = array<i32>} : memref<8x128xi32, #tpu.memory_space<vmem>>, vector<1x16xi32>,
        %get3A_572 = arith.index_cast %add3A_439 : i32 to index
        %get3A_573 = arith.constant 96 : index
        %get3A_574 = tpu.vector_load %arg5[%get3A_572, %get3A_573] {strides = array<i32>} : memref<80x128xi32, #tpu.memory_space<vmem>>, vector<1x16xi32>,
        %get3A_575 = vector.shape_cast %get3A_574 : vector<1x16xi32> to vector<16xi32>
        %shift_right_logical3A_576 = arith.constant 14 : i32
        %shift_right_logical3A_577 = vector.broadcast %shift_right_logical3A_576 : i32 to vector<16xi32>
        %shift_right_logical3A_578 = arith.shrui %get3A_575, %shift_right_logical3A_577 : vector<16xi32>
        %swap3A_579 = arith.constant 0 : i64
        %swap3A_580 = arith.index_cast %swap3A_579 : i64 to index
        %swap3A_581 = arith.constant 96 : index
        %swap3A_582 = tpu.vector_load %arg6[%swap3A_580, %swap3A_581] {strides = array<i32>} : memref<8x128xi32, #tpu.memory_space<vmem>>, vector<1x16xi32>,
        %swap3A_583 = vector.shape_cast %swap3A_582 : vector<1x16xi32> to vector<16xi32>
        %swap3A_584 = vector.shape_cast %shift_right_logical3A_578 : vector<16xi32> to vector<1x16xi32>
        tpu.vector_store %arg6[%swap3A_580, %swap3A_581], %swap3A_584 {strides = array<i32>} : memref<8x128xi32, #tpu.memory_space<vmem>>, vector<1x16xi32>,
        %and3A_585 = arith.constant 16383 : i32
        %and3A_586 = vector.broadcast %and3A_585 : i32 to vector<16xi32>
        %and3A_587 = arith.andi %get3A_575, %and3A_586 : vector<16xi32>
        %swap3A_588 = arith.constant 0 : i64
        %swap3A_589 = arith.index_cast %swap3A_588 : i64 to index
        %swap3A_590 = arith.constant 96 : index
        %swap3A_591 = tpu.vector_load %arg7[%swap3A_589, %swap3A_590] {strides = array<i32>} : memref<8x128xi32, #tpu.memory_space<vmem>>, vector<1x16xi32>,
        %swap3A_592 = vector.shape_cast %swap3A_591 : vector<1x16xi32> to vector<16xi32>
        %swap3A_593 = vector.shape_cast %and3A_587 : vector<16xi32> to vector<1x16xi32>
        tpu.vector_store %arg7[%swap3A_589, %swap3A_590], %swap3A_593 {strides = array<i32>} : memref<8x128xi32, #tpu.memory_space<vmem>>, vector<1x16xi32>,
        %get3A_594 = arith.index_cast %add3A_439 : i32 to index
        %get3A_595 = arith.constant 112 : index
        %get3A_596 = tpu.vector_load %arg5[%get3A_594, %get3A_595] {strides = array<i32>} : memref<80x128xi32, #tpu.memory_space<vmem>>, vector<1x16xi32>,
        %get3A_597 = vector.shape_cast %get3A_596 : vector<1x16xi32> to vector<16xi32>
        %shift_right_logical3A_598 = arith.constant 14 : i32
        %shift_right_logical3A_599 = vector.broadcast %shift_right_logical3A_598 : i32 to vector<16xi32>
        %shift_right_logical3A_600 = arith.shrui %get3A_597, %shift_right_logical3A_599 : vector<16xi32>
        %swap3A_601 = arith.constant 0 : i64
        %swap3A_602 = arith.index_cast %swap3A_601 : i64 to index
        %swap3A_603 = arith.constant 112 : index
        %swap3A_604 = tpu.vector_load %arg6[%swap3A_602, %swap3A_603] {strides = array<i32>} : memref<8x128xi32, #tpu.memory_space<vmem>>, vector<1x16xi32>,
        %swap3A_605 = vector.shape_cast %swap3A_604 : vector<1x16xi32> to vector<16xi32>
        %swap3A_606 = vector.shape_cast %shift_right_logical3A_600 : vector<16xi32> to vector<1x16xi32>
        tpu.vector_store %arg6[%swap3A_602, %swap3A_603], %swap3A_606 {strides = array<i32>} : memref<8x128xi32, #tpu.memory_space<vmem>>, vector<1x16xi32>,
        %and3A_607 = arith.constant 16383 : i32
        %and3A_608 = vector.broadcast %and3A_607 : i32 to vector<16xi32>
        %and3A_609 = arith.andi %get3A_597, %and3A_608 : vector<16xi32>
        %swap3A_610 = arith.constant 0 : i64
        %swap3A_611 = arith.index_cast %swap3A_610 : i64 to index
        %swap3A_612 = arith.constant 112 : index
        %swap3A_613 = tpu.vector_load %arg7[%swap3A_611, %swap3A_612] {strides = array<i32>} : memref<8x128xi32, #tpu.memory_space<vmem>>, vector<1x16xi32>,
        %swap3A_614 = vector.shape_cast %swap3A_613 : vector<1x16xi32> to vector<16xi32>
        %swap3A_615 = vector.shape_cast %and3A_609 : vector<16xi32> to vector<1x16xi32>
        tpu.vector_store %arg7[%swap3A_611, %swap3A_612], %swap3A_615 {strides = array<i32>} : memref<8x128xi32, #tpu.memory_space<vmem>>, vector<1x16xi32>,
        %dma_start3A_616 = arith.constant 0 : i32
        %dma_start3A_617 = tpu.memref_slice %arg7[%while3A_224, %dma_start3A_616] : memref<8x128xi32, #tpu.memory_space<vmem>> -> memref<1x128xi32, #tpu.memory_space<vmem>>
        %dma_start3A_618 = tpu.memref_squeeze %dma_start3A_617 : memref<1x128xi32, #tpu.memory_space<vmem>> -> memref<128xi32, #tpu.memory_space<vmem>>
        %dma_start3A_619 = arith.constant 0 : i32
        %dma_start3A_620 = arith.constant 0 : i32
        %dma_start3A_621 = tpu.memref_slice %arg2[%dma_start3A_619, %dma_start3A_620] : memref<10240x128xf32, #tpu.memory_space<hbm>> -> memref<10240x128xf32, #tpu.memory_space<hbm>>
        tpu.enqueue_indirect_dma source(%dma_start3A_621 : memref<10240x128xf32, #tpu.memory_space<hbm>>) target(%arg8 : memref<128x128xf32, #tpu.memory_space<vmem>>) offsets(%dma_start3A_618 : memref<128xi32, #tpu.memory_space<vmem>>) semaphore(%arg12 : memref<!tpu.dma_semaphore, #tpu.memory_space<semaphore_mem>>)
      } else {
      }
      %dma_wait3A_432 = arith.constant 0 : i32
      %dma_wait3A_433 = tpu.memref_slice %arg7[%while3A_223, %dma_wait3A_432] : memref<8x128xi32, #tpu.memory_space<vmem>> -> memref<1x128xi32, #tpu.memory_space<vmem>>
      %dma_wait3A_434 = tpu.memref_squeeze %dma_wait3A_433 : memref<1x128xi32, #tpu.memory_space<vmem>> -> memref<128xi32, #tpu.memory_space<vmem>>
      %dma_wait3A_435 = arith.constant 0 : i32
      %dma_wait3A_436 = arith.constant 0 : i32
      %dma_wait3A_437 = tpu.memref_slice %arg2[%dma_wait3A_435, %dma_wait3A_436] : memref<10240x128xf32, #tpu.memory_space<hbm>> -> memref<10240x128xf32, #tpu.memory_space<hbm>>
      tpu.wait_indirect_dma semaphore(%arg13 : memref<!tpu.dma_semaphore, #tpu.memory_space<semaphore_mem>>) src(%dma_wait3A_437 : memref<10240x128xf32, #tpu.memory_space<hbm>>) dst(%arg9 : memref<128x128xf32, #tpu.memory_space<vmem>>)
      "tpu.region"() ({
        %run_scoped3A = tpu.sem_alloc : memref<!tpu.dma_semaphore, #tpu.memory_space<semaphore_mem>>
        %dma_start3A_438 = arith.constant 0 : i32
        %dma_start3A_439 = tpu.memref_slice %arg6[%while3A_223, %dma_start3A_438] : memref<8x128xi32, #tpu.memory_space<vmem>> -> memref<1x128xi32, #tpu.memory_space<vmem>>
        %dma_start3A_440 = tpu.memref_squeeze %dma_start3A_439 : memref<1x128xi32, #tpu.memory_space<vmem>> -> memref<128xi32, #tpu.memory_space<vmem>>
        %dma_start3A_441 = arith.constant 0 : i32
        %dma_start3A_442 = arith.constant 0 : i32
        %dma_start3A_443 = tpu.memref_slice %arg11[%dma_start3A_441, %dma_start3A_442] : memref<10240x128xf32, #tpu.memory_space<vmem_shared>> -> memref<10240x128xf32, #tpu.memory_space<vmem_shared>>
        tpu.enqueue_indirect_dma source(%arg9 : memref<128x128xf32, #tpu.memory_space<vmem>>) target(%dma_start3A_443 : memref<10240x128xf32, #tpu.memory_space<vmem_shared>>) offsets(%dma_start3A_440 : memref<128xi32, #tpu.memory_space<vmem>>) semaphore(%run_scoped3A : memref<!tpu.dma_semaphore, #tpu.memory_space<semaphore_mem>>) {add = true}
        %dma_wait3A_444 = arith.constant 0 : i32
        %dma_wait3A_445 = tpu.memref_slice %arg6[%while3A_223, %dma_wait3A_444] : memref<8x128xi32, #tpu.memory_space<vmem>> -> memref<1x128xi32, #tpu.memory_space<vmem>>
        %dma_wait3A_446 = tpu.memref_squeeze %dma_wait3A_445 : memref<1x128xi32, #tpu.memory_space<vmem>> -> memref<128xi32, #tpu.memory_space<vmem>>
        %dma_wait3A_447 = arith.constant 0 : i32
        %dma_wait3A_448 = arith.constant 0 : i32
        %dma_wait3A_449 = tpu.memref_slice %arg11[%dma_wait3A_447, %dma_wait3A_448] : memref<10240x128xf32, #tpu.memory_space<vmem_shared>> -> memref<10240x128xf32, #tpu.memory_space<vmem_shared>>
        tpu.wait_indirect_dma semaphore(%run_scoped3A : memref<!tpu.dma_semaphore, #tpu.memory_space<semaphore_mem>>) src(%arg9 : memref<128x128xf32, #tpu.memory_space<vmem>>) dst(%dma_wait3A_449 : memref<10240x128xf32, #tpu.memory_space<vmem_shared>>)
        tpu.yield
      }) : () -> ()
    }
    %barrier3A_235 = arith.constant 0 : index
    tpu.barrier barrier_id(%barrier3A_235)
    "tpu.region"() ({
      %run_scoped3A = tpu.sem_alloc : memref<!tpu.dma_semaphore, #tpu.memory_space<semaphore_mem>>
      %dma_start3A_236 = arith.constant 0 : i32
      %dma_start3A_237 = tpu.memref_slice %arg4[%arg0, %mul3A_2, %dma_start3A_236] : memref<2x10240x128xf32, #tpu.memory_space<hbm>> -> memref<1x640x128xf32, #tpu.memory_space<hbm>>
      %dma_start3A_238 = tpu.memref_squeeze %dma_start3A_237 : memref<1x640x128xf32, #tpu.memory_space<hbm>> -> memref<640x128xf32, #tpu.memory_space<hbm>>
      %dma_start3A_239 = arith.constant 0 : i32
      %dma_start3A_240 = tpu.memref_slice %arg11[%mul3A_2, %dma_start3A_239] : memref<10240x128xf32, #tpu.memory_space<vmem_shared>> -> memref<640x128xf32, #tpu.memory_space<vmem_shared>>
      tpu.enqueue_dma source(%dma_start3A_240 : memref<640x128xf32, #tpu.memory_space<vmem_shared>>) target(%dma_start3A_238 : memref<640x128xf32, #tpu.memory_space<hbm>>) target_semaphore(%run_scoped3A : memref<!tpu.dma_semaphore, #tpu.memory_space<semaphore_mem>>)
      %dma_wait3A = arith.constant 0 : i32
      %dma_wait3A_241 = tpu.memref_slice %arg4[%arg0, %mul3A_2, %dma_wait3A] : memref<2x10240x128xf32, #tpu.memory_space<hbm>> -> memref<1x640x128xf32, #tpu.memory_space<hbm>>
      %dma_wait3A_242 = tpu.memref_squeeze %dma_wait3A_241 : memref<1x640x128xf32, #tpu.memory_space<hbm>> -> memref<640x128xf32, #tpu.memory_space<hbm>>
      %dma_wait3A_243 = arith.constant 0 : i32
      %dma_wait3A_244 = tpu.memref_slice %arg11[%mul3A_2, %dma_wait3A_243] : memref<10240x128xf32, #tpu.memory_space<vmem_shared>> -> memref<640x128xf32, #tpu.memory_space<vmem_shared>>
      tpu.wait_dma2 semaphore(%run_scoped3A : memref<!tpu.dma_semaphore, #tpu.memory_space<semaphore_mem>>) src(%dma_wait3A_244 : memref<640x128xf32, #tpu.memory_space<vmem_shared>>) dst(%dma_wait3A_242 : memref<640x128xf32, #tpu.memory_space<hbm>>)
      tpu.yield
    }) : () -> ()
    return
  }
}

#map = affine_map<(d0, d1) -> (0, 0, 0)>
#map1 = affine_map<(d0, d1) -> (0, 0)>
module attributes {stable_mosaic.version = 14 : i64} {
  func.func @deg_kernel(%arg0: i32, %arg1: i32, %arg2: memref<32x80x128xi32, #tpu.memory_space<hbm>>, %arg3: memref<2x10240xf32, #tpu.memory_space<hbm>>, %arg4: memref<2x10240xf32, #tpu.memory_space<hbm>>, %arg5: memref<80x128xi32, #tpu.memory_space<vmem>>, %arg6: memref<8x128xi32, #tpu.memory_space<vmem>>, %arg7: memref<128xf32, #tpu.memory_space<vmem>>, %arg8: memref<8x128xf32, #tpu.memory_space<vmem>>, %arg9: memref<640xf32, #tpu.memory_space<vmem>>, %arg10: memref<10240xf32, #tpu.memory_space<vmem_shared>>, %arg11: memref<10240xf32, #tpu.memory_space<vmem_shared>>, %arg12: memref<!tpu.dma_semaphore, #tpu.memory_space<semaphore_mem>>, %arg13: memref<!tpu.dma_semaphore, #tpu.memory_space<semaphore_mem>>) attributes {dimension_semantics = [#tpu.dimension_semantics<core_parallel>, #tpu.dimension_semantics<subcore_parallel>], iteration_bounds = array<i64: 2, 16>, scalar_prefetch = 0 : i64, scratch_operands = 9 : i64, tpu.core_type = #tpu.core_type<sc_vector_subcore>, window_params = [{transform_indices = #map}, {transform_indices = #map1}, {transform_indices = #map1}]} {
    %mul3A = arith.constant 16 : i32
    %mul3A_0 = arith.muli %arg0, %mul3A : i32
    %add3A = arith.addi %mul3A_0, %arg1 : i32
    %mul3A_1 = arith.constant 640 : i32
    %mul3A_2 = arith.muli %arg1, %mul3A_1 : i32
    %broadcast_in_dim3A = arith.constant 0.000000e+00 : f32
    %broadcast_in_dim3A_3 = vector.broadcast %broadcast_in_dim3A : f32 to vector<16xf32>
    %broadcast_in_dim3A_4 = arith.constant 1.000000e+00 : f32
    %broadcast_in_dim3A_5 = vector.broadcast %broadcast_in_dim3A_4 : f32 to vector<16xf32>
    %while3A = arith.constant 0 : i32
    %while3A_6 = arith.constant 0 : i32
    %while3A_7 = arith.constant 40 : i32
    %while3A_8 = arith.subi %while3A_7, %while3A_6 : i32
    %while3A_9 = arith.addi %while3A_6, %while3A_8 : i32
    %while3A_10 = arith.constant 1 : i32
    %while3A_11 = arith.divsi %while3A_8, %while3A_10 : i32
    %while3A_12 = arith.muli %while3A_11, %while3A_10 : i32
    %while3A_13 = arith.addi %while3A_6, %while3A_12 : i32
    %while3A_14 = arith.constant 1 : i32
    scf.for %while3A_325 = %while3A_6 to %while3A_13 step %while3A_14  : i32 {
      %mul3A_326 = arith.constant 16 : i32
      %mul3A_327 = arith.muli %while3A_325, %mul3A_326 : i32
      %swap3A_328 = arith.index_cast %mul3A_327 : i32 to index
      %swap3A_329 = tpu.vector_load %arg9[%swap3A_328] {strides = array<i32>} : memref<640xf32, #tpu.memory_space<vmem>>, vector<16xf32>,
      %swap3A_330 = vector.shape_cast %swap3A_329 : vector<16xf32> to vector<16xf32>
      %swap3A_331 = vector.shape_cast %broadcast_in_dim3A_3 : vector<16xf32> to vector<16xf32>
      tpu.vector_store %arg9[%swap3A_328], %swap3A_331 {strides = array<i32>} : memref<640xf32, #tpu.memory_space<vmem>>, vector<16xf32>,
    }
    %while3A_15 = arith.constant 1 : i32
    scf.for %while3A_325 = %while3A_13 to %while3A_9 step %while3A_15  : i32 {
      %mul3A_326 = arith.constant 16 : i32
      %mul3A_327 = arith.muli %while3A_325, %mul3A_326 : i32
      %swap3A_328 = arith.index_cast %mul3A_327 : i32 to index
      %swap3A_329 = tpu.vector_load %arg9[%swap3A_328] {strides = array<i32>} : memref<640xf32, #tpu.memory_space<vmem>>, vector<16xf32>,
      %swap3A_330 = vector.shape_cast %swap3A_329 : vector<16xf32> to vector<16xf32>
      %swap3A_331 = vector.shape_cast %broadcast_in_dim3A_3 : vector<16xf32> to vector<16xf32>
      tpu.vector_store %arg9[%swap3A_328], %swap3A_331 {strides = array<i32>} : memref<640xf32, #tpu.memory_space<vmem>>, vector<16xf32>,
    }
    %swap3A = arith.constant 0 : index
    %swap3A_16 = tpu.vector_load %arg7[%swap3A] {strides = array<i32>} : memref<128xf32, #tpu.memory_space<vmem>>, vector<16xf32>,
    %swap3A_17 = vector.shape_cast %swap3A_16 : vector<16xf32> to vector<16xf32>
    %swap3A_18 = vector.shape_cast %broadcast_in_dim3A_5 : vector<16xf32> to vector<16xf32>
    tpu.vector_store %arg7[%swap3A], %swap3A_18 {strides = array<i32>} : memref<128xf32, #tpu.memory_space<vmem>>, vector<16xf32>,
    %swap3A_19 = arith.constant 16 : index
    %swap3A_20 = tpu.vector_load %arg7[%swap3A_19] {strides = array<i32>} : memref<128xf32, #tpu.memory_space<vmem>>, vector<16xf32>,
    %swap3A_21 = vector.shape_cast %swap3A_20 : vector<16xf32> to vector<16xf32>
    %swap3A_22 = vector.shape_cast %broadcast_in_dim3A_5 : vector<16xf32> to vector<16xf32>
    tpu.vector_store %arg7[%swap3A_19], %swap3A_22 {strides = array<i32>} : memref<128xf32, #tpu.memory_space<vmem>>, vector<16xf32>,
    %swap3A_23 = arith.constant 32 : index
    %swap3A_24 = tpu.vector_load %arg7[%swap3A_23] {strides = array<i32>} : memref<128xf32, #tpu.memory_space<vmem>>, vector<16xf32>,
    %swap3A_25 = vector.shape_cast %swap3A_24 : vector<16xf32> to vector<16xf32>
    %swap3A_26 = vector.shape_cast %broadcast_in_dim3A_5 : vector<16xf32> to vector<16xf32>
    tpu.vector_store %arg7[%swap3A_23], %swap3A_26 {strides = array<i32>} : memref<128xf32, #tpu.memory_space<vmem>>, vector<16xf32>,
    %swap3A_27 = arith.constant 48 : index
    %swap3A_28 = tpu.vector_load %arg7[%swap3A_27] {strides = array<i32>} : memref<128xf32, #tpu.memory_space<vmem>>, vector<16xf32>,
    %swap3A_29 = vector.shape_cast %swap3A_28 : vector<16xf32> to vector<16xf32>
    %swap3A_30 = vector.shape_cast %broadcast_in_dim3A_5 : vector<16xf32> to vector<16xf32>
    tpu.vector_store %arg7[%swap3A_27], %swap3A_30 {strides = array<i32>} : memref<128xf32, #tpu.memory_space<vmem>>, vector<16xf32>,
    %swap3A_31 = arith.constant 64 : index
    %swap3A_32 = tpu.vector_load %arg7[%swap3A_31] {strides = array<i32>} : memref<128xf32, #tpu.memory_space<vmem>>, vector<16xf32>,
    %swap3A_33 = vector.shape_cast %swap3A_32 : vector<16xf32> to vector<16xf32>
    %swap3A_34 = vector.shape_cast %broadcast_in_dim3A_5 : vector<16xf32> to vector<16xf32>
    tpu.vector_store %arg7[%swap3A_31], %swap3A_34 {strides = array<i32>} : memref<128xf32, #tpu.memory_space<vmem>>, vector<16xf32>,
    %swap3A_35 = arith.constant 80 : index
    %swap3A_36 = tpu.vector_load %arg7[%swap3A_35] {strides = array<i32>} : memref<128xf32, #tpu.memory_space<vmem>>, vector<16xf32>,
    %swap3A_37 = vector.shape_cast %swap3A_36 : vector<16xf32> to vector<16xf32>
    %swap3A_38 = vector.shape_cast %broadcast_in_dim3A_5 : vector<16xf32> to vector<16xf32>
    tpu.vector_store %arg7[%swap3A_35], %swap3A_38 {strides = array<i32>} : memref<128xf32, #tpu.memory_space<vmem>>, vector<16xf32>,
    %swap3A_39 = arith.constant 96 : index
    %swap3A_40 = tpu.vector_load %arg7[%swap3A_39] {strides = array<i32>} : memref<128xf32, #tpu.memory_space<vmem>>, vector<16xf32>,
    %swap3A_41 = vector.shape_cast %swap3A_40 : vector<16xf32> to vector<16xf32>
    %swap3A_42 = vector.shape_cast %broadcast_in_dim3A_5 : vector<16xf32> to vector<16xf32>
    tpu.vector_store %arg7[%swap3A_39], %swap3A_42 {strides = array<i32>} : memref<128xf32, #tpu.memory_space<vmem>>, vector<16xf32>,
    %swap3A_43 = arith.constant 112 : index
    %swap3A_44 = tpu.vector_load %arg7[%swap3A_43] {strides = array<i32>} : memref<128xf32, #tpu.memory_space<vmem>>, vector<16xf32>,
    %swap3A_45 = vector.shape_cast %swap3A_44 : vector<16xf32> to vector<16xf32>
    %swap3A_46 = vector.shape_cast %broadcast_in_dim3A_5 : vector<16xf32> to vector<16xf32>
    tpu.vector_store %arg7[%swap3A_43], %swap3A_46 {strides = array<i32>} : memref<128xf32, #tpu.memory_space<vmem>>, vector<16xf32>,
    "tpu.region"() ({
      %run_scoped3A = tpu.sem_alloc : memref<!tpu.dma_semaphore, #tpu.memory_space<semaphore_mem>>
      %dma_start3A_325 = tpu.memref_slice %arg10[%mul3A_2] : memref<10240xf32, #tpu.memory_space<vmem_shared>> -> memref<640xf32, #tpu.memory_space<vmem_shared>>
      %dma_start3A_326 = tpu.memref_slice %arg10[%mul3A_2] : memref<10240xf32, #tpu.memory_space<vmem_shared>> -> memref<640xf32, #tpu.memory_space<vmem_shared>>
      tpu.enqueue_dma source(%arg9 : memref<640xf32, #tpu.memory_space<vmem>>) target(%dma_start3A_326 : memref<640xf32, #tpu.memory_space<vmem_shared>>) target_semaphore(%run_scoped3A : memref<!tpu.dma_semaphore, #tpu.memory_space<semaphore_mem>>)
      %dma_wait3A = tpu.memref_slice %arg10[%mul3A_2] : memref<10240xf32, #tpu.memory_space<vmem_shared>> -> memref<640xf32, #tpu.memory_space<vmem_shared>>
      %dma_wait3A_327 = tpu.memref_slice %arg10[%mul3A_2] : memref<10240xf32, #tpu.memory_space<vmem_shared>> -> memref<640xf32, #tpu.memory_space<vmem_shared>>
      tpu.wait_dma2 semaphore(%run_scoped3A : memref<!tpu.dma_semaphore, #tpu.memory_space<semaphore_mem>>) src(%arg9 : memref<640xf32, #tpu.memory_space<vmem>>) dst(%dma_wait3A_327 : memref<640xf32, #tpu.memory_space<vmem_shared>>)
      tpu.yield
    }) : () -> ()
    "tpu.region"() ({
      %run_scoped3A = tpu.sem_alloc : memref<!tpu.dma_semaphore, #tpu.memory_space<semaphore_mem>>
      %dma_start3A_325 = tpu.memref_slice %arg11[%mul3A_2] : memref<10240xf32, #tpu.memory_space<vmem_shared>> -> memref<640xf32, #tpu.memory_space<vmem_shared>>
      %dma_start3A_326 = tpu.memref_slice %arg11[%mul3A_2] : memref<10240xf32, #tpu.memory_space<vmem_shared>> -> memref<640xf32, #tpu.memory_space<vmem_shared>>
      tpu.enqueue_dma source(%arg9 : memref<640xf32, #tpu.memory_space<vmem>>) target(%dma_start3A_326 : memref<640xf32, #tpu.memory_space<vmem_shared>>) target_semaphore(%run_scoped3A : memref<!tpu.dma_semaphore, #tpu.memory_space<semaphore_mem>>)
      %dma_wait3A = tpu.memref_slice %arg11[%mul3A_2] : memref<10240xf32, #tpu.memory_space<vmem_shared>> -> memref<640xf32, #tpu.memory_space<vmem_shared>>
      %dma_wait3A_327 = tpu.memref_slice %arg11[%mul3A_2] : memref<10240xf32, #tpu.memory_space<vmem_shared>> -> memref<640xf32, #tpu.memory_space<vmem_shared>>
      tpu.wait_dma2 semaphore(%run_scoped3A : memref<!tpu.dma_semaphore, #tpu.memory_space<semaphore_mem>>) src(%arg9 : memref<640xf32, #tpu.memory_space<vmem>>) dst(%dma_wait3A_327 : memref<640xf32, #tpu.memory_space<vmem_shared>>)
      tpu.yield
    }) : () -> ()
    "tpu.region"() ({
      %run_scoped3A = tpu.sem_alloc : memref<!tpu.dma_semaphore, #tpu.memory_space<semaphore_mem>>
      %dma_start3A_325 = arith.constant 0 : i32
      %dma_start3A_326 = arith.constant 0 : i32
      %dma_start3A_327 = tpu.memref_slice %arg2[%add3A, %dma_start3A_325, %dma_start3A_326] : memref<32x80x128xi32, #tpu.memory_space<hbm>> -> memref<1x80x128xi32, #tpu.memory_space<hbm>>
      %dma_start3A_328 = tpu.memref_squeeze %dma_start3A_327 : memref<1x80x128xi32, #tpu.memory_space<hbm>> -> memref<80x128xi32, #tpu.memory_space<hbm>>
      %dma_start3A_329 = arith.constant 0 : i32
      %dma_start3A_330 = arith.constant 0 : i32
      %dma_start3A_331 = tpu.memref_slice %arg2[%add3A, %dma_start3A_329, %dma_start3A_330] : memref<32x80x128xi32, #tpu.memory_space<hbm>> -> memref<1x80x128xi32, #tpu.memory_space<hbm>>
      %dma_start3A_332 = tpu.memref_squeeze %dma_start3A_331 : memref<1x80x128xi32, #tpu.memory_space<hbm>> -> memref<80x128xi32, #tpu.memory_space<hbm>>
      tpu.enqueue_dma source(%dma_start3A_332 : memref<80x128xi32, #tpu.memory_space<hbm>>) target(%arg5 : memref<80x128xi32, #tpu.memory_space<vmem>>) target_semaphore(%run_scoped3A : memref<!tpu.dma_semaphore, #tpu.memory_space<semaphore_mem>>)
      %dma_wait3A = arith.constant 0 : i32
      %dma_wait3A_333 = arith.constant 0 : i32
      %dma_wait3A_334 = tpu.memref_slice %arg2[%add3A, %dma_wait3A, %dma_wait3A_333] : memref<32x80x128xi32, #tpu.memory_space<hbm>> -> memref<1x80x128xi32, #tpu.memory_space<hbm>>
      %dma_wait3A_335 = tpu.memref_squeeze %dma_wait3A_334 : memref<1x80x128xi32, #tpu.memory_space<hbm>> -> memref<80x128xi32, #tpu.memory_space<hbm>>
      %dma_wait3A_336 = arith.constant 0 : i32
      %dma_wait3A_337 = arith.constant 0 : i32
      %dma_wait3A_338 = tpu.memref_slice %arg2[%add3A, %dma_wait3A_336, %dma_wait3A_337] : memref<32x80x128xi32, #tpu.memory_space<hbm>> -> memref<1x80x128xi32, #tpu.memory_space<hbm>>
      %dma_wait3A_339 = tpu.memref_squeeze %dma_wait3A_338 : memref<1x80x128xi32, #tpu.memory_space<hbm>> -> memref<80x128xi32, #tpu.memory_space<hbm>>
      tpu.wait_dma2 semaphore(%run_scoped3A : memref<!tpu.dma_semaphore, #tpu.memory_space<semaphore_mem>>) src(%dma_wait3A_339 : memref<80x128xi32, #tpu.memory_space<hbm>>) dst(%arg5 : memref<80x128xi32, #tpu.memory_space<vmem>>)
      tpu.yield
    }) : () -> ()
    %barrier3A = arith.constant 0 : index
    tpu.barrier barrier_id(%barrier3A)
    %get3A = arith.constant 0 : i32
    %get3A_47 = arith.index_cast %get3A : i32 to index
    %get3A_48 = arith.constant 0 : index
    %get3A_49 = tpu.vector_load %arg5[%get3A_47, %get3A_48] {strides = array<i32>} : memref<80x128xi32, #tpu.memory_space<vmem>>, vector<1x16xi32>,
    %get3A_50 = vector.shape_cast %get3A_49 : vector<1x16xi32> to vector<16xi32>
    %shift_right_logical3A = arith.constant 14 : i32
    %shift_right_logical3A_51 = vector.broadcast %shift_right_logical3A : i32 to vector<16xi32>
    %shift_right_logical3A_52 = arith.shrui %get3A_50, %shift_right_logical3A_51 : vector<16xi32>
    %and3A = arith.constant 16383 : i32
    %and3A_53 = vector.broadcast %and3A : i32 to vector<16xi32>
    %and3A_54 = arith.andi %get3A_50, %and3A_53 : vector<16xi32>
    %swap3A_55 = arith.constant 0 : i64
    %swap3A_56 = arith.index_cast %swap3A_55 : i64 to index
    %swap3A_57 = arith.constant 0 : index
    %swap3A_58 = tpu.vector_load %arg6[%swap3A_56, %swap3A_57] {strides = array<i32>} : memref<8x128xi32, #tpu.memory_space<vmem>>, vector<1x16xi32>,
    %swap3A_59 = vector.shape_cast %swap3A_58 : vector<1x16xi32> to vector<16xi32>
    %swap3A_60 = vector.shape_cast %shift_right_logical3A_52 : vector<16xi32> to vector<1x16xi32>
    tpu.vector_store %arg6[%swap3A_56, %swap3A_57], %swap3A_60 {strides = array<i32>} : memref<8x128xi32, #tpu.memory_space<vmem>>, vector<1x16xi32>,
    %sub3A = arith.subi %shift_right_logical3A_52, %and3A_54 : vector<16xi32>
    %abs3A = math.absi %sub3A : vector<16xi32>
    %min3A = arith.constant 1 : i32
    %min3A_61 = vector.broadcast %min3A : i32 to vector<16xi32>
    %min3A_62 = arith.minsi %abs3A, %min3A_61 : vector<16xi32>
    %sub3A_63 = arith.constant 1 : i32
    %sub3A_64 = vector.broadcast %sub3A_63 : i32 to vector<16xi32>
    %sub3A_65 = arith.subi %sub3A_64, %min3A_62 : vector<16xi32>
    %convert_element_type3A = arith.sitofp %sub3A_65 : vector<16xi32> to vector<16xf32>
    %swap3A_66 = arith.constant 0 : i64
    %swap3A_67 = arith.index_cast %swap3A_66 : i64 to index
    %swap3A_68 = arith.constant 0 : index
    %swap3A_69 = tpu.vector_load %arg8[%swap3A_67, %swap3A_68] {strides = array<i32>} : memref<8x128xf32, #tpu.memory_space<vmem>>, vector<1x16xf32>,
    %swap3A_70 = vector.shape_cast %swap3A_69 : vector<1x16xf32> to vector<16xf32>
    %swap3A_71 = vector.shape_cast %convert_element_type3A : vector<16xf32> to vector<1x16xf32>
    tpu.vector_store %arg8[%swap3A_67, %swap3A_68], %swap3A_71 {strides = array<i32>} : memref<8x128xf32, #tpu.memory_space<vmem>>, vector<1x16xf32>,
    %get3A_72 = arith.constant 0 : i32
    %get3A_73 = arith.index_cast %get3A_72 : i32 to index
    %get3A_74 = arith.constant 16 : index
    %get3A_75 = tpu.vector_load %arg5[%get3A_73, %get3A_74] {strides = array<i32>} : memref<80x128xi32, #tpu.memory_space<vmem>>, vector<1x16xi32>,
    %get3A_76 = vector.shape_cast %get3A_75 : vector<1x16xi32> to vector<16xi32>
    %shift_right_logical3A_77 = arith.constant 14 : i32
    %shift_right_logical3A_78 = vector.broadcast %shift_right_logical3A_77 : i32 to vector<16xi32>
    %shift_right_logical3A_79 = arith.shrui %get3A_76, %shift_right_logical3A_78 : vector<16xi32>
    %and3A_80 = arith.constant 16383 : i32
    %and3A_81 = vector.broadcast %and3A_80 : i32 to vector<16xi32>
    %and3A_82 = arith.andi %get3A_76, %and3A_81 : vector<16xi32>
    %swap3A_83 = arith.constant 0 : i64
    %swap3A_84 = arith.index_cast %swap3A_83 : i64 to index
    %swap3A_85 = arith.constant 16 : index
    %swap3A_86 = tpu.vector_load %arg6[%swap3A_84, %swap3A_85] {strides = array<i32>} : memref<8x128xi32, #tpu.memory_space<vmem>>, vector<1x16xi32>,
    %swap3A_87 = vector.shape_cast %swap3A_86 : vector<1x16xi32> to vector<16xi32>
    %swap3A_88 = vector.shape_cast %shift_right_logical3A_79 : vector<16xi32> to vector<1x16xi32>
    tpu.vector_store %arg6[%swap3A_84, %swap3A_85], %swap3A_88 {strides = array<i32>} : memref<8x128xi32, #tpu.memory_space<vmem>>, vector<1x16xi32>,
    %sub3A_89 = arith.subi %shift_right_logical3A_79, %and3A_82 : vector<16xi32>
    %abs3A_90 = math.absi %sub3A_89 : vector<16xi32>
    %min3A_91 = arith.constant 1 : i32
    %min3A_92 = vector.broadcast %min3A_91 : i32 to vector<16xi32>
    %min3A_93 = arith.minsi %abs3A_90, %min3A_92 : vector<16xi32>
    %sub3A_94 = arith.constant 1 : i32
    %sub3A_95 = vector.broadcast %sub3A_94 : i32 to vector<16xi32>
    %sub3A_96 = arith.subi %sub3A_95, %min3A_93 : vector<16xi32>
    %convert_element_type3A_97 = arith.sitofp %sub3A_96 : vector<16xi32> to vector<16xf32>
    %swap3A_98 = arith.constant 0 : i64
    %swap3A_99 = arith.index_cast %swap3A_98 : i64 to index
    %swap3A_100 = arith.constant 16 : index
    %swap3A_101 = tpu.vector_load %arg8[%swap3A_99, %swap3A_100] {strides = array<i32>} : memref<8x128xf32, #tpu.memory_space<vmem>>, vector<1x16xf32>,
    %swap3A_102 = vector.shape_cast %swap3A_101 : vector<1x16xf32> to vector<16xf32>
    %swap3A_103 = vector.shape_cast %convert_element_type3A_97 : vector<16xf32> to vector<1x16xf32>
    tpu.vector_store %arg8[%swap3A_99, %swap3A_100], %swap3A_103 {strides = array<i32>} : memref<8x128xf32, #tpu.memory_space<vmem>>, vector<1x16xf32>,
    %get3A_104 = arith.constant 0 : i32
    %get3A_105 = arith.index_cast %get3A_104 : i32 to index
    %get3A_106 = arith.constant 32 : index
    %get3A_107 = tpu.vector_load %arg5[%get3A_105, %get3A_106] {strides = array<i32>} : memref<80x128xi32, #tpu.memory_space<vmem>>, vector<1x16xi32>,
    %get3A_108 = vector.shape_cast %get3A_107 : vector<1x16xi32> to vector<16xi32>
    %shift_right_logical3A_109 = arith.constant 14 : i32
    %shift_right_logical3A_110 = vector.broadcast %shift_right_logical3A_109 : i32 to vector<16xi32>
    %shift_right_logical3A_111 = arith.shrui %get3A_108, %shift_right_logical3A_110 : vector<16xi32>
    %and3A_112 = arith.constant 16383 : i32
    %and3A_113 = vector.broadcast %and3A_112 : i32 to vector<16xi32>
    %and3A_114 = arith.andi %get3A_108, %and3A_113 : vector<16xi32>
    %swap3A_115 = arith.constant 0 : i64
    %swap3A_116 = arith.index_cast %swap3A_115 : i64 to index
    %swap3A_117 = arith.constant 32 : index
    %swap3A_118 = tpu.vector_load %arg6[%swap3A_116, %swap3A_117] {strides = array<i32>} : memref<8x128xi32, #tpu.memory_space<vmem>>, vector<1x16xi32>,
    %swap3A_119 = vector.shape_cast %swap3A_118 : vector<1x16xi32> to vector<16xi32>
    %swap3A_120 = vector.shape_cast %shift_right_logical3A_111 : vector<16xi32> to vector<1x16xi32>
    tpu.vector_store %arg6[%swap3A_116, %swap3A_117], %swap3A_120 {strides = array<i32>} : memref<8x128xi32, #tpu.memory_space<vmem>>, vector<1x16xi32>,
    %sub3A_121 = arith.subi %shift_right_logical3A_111, %and3A_114 : vector<16xi32>
    %abs3A_122 = math.absi %sub3A_121 : vector<16xi32>
    %min3A_123 = arith.constant 1 : i32
    %min3A_124 = vector.broadcast %min3A_123 : i32 to vector<16xi32>
    %min3A_125 = arith.minsi %abs3A_122, %min3A_124 : vector<16xi32>
    %sub3A_126 = arith.constant 1 : i32
    %sub3A_127 = vector.broadcast %sub3A_126 : i32 to vector<16xi32>
    %sub3A_128 = arith.subi %sub3A_127, %min3A_125 : vector<16xi32>
    %convert_element_type3A_129 = arith.sitofp %sub3A_128 : vector<16xi32> to vector<16xf32>
    %swap3A_130 = arith.constant 0 : i64
    %swap3A_131 = arith.index_cast %swap3A_130 : i64 to index
    %swap3A_132 = arith.constant 32 : index
    %swap3A_133 = tpu.vector_load %arg8[%swap3A_131, %swap3A_132] {strides = array<i32>} : memref<8x128xf32, #tpu.memory_space<vmem>>, vector<1x16xf32>,
    %swap3A_134 = vector.shape_cast %swap3A_133 : vector<1x16xf32> to vector<16xf32>
    %swap3A_135 = vector.shape_cast %convert_element_type3A_129 : vector<16xf32> to vector<1x16xf32>
    tpu.vector_store %arg8[%swap3A_131, %swap3A_132], %swap3A_135 {strides = array<i32>} : memref<8x128xf32, #tpu.memory_space<vmem>>, vector<1x16xf32>,
    %get3A_136 = arith.constant 0 : i32
    %get3A_137 = arith.index_cast %get3A_136 : i32 to index
    %get3A_138 = arith.constant 48 : index
    %get3A_139 = tpu.vector_load %arg5[%get3A_137, %get3A_138] {strides = array<i32>} : memref<80x128xi32, #tpu.memory_space<vmem>>, vector<1x16xi32>,
    %get3A_140 = vector.shape_cast %get3A_139 : vector<1x16xi32> to vector<16xi32>
    %shift_right_logical3A_141 = arith.constant 14 : i32
    %shift_right_logical3A_142 = vector.broadcast %shift_right_logical3A_141 : i32 to vector<16xi32>
    %shift_right_logical3A_143 = arith.shrui %get3A_140, %shift_right_logical3A_142 : vector<16xi32>
    %and3A_144 = arith.constant 16383 : i32
    %and3A_145 = vector.broadcast %and3A_144 : i32 to vector<16xi32>
    %and3A_146 = arith.andi %get3A_140, %and3A_145 : vector<16xi32>
    %swap3A_147 = arith.constant 0 : i64
    %swap3A_148 = arith.index_cast %swap3A_147 : i64 to index
    %swap3A_149 = arith.constant 48 : index
    %swap3A_150 = tpu.vector_load %arg6[%swap3A_148, %swap3A_149] {strides = array<i32>} : memref<8x128xi32, #tpu.memory_space<vmem>>, vector<1x16xi32>,
    %swap3A_151 = vector.shape_cast %swap3A_150 : vector<1x16xi32> to vector<16xi32>
    %swap3A_152 = vector.shape_cast %shift_right_logical3A_143 : vector<16xi32> to vector<1x16xi32>
    tpu.vector_store %arg6[%swap3A_148, %swap3A_149], %swap3A_152 {strides = array<i32>} : memref<8x128xi32, #tpu.memory_space<vmem>>, vector<1x16xi32>,
    %sub3A_153 = arith.subi %shift_right_logical3A_143, %and3A_146 : vector<16xi32>
    %abs3A_154 = math.absi %sub3A_153 : vector<16xi32>
    %min3A_155 = arith.constant 1 : i32
    %min3A_156 = vector.broadcast %min3A_155 : i32 to vector<16xi32>
    %min3A_157 = arith.minsi %abs3A_154, %min3A_156 : vector<16xi32>
    %sub3A_158 = arith.constant 1 : i32
    %sub3A_159 = vector.broadcast %sub3A_158 : i32 to vector<16xi32>
    %sub3A_160 = arith.subi %sub3A_159, %min3A_157 : vector<16xi32>
    %convert_element_type3A_161 = arith.sitofp %sub3A_160 : vector<16xi32> to vector<16xf32>
    %swap3A_162 = arith.constant 0 : i64
    %swap3A_163 = arith.index_cast %swap3A_162 : i64 to index
    %swap3A_164 = arith.constant 48 : index
    %swap3A_165 = tpu.vector_load %arg8[%swap3A_163, %swap3A_164] {strides = array<i32>} : memref<8x128xf32, #tpu.memory_space<vmem>>, vector<1x16xf32>,
    %swap3A_166 = vector.shape_cast %swap3A_165 : vector<1x16xf32> to vector<16xf32>
    %swap3A_167 = vector.shape_cast %convert_element_type3A_161 : vector<16xf32> to vector<1x16xf32>
    tpu.vector_store %arg8[%swap3A_163, %swap3A_164], %swap3A_167 {strides = array<i32>} : memref<8x128xf32, #tpu.memory_space<vmem>>, vector<1x16xf32>,
    %get3A_168 = arith.constant 0 : i32
    %get3A_169 = arith.index_cast %get3A_168 : i32 to index
    %get3A_170 = arith.constant 64 : index
    %get3A_171 = tpu.vector_load %arg5[%get3A_169, %get3A_170] {strides = array<i32>} : memref<80x128xi32, #tpu.memory_space<vmem>>, vector<1x16xi32>,
    %get3A_172 = vector.shape_cast %get3A_171 : vector<1x16xi32> to vector<16xi32>
    %shift_right_logical3A_173 = arith.constant 14 : i32
    %shift_right_logical3A_174 = vector.broadcast %shift_right_logical3A_173 : i32 to vector<16xi32>
    %shift_right_logical3A_175 = arith.shrui %get3A_172, %shift_right_logical3A_174 : vector<16xi32>
    %and3A_176 = arith.constant 16383 : i32
    %and3A_177 = vector.broadcast %and3A_176 : i32 to vector<16xi32>
    %and3A_178 = arith.andi %get3A_172, %and3A_177 : vector<16xi32>
    %swap3A_179 = arith.constant 0 : i64
    %swap3A_180 = arith.index_cast %swap3A_179 : i64 to index
    %swap3A_181 = arith.constant 64 : index
    %swap3A_182 = tpu.vector_load %arg6[%swap3A_180, %swap3A_181] {strides = array<i32>} : memref<8x128xi32, #tpu.memory_space<vmem>>, vector<1x16xi32>,
    %swap3A_183 = vector.shape_cast %swap3A_182 : vector<1x16xi32> to vector<16xi32>
    %swap3A_184 = vector.shape_cast %shift_right_logical3A_175 : vector<16xi32> to vector<1x16xi32>
    tpu.vector_store %arg6[%swap3A_180, %swap3A_181], %swap3A_184 {strides = array<i32>} : memref<8x128xi32, #tpu.memory_space<vmem>>, vector<1x16xi32>,
    %sub3A_185 = arith.subi %shift_right_logical3A_175, %and3A_178 : vector<16xi32>
    %abs3A_186 = math.absi %sub3A_185 : vector<16xi32>
    %min3A_187 = arith.constant 1 : i32
    %min3A_188 = vector.broadcast %min3A_187 : i32 to vector<16xi32>
    %min3A_189 = arith.minsi %abs3A_186, %min3A_188 : vector<16xi32>
    %sub3A_190 = arith.constant 1 : i32
    %sub3A_191 = vector.broadcast %sub3A_190 : i32 to vector<16xi32>
    %sub3A_192 = arith.subi %sub3A_191, %min3A_189 : vector<16xi32>
    %convert_element_type3A_193 = arith.sitofp %sub3A_192 : vector<16xi32> to vector<16xf32>
    %swap3A_194 = arith.constant 0 : i64
    %swap3A_195 = arith.index_cast %swap3A_194 : i64 to index
    %swap3A_196 = arith.constant 64 : index
    %swap3A_197 = tpu.vector_load %arg8[%swap3A_195, %swap3A_196] {strides = array<i32>} : memref<8x128xf32, #tpu.memory_space<vmem>>, vector<1x16xf32>,
    %swap3A_198 = vector.shape_cast %swap3A_197 : vector<1x16xf32> to vector<16xf32>
    %swap3A_199 = vector.shape_cast %convert_element_type3A_193 : vector<16xf32> to vector<1x16xf32>
    tpu.vector_store %arg8[%swap3A_195, %swap3A_196], %swap3A_199 {strides = array<i32>} : memref<8x128xf32, #tpu.memory_space<vmem>>, vector<1x16xf32>,
    %get3A_200 = arith.constant 0 : i32
    %get3A_201 = arith.index_cast %get3A_200 : i32 to index
    %get3A_202 = arith.constant 80 : index
    %get3A_203 = tpu.vector_load %arg5[%get3A_201, %get3A_202] {strides = array<i32>} : memref<80x128xi32, #tpu.memory_space<vmem>>, vector<1x16xi32>,
    %get3A_204 = vector.shape_cast %get3A_203 : vector<1x16xi32> to vector<16xi32>
    %shift_right_logical3A_205 = arith.constant 14 : i32
    %shift_right_logical3A_206 = vector.broadcast %shift_right_logical3A_205 : i32 to vector<16xi32>
    %shift_right_logical3A_207 = arith.shrui %get3A_204, %shift_right_logical3A_206 : vector<16xi32>
    %and3A_208 = arith.constant 16383 : i32
    %and3A_209 = vector.broadcast %and3A_208 : i32 to vector<16xi32>
    %and3A_210 = arith.andi %get3A_204, %and3A_209 : vector<16xi32>
    %swap3A_211 = arith.constant 0 : i64
    %swap3A_212 = arith.index_cast %swap3A_211 : i64 to index
    %swap3A_213 = arith.constant 80 : index
    %swap3A_214 = tpu.vector_load %arg6[%swap3A_212, %swap3A_213] {strides = array<i32>} : memref<8x128xi32, #tpu.memory_space<vmem>>, vector<1x16xi32>,
    %swap3A_215 = vector.shape_cast %swap3A_214 : vector<1x16xi32> to vector<16xi32>
    %swap3A_216 = vector.shape_cast %shift_right_logical3A_207 : vector<16xi32> to vector<1x16xi32>
    tpu.vector_store %arg6[%swap3A_212, %swap3A_213], %swap3A_216 {strides = array<i32>} : memref<8x128xi32, #tpu.memory_space<vmem>>, vector<1x16xi32>,
    %sub3A_217 = arith.subi %shift_right_logical3A_207, %and3A_210 : vector<16xi32>
    %abs3A_218 = math.absi %sub3A_217 : vector<16xi32>
    %min3A_219 = arith.constant 1 : i32
    %min3A_220 = vector.broadcast %min3A_219 : i32 to vector<16xi32>
    %min3A_221 = arith.minsi %abs3A_218, %min3A_220 : vector<16xi32>
    %sub3A_222 = arith.constant 1 : i32
    %sub3A_223 = vector.broadcast %sub3A_222 : i32 to vector<16xi32>
    %sub3A_224 = arith.subi %sub3A_223, %min3A_221 : vector<16xi32>
    %convert_element_type3A_225 = arith.sitofp %sub3A_224 : vector<16xi32> to vector<16xf32>
    %swap3A_226 = arith.constant 0 : i64
    %swap3A_227 = arith.index_cast %swap3A_226 : i64 to index
    %swap3A_228 = arith.constant 80 : index
    %swap3A_229 = tpu.vector_load %arg8[%swap3A_227, %swap3A_228] {strides = array<i32>} : memref<8x128xf32, #tpu.memory_space<vmem>>, vector<1x16xf32>,
    %swap3A_230 = vector.shape_cast %swap3A_229 : vector<1x16xf32> to vector<16xf32>
    %swap3A_231 = vector.shape_cast %convert_element_type3A_225 : vector<16xf32> to vector<1x16xf32>
    tpu.vector_store %arg8[%swap3A_227, %swap3A_228], %swap3A_231 {strides = array<i32>} : memref<8x128xf32, #tpu.memory_space<vmem>>, vector<1x16xf32>,
    %get3A_232 = arith.constant 0 : i32
    %get3A_233 = arith.index_cast %get3A_232 : i32 to index
    %get3A_234 = arith.constant 96 : index
    %get3A_235 = tpu.vector_load %arg5[%get3A_233, %get3A_234] {strides = array<i32>} : memref<80x128xi32, #tpu.memory_space<vmem>>, vector<1x16xi32>,
    %get3A_236 = vector.shape_cast %get3A_235 : vector<1x16xi32> to vector<16xi32>
    %shift_right_logical3A_237 = arith.constant 14 : i32
    %shift_right_logical3A_238 = vector.broadcast %shift_right_logical3A_237 : i32 to vector<16xi32>
    %shift_right_logical3A_239 = arith.shrui %get3A_236, %shift_right_logical3A_238 : vector<16xi32>
    %and3A_240 = arith.constant 16383 : i32
    %and3A_241 = vector.broadcast %and3A_240 : i32 to vector<16xi32>
    %and3A_242 = arith.andi %get3A_236, %and3A_241 : vector<16xi32>
    %swap3A_243 = arith.constant 0 : i64
    %swap3A_244 = arith.index_cast %swap3A_243 : i64 to index
    %swap3A_245 = arith.constant 96 : index
    %swap3A_246 = tpu.vector_load %arg6[%swap3A_244, %swap3A_245] {strides = array<i32>} : memref<8x128xi32, #tpu.memory_space<vmem>>, vector<1x16xi32>,
    %swap3A_247 = vector.shape_cast %swap3A_246 : vector<1x16xi32> to vector<16xi32>
    %swap3A_248 = vector.shape_cast %shift_right_logical3A_239 : vector<16xi32> to vector<1x16xi32>
    tpu.vector_store %arg6[%swap3A_244, %swap3A_245], %swap3A_248 {strides = array<i32>} : memref<8x128xi32, #tpu.memory_space<vmem>>, vector<1x16xi32>,
    %sub3A_249 = arith.subi %shift_right_logical3A_239, %and3A_242 : vector<16xi32>
    %abs3A_250 = math.absi %sub3A_249 : vector<16xi32>
    %min3A_251 = arith.constant 1 : i32
    %min3A_252 = vector.broadcast %min3A_251 : i32 to vector<16xi32>
    %min3A_253 = arith.minsi %abs3A_250, %min3A_252 : vector<16xi32>
    %sub3A_254 = arith.constant 1 : i32
    %sub3A_255 = vector.broadcast %sub3A_254 : i32 to vector<16xi32>
    %sub3A_256 = arith.subi %sub3A_255, %min3A_253 : vector<16xi32>
    %convert_element_type3A_257 = arith.sitofp %sub3A_256 : vector<16xi32> to vector<16xf32>
    %swap3A_258 = arith.constant 0 : i64
    %swap3A_259 = arith.index_cast %swap3A_258 : i64 to index
    %swap3A_260 = arith.constant 96 : index
    %swap3A_261 = tpu.vector_load %arg8[%swap3A_259, %swap3A_260] {strides = array<i32>} : memref<8x128xf32, #tpu.memory_space<vmem>>, vector<1x16xf32>,
    %swap3A_262 = vector.shape_cast %swap3A_261 : vector<1x16xf32> to vector<16xf32>
    %swap3A_263 = vector.shape_cast %convert_element_type3A_257 : vector<16xf32> to vector<1x16xf32>
    tpu.vector_store %arg8[%swap3A_259, %swap3A_260], %swap3A_263 {strides = array<i32>} : memref<8x128xf32, #tpu.memory_space<vmem>>, vector<1x16xf32>,
    %get3A_264 = arith.constant 0 : i32
    %get3A_265 = arith.index_cast %get3A_264 : i32 to index
    %get3A_266 = arith.constant 112 : index
    %get3A_267 = tpu.vector_load %arg5[%get3A_265, %get3A_266] {strides = array<i32>} : memref<80x128xi32, #tpu.memory_space<vmem>>, vector<1x16xi32>,
    %get3A_268 = vector.shape_cast %get3A_267 : vector<1x16xi32> to vector<16xi32>
    %shift_right_logical3A_269 = arith.constant 14 : i32
    %shift_right_logical3A_270 = vector.broadcast %shift_right_logical3A_269 : i32 to vector<16xi32>
    %shift_right_logical3A_271 = arith.shrui %get3A_268, %shift_right_logical3A_270 : vector<16xi32>
    %and3A_272 = arith.constant 16383 : i32
    %and3A_273 = vector.broadcast %and3A_272 : i32 to vector<16xi32>
    %and3A_274 = arith.andi %get3A_268, %and3A_273 : vector<16xi32>
    %swap3A_275 = arith.constant 0 : i64
    %swap3A_276 = arith.index_cast %swap3A_275 : i64 to index
    %swap3A_277 = arith.constant 112 : index
    %swap3A_278 = tpu.vector_load %arg6[%swap3A_276, %swap3A_277] {strides = array<i32>} : memref<8x128xi32, #tpu.memory_space<vmem>>, vector<1x16xi32>,
    %swap3A_279 = vector.shape_cast %swap3A_278 : vector<1x16xi32> to vector<16xi32>
    %swap3A_280 = vector.shape_cast %shift_right_logical3A_271 : vector<16xi32> to vector<1x16xi32>
    tpu.vector_store %arg6[%swap3A_276, %swap3A_277], %swap3A_280 {strides = array<i32>} : memref<8x128xi32, #tpu.memory_space<vmem>>, vector<1x16xi32>,
    %sub3A_281 = arith.subi %shift_right_logical3A_271, %and3A_274 : vector<16xi32>
    %abs3A_282 = math.absi %sub3A_281 : vector<16xi32>
    %min3A_283 = arith.constant 1 : i32
    %min3A_284 = vector.broadcast %min3A_283 : i32 to vector<16xi32>
    %min3A_285 = arith.minsi %abs3A_282, %min3A_284 : vector<16xi32>
    %sub3A_286 = arith.constant 1 : i32
    %sub3A_287 = vector.broadcast %sub3A_286 : i32 to vector<16xi32>
    %sub3A_288 = arith.subi %sub3A_287, %min3A_285 : vector<16xi32>
    %convert_element_type3A_289 = arith.sitofp %sub3A_288 : vector<16xi32> to vector<16xf32>
    %swap3A_290 = arith.constant 0 : i64
    %swap3A_291 = arith.index_cast %swap3A_290 : i64 to index
    %swap3A_292 = arith.constant 112 : index
    %swap3A_293 = tpu.vector_load %arg8[%swap3A_291, %swap3A_292] {strides = array<i32>} : memref<8x128xf32, #tpu.memory_space<vmem>>, vector<1x16xf32>,
    %swap3A_294 = vector.shape_cast %swap3A_293 : vector<1x16xf32> to vector<16xf32>
    %swap3A_295 = vector.shape_cast %convert_element_type3A_289 : vector<16xf32> to vector<1x16xf32>
    tpu.vector_store %arg8[%swap3A_291, %swap3A_292], %swap3A_295 {strides = array<i32>} : memref<8x128xf32, #tpu.memory_space<vmem>>, vector<1x16xf32>,
    %dma_start3A = arith.constant 0 : i32
    %dma_start3A_296 = arith.constant 0 : i32
    %dma_start3A_297 = tpu.memref_slice %arg6[%dma_start3A, %dma_start3A_296] : memref<8x128xi32, #tpu.memory_space<vmem>> -> memref<1x128xi32, #tpu.memory_space<vmem>>
    %dma_start3A_298 = tpu.memref_squeeze %dma_start3A_297 : memref<1x128xi32, #tpu.memory_space<vmem>> -> memref<128xi32, #tpu.memory_space<vmem>>
    %dma_start3A_299 = arith.constant 0 : i32
    %dma_start3A_300 = tpu.memref_slice %arg10[%dma_start3A_299] : memref<10240xf32, #tpu.memory_space<vmem_shared>> -> memref<10240xf32, #tpu.memory_space<vmem_shared>>
    tpu.enqueue_indirect_dma source(%arg7 : memref<128xf32, #tpu.memory_space<vmem>>) target(%dma_start3A_300 : memref<10240xf32, #tpu.memory_space<vmem_shared>>) offsets(%dma_start3A_298 : memref<128xi32, #tpu.memory_space<vmem>>) semaphore(%arg12 : memref<!tpu.dma_semaphore, #tpu.memory_space<semaphore_mem>>) {add = true}
    %dma_start3A_301 = arith.constant 0 : i32
    %dma_start3A_302 = arith.constant 0 : i32
    %dma_start3A_303 = arith.constant 0 : i32
    %dma_start3A_304 = tpu.memref_slice %arg8[%dma_start3A_301, %dma_start3A_303] : memref<8x128xf32, #tpu.memory_space<vmem>> -> memref<1x128xf32, #tpu.memory_space<vmem>>
    %dma_start3A_305 = tpu.memref_squeeze %dma_start3A_304 : memref<1x128xf32, #tpu.memory_space<vmem>> -> memref<128xf32, #tpu.memory_space<vmem>>
    %dma_start3A_306 = arith.constant 0 : i32
    %dma_start3A_307 = tpu.memref_slice %arg6[%dma_start3A_302, %dma_start3A_306] : memref<8x128xi32, #tpu.memory_space<vmem>> -> memref<1x128xi32, #tpu.memory_space<vmem>>
    %dma_start3A_308 = tpu.memref_squeeze %dma_start3A_307 : memref<1x128xi32, #tpu.memory_space<vmem>> -> memref<128xi32, #tpu.memory_space<vmem>>
    %dma_start3A_309 = arith.constant 0 : i32
    %dma_start3A_310 = tpu.memref_slice %arg11[%dma_start3A_309] : memref<10240xf32, #tpu.memory_space<vmem_shared>> -> memref<10240xf32, #tpu.memory_space<vmem_shared>>
    tpu.enqueue_indirect_dma source(%dma_start3A_305 : memref<128xf32, #tpu.memory_space<vmem>>) target(%dma_start3A_310 : memref<10240xf32, #tpu.memory_space<vmem_shared>>) offsets(%dma_start3A_308 : memref<128xi32, #tpu.memory_space<vmem>>) semaphore(%arg12 : memref<!tpu.dma_semaphore, #tpu.memory_space<semaphore_mem>>) {add = true}
    %while3A_311 = arith.constant 0 : i32
    %while3A_312 = arith.constant 1 : i32
    %while3A_313 = arith.constant 0 : i32
    %while3A_314 = arith.constant 0 : i32
    %while3A_315 = arith.constant 40 : i32
    %while3A_316 = arith.subi %while3A_315, %while3A_314 : i32
    %while3A_317 = arith.addi %while3A_314, %while3A_316 : i32
    %while3A_318 = arith.constant 1 : i32
    %while3A_319 = arith.divsi %while3A_316, %while3A_318 : i32
    %while3A_320 = arith.muli %while3A_319, %while3A_318 : i32
    %while3A_321 = arith.addi %while3A_314, %while3A_320 : i32
    %while3A_322 = arith.constant 1 : i32
    scf.for %while3A_325 = %while3A_314 to %while3A_321 step %while3A_322  : i32 {
      %mul3A_326 = arith.constant 2 : i32
      %mul3A_327 = arith.muli %mul3A_326, %while3A_325 : i32
      %add3A_328 = arith.constant 1 : i32
      %add3A_329 = arith.addi %mul3A_327, %add3A_328 : i32
      %get3A_330 = arith.index_cast %add3A_329 : i32 to index
      %get3A_331 = arith.constant 0 : index
      %get3A_332 = tpu.vector_load %arg5[%get3A_330, %get3A_331] {strides = array<i32>} : memref<80x128xi32, #tpu.memory_space<vmem>>, vector<1x16xi32>,
      %get3A_333 = vector.shape_cast %get3A_332 : vector<1x16xi32> to vector<16xi32>
      %shift_right_logical3A_334 = arith.constant 14 : i32
      %shift_right_logical3A_335 = vector.broadcast %shift_right_logical3A_334 : i32 to vector<16xi32>
      %shift_right_logical3A_336 = arith.shrui %get3A_333, %shift_right_logical3A_335 : vector<16xi32>
      %and3A_337 = arith.constant 16383 : i32
      %and3A_338 = vector.broadcast %and3A_337 : i32 to vector<16xi32>
      %and3A_339 = arith.andi %get3A_333, %and3A_338 : vector<16xi32>
      %swap3A_340 = arith.constant 1 : i64
      %swap3A_341 = arith.index_cast %swap3A_340 : i64 to index
      %swap3A_342 = arith.constant 0 : index
      %swap3A_343 = tpu.vector_load %arg6[%swap3A_341, %swap3A_342] {strides = array<i32>} : memref<8x128xi32, #tpu.memory_space<vmem>>, vector<1x16xi32>,
      %swap3A_344 = vector.shape_cast %swap3A_343 : vector<1x16xi32> to vector<16xi32>
      %swap3A_345 = vector.shape_cast %shift_right_logical3A_336 : vector<16xi32> to vector<1x16xi32>
      tpu.vector_store %arg6[%swap3A_341, %swap3A_342], %swap3A_345 {strides = array<i32>} : memref<8x128xi32, #tpu.memory_space<vmem>>, vector<1x16xi32>,
      %sub3A_346 = arith.subi %shift_right_logical3A_336, %and3A_339 : vector<16xi32>
      %abs3A_347 = math.absi %sub3A_346 : vector<16xi32>
      %min3A_348 = arith.constant 1 : i32
      %min3A_349 = vector.broadcast %min3A_348 : i32 to vector<16xi32>
      %min3A_350 = arith.minsi %abs3A_347, %min3A_349 : vector<16xi32>
      %sub3A_351 = arith.constant 1 : i32
      %sub3A_352 = vector.broadcast %sub3A_351 : i32 to vector<16xi32>
      %sub3A_353 = arith.subi %sub3A_352, %min3A_350 : vector<16xi32>
      %convert_element_type3A_354 = arith.sitofp %sub3A_353 : vector<16xi32> to vector<16xf32>
      %swap3A_355 = arith.constant 1 : i64
      %swap3A_356 = arith.index_cast %swap3A_355 : i64 to index
      %swap3A_357 = arith.constant 0 : index
      %swap3A_358 = tpu.vector_load %arg8[%swap3A_356, %swap3A_357] {strides = array<i32>} : memref<8x128xf32, #tpu.memory_space<vmem>>, vector<1x16xf32>,
      %swap3A_359 = vector.shape_cast %swap3A_358 : vector<1x16xf32> to vector<16xf32>
      %swap3A_360 = vector.shape_cast %convert_element_type3A_354 : vector<16xf32> to vector<1x16xf32>
      tpu.vector_store %arg8[%swap3A_356, %swap3A_357], %swap3A_360 {strides = array<i32>} : memref<8x128xf32, #tpu.memory_space<vmem>>, vector<1x16xf32>,
      %get3A_361 = arith.index_cast %add3A_329 : i32 to index
      %get3A_362 = arith.constant 16 : index
      %get3A_363 = tpu.vector_load %arg5[%get3A_361, %get3A_362] {strides = array<i32>} : memref<80x128xi32, #tpu.memory_space<vmem>>, vector<1x16xi32>,
      %get3A_364 = vector.shape_cast %get3A_363 : vector<1x16xi32> to vector<16xi32>
      %shift_right_logical3A_365 = arith.constant 14 : i32
      %shift_right_logical3A_366 = vector.broadcast %shift_right_logical3A_365 : i32 to vector<16xi32>
      %shift_right_logical3A_367 = arith.shrui %get3A_364, %shift_right_logical3A_366 : vector<16xi32>
      %and3A_368 = arith.constant 16383 : i32
      %and3A_369 = vector.broadcast %and3A_368 : i32 to vector<16xi32>
      %and3A_370 = arith.andi %get3A_364, %and3A_369 : vector<16xi32>
      %swap3A_371 = arith.constant 1 : i64
      %swap3A_372 = arith.index_cast %swap3A_371 : i64 to index
      %swap3A_373 = arith.constant 16 : index
      %swap3A_374 = tpu.vector_load %arg6[%swap3A_372, %swap3A_373] {strides = array<i32>} : memref<8x128xi32, #tpu.memory_space<vmem>>, vector<1x16xi32>,
      %swap3A_375 = vector.shape_cast %swap3A_374 : vector<1x16xi32> to vector<16xi32>
      %swap3A_376 = vector.shape_cast %shift_right_logical3A_367 : vector<16xi32> to vector<1x16xi32>
      tpu.vector_store %arg6[%swap3A_372, %swap3A_373], %swap3A_376 {strides = array<i32>} : memref<8x128xi32, #tpu.memory_space<vmem>>, vector<1x16xi32>,
      %sub3A_377 = arith.subi %shift_right_logical3A_367, %and3A_370 : vector<16xi32>
      %abs3A_378 = math.absi %sub3A_377 : vector<16xi32>
      %min3A_379 = arith.constant 1 : i32
      %min3A_380 = vector.broadcast %min3A_379 : i32 to vector<16xi32>
      %min3A_381 = arith.minsi %abs3A_378, %min3A_380 : vector<16xi32>
      %sub3A_382 = arith.constant 1 : i32
      %sub3A_383 = vector.broadcast %sub3A_382 : i32 to vector<16xi32>
      %sub3A_384 = arith.subi %sub3A_383, %min3A_381 : vector<16xi32>
      %convert_element_type3A_385 = arith.sitofp %sub3A_384 : vector<16xi32> to vector<16xf32>
      %swap3A_386 = arith.constant 1 : i64
      %swap3A_387 = arith.index_cast %swap3A_386 : i64 to index
      %swap3A_388 = arith.constant 16 : index
      %swap3A_389 = tpu.vector_load %arg8[%swap3A_387, %swap3A_388] {strides = array<i32>} : memref<8x128xf32, #tpu.memory_space<vmem>>, vector<1x16xf32>,
      %swap3A_390 = vector.shape_cast %swap3A_389 : vector<1x16xf32> to vector<16xf32>
      %swap3A_391 = vector.shape_cast %convert_element_type3A_385 : vector<16xf32> to vector<1x16xf32>
      tpu.vector_store %arg8[%swap3A_387, %swap3A_388], %swap3A_391 {strides = array<i32>} : memref<8x128xf32, #tpu.memory_space<vmem>>, vector<1x16xf32>,
      %get3A_392 = arith.index_cast %add3A_329 : i32 to index
      %get3A_393 = arith.constant 32 : index
      %get3A_394 = tpu.vector_load %arg5[%get3A_392, %get3A_393] {strides = array<i32>} : memref<80x128xi32, #tpu.memory_space<vmem>>, vector<1x16xi32>,
      %get3A_395 = vector.shape_cast %get3A_394 : vector<1x16xi32> to vector<16xi32>
      %shift_right_logical3A_396 = arith.constant 14 : i32
      %shift_right_logical3A_397 = vector.broadcast %shift_right_logical3A_396 : i32 to vector<16xi32>
      %shift_right_logical3A_398 = arith.shrui %get3A_395, %shift_right_logical3A_397 : vector<16xi32>
      %and3A_399 = arith.constant 16383 : i32
      %and3A_400 = vector.broadcast %and3A_399 : i32 to vector<16xi32>
      %and3A_401 = arith.andi %get3A_395, %and3A_400 : vector<16xi32>
      %swap3A_402 = arith.constant 1 : i64
      %swap3A_403 = arith.index_cast %swap3A_402 : i64 to index
      %swap3A_404 = arith.constant 32 : index
      %swap3A_405 = tpu.vector_load %arg6[%swap3A_403, %swap3A_404] {strides = array<i32>} : memref<8x128xi32, #tpu.memory_space<vmem>>, vector<1x16xi32>,
      %swap3A_406 = vector.shape_cast %swap3A_405 : vector<1x16xi32> to vector<16xi32>
      %swap3A_407 = vector.shape_cast %shift_right_logical3A_398 : vector<16xi32> to vector<1x16xi32>
      tpu.vector_store %arg6[%swap3A_403, %swap3A_404], %swap3A_407 {strides = array<i32>} : memref<8x128xi32, #tpu.memory_space<vmem>>, vector<1x16xi32>,
      %sub3A_408 = arith.subi %shift_right_logical3A_398, %and3A_401 : vector<16xi32>
      %abs3A_409 = math.absi %sub3A_408 : vector<16xi32>
      %min3A_410 = arith.constant 1 : i32
      %min3A_411 = vector.broadcast %min3A_410 : i32 to vector<16xi32>
      %min3A_412 = arith.minsi %abs3A_409, %min3A_411 : vector<16xi32>
      %sub3A_413 = arith.constant 1 : i32
      %sub3A_414 = vector.broadcast %sub3A_413 : i32 to vector<16xi32>
      %sub3A_415 = arith.subi %sub3A_414, %min3A_412 : vector<16xi32>
      %convert_element_type3A_416 = arith.sitofp %sub3A_415 : vector<16xi32> to vector<16xf32>
      %swap3A_417 = arith.constant 1 : i64
      %swap3A_418 = arith.index_cast %swap3A_417 : i64 to index
      %swap3A_419 = arith.constant 32 : index
      %swap3A_420 = tpu.vector_load %arg8[%swap3A_418, %swap3A_419] {strides = array<i32>} : memref<8x128xf32, #tpu.memory_space<vmem>>, vector<1x16xf32>,
      %swap3A_421 = vector.shape_cast %swap3A_420 : vector<1x16xf32> to vector<16xf32>
      %swap3A_422 = vector.shape_cast %convert_element_type3A_416 : vector<16xf32> to vector<1x16xf32>
      tpu.vector_store %arg8[%swap3A_418, %swap3A_419], %swap3A_422 {strides = array<i32>} : memref<8x128xf32, #tpu.memory_space<vmem>>, vector<1x16xf32>,
      %get3A_423 = arith.index_cast %add3A_329 : i32 to index
      %get3A_424 = arith.constant 48 : index
      %get3A_425 = tpu.vector_load %arg5[%get3A_423, %get3A_424] {strides = array<i32>} : memref<80x128xi32, #tpu.memory_space<vmem>>, vector<1x16xi32>,
      %get3A_426 = vector.shape_cast %get3A_425 : vector<1x16xi32> to vector<16xi32>
      %shift_right_logical3A_427 = arith.constant 14 : i32
      %shift_right_logical3A_428 = vector.broadcast %shift_right_logical3A_427 : i32 to vector<16xi32>
      %shift_right_logical3A_429 = arith.shrui %get3A_426, %shift_right_logical3A_428 : vector<16xi32>
      %and3A_430 = arith.constant 16383 : i32
      %and3A_431 = vector.broadcast %and3A_430 : i32 to vector<16xi32>
      %and3A_432 = arith.andi %get3A_426, %and3A_431 : vector<16xi32>
      %swap3A_433 = arith.constant 1 : i64
      %swap3A_434 = arith.index_cast %swap3A_433 : i64 to index
      %swap3A_435 = arith.constant 48 : index
      %swap3A_436 = tpu.vector_load %arg6[%swap3A_434, %swap3A_435] {strides = array<i32>} : memref<8x128xi32, #tpu.memory_space<vmem>>, vector<1x16xi32>,
      %swap3A_437 = vector.shape_cast %swap3A_436 : vector<1x16xi32> to vector<16xi32>
      %swap3A_438 = vector.shape_cast %shift_right_logical3A_429 : vector<16xi32> to vector<1x16xi32>
      tpu.vector_store %arg6[%swap3A_434, %swap3A_435], %swap3A_438 {strides = array<i32>} : memref<8x128xi32, #tpu.memory_space<vmem>>, vector<1x16xi32>,
      %sub3A_439 = arith.subi %shift_right_logical3A_429, %and3A_432 : vector<16xi32>
      %abs3A_440 = math.absi %sub3A_439 : vector<16xi32>
      %min3A_441 = arith.constant 1 : i32
      %min3A_442 = vector.broadcast %min3A_441 : i32 to vector<16xi32>
      %min3A_443 = arith.minsi %abs3A_440, %min3A_442 : vector<16xi32>
      %sub3A_444 = arith.constant 1 : i32
      %sub3A_445 = vector.broadcast %sub3A_444 : i32 to vector<16xi32>
      %sub3A_446 = arith.subi %sub3A_445, %min3A_443 : vector<16xi32>
      %convert_element_type3A_447 = arith.sitofp %sub3A_446 : vector<16xi32> to vector<16xf32>
      %swap3A_448 = arith.constant 1 : i64
      %swap3A_449 = arith.index_cast %swap3A_448 : i64 to index
      %swap3A_450 = arith.constant 48 : index
      %swap3A_451 = tpu.vector_load %arg8[%swap3A_449, %swap3A_450] {strides = array<i32>} : memref<8x128xf32, #tpu.memory_space<vmem>>, vector<1x16xf32>,
      %swap3A_452 = vector.shape_cast %swap3A_451 : vector<1x16xf32> to vector<16xf32>
      %swap3A_453 = vector.shape_cast %convert_element_type3A_447 : vector<16xf32> to vector<1x16xf32>
      tpu.vector_store %arg8[%swap3A_449, %swap3A_450], %swap3A_453 {strides = array<i32>} : memref<8x128xf32, #tpu.memory_space<vmem>>, vector<1x16xf32>,
      %get3A_454 = arith.index_cast %add3A_329 : i32 to index
      %get3A_455 = arith.constant 64 : index
      %get3A_456 = tpu.vector_load %arg5[%get3A_454, %get3A_455] {strides = array<i32>} : memref<80x128xi32, #tpu.memory_space<vmem>>, vector<1x16xi32>,
      %get3A_457 = vector.shape_cast %get3A_456 : vector<1x16xi32> to vector<16xi32>
      %shift_right_logical3A_458 = arith.constant 14 : i32
      %shift_right_logical3A_459 = vector.broadcast %shift_right_logical3A_458 : i32 to vector<16xi32>
      %shift_right_logical3A_460 = arith.shrui %get3A_457, %shift_right_logical3A_459 : vector<16xi32>
      %and3A_461 = arith.constant 16383 : i32
      %and3A_462 = vector.broadcast %and3A_461 : i32 to vector<16xi32>
      %and3A_463 = arith.andi %get3A_457, %and3A_462 : vector<16xi32>
      %swap3A_464 = arith.constant 1 : i64
      %swap3A_465 = arith.index_cast %swap3A_464 : i64 to index
      %swap3A_466 = arith.constant 64 : index
      %swap3A_467 = tpu.vector_load %arg6[%swap3A_465, %swap3A_466] {strides = array<i32>} : memref<8x128xi32, #tpu.memory_space<vmem>>, vector<1x16xi32>,
      %swap3A_468 = vector.shape_cast %swap3A_467 : vector<1x16xi32> to vector<16xi32>
      %swap3A_469 = vector.shape_cast %shift_right_logical3A_460 : vector<16xi32> to vector<1x16xi32>
      tpu.vector_store %arg6[%swap3A_465, %swap3A_466], %swap3A_469 {strides = array<i32>} : memref<8x128xi32, #tpu.memory_space<vmem>>, vector<1x16xi32>,
      %sub3A_470 = arith.subi %shift_right_logical3A_460, %and3A_463 : vector<16xi32>
      %abs3A_471 = math.absi %sub3A_470 : vector<16xi32>
      %min3A_472 = arith.constant 1 : i32
      %min3A_473 = vector.broadcast %min3A_472 : i32 to vector<16xi32>
      %min3A_474 = arith.minsi %abs3A_471, %min3A_473 : vector<16xi32>
      %sub3A_475 = arith.constant 1 : i32
      %sub3A_476 = vector.broadcast %sub3A_475 : i32 to vector<16xi32>
      %sub3A_477 = arith.subi %sub3A_476, %min3A_474 : vector<16xi32>
      %convert_element_type3A_478 = arith.sitofp %sub3A_477 : vector<16xi32> to vector<16xf32>
      %swap3A_479 = arith.constant 1 : i64
      %swap3A_480 = arith.index_cast %swap3A_479 : i64 to index
      %swap3A_481 = arith.constant 64 : index
      %swap3A_482 = tpu.vector_load %arg8[%swap3A_480, %swap3A_481] {strides = array<i32>} : memref<8x128xf32, #tpu.memory_space<vmem>>, vector<1x16xf32>,
      %swap3A_483 = vector.shape_cast %swap3A_482 : vector<1x16xf32> to vector<16xf32>
      %swap3A_484 = vector.shape_cast %convert_element_type3A_478 : vector<16xf32> to vector<1x16xf32>
      tpu.vector_store %arg8[%swap3A_480, %swap3A_481], %swap3A_484 {strides = array<i32>} : memref<8x128xf32, #tpu.memory_space<vmem>>, vector<1x16xf32>,
      %get3A_485 = arith.index_cast %add3A_329 : i32 to index
      %get3A_486 = arith.constant 80 : index
      %get3A_487 = tpu.vector_load %arg5[%get3A_485, %get3A_486] {strides = array<i32>} : memref<80x128xi32, #tpu.memory_space<vmem>>, vector<1x16xi32>,
      %get3A_488 = vector.shape_cast %get3A_487 : vector<1x16xi32> to vector<16xi32>
      %shift_right_logical3A_489 = arith.constant 14 : i32
      %shift_right_logical3A_490 = vector.broadcast %shift_right_logical3A_489 : i32 to vector<16xi32>
      %shift_right_logical3A_491 = arith.shrui %get3A_488, %shift_right_logical3A_490 : vector<16xi32>
      %and3A_492 = arith.constant 16383 : i32
      %and3A_493 = vector.broadcast %and3A_492 : i32 to vector<16xi32>
      %and3A_494 = arith.andi %get3A_488, %and3A_493 : vector<16xi32>
      %swap3A_495 = arith.constant 1 : i64
      %swap3A_496 = arith.index_cast %swap3A_495 : i64 to index
      %swap3A_497 = arith.constant 80 : index
      %swap3A_498 = tpu.vector_load %arg6[%swap3A_496, %swap3A_497] {strides = array<i32>} : memref<8x128xi32, #tpu.memory_space<vmem>>, vector<1x16xi32>,
      %swap3A_499 = vector.shape_cast %swap3A_498 : vector<1x16xi32> to vector<16xi32>
      %swap3A_500 = vector.shape_cast %shift_right_logical3A_491 : vector<16xi32> to vector<1x16xi32>
      tpu.vector_store %arg6[%swap3A_496, %swap3A_497], %swap3A_500 {strides = array<i32>} : memref<8x128xi32, #tpu.memory_space<vmem>>, vector<1x16xi32>,
      %sub3A_501 = arith.subi %shift_right_logical3A_491, %and3A_494 : vector<16xi32>
      %abs3A_502 = math.absi %sub3A_501 : vector<16xi32>
      %min3A_503 = arith.constant 1 : i32
      %min3A_504 = vector.broadcast %min3A_503 : i32 to vector<16xi32>
      %min3A_505 = arith.minsi %abs3A_502, %min3A_504 : vector<16xi32>
      %sub3A_506 = arith.constant 1 : i32
      %sub3A_507 = vector.broadcast %sub3A_506 : i32 to vector<16xi32>
      %sub3A_508 = arith.subi %sub3A_507, %min3A_505 : vector<16xi32>
      %convert_element_type3A_509 = arith.sitofp %sub3A_508 : vector<16xi32> to vector<16xf32>
      %swap3A_510 = arith.constant 1 : i64
      %swap3A_511 = arith.index_cast %swap3A_510 : i64 to index
      %swap3A_512 = arith.constant 80 : index
      %swap3A_513 = tpu.vector_load %arg8[%swap3A_511, %swap3A_512] {strides = array<i32>} : memref<8x128xf32, #tpu.memory_space<vmem>>, vector<1x16xf32>,
      %swap3A_514 = vector.shape_cast %swap3A_513 : vector<1x16xf32> to vector<16xf32>
      %swap3A_515 = vector.shape_cast %convert_element_type3A_509 : vector<16xf32> to vector<1x16xf32>
      tpu.vector_store %arg8[%swap3A_511, %swap3A_512], %swap3A_515 {strides = array<i32>} : memref<8x128xf32, #tpu.memory_space<vmem>>, vector<1x16xf32>,
      %get3A_516 = arith.index_cast %add3A_329 : i32 to index
      %get3A_517 = arith.constant 96 : index
      %get3A_518 = tpu.vector_load %arg5[%get3A_516, %get3A_517] {strides = array<i32>} : memref<80x128xi32, #tpu.memory_space<vmem>>, vector<1x16xi32>,
      %get3A_519 = vector.shape_cast %get3A_518 : vector<1x16xi32> to vector<16xi32>
      %shift_right_logical3A_520 = arith.constant 14 : i32
      %shift_right_logical3A_521 = vector.broadcast %shift_right_logical3A_520 : i32 to vector<16xi32>
      %shift_right_logical3A_522 = arith.shrui %get3A_519, %shift_right_logical3A_521 : vector<16xi32>
      %and3A_523 = arith.constant 16383 : i32
      %and3A_524 = vector.broadcast %and3A_523 : i32 to vector<16xi32>
      %and3A_525 = arith.andi %get3A_519, %and3A_524 : vector<16xi32>
      %swap3A_526 = arith.constant 1 : i64
      %swap3A_527 = arith.index_cast %swap3A_526 : i64 to index
      %swap3A_528 = arith.constant 96 : index
      %swap3A_529 = tpu.vector_load %arg6[%swap3A_527, %swap3A_528] {strides = array<i32>} : memref<8x128xi32, #tpu.memory_space<vmem>>, vector<1x16xi32>,
      %swap3A_530 = vector.shape_cast %swap3A_529 : vector<1x16xi32> to vector<16xi32>
      %swap3A_531 = vector.shape_cast %shift_right_logical3A_522 : vector<16xi32> to vector<1x16xi32>
      tpu.vector_store %arg6[%swap3A_527, %swap3A_528], %swap3A_531 {strides = array<i32>} : memref<8x128xi32, #tpu.memory_space<vmem>>, vector<1x16xi32>,
      %sub3A_532 = arith.subi %shift_right_logical3A_522, %and3A_525 : vector<16xi32>
      %abs3A_533 = math.absi %sub3A_532 : vector<16xi32>
      %min3A_534 = arith.constant 1 : i32
      %min3A_535 = vector.broadcast %min3A_534 : i32 to vector<16xi32>
      %min3A_536 = arith.minsi %abs3A_533, %min3A_535 : vector<16xi32>
      %sub3A_537 = arith.constant 1 : i32
      %sub3A_538 = vector.broadcast %sub3A_537 : i32 to vector<16xi32>
      %sub3A_539 = arith.subi %sub3A_538, %min3A_536 : vector<16xi32>
      %convert_element_type3A_540 = arith.sitofp %sub3A_539 : vector<16xi32> to vector<16xf32>
      %swap3A_541 = arith.constant 1 : i64
      %swap3A_542 = arith.index_cast %swap3A_541 : i64 to index
      %swap3A_543 = arith.constant 96 : index
      %swap3A_544 = tpu.vector_load %arg8[%swap3A_542, %swap3A_543] {strides = array<i32>} : memref<8x128xf32, #tpu.memory_space<vmem>>, vector<1x16xf32>,
      %swap3A_545 = vector.shape_cast %swap3A_544 : vector<1x16xf32> to vector<16xf32>
      %swap3A_546 = vector.shape_cast %convert_element_type3A_540 : vector<16xf32> to vector<1x16xf32>
      tpu.vector_store %arg8[%swap3A_542, %swap3A_543], %swap3A_546 {strides = array<i32>} : memref<8x128xf32, #tpu.memory_space<vmem>>, vector<1x16xf32>,
      %get3A_547 = arith.index_cast %add3A_329 : i32 to index
      %get3A_548 = arith.constant 112 : index
      %get3A_549 = tpu.vector_load %arg5[%get3A_547, %get3A_548] {strides = array<i32>} : memref<80x128xi32, #tpu.memory_space<vmem>>, vector<1x16xi32>,
      %get3A_550 = vector.shape_cast %get3A_549 : vector<1x16xi32> to vector<16xi32>
      %shift_right_logical3A_551 = arith.constant 14 : i32
      %shift_right_logical3A_552 = vector.broadcast %shift_right_logical3A_551 : i32 to vector<16xi32>
      %shift_right_logical3A_553 = arith.shrui %get3A_550, %shift_right_logical3A_552 : vector<16xi32>
      %and3A_554 = arith.constant 16383 : i32
      %and3A_555 = vector.broadcast %and3A_554 : i32 to vector<16xi32>
      %and3A_556 = arith.andi %get3A_550, %and3A_555 : vector<16xi32>
      %swap3A_557 = arith.constant 1 : i64
      %swap3A_558 = arith.index_cast %swap3A_557 : i64 to index
      %swap3A_559 = arith.constant 112 : index
      %swap3A_560 = tpu.vector_load %arg6[%swap3A_558, %swap3A_559] {strides = array<i32>} : memref<8x128xi32, #tpu.memory_space<vmem>>, vector<1x16xi32>,
      %swap3A_561 = vector.shape_cast %swap3A_560 : vector<1x16xi32> to vector<16xi32>
      %swap3A_562 = vector.shape_cast %shift_right_logical3A_553 : vector<16xi32> to vector<1x16xi32>
      tpu.vector_store %arg6[%swap3A_558, %swap3A_559], %swap3A_562 {strides = array<i32>} : memref<8x128xi32, #tpu.memory_space<vmem>>, vector<1x16xi32>,
      %sub3A_563 = arith.subi %shift_right_logical3A_553, %and3A_556 : vector<16xi32>
      %abs3A_564 = math.absi %sub3A_563 : vector<16xi32>
      %min3A_565 = arith.constant 1 : i32
      %min3A_566 = vector.broadcast %min3A_565 : i32 to vector<16xi32>
      %min3A_567 = arith.minsi %abs3A_564, %min3A_566 : vector<16xi32>
      %sub3A_568 = arith.constant 1 : i32
      %sub3A_569 = vector.broadcast %sub3A_568 : i32 to vector<16xi32>
      %sub3A_570 = arith.subi %sub3A_569, %min3A_567 : vector<16xi32>
      %convert_element_type3A_571 = arith.sitofp %sub3A_570 : vector<16xi32> to vector<16xf32>
      %swap3A_572 = arith.constant 1 : i64
      %swap3A_573 = arith.index_cast %swap3A_572 : i64 to index
      %swap3A_574 = arith.constant 112 : index
      %swap3A_575 = tpu.vector_load %arg8[%swap3A_573, %swap3A_574] {strides = array<i32>} : memref<8x128xf32, #tpu.memory_space<vmem>>, vector<1x16xf32>,
      %swap3A_576 = vector.shape_cast %swap3A_575 : vector<1x16xf32> to vector<16xf32>
      %swap3A_577 = vector.shape_cast %convert_element_type3A_571 : vector<16xf32> to vector<1x16xf32>
      tpu.vector_store %arg8[%swap3A_573, %swap3A_574], %swap3A_577 {strides = array<i32>} : memref<8x128xf32, #tpu.memory_space<vmem>>, vector<1x16xf32>,
      %dma_start3A_578 = arith.constant 0 : i32
      %dma_start3A_579 = tpu.memref_slice %arg6[%while3A_312, %dma_start3A_578] : memref<8x128xi32, #tpu.memory_space<vmem>> -> memref<1x128xi32, #tpu.memory_space<vmem>>
      %dma_start3A_580 = tpu.memref_squeeze %dma_start3A_579 : memref<1x128xi32, #tpu.memory_space<vmem>> -> memref<128xi32, #tpu.memory_space<vmem>>
      %dma_start3A_581 = arith.constant 0 : i32
      %dma_start3A_582 = tpu.memref_slice %arg10[%dma_start3A_581] : memref<10240xf32, #tpu.memory_space<vmem_shared>> -> memref<10240xf32, #tpu.memory_space<vmem_shared>>
      tpu.enqueue_indirect_dma source(%arg7 : memref<128xf32, #tpu.memory_space<vmem>>) target(%dma_start3A_582 : memref<10240xf32, #tpu.memory_space<vmem_shared>>) offsets(%dma_start3A_580 : memref<128xi32, #tpu.memory_space<vmem>>) semaphore(%arg13 : memref<!tpu.dma_semaphore, #tpu.memory_space<semaphore_mem>>) {add = true}
      %dma_start3A_583 = arith.constant 0 : i32
      %dma_start3A_584 = tpu.memref_slice %arg8[%while3A_312, %dma_start3A_583] : memref<8x128xf32, #tpu.memory_space<vmem>> -> memref<1x128xf32, #tpu.memory_space<vmem>>
      %dma_start3A_585 = tpu.memref_squeeze %dma_start3A_584 : memref<1x128xf32, #tpu.memory_space<vmem>> -> memref<128xf32, #tpu.memory_space<vmem>>
      %dma_start3A_586 = arith.constant 0 : i32
      %dma_start3A_587 = tpu.memref_slice %arg6[%while3A_312, %dma_start3A_586] : memref<8x128xi32, #tpu.memory_space<vmem>> -> memref<1x128xi32, #tpu.memory_space<vmem>>
      %dma_start3A_588 = tpu.memref_squeeze %dma_start3A_587 : memref<1x128xi32, #tpu.memory_space<vmem>> -> memref<128xi32, #tpu.memory_space<vmem>>
      %dma_start3A_589 = arith.constant 0 : i32
      %dma_start3A_590 = tpu.memref_slice %arg11[%dma_start3A_589] : memref<10240xf32, #tpu.memory_space<vmem_shared>> -> memref<10240xf32, #tpu.memory_space<vmem_shared>>
      tpu.enqueue_indirect_dma source(%dma_start3A_585 : memref<128xf32, #tpu.memory_space<vmem>>) target(%dma_start3A_590 : memref<10240xf32, #tpu.memory_space<vmem_shared>>) offsets(%dma_start3A_588 : memref<128xi32, #tpu.memory_space<vmem>>) semaphore(%arg13 : memref<!tpu.dma_semaphore, #tpu.memory_space<semaphore_mem>>) {add = true}
      %dma_wait3A = arith.constant 0 : i32
      %dma_wait3A_591 = tpu.memref_slice %arg6[%while3A_313, %dma_wait3A] : memref<8x128xi32, #tpu.memory_space<vmem>> -> memref<1x128xi32, #tpu.memory_space<vmem>>
      %dma_wait3A_592 = tpu.memref_squeeze %dma_wait3A_591 : memref<1x128xi32, #tpu.memory_space<vmem>> -> memref<128xi32, #tpu.memory_space<vmem>>
      %dma_wait3A_593 = arith.constant 0 : i32
      %dma_wait3A_594 = tpu.memref_slice %arg10[%dma_wait3A_593] : memref<10240xf32, #tpu.memory_space<vmem_shared>> -> memref<10240xf32, #tpu.memory_space<vmem_shared>>
      tpu.wait_indirect_dma semaphore(%arg12 : memref<!tpu.dma_semaphore, #tpu.memory_space<semaphore_mem>>) src(%arg7 : memref<128xf32, #tpu.memory_space<vmem>>) dst(%dma_wait3A_594 : memref<10240xf32, #tpu.memory_space<vmem_shared>>)
      %dma_wait3A_595 = arith.constant 0 : i32
      %dma_wait3A_596 = tpu.memref_slice %arg8[%while3A_313, %dma_wait3A_595] : memref<8x128xf32, #tpu.memory_space<vmem>> -> memref<1x128xf32, #tpu.memory_space<vmem>>
      %dma_wait3A_597 = tpu.memref_squeeze %dma_wait3A_596 : memref<1x128xf32, #tpu.memory_space<vmem>> -> memref<128xf32, #tpu.memory_space<vmem>>
      %dma_wait3A_598 = arith.constant 0 : i32
      %dma_wait3A_599 = tpu.memref_slice %arg6[%while3A_313, %dma_wait3A_598] : memref<8x128xi32, #tpu.memory_space<vmem>> -> memref<1x128xi32, #tpu.memory_space<vmem>>
      %dma_wait3A_600 = tpu.memref_squeeze %dma_wait3A_599 : memref<1x128xi32, #tpu.memory_space<vmem>> -> memref<128xi32, #tpu.memory_space<vmem>>
      %dma_wait3A_601 = arith.constant 0 : i32
      %dma_wait3A_602 = tpu.memref_slice %arg11[%dma_wait3A_601] : memref<10240xf32, #tpu.memory_space<vmem_shared>> -> memref<10240xf32, #tpu.memory_space<vmem_shared>>
      tpu.wait_indirect_dma semaphore(%arg12 : memref<!tpu.dma_semaphore, #tpu.memory_space<semaphore_mem>>) src(%dma_wait3A_597 : memref<128xf32, #tpu.memory_space<vmem>>) dst(%dma_wait3A_602 : memref<10240xf32, #tpu.memory_space<vmem_shared>>)
      %add3A_603 = arith.constant 2 : i32
      %add3A_604 = arith.addi %mul3A_327, %add3A_603 : i32
      %lt3A = arith.constant 80 : i32
      %lt3A_605 = arith.cmpi slt, %add3A_604, %lt3A : i32
      %convert_element_type3A_606 = arith.extui %lt3A_605 : i1 to i32
      %cond3A = arith.constant 0 : i32
      %cond3A_607 = arith.cmpi ne, %convert_element_type3A_606, %cond3A : i32
      scf.if %cond3A_607 {
        %add3A_621 = arith.constant 2 : i32
        %add3A_622 = arith.addi %mul3A_327, %add3A_621 : i32
        %get3A_623 = arith.index_cast %add3A_622 : i32 to index
        %get3A_624 = arith.constant 0 : index
        %get3A_625 = tpu.vector_load %arg5[%get3A_623, %get3A_624] {strides = array<i32>} : memref<80x128xi32, #tpu.memory_space<vmem>>, vector<1x16xi32>,
        %get3A_626 = vector.shape_cast %get3A_625 : vector<1x16xi32> to vector<16xi32>
        %shift_right_logical3A_627 = arith.constant 14 : i32
        %shift_right_logical3A_628 = vector.broadcast %shift_right_logical3A_627 : i32 to vector<16xi32>
        %shift_right_logical3A_629 = arith.shrui %get3A_626, %shift_right_logical3A_628 : vector<16xi32>
        %and3A_630 = arith.constant 16383 : i32
        %and3A_631 = vector.broadcast %and3A_630 : i32 to vector<16xi32>
        %and3A_632 = arith.andi %get3A_626, %and3A_631 : vector<16xi32>
        %swap3A_633 = arith.constant 0 : i64
        %swap3A_634 = arith.index_cast %swap3A_633 : i64 to index
        %swap3A_635 = arith.constant 0 : index
        %swap3A_636 = tpu.vector_load %arg6[%swap3A_634, %swap3A_635] {strides = array<i32>} : memref<8x128xi32, #tpu.memory_space<vmem>>, vector<1x16xi32>,
        %swap3A_637 = vector.shape_cast %swap3A_636 : vector<1x16xi32> to vector<16xi32>
        %swap3A_638 = vector.shape_cast %shift_right_logical3A_629 : vector<16xi32> to vector<1x16xi32>
        tpu.vector_store %arg6[%swap3A_634, %swap3A_635], %swap3A_638 {strides = array<i32>} : memref<8x128xi32, #tpu.memory_space<vmem>>, vector<1x16xi32>,
        %sub3A_639 = arith.subi %shift_right_logical3A_629, %and3A_632 : vector<16xi32>
        %abs3A_640 = math.absi %sub3A_639 : vector<16xi32>
        %min3A_641 = arith.constant 1 : i32
        %min3A_642 = vector.broadcast %min3A_641 : i32 to vector<16xi32>
        %min3A_643 = arith.minsi %abs3A_640, %min3A_642 : vector<16xi32>
        %sub3A_644 = arith.constant 1 : i32
        %sub3A_645 = vector.broadcast %sub3A_644 : i32 to vector<16xi32>
        %sub3A_646 = arith.subi %sub3A_645, %min3A_643 : vector<16xi32>
        %convert_element_type3A_647 = arith.sitofp %sub3A_646 : vector<16xi32> to vector<16xf32>
        %swap3A_648 = arith.constant 0 : i64
        %swap3A_649 = arith.index_cast %swap3A_648 : i64 to index
        %swap3A_650 = arith.constant 0 : index
        %swap3A_651 = tpu.vector_load %arg8[%swap3A_649, %swap3A_650] {strides = array<i32>} : memref<8x128xf32, #tpu.memory_space<vmem>>, vector<1x16xf32>,
        %swap3A_652 = vector.shape_cast %swap3A_651 : vector<1x16xf32> to vector<16xf32>
        %swap3A_653 = vector.shape_cast %convert_element_type3A_647 : vector<16xf32> to vector<1x16xf32>
        tpu.vector_store %arg8[%swap3A_649, %swap3A_650], %swap3A_653 {strides = array<i32>} : memref<8x128xf32, #tpu.memory_space<vmem>>, vector<1x16xf32>,
        %get3A_654 = arith.index_cast %add3A_622 : i32 to index
        %get3A_655 = arith.constant 16 : index
        %get3A_656 = tpu.vector_load %arg5[%get3A_654, %get3A_655] {strides = array<i32>} : memref<80x128xi32, #tpu.memory_space<vmem>>, vector<1x16xi32>,
        %get3A_657 = vector.shape_cast %get3A_656 : vector<1x16xi32> to vector<16xi32>
        %shift_right_logical3A_658 = arith.constant 14 : i32
        %shift_right_logical3A_659 = vector.broadcast %shift_right_logical3A_658 : i32 to vector<16xi32>
        %shift_right_logical3A_660 = arith.shrui %get3A_657, %shift_right_logical3A_659 : vector<16xi32>
        %and3A_661 = arith.constant 16383 : i32
        %and3A_662 = vector.broadcast %and3A_661 : i32 to vector<16xi32>
        %and3A_663 = arith.andi %get3A_657, %and3A_662 : vector<16xi32>
        %swap3A_664 = arith.constant 0 : i64
        %swap3A_665 = arith.index_cast %swap3A_664 : i64 to index
        %swap3A_666 = arith.constant 16 : index
        %swap3A_667 = tpu.vector_load %arg6[%swap3A_665, %swap3A_666] {strides = array<i32>} : memref<8x128xi32, #tpu.memory_space<vmem>>, vector<1x16xi32>,
        %swap3A_668 = vector.shape_cast %swap3A_667 : vector<1x16xi32> to vector<16xi32>
        %swap3A_669 = vector.shape_cast %shift_right_logical3A_660 : vector<16xi32> to vector<1x16xi32>
        tpu.vector_store %arg6[%swap3A_665, %swap3A_666], %swap3A_669 {strides = array<i32>} : memref<8x128xi32, #tpu.memory_space<vmem>>, vector<1x16xi32>,
        %sub3A_670 = arith.subi %shift_right_logical3A_660, %and3A_663 : vector<16xi32>
        %abs3A_671 = math.absi %sub3A_670 : vector<16xi32>
        %min3A_672 = arith.constant 1 : i32
        %min3A_673 = vector.broadcast %min3A_672 : i32 to vector<16xi32>
        %min3A_674 = arith.minsi %abs3A_671, %min3A_673 : vector<16xi32>
        %sub3A_675 = arith.constant 1 : i32
        %sub3A_676 = vector.broadcast %sub3A_675 : i32 to vector<16xi32>
        %sub3A_677 = arith.subi %sub3A_676, %min3A_674 : vector<16xi32>
        %convert_element_type3A_678 = arith.sitofp %sub3A_677 : vector<16xi32> to vector<16xf32>
        %swap3A_679 = arith.constant 0 : i64
        %swap3A_680 = arith.index_cast %swap3A_679 : i64 to index
        %swap3A_681 = arith.constant 16 : index
        %swap3A_682 = tpu.vector_load %arg8[%swap3A_680, %swap3A_681] {strides = array<i32>} : memref<8x128xf32, #tpu.memory_space<vmem>>, vector<1x16xf32>,
        %swap3A_683 = vector.shape_cast %swap3A_682 : vector<1x16xf32> to vector<16xf32>
        %swap3A_684 = vector.shape_cast %convert_element_type3A_678 : vector<16xf32> to vector<1x16xf32>
        tpu.vector_store %arg8[%swap3A_680, %swap3A_681], %swap3A_684 {strides = array<i32>} : memref<8x128xf32, #tpu.memory_space<vmem>>, vector<1x16xf32>,
        %get3A_685 = arith.index_cast %add3A_622 : i32 to index
        %get3A_686 = arith.constant 32 : index
        %get3A_687 = tpu.vector_load %arg5[%get3A_685, %get3A_686] {strides = array<i32>} : memref<80x128xi32, #tpu.memory_space<vmem>>, vector<1x16xi32>,
        %get3A_688 = vector.shape_cast %get3A_687 : vector<1x16xi32> to vector<16xi32>
        %shift_right_logical3A_689 = arith.constant 14 : i32
        %shift_right_logical3A_690 = vector.broadcast %shift_right_logical3A_689 : i32 to vector<16xi32>
        %shift_right_logical3A_691 = arith.shrui %get3A_688, %shift_right_logical3A_690 : vector<16xi32>
        %and3A_692 = arith.constant 16383 : i32
        %and3A_693 = vector.broadcast %and3A_692 : i32 to vector<16xi32>
        %and3A_694 = arith.andi %get3A_688, %and3A_693 : vector<16xi32>
        %swap3A_695 = arith.constant 0 : i64
        %swap3A_696 = arith.index_cast %swap3A_695 : i64 to index
        %swap3A_697 = arith.constant 32 : index
        %swap3A_698 = tpu.vector_load %arg6[%swap3A_696, %swap3A_697] {strides = array<i32>} : memref<8x128xi32, #tpu.memory_space<vmem>>, vector<1x16xi32>,
        %swap3A_699 = vector.shape_cast %swap3A_698 : vector<1x16xi32> to vector<16xi32>
        %swap3A_700 = vector.shape_cast %shift_right_logical3A_691 : vector<16xi32> to vector<1x16xi32>
        tpu.vector_store %arg6[%swap3A_696, %swap3A_697], %swap3A_700 {strides = array<i32>} : memref<8x128xi32, #tpu.memory_space<vmem>>, vector<1x16xi32>,
        %sub3A_701 = arith.subi %shift_right_logical3A_691, %and3A_694 : vector<16xi32>
        %abs3A_702 = math.absi %sub3A_701 : vector<16xi32>
        %min3A_703 = arith.constant 1 : i32
        %min3A_704 = vector.broadcast %min3A_703 : i32 to vector<16xi32>
        %min3A_705 = arith.minsi %abs3A_702, %min3A_704 : vector<16xi32>
        %sub3A_706 = arith.constant 1 : i32
        %sub3A_707 = vector.broadcast %sub3A_706 : i32 to vector<16xi32>
        %sub3A_708 = arith.subi %sub3A_707, %min3A_705 : vector<16xi32>
        %convert_element_type3A_709 = arith.sitofp %sub3A_708 : vector<16xi32> to vector<16xf32>
        %swap3A_710 = arith.constant 0 : i64
        %swap3A_711 = arith.index_cast %swap3A_710 : i64 to index
        %swap3A_712 = arith.constant 32 : index
        %swap3A_713 = tpu.vector_load %arg8[%swap3A_711, %swap3A_712] {strides = array<i32>} : memref<8x128xf32, #tpu.memory_space<vmem>>, vector<1x16xf32>,
        %swap3A_714 = vector.shape_cast %swap3A_713 : vector<1x16xf32> to vector<16xf32>
        %swap3A_715 = vector.shape_cast %convert_element_type3A_709 : vector<16xf32> to vector<1x16xf32>
        tpu.vector_store %arg8[%swap3A_711, %swap3A_712], %swap3A_715 {strides = array<i32>} : memref<8x128xf32, #tpu.memory_space<vmem>>, vector<1x16xf32>,
        %get3A_716 = arith.index_cast %add3A_622 : i32 to index
        %get3A_717 = arith.constant 48 : index
        %get3A_718 = tpu.vector_load %arg5[%get3A_716, %get3A_717] {strides = array<i32>} : memref<80x128xi32, #tpu.memory_space<vmem>>, vector<1x16xi32>,
        %get3A_719 = vector.shape_cast %get3A_718 : vector<1x16xi32> to vector<16xi32>
        %shift_right_logical3A_720 = arith.constant 14 : i32
        %shift_right_logical3A_721 = vector.broadcast %shift_right_logical3A_720 : i32 to vector<16xi32>
        %shift_right_logical3A_722 = arith.shrui %get3A_719, %shift_right_logical3A_721 : vector<16xi32>
        %and3A_723 = arith.constant 16383 : i32
        %and3A_724 = vector.broadcast %and3A_723 : i32 to vector<16xi32>
        %and3A_725 = arith.andi %get3A_719, %and3A_724 : vector<16xi32>
        %swap3A_726 = arith.constant 0 : i64
        %swap3A_727 = arith.index_cast %swap3A_726 : i64 to index
        %swap3A_728 = arith.constant 48 : index
        %swap3A_729 = tpu.vector_load %arg6[%swap3A_727, %swap3A_728] {strides = array<i32>} : memref<8x128xi32, #tpu.memory_space<vmem>>, vector<1x16xi32>,
        %swap3A_730 = vector.shape_cast %swap3A_729 : vector<1x16xi32> to vector<16xi32>
        %swap3A_731 = vector.shape_cast %shift_right_logical3A_722 : vector<16xi32> to vector<1x16xi32>
        tpu.vector_store %arg6[%swap3A_727, %swap3A_728], %swap3A_731 {strides = array<i32>} : memref<8x128xi32, #tpu.memory_space<vmem>>, vector<1x16xi32>,
        %sub3A_732 = arith.subi %shift_right_logical3A_722, %and3A_725 : vector<16xi32>
        %abs3A_733 = math.absi %sub3A_732 : vector<16xi32>
        %min3A_734 = arith.constant 1 : i32
        %min3A_735 = vector.broadcast %min3A_734 : i32 to vector<16xi32>
        %min3A_736 = arith.minsi %abs3A_733, %min3A_735 : vector<16xi32>
        %sub3A_737 = arith.constant 1 : i32
        %sub3A_738 = vector.broadcast %sub3A_737 : i32 to vector<16xi32>
        %sub3A_739 = arith.subi %sub3A_738, %min3A_736 : vector<16xi32>
        %convert_element_type3A_740 = arith.sitofp %sub3A_739 : vector<16xi32> to vector<16xf32>
        %swap3A_741 = arith.constant 0 : i64
        %swap3A_742 = arith.index_cast %swap3A_741 : i64 to index
        %swap3A_743 = arith.constant 48 : index
        %swap3A_744 = tpu.vector_load %arg8[%swap3A_742, %swap3A_743] {strides = array<i32>} : memref<8x128xf32, #tpu.memory_space<vmem>>, vector<1x16xf32>,
        %swap3A_745 = vector.shape_cast %swap3A_744 : vector<1x16xf32> to vector<16xf32>
        %swap3A_746 = vector.shape_cast %convert_element_type3A_740 : vector<16xf32> to vector<1x16xf32>
        tpu.vector_store %arg8[%swap3A_742, %swap3A_743], %swap3A_746 {strides = array<i32>} : memref<8x128xf32, #tpu.memory_space<vmem>>, vector<1x16xf32>,
        %get3A_747 = arith.index_cast %add3A_622 : i32 to index
        %get3A_748 = arith.constant 64 : index
        %get3A_749 = tpu.vector_load %arg5[%get3A_747, %get3A_748] {strides = array<i32>} : memref<80x128xi32, #tpu.memory_space<vmem>>, vector<1x16xi32>,
        %get3A_750 = vector.shape_cast %get3A_749 : vector<1x16xi32> to vector<16xi32>
        %shift_right_logical3A_751 = arith.constant 14 : i32
        %shift_right_logical3A_752 = vector.broadcast %shift_right_logical3A_751 : i32 to vector<16xi32>
        %shift_right_logical3A_753 = arith.shrui %get3A_750, %shift_right_logical3A_752 : vector<16xi32>
        %and3A_754 = arith.constant 16383 : i32
        %and3A_755 = vector.broadcast %and3A_754 : i32 to vector<16xi32>
        %and3A_756 = arith.andi %get3A_750, %and3A_755 : vector<16xi32>
        %swap3A_757 = arith.constant 0 : i64
        %swap3A_758 = arith.index_cast %swap3A_757 : i64 to index
        %swap3A_759 = arith.constant 64 : index
        %swap3A_760 = tpu.vector_load %arg6[%swap3A_758, %swap3A_759] {strides = array<i32>} : memref<8x128xi32, #tpu.memory_space<vmem>>, vector<1x16xi32>,
        %swap3A_761 = vector.shape_cast %swap3A_760 : vector<1x16xi32> to vector<16xi32>
        %swap3A_762 = vector.shape_cast %shift_right_logical3A_753 : vector<16xi32> to vector<1x16xi32>
        tpu.vector_store %arg6[%swap3A_758, %swap3A_759], %swap3A_762 {strides = array<i32>} : memref<8x128xi32, #tpu.memory_space<vmem>>, vector<1x16xi32>,
        %sub3A_763 = arith.subi %shift_right_logical3A_753, %and3A_756 : vector<16xi32>
        %abs3A_764 = math.absi %sub3A_763 : vector<16xi32>
        %min3A_765 = arith.constant 1 : i32
        %min3A_766 = vector.broadcast %min3A_765 : i32 to vector<16xi32>
        %min3A_767 = arith.minsi %abs3A_764, %min3A_766 : vector<16xi32>
        %sub3A_768 = arith.constant 1 : i32
        %sub3A_769 = vector.broadcast %sub3A_768 : i32 to vector<16xi32>
        %sub3A_770 = arith.subi %sub3A_769, %min3A_767 : vector<16xi32>
        %convert_element_type3A_771 = arith.sitofp %sub3A_770 : vector<16xi32> to vector<16xf32>
        %swap3A_772 = arith.constant 0 : i64
        %swap3A_773 = arith.index_cast %swap3A_772 : i64 to index
        %swap3A_774 = arith.constant 64 : index
        %swap3A_775 = tpu.vector_load %arg8[%swap3A_773, %swap3A_774] {strides = array<i32>} : memref<8x128xf32, #tpu.memory_space<vmem>>, vector<1x16xf32>,
        %swap3A_776 = vector.shape_cast %swap3A_775 : vector<1x16xf32> to vector<16xf32>
        %swap3A_777 = vector.shape_cast %convert_element_type3A_771 : vector<16xf32> to vector<1x16xf32>
        tpu.vector_store %arg8[%swap3A_773, %swap3A_774], %swap3A_777 {strides = array<i32>} : memref<8x128xf32, #tpu.memory_space<vmem>>, vector<1x16xf32>,
        %get3A_778 = arith.index_cast %add3A_622 : i32 to index
        %get3A_779 = arith.constant 80 : index
        %get3A_780 = tpu.vector_load %arg5[%get3A_778, %get3A_779] {strides = array<i32>} : memref<80x128xi32, #tpu.memory_space<vmem>>, vector<1x16xi32>,
        %get3A_781 = vector.shape_cast %get3A_780 : vector<1x16xi32> to vector<16xi32>
        %shift_right_logical3A_782 = arith.constant 14 : i32
        %shift_right_logical3A_783 = vector.broadcast %shift_right_logical3A_782 : i32 to vector<16xi32>
        %shift_right_logical3A_784 = arith.shrui %get3A_781, %shift_right_logical3A_783 : vector<16xi32>
        %and3A_785 = arith.constant 16383 : i32
        %and3A_786 = vector.broadcast %and3A_785 : i32 to vector<16xi32>
        %and3A_787 = arith.andi %get3A_781, %and3A_786 : vector<16xi32>
        %swap3A_788 = arith.constant 0 : i64
        %swap3A_789 = arith.index_cast %swap3A_788 : i64 to index
        %swap3A_790 = arith.constant 80 : index
        %swap3A_791 = tpu.vector_load %arg6[%swap3A_789, %swap3A_790] {strides = array<i32>} : memref<8x128xi32, #tpu.memory_space<vmem>>, vector<1x16xi32>,
        %swap3A_792 = vector.shape_cast %swap3A_791 : vector<1x16xi32> to vector<16xi32>
        %swap3A_793 = vector.shape_cast %shift_right_logical3A_784 : vector<16xi32> to vector<1x16xi32>
        tpu.vector_store %arg6[%swap3A_789, %swap3A_790], %swap3A_793 {strides = array<i32>} : memref<8x128xi32, #tpu.memory_space<vmem>>, vector<1x16xi32>,
        %sub3A_794 = arith.subi %shift_right_logical3A_784, %and3A_787 : vector<16xi32>
        %abs3A_795 = math.absi %sub3A_794 : vector<16xi32>
        %min3A_796 = arith.constant 1 : i32
        %min3A_797 = vector.broadcast %min3A_796 : i32 to vector<16xi32>
        %min3A_798 = arith.minsi %abs3A_795, %min3A_797 : vector<16xi32>
        %sub3A_799 = arith.constant 1 : i32
        %sub3A_800 = vector.broadcast %sub3A_799 : i32 to vector<16xi32>
        %sub3A_801 = arith.subi %sub3A_800, %min3A_798 : vector<16xi32>
        %convert_element_type3A_802 = arith.sitofp %sub3A_801 : vector<16xi32> to vector<16xf32>
        %swap3A_803 = arith.constant 0 : i64
        %swap3A_804 = arith.index_cast %swap3A_803 : i64 to index
        %swap3A_805 = arith.constant 80 : index
        %swap3A_806 = tpu.vector_load %arg8[%swap3A_804, %swap3A_805] {strides = array<i32>} : memref<8x128xf32, #tpu.memory_space<vmem>>, vector<1x16xf32>,
        %swap3A_807 = vector.shape_cast %swap3A_806 : vector<1x16xf32> to vector<16xf32>
        %swap3A_808 = vector.shape_cast %convert_element_type3A_802 : vector<16xf32> to vector<1x16xf32>
        tpu.vector_store %arg8[%swap3A_804, %swap3A_805], %swap3A_808 {strides = array<i32>} : memref<8x128xf32, #tpu.memory_space<vmem>>, vector<1x16xf32>,
        %get3A_809 = arith.index_cast %add3A_622 : i32 to index
        %get3A_810 = arith.constant 96 : index
        %get3A_811 = tpu.vector_load %arg5[%get3A_809, %get3A_810] {strides = array<i32>} : memref<80x128xi32, #tpu.memory_space<vmem>>, vector<1x16xi32>,
        %get3A_812 = vector.shape_cast %get3A_811 : vector<1x16xi32> to vector<16xi32>
        %shift_right_logical3A_813 = arith.constant 14 : i32
        %shift_right_logical3A_814 = vector.broadcast %shift_right_logical3A_813 : i32 to vector<16xi32>
        %shift_right_logical3A_815 = arith.shrui %get3A_812, %shift_right_logical3A_814 : vector<16xi32>
        %and3A_816 = arith.constant 16383 : i32
        %and3A_817 = vector.broadcast %and3A_816 : i32 to vector<16xi32>
        %and3A_818 = arith.andi %get3A_812, %and3A_817 : vector<16xi32>
        %swap3A_819 = arith.constant 0 : i64
        %swap3A_820 = arith.index_cast %swap3A_819 : i64 to index
        %swap3A_821 = arith.constant 96 : index
        %swap3A_822 = tpu.vector_load %arg6[%swap3A_820, %swap3A_821] {strides = array<i32>} : memref<8x128xi32, #tpu.memory_space<vmem>>, vector<1x16xi32>,
        %swap3A_823 = vector.shape_cast %swap3A_822 : vector<1x16xi32> to vector<16xi32>
        %swap3A_824 = vector.shape_cast %shift_right_logical3A_815 : vector<16xi32> to vector<1x16xi32>
        tpu.vector_store %arg6[%swap3A_820, %swap3A_821], %swap3A_824 {strides = array<i32>} : memref<8x128xi32, #tpu.memory_space<vmem>>, vector<1x16xi32>,
        %sub3A_825 = arith.subi %shift_right_logical3A_815, %and3A_818 : vector<16xi32>
        %abs3A_826 = math.absi %sub3A_825 : vector<16xi32>
        %min3A_827 = arith.constant 1 : i32
        %min3A_828 = vector.broadcast %min3A_827 : i32 to vector<16xi32>
        %min3A_829 = arith.minsi %abs3A_826, %min3A_828 : vector<16xi32>
        %sub3A_830 = arith.constant 1 : i32
        %sub3A_831 = vector.broadcast %sub3A_830 : i32 to vector<16xi32>
        %sub3A_832 = arith.subi %sub3A_831, %min3A_829 : vector<16xi32>
        %convert_element_type3A_833 = arith.sitofp %sub3A_832 : vector<16xi32> to vector<16xf32>
        %swap3A_834 = arith.constant 0 : i64
        %swap3A_835 = arith.index_cast %swap3A_834 : i64 to index
        %swap3A_836 = arith.constant 96 : index
        %swap3A_837 = tpu.vector_load %arg8[%swap3A_835, %swap3A_836] {strides = array<i32>} : memref<8x128xf32, #tpu.memory_space<vmem>>, vector<1x16xf32>,
        %swap3A_838 = vector.shape_cast %swap3A_837 : vector<1x16xf32> to vector<16xf32>
        %swap3A_839 = vector.shape_cast %convert_element_type3A_833 : vector<16xf32> to vector<1x16xf32>
        tpu.vector_store %arg8[%swap3A_835, %swap3A_836], %swap3A_839 {strides = array<i32>} : memref<8x128xf32, #tpu.memory_space<vmem>>, vector<1x16xf32>,
        %get3A_840 = arith.index_cast %add3A_622 : i32 to index
        %get3A_841 = arith.constant 112 : index
        %get3A_842 = tpu.vector_load %arg5[%get3A_840, %get3A_841] {strides = array<i32>} : memref<80x128xi32, #tpu.memory_space<vmem>>, vector<1x16xi32>,
        %get3A_843 = vector.shape_cast %get3A_842 : vector<1x16xi32> to vector<16xi32>
        %shift_right_logical3A_844 = arith.constant 14 : i32
        %shift_right_logical3A_845 = vector.broadcast %shift_right_logical3A_844 : i32 to vector<16xi32>
        %shift_right_logical3A_846 = arith.shrui %get3A_843, %shift_right_logical3A_845 : vector<16xi32>
        %and3A_847 = arith.constant 16383 : i32
        %and3A_848 = vector.broadcast %and3A_847 : i32 to vector<16xi32>
        %and3A_849 = arith.andi %get3A_843, %and3A_848 : vector<16xi32>
        %swap3A_850 = arith.constant 0 : i64
        %swap3A_851 = arith.index_cast %swap3A_850 : i64 to index
        %swap3A_852 = arith.constant 112 : index
        %swap3A_853 = tpu.vector_load %arg6[%swap3A_851, %swap3A_852] {strides = array<i32>} : memref<8x128xi32, #tpu.memory_space<vmem>>, vector<1x16xi32>,
        %swap3A_854 = vector.shape_cast %swap3A_853 : vector<1x16xi32> to vector<16xi32>
        %swap3A_855 = vector.shape_cast %shift_right_logical3A_846 : vector<16xi32> to vector<1x16xi32>
        tpu.vector_store %arg6[%swap3A_851, %swap3A_852], %swap3A_855 {strides = array<i32>} : memref<8x128xi32, #tpu.memory_space<vmem>>, vector<1x16xi32>,
        %sub3A_856 = arith.subi %shift_right_logical3A_846, %and3A_849 : vector<16xi32>
        %abs3A_857 = math.absi %sub3A_856 : vector<16xi32>
        %min3A_858 = arith.constant 1 : i32
        %min3A_859 = vector.broadcast %min3A_858 : i32 to vector<16xi32>
        %min3A_860 = arith.minsi %abs3A_857, %min3A_859 : vector<16xi32>
        %sub3A_861 = arith.constant 1 : i32
        %sub3A_862 = vector.broadcast %sub3A_861 : i32 to vector<16xi32>
        %sub3A_863 = arith.subi %sub3A_862, %min3A_860 : vector<16xi32>
        %convert_element_type3A_864 = arith.sitofp %sub3A_863 : vector<16xi32> to vector<16xf32>
        %swap3A_865 = arith.constant 0 : i64
        %swap3A_866 = arith.index_cast %swap3A_865 : i64 to index
        %swap3A_867 = arith.constant 112 : index
        %swap3A_868 = tpu.vector_load %arg8[%swap3A_866, %swap3A_867] {strides = array<i32>} : memref<8x128xf32, #tpu.memory_space<vmem>>, vector<1x16xf32>,
        %swap3A_869 = vector.shape_cast %swap3A_868 : vector<1x16xf32> to vector<16xf32>
        %swap3A_870 = vector.shape_cast %convert_element_type3A_864 : vector<16xf32> to vector<1x16xf32>
        tpu.vector_store %arg8[%swap3A_866, %swap3A_867], %swap3A_870 {strides = array<i32>} : memref<8x128xf32, #tpu.memory_space<vmem>>, vector<1x16xf32>,
        %dma_start3A_871 = arith.constant 0 : i32
        %dma_start3A_872 = tpu.memref_slice %arg6[%while3A_313, %dma_start3A_871] : memref<8x128xi32, #tpu.memory_space<vmem>> -> memref<1x128xi32, #tpu.memory_space<vmem>>
        %dma_start3A_873 = tpu.memref_squeeze %dma_start3A_872 : memref<1x128xi32, #tpu.memory_space<vmem>> -> memref<128xi32, #tpu.memory_space<vmem>>
        %dma_start3A_874 = arith.constant 0 : i32
        %dma_start3A_875 = tpu.memref_slice %arg10[%dma_start3A_874] : memref<10240xf32, #tpu.memory_space<vmem_shared>> -> memref<10240xf32, #tpu.memory_space<vmem_shared>>
        tpu.enqueue_indirect_dma source(%arg7 : memref<128xf32, #tpu.memory_space<vmem>>) target(%dma_start3A_875 : memref<10240xf32, #tpu.memory_space<vmem_shared>>) offsets(%dma_start3A_873 : memref<128xi32, #tpu.memory_space<vmem>>) semaphore(%arg12 : memref<!tpu.dma_semaphore, #tpu.memory_space<semaphore_mem>>) {add = true}
        %dma_start3A_876 = arith.constant 0 : i32
        %dma_start3A_877 = tpu.memref_slice %arg8[%while3A_313, %dma_start3A_876] : memref<8x128xf32, #tpu.memory_space<vmem>> -> memref<1x128xf32, #tpu.memory_space<vmem>>
        %dma_start3A_878 = tpu.memref_squeeze %dma_start3A_877 : memref<1x128xf32, #tpu.memory_space<vmem>> -> memref<128xf32, #tpu.memory_space<vmem>>
        %dma_start3A_879 = arith.constant 0 : i32
        %dma_start3A_880 = tpu.memref_slice %arg6[%while3A_313, %dma_start3A_879] : memref<8x128xi32, #tpu.memory_space<vmem>> -> memref<1x128xi32, #tpu.memory_space<vmem>>
        %dma_start3A_881 = tpu.memref_squeeze %dma_start3A_880 : memref<1x128xi32, #tpu.memory_space<vmem>> -> memref<128xi32, #tpu.memory_space<vmem>>
        %dma_start3A_882 = arith.constant 0 : i32
        %dma_start3A_883 = tpu.memref_slice %arg11[%dma_start3A_882] : memref<10240xf32, #tpu.memory_space<vmem_shared>> -> memref<10240xf32, #tpu.memory_space<vmem_shared>>
        tpu.enqueue_indirect_dma source(%dma_start3A_878 : memref<128xf32, #tpu.memory_space<vmem>>) target(%dma_start3A_883 : memref<10240xf32, #tpu.memory_space<vmem_shared>>) offsets(%dma_start3A_881 : memref<128xi32, #tpu.memory_space<vmem>>) semaphore(%arg12 : memref<!tpu.dma_semaphore, #tpu.memory_space<semaphore_mem>>) {add = true}
      } else {
      }
      %dma_wait3A_608 = arith.constant 0 : i32
      %dma_wait3A_609 = tpu.memref_slice %arg6[%while3A_312, %dma_wait3A_608] : memref<8x128xi32, #tpu.memory_space<vmem>> -> memref<1x128xi32, #tpu.memory_space<vmem>>
      %dma_wait3A_610 = tpu.memref_squeeze %dma_wait3A_609 : memref<1x128xi32, #tpu.memory_space<vmem>> -> memref<128xi32, #tpu.memory_space<vmem>>
      %dma_wait3A_611 = arith.constant 0 : i32
      %dma_wait3A_612 = tpu.memref_slice %arg10[%dma_wait3A_611] : memref<10240xf32, #tpu.memory_space<vmem_shared>> -> memref<10240xf32, #tpu.memory_space<vmem_shared>>
      tpu.wait_indirect_dma semaphore(%arg13 : memref<!tpu.dma_semaphore, #tpu.memory_space<semaphore_mem>>) src(%arg7 : memref<128xf32, #tpu.memory_space<vmem>>) dst(%dma_wait3A_612 : memref<10240xf32, #tpu.memory_space<vmem_shared>>)
      %dma_wait3A_613 = arith.constant 0 : i32
      %dma_wait3A_614 = tpu.memref_slice %arg8[%while3A_312, %dma_wait3A_613] : memref<8x128xf32, #tpu.memory_space<vmem>> -> memref<1x128xf32, #tpu.memory_space<vmem>>
      %dma_wait3A_615 = tpu.memref_squeeze %dma_wait3A_614 : memref<1x128xf32, #tpu.memory_space<vmem>> -> memref<128xf32, #tpu.memory_space<vmem>>
      %dma_wait3A_616 = arith.constant 0 : i32
      %dma_wait3A_617 = tpu.memref_slice %arg6[%while3A_312, %dma_wait3A_616] : memref<8x128xi32, #tpu.memory_space<vmem>> -> memref<1x128xi32, #tpu.memory_space<vmem>>
      %dma_wait3A_618 = tpu.memref_squeeze %dma_wait3A_617 : memref<1x128xi32, #tpu.memory_space<vmem>> -> memref<128xi32, #tpu.memory_space<vmem>>
      %dma_wait3A_619 = arith.constant 0 : i32
      %dma_wait3A_620 = tpu.memref_slice %arg11[%dma_wait3A_619] : memref<10240xf32, #tpu.memory_space<vmem_shared>> -> memref<10240xf32, #tpu.memory_space<vmem_shared>>
      tpu.wait_indirect_dma semaphore(%arg13 : memref<!tpu.dma_semaphore, #tpu.memory_space<semaphore_mem>>) src(%dma_wait3A_615 : memref<128xf32, #tpu.memory_space<vmem>>) dst(%dma_wait3A_620 : memref<10240xf32, #tpu.memory_space<vmem_shared>>)
    }
    %while3A_323 = arith.constant 1 : i32
    scf.for %while3A_325 = %while3A_321 to %while3A_317 step %while3A_323  : i32 {
      %mul3A_326 = arith.constant 2 : i32
      %mul3A_327 = arith.muli %mul3A_326, %while3A_325 : i32
      %add3A_328 = arith.constant 1 : i32
      %add3A_329 = arith.addi %mul3A_327, %add3A_328 : i32
      %get3A_330 = arith.index_cast %add3A_329 : i32 to index
      %get3A_331 = arith.constant 0 : index
      %get3A_332 = tpu.vector_load %arg5[%get3A_330, %get3A_331] {strides = array<i32>} : memref<80x128xi32, #tpu.memory_space<vmem>>, vector<1x16xi32>,
      %get3A_333 = vector.shape_cast %get3A_332 : vector<1x16xi32> to vector<16xi32>
      %shift_right_logical3A_334 = arith.constant 14 : i32
      %shift_right_logical3A_335 = vector.broadcast %shift_right_logical3A_334 : i32 to vector<16xi32>
      %shift_right_logical3A_336 = arith.shrui %get3A_333, %shift_right_logical3A_335 : vector<16xi32>
      %and3A_337 = arith.constant 16383 : i32
      %and3A_338 = vector.broadcast %and3A_337 : i32 to vector<16xi32>
      %and3A_339 = arith.andi %get3A_333, %and3A_338 : vector<16xi32>
      %swap3A_340 = arith.constant 1 : i64
      %swap3A_341 = arith.index_cast %swap3A_340 : i64 to index
      %swap3A_342 = arith.constant 0 : index
      %swap3A_343 = tpu.vector_load %arg6[%swap3A_341, %swap3A_342] {strides = array<i32>} : memref<8x128xi32, #tpu.memory_space<vmem>>, vector<1x16xi32>,
      %swap3A_344 = vector.shape_cast %swap3A_343 : vector<1x16xi32> to vector<16xi32>
      %swap3A_345 = vector.shape_cast %shift_right_logical3A_336 : vector<16xi32> to vector<1x16xi32>
      tpu.vector_store %arg6[%swap3A_341, %swap3A_342], %swap3A_345 {strides = array<i32>} : memref<8x128xi32, #tpu.memory_space<vmem>>, vector<1x16xi32>,
      %sub3A_346 = arith.subi %shift_right_logical3A_336, %and3A_339 : vector<16xi32>
      %abs3A_347 = math.absi %sub3A_346 : vector<16xi32>
      %min3A_348 = arith.constant 1 : i32
      %min3A_349 = vector.broadcast %min3A_348 : i32 to vector<16xi32>
      %min3A_350 = arith.minsi %abs3A_347, %min3A_349 : vector<16xi32>
      %sub3A_351 = arith.constant 1 : i32
      %sub3A_352 = vector.broadcast %sub3A_351 : i32 to vector<16xi32>
      %sub3A_353 = arith.subi %sub3A_352, %min3A_350 : vector<16xi32>
      %convert_element_type3A_354 = arith.sitofp %sub3A_353 : vector<16xi32> to vector<16xf32>
      %swap3A_355 = arith.constant 1 : i64
      %swap3A_356 = arith.index_cast %swap3A_355 : i64 to index
      %swap3A_357 = arith.constant 0 : index
      %swap3A_358 = tpu.vector_load %arg8[%swap3A_356, %swap3A_357] {strides = array<i32>} : memref<8x128xf32, #tpu.memory_space<vmem>>, vector<1x16xf32>,
      %swap3A_359 = vector.shape_cast %swap3A_358 : vector<1x16xf32> to vector<16xf32>
      %swap3A_360 = vector.shape_cast %convert_element_type3A_354 : vector<16xf32> to vector<1x16xf32>
      tpu.vector_store %arg8[%swap3A_356, %swap3A_357], %swap3A_360 {strides = array<i32>} : memref<8x128xf32, #tpu.memory_space<vmem>>, vector<1x16xf32>,
      %get3A_361 = arith.index_cast %add3A_329 : i32 to index
      %get3A_362 = arith.constant 16 : index
      %get3A_363 = tpu.vector_load %arg5[%get3A_361, %get3A_362] {strides = array<i32>} : memref<80x128xi32, #tpu.memory_space<vmem>>, vector<1x16xi32>,
      %get3A_364 = vector.shape_cast %get3A_363 : vector<1x16xi32> to vector<16xi32>
      %shift_right_logical3A_365 = arith.constant 14 : i32
      %shift_right_logical3A_366 = vector.broadcast %shift_right_logical3A_365 : i32 to vector<16xi32>
      %shift_right_logical3A_367 = arith.shrui %get3A_364, %shift_right_logical3A_366 : vector<16xi32>
      %and3A_368 = arith.constant 16383 : i32
      %and3A_369 = vector.broadcast %and3A_368 : i32 to vector<16xi32>
      %and3A_370 = arith.andi %get3A_364, %and3A_369 : vector<16xi32>
      %swap3A_371 = arith.constant 1 : i64
      %swap3A_372 = arith.index_cast %swap3A_371 : i64 to index
      %swap3A_373 = arith.constant 16 : index
      %swap3A_374 = tpu.vector_load %arg6[%swap3A_372, %swap3A_373] {strides = array<i32>} : memref<8x128xi32, #tpu.memory_space<vmem>>, vector<1x16xi32>,
      %swap3A_375 = vector.shape_cast %swap3A_374 : vector<1x16xi32> to vector<16xi32>
      %swap3A_376 = vector.shape_cast %shift_right_logical3A_367 : vector<16xi32> to vector<1x16xi32>
      tpu.vector_store %arg6[%swap3A_372, %swap3A_373], %swap3A_376 {strides = array<i32>} : memref<8x128xi32, #tpu.memory_space<vmem>>, vector<1x16xi32>,
      %sub3A_377 = arith.subi %shift_right_logical3A_367, %and3A_370 : vector<16xi32>
      %abs3A_378 = math.absi %sub3A_377 : vector<16xi32>
      %min3A_379 = arith.constant 1 : i32
      %min3A_380 = vector.broadcast %min3A_379 : i32 to vector<16xi32>
      %min3A_381 = arith.minsi %abs3A_378, %min3A_380 : vector<16xi32>
      %sub3A_382 = arith.constant 1 : i32
      %sub3A_383 = vector.broadcast %sub3A_382 : i32 to vector<16xi32>
      %sub3A_384 = arith.subi %sub3A_383, %min3A_381 : vector<16xi32>
      %convert_element_type3A_385 = arith.sitofp %sub3A_384 : vector<16xi32> to vector<16xf32>
      %swap3A_386 = arith.constant 1 : i64
      %swap3A_387 = arith.index_cast %swap3A_386 : i64 to index
      %swap3A_388 = arith.constant 16 : index
      %swap3A_389 = tpu.vector_load %arg8[%swap3A_387, %swap3A_388] {strides = array<i32>} : memref<8x128xf32, #tpu.memory_space<vmem>>, vector<1x16xf32>,
      %swap3A_390 = vector.shape_cast %swap3A_389 : vector<1x16xf32> to vector<16xf32>
      %swap3A_391 = vector.shape_cast %convert_element_type3A_385 : vector<16xf32> to vector<1x16xf32>
      tpu.vector_store %arg8[%swap3A_387, %swap3A_388], %swap3A_391 {strides = array<i32>} : memref<8x128xf32, #tpu.memory_space<vmem>>, vector<1x16xf32>,
      %get3A_392 = arith.index_cast %add3A_329 : i32 to index
      %get3A_393 = arith.constant 32 : index
      %get3A_394 = tpu.vector_load %arg5[%get3A_392, %get3A_393] {strides = array<i32>} : memref<80x128xi32, #tpu.memory_space<vmem>>, vector<1x16xi32>,
      %get3A_395 = vector.shape_cast %get3A_394 : vector<1x16xi32> to vector<16xi32>
      %shift_right_logical3A_396 = arith.constant 14 : i32
      %shift_right_logical3A_397 = vector.broadcast %shift_right_logical3A_396 : i32 to vector<16xi32>
      %shift_right_logical3A_398 = arith.shrui %get3A_395, %shift_right_logical3A_397 : vector<16xi32>
      %and3A_399 = arith.constant 16383 : i32
      %and3A_400 = vector.broadcast %and3A_399 : i32 to vector<16xi32>
      %and3A_401 = arith.andi %get3A_395, %and3A_400 : vector<16xi32>
      %swap3A_402 = arith.constant 1 : i64
      %swap3A_403 = arith.index_cast %swap3A_402 : i64 to index
      %swap3A_404 = arith.constant 32 : index
      %swap3A_405 = tpu.vector_load %arg6[%swap3A_403, %swap3A_404] {strides = array<i32>} : memref<8x128xi32, #tpu.memory_space<vmem>>, vector<1x16xi32>,
      %swap3A_406 = vector.shape_cast %swap3A_405 : vector<1x16xi32> to vector<16xi32>
      %swap3A_407 = vector.shape_cast %shift_right_logical3A_398 : vector<16xi32> to vector<1x16xi32>
      tpu.vector_store %arg6[%swap3A_403, %swap3A_404], %swap3A_407 {strides = array<i32>} : memref<8x128xi32, #tpu.memory_space<vmem>>, vector<1x16xi32>,
      %sub3A_408 = arith.subi %shift_right_logical3A_398, %and3A_401 : vector<16xi32>
      %abs3A_409 = math.absi %sub3A_408 : vector<16xi32>
      %min3A_410 = arith.constant 1 : i32
      %min3A_411 = vector.broadcast %min3A_410 : i32 to vector<16xi32>
      %min3A_412 = arith.minsi %abs3A_409, %min3A_411 : vector<16xi32>
      %sub3A_413 = arith.constant 1 : i32
      %sub3A_414 = vector.broadcast %sub3A_413 : i32 to vector<16xi32>
      %sub3A_415 = arith.subi %sub3A_414, %min3A_412 : vector<16xi32>
      %convert_element_type3A_416 = arith.sitofp %sub3A_415 : vector<16xi32> to vector<16xf32>
      %swap3A_417 = arith.constant 1 : i64
      %swap3A_418 = arith.index_cast %swap3A_417 : i64 to index
      %swap3A_419 = arith.constant 32 : index
      %swap3A_420 = tpu.vector_load %arg8[%swap3A_418, %swap3A_419] {strides = array<i32>} : memref<8x128xf32, #tpu.memory_space<vmem>>, vector<1x16xf32>,
      %swap3A_421 = vector.shape_cast %swap3A_420 : vector<1x16xf32> to vector<16xf32>
      %swap3A_422 = vector.shape_cast %convert_element_type3A_416 : vector<16xf32> to vector<1x16xf32>
      tpu.vector_store %arg8[%swap3A_418, %swap3A_419], %swap3A_422 {strides = array<i32>} : memref<8x128xf32, #tpu.memory_space<vmem>>, vector<1x16xf32>,
      %get3A_423 = arith.index_cast %add3A_329 : i32 to index
      %get3A_424 = arith.constant 48 : index
      %get3A_425 = tpu.vector_load %arg5[%get3A_423, %get3A_424] {strides = array<i32>} : memref<80x128xi32, #tpu.memory_space<vmem>>, vector<1x16xi32>,
      %get3A_426 = vector.shape_cast %get3A_425 : vector<1x16xi32> to vector<16xi32>
      %shift_right_logical3A_427 = arith.constant 14 : i32
      %shift_right_logical3A_428 = vector.broadcast %shift_right_logical3A_427 : i32 to vector<16xi32>
      %shift_right_logical3A_429 = arith.shrui %get3A_426, %shift_right_logical3A_428 : vector<16xi32>
      %and3A_430 = arith.constant 16383 : i32
      %and3A_431 = vector.broadcast %and3A_430 : i32 to vector<16xi32>
      %and3A_432 = arith.andi %get3A_426, %and3A_431 : vector<16xi32>
      %swap3A_433 = arith.constant 1 : i64
      %swap3A_434 = arith.index_cast %swap3A_433 : i64 to index
      %swap3A_435 = arith.constant 48 : index
      %swap3A_436 = tpu.vector_load %arg6[%swap3A_434, %swap3A_435] {strides = array<i32>} : memref<8x128xi32, #tpu.memory_space<vmem>>, vector<1x16xi32>,
      %swap3A_437 = vector.shape_cast %swap3A_436 : vector<1x16xi32> to vector<16xi32>
      %swap3A_438 = vector.shape_cast %shift_right_logical3A_429 : vector<16xi32> to vector<1x16xi32>
      tpu.vector_store %arg6[%swap3A_434, %swap3A_435], %swap3A_438 {strides = array<i32>} : memref<8x128xi32, #tpu.memory_space<vmem>>, vector<1x16xi32>,
      %sub3A_439 = arith.subi %shift_right_logical3A_429, %and3A_432 : vector<16xi32>
      %abs3A_440 = math.absi %sub3A_439 : vector<16xi32>
      %min3A_441 = arith.constant 1 : i32
      %min3A_442 = vector.broadcast %min3A_441 : i32 to vector<16xi32>
      %min3A_443 = arith.minsi %abs3A_440, %min3A_442 : vector<16xi32>
      %sub3A_444 = arith.constant 1 : i32
      %sub3A_445 = vector.broadcast %sub3A_444 : i32 to vector<16xi32>
      %sub3A_446 = arith.subi %sub3A_445, %min3A_443 : vector<16xi32>
      %convert_element_type3A_447 = arith.sitofp %sub3A_446 : vector<16xi32> to vector<16xf32>
      %swap3A_448 = arith.constant 1 : i64
      %swap3A_449 = arith.index_cast %swap3A_448 : i64 to index
      %swap3A_450 = arith.constant 48 : index
      %swap3A_451 = tpu.vector_load %arg8[%swap3A_449, %swap3A_450] {strides = array<i32>} : memref<8x128xf32, #tpu.memory_space<vmem>>, vector<1x16xf32>,
      %swap3A_452 = vector.shape_cast %swap3A_451 : vector<1x16xf32> to vector<16xf32>
      %swap3A_453 = vector.shape_cast %convert_element_type3A_447 : vector<16xf32> to vector<1x16xf32>
      tpu.vector_store %arg8[%swap3A_449, %swap3A_450], %swap3A_453 {strides = array<i32>} : memref<8x128xf32, #tpu.memory_space<vmem>>, vector<1x16xf32>,
      %get3A_454 = arith.index_cast %add3A_329 : i32 to index
      %get3A_455 = arith.constant 64 : index
      %get3A_456 = tpu.vector_load %arg5[%get3A_454, %get3A_455] {strides = array<i32>} : memref<80x128xi32, #tpu.memory_space<vmem>>, vector<1x16xi32>,
      %get3A_457 = vector.shape_cast %get3A_456 : vector<1x16xi32> to vector<16xi32>
      %shift_right_logical3A_458 = arith.constant 14 : i32
      %shift_right_logical3A_459 = vector.broadcast %shift_right_logical3A_458 : i32 to vector<16xi32>
      %shift_right_logical3A_460 = arith.shrui %get3A_457, %shift_right_logical3A_459 : vector<16xi32>
      %and3A_461 = arith.constant 16383 : i32
      %and3A_462 = vector.broadcast %and3A_461 : i32 to vector<16xi32>
      %and3A_463 = arith.andi %get3A_457, %and3A_462 : vector<16xi32>
      %swap3A_464 = arith.constant 1 : i64
      %swap3A_465 = arith.index_cast %swap3A_464 : i64 to index
      %swap3A_466 = arith.constant 64 : index
      %swap3A_467 = tpu.vector_load %arg6[%swap3A_465, %swap3A_466] {strides = array<i32>} : memref<8x128xi32, #tpu.memory_space<vmem>>, vector<1x16xi32>,
      %swap3A_468 = vector.shape_cast %swap3A_467 : vector<1x16xi32> to vector<16xi32>
      %swap3A_469 = vector.shape_cast %shift_right_logical3A_460 : vector<16xi32> to vector<1x16xi32>
      tpu.vector_store %arg6[%swap3A_465, %swap3A_466], %swap3A_469 {strides = array<i32>} : memref<8x128xi32, #tpu.memory_space<vmem>>, vector<1x16xi32>,
      %sub3A_470 = arith.subi %shift_right_logical3A_460, %and3A_463 : vector<16xi32>
      %abs3A_471 = math.absi %sub3A_470 : vector<16xi32>
      %min3A_472 = arith.constant 1 : i32
      %min3A_473 = vector.broadcast %min3A_472 : i32 to vector<16xi32>
      %min3A_474 = arith.minsi %abs3A_471, %min3A_473 : vector<16xi32>
      %sub3A_475 = arith.constant 1 : i32
      %sub3A_476 = vector.broadcast %sub3A_475 : i32 to vector<16xi32>
      %sub3A_477 = arith.subi %sub3A_476, %min3A_474 : vector<16xi32>
      %convert_element_type3A_478 = arith.sitofp %sub3A_477 : vector<16xi32> to vector<16xf32>
      %swap3A_479 = arith.constant 1 : i64
      %swap3A_480 = arith.index_cast %swap3A_479 : i64 to index
      %swap3A_481 = arith.constant 64 : index
      %swap3A_482 = tpu.vector_load %arg8[%swap3A_480, %swap3A_481] {strides = array<i32>} : memref<8x128xf32, #tpu.memory_space<vmem>>, vector<1x16xf32>,
      %swap3A_483 = vector.shape_cast %swap3A_482 : vector<1x16xf32> to vector<16xf32>
      %swap3A_484 = vector.shape_cast %convert_element_type3A_478 : vector<16xf32> to vector<1x16xf32>
      tpu.vector_store %arg8[%swap3A_480, %swap3A_481], %swap3A_484 {strides = array<i32>} : memref<8x128xf32, #tpu.memory_space<vmem>>, vector<1x16xf32>,
      %get3A_485 = arith.index_cast %add3A_329 : i32 to index
      %get3A_486 = arith.constant 80 : index
      %get3A_487 = tpu.vector_load %arg5[%get3A_485, %get3A_486] {strides = array<i32>} : memref<80x128xi32, #tpu.memory_space<vmem>>, vector<1x16xi32>,
      %get3A_488 = vector.shape_cast %get3A_487 : vector<1x16xi32> to vector<16xi32>
      %shift_right_logical3A_489 = arith.constant 14 : i32
      %shift_right_logical3A_490 = vector.broadcast %shift_right_logical3A_489 : i32 to vector<16xi32>
      %shift_right_logical3A_491 = arith.shrui %get3A_488, %shift_right_logical3A_490 : vector<16xi32>
      %and3A_492 = arith.constant 16383 : i32
      %and3A_493 = vector.broadcast %and3A_492 : i32 to vector<16xi32>
      %and3A_494 = arith.andi %get3A_488, %and3A_493 : vector<16xi32>
      %swap3A_495 = arith.constant 1 : i64
      %swap3A_496 = arith.index_cast %swap3A_495 : i64 to index
      %swap3A_497 = arith.constant 80 : index
      %swap3A_498 = tpu.vector_load %arg6[%swap3A_496, %swap3A_497] {strides = array<i32>} : memref<8x128xi32, #tpu.memory_space<vmem>>, vector<1x16xi32>,
      %swap3A_499 = vector.shape_cast %swap3A_498 : vector<1x16xi32> to vector<16xi32>
      %swap3A_500 = vector.shape_cast %shift_right_logical3A_491 : vector<16xi32> to vector<1x16xi32>
      tpu.vector_store %arg6[%swap3A_496, %swap3A_497], %swap3A_500 {strides = array<i32>} : memref<8x128xi32, #tpu.memory_space<vmem>>, vector<1x16xi32>,
      %sub3A_501 = arith.subi %shift_right_logical3A_491, %and3A_494 : vector<16xi32>
      %abs3A_502 = math.absi %sub3A_501 : vector<16xi32>
      %min3A_503 = arith.constant 1 : i32
      %min3A_504 = vector.broadcast %min3A_503 : i32 to vector<16xi32>
      %min3A_505 = arith.minsi %abs3A_502, %min3A_504 : vector<16xi32>
      %sub3A_506 = arith.constant 1 : i32
      %sub3A_507 = vector.broadcast %sub3A_506 : i32 to vector<16xi32>
      %sub3A_508 = arith.subi %sub3A_507, %min3A_505 : vector<16xi32>
      %convert_element_type3A_509 = arith.sitofp %sub3A_508 : vector<16xi32> to vector<16xf32>
      %swap3A_510 = arith.constant 1 : i64
      %swap3A_511 = arith.index_cast %swap3A_510 : i64 to index
      %swap3A_512 = arith.constant 80 : index
      %swap3A_513 = tpu.vector_load %arg8[%swap3A_511, %swap3A_512] {strides = array<i32>} : memref<8x128xf32, #tpu.memory_space<vmem>>, vector<1x16xf32>,
      %swap3A_514 = vector.shape_cast %swap3A_513 : vector<1x16xf32> to vector<16xf32>
      %swap3A_515 = vector.shape_cast %convert_element_type3A_509 : vector<16xf32> to vector<1x16xf32>
      tpu.vector_store %arg8[%swap3A_511, %swap3A_512], %swap3A_515 {strides = array<i32>} : memref<8x128xf32, #tpu.memory_space<vmem>>, vector<1x16xf32>,
      %get3A_516 = arith.index_cast %add3A_329 : i32 to index
      %get3A_517 = arith.constant 96 : index
      %get3A_518 = tpu.vector_load %arg5[%get3A_516, %get3A_517] {strides = array<i32>} : memref<80x128xi32, #tpu.memory_space<vmem>>, vector<1x16xi32>,
      %get3A_519 = vector.shape_cast %get3A_518 : vector<1x16xi32> to vector<16xi32>
      %shift_right_logical3A_520 = arith.constant 14 : i32
      %shift_right_logical3A_521 = vector.broadcast %shift_right_logical3A_520 : i32 to vector<16xi32>
      %shift_right_logical3A_522 = arith.shrui %get3A_519, %shift_right_logical3A_521 : vector<16xi32>
      %and3A_523 = arith.constant 16383 : i32
      %and3A_524 = vector.broadcast %and3A_523 : i32 to vector<16xi32>
      %and3A_525 = arith.andi %get3A_519, %and3A_524 : vector<16xi32>
      %swap3A_526 = arith.constant 1 : i64
      %swap3A_527 = arith.index_cast %swap3A_526 : i64 to index
      %swap3A_528 = arith.constant 96 : index
      %swap3A_529 = tpu.vector_load %arg6[%swap3A_527, %swap3A_528] {strides = array<i32>} : memref<8x128xi32, #tpu.memory_space<vmem>>, vector<1x16xi32>,
      %swap3A_530 = vector.shape_cast %swap3A_529 : vector<1x16xi32> to vector<16xi32>
      %swap3A_531 = vector.shape_cast %shift_right_logical3A_522 : vector<16xi32> to vector<1x16xi32>
      tpu.vector_store %arg6[%swap3A_527, %swap3A_528], %swap3A_531 {strides = array<i32>} : memref<8x128xi32, #tpu.memory_space<vmem>>, vector<1x16xi32>,
      %sub3A_532 = arith.subi %shift_right_logical3A_522, %and3A_525 : vector<16xi32>
      %abs3A_533 = math.absi %sub3A_532 : vector<16xi32>
      %min3A_534 = arith.constant 1 : i32
      %min3A_535 = vector.broadcast %min3A_534 : i32 to vector<16xi32>
      %min3A_536 = arith.minsi %abs3A_533, %min3A_535 : vector<16xi32>
      %sub3A_537 = arith.constant 1 : i32
      %sub3A_538 = vector.broadcast %sub3A_537 : i32 to vector<16xi32>
      %sub3A_539 = arith.subi %sub3A_538, %min3A_536 : vector<16xi32>
      %convert_element_type3A_540 = arith.sitofp %sub3A_539 : vector<16xi32> to vector<16xf32>
      %swap3A_541 = arith.constant 1 : i64
      %swap3A_542 = arith.index_cast %swap3A_541 : i64 to index
      %swap3A_543 = arith.constant 96 : index
      %swap3A_544 = tpu.vector_load %arg8[%swap3A_542, %swap3A_543] {strides = array<i32>} : memref<8x128xf32, #tpu.memory_space<vmem>>, vector<1x16xf32>,
      %swap3A_545 = vector.shape_cast %swap3A_544 : vector<1x16xf32> to vector<16xf32>
      %swap3A_546 = vector.shape_cast %convert_element_type3A_540 : vector<16xf32> to vector<1x16xf32>
      tpu.vector_store %arg8[%swap3A_542, %swap3A_543], %swap3A_546 {strides = array<i32>} : memref<8x128xf32, #tpu.memory_space<vmem>>, vector<1x16xf32>,
      %get3A_547 = arith.index_cast %add3A_329 : i32 to index
      %get3A_548 = arith.constant 112 : index
      %get3A_549 = tpu.vector_load %arg5[%get3A_547, %get3A_548] {strides = array<i32>} : memref<80x128xi32, #tpu.memory_space<vmem>>, vector<1x16xi32>,
      %get3A_550 = vector.shape_cast %get3A_549 : vector<1x16xi32> to vector<16xi32>
      %shift_right_logical3A_551 = arith.constant 14 : i32
      %shift_right_logical3A_552 = vector.broadcast %shift_right_logical3A_551 : i32 to vector<16xi32>
      %shift_right_logical3A_553 = arith.shrui %get3A_550, %shift_right_logical3A_552 : vector<16xi32>
      %and3A_554 = arith.constant 16383 : i32
      %and3A_555 = vector.broadcast %and3A_554 : i32 to vector<16xi32>
      %and3A_556 = arith.andi %get3A_550, %and3A_555 : vector<16xi32>
      %swap3A_557 = arith.constant 1 : i64
      %swap3A_558 = arith.index_cast %swap3A_557 : i64 to index
      %swap3A_559 = arith.constant 112 : index
      %swap3A_560 = tpu.vector_load %arg6[%swap3A_558, %swap3A_559] {strides = array<i32>} : memref<8x128xi32, #tpu.memory_space<vmem>>, vector<1x16xi32>,
      %swap3A_561 = vector.shape_cast %swap3A_560 : vector<1x16xi32> to vector<16xi32>
      %swap3A_562 = vector.shape_cast %shift_right_logical3A_553 : vector<16xi32> to vector<1x16xi32>
      tpu.vector_store %arg6[%swap3A_558, %swap3A_559], %swap3A_562 {strides = array<i32>} : memref<8x128xi32, #tpu.memory_space<vmem>>, vector<1x16xi32>,
      %sub3A_563 = arith.subi %shift_right_logical3A_553, %and3A_556 : vector<16xi32>
      %abs3A_564 = math.absi %sub3A_563 : vector<16xi32>
      %min3A_565 = arith.constant 1 : i32
      %min3A_566 = vector.broadcast %min3A_565 : i32 to vector<16xi32>
      %min3A_567 = arith.minsi %abs3A_564, %min3A_566 : vector<16xi32>
      %sub3A_568 = arith.constant 1 : i32
      %sub3A_569 = vector.broadcast %sub3A_568 : i32 to vector<16xi32>
      %sub3A_570 = arith.subi %sub3A_569, %min3A_567 : vector<16xi32>
      %convert_element_type3A_571 = arith.sitofp %sub3A_570 : vector<16xi32> to vector<16xf32>
      %swap3A_572 = arith.constant 1 : i64
      %swap3A_573 = arith.index_cast %swap3A_572 : i64 to index
      %swap3A_574 = arith.constant 112 : index
      %swap3A_575 = tpu.vector_load %arg8[%swap3A_573, %swap3A_574] {strides = array<i32>} : memref<8x128xf32, #tpu.memory_space<vmem>>, vector<1x16xf32>,
      %swap3A_576 = vector.shape_cast %swap3A_575 : vector<1x16xf32> to vector<16xf32>
      %swap3A_577 = vector.shape_cast %convert_element_type3A_571 : vector<16xf32> to vector<1x16xf32>
      tpu.vector_store %arg8[%swap3A_573, %swap3A_574], %swap3A_577 {strides = array<i32>} : memref<8x128xf32, #tpu.memory_space<vmem>>, vector<1x16xf32>,
      %dma_start3A_578 = arith.constant 0 : i32
      %dma_start3A_579 = tpu.memref_slice %arg6[%while3A_312, %dma_start3A_578] : memref<8x128xi32, #tpu.memory_space<vmem>> -> memref<1x128xi32, #tpu.memory_space<vmem>>
      %dma_start3A_580 = tpu.memref_squeeze %dma_start3A_579 : memref<1x128xi32, #tpu.memory_space<vmem>> -> memref<128xi32, #tpu.memory_space<vmem>>
      %dma_start3A_581 = arith.constant 0 : i32
      %dma_start3A_582 = tpu.memref_slice %arg10[%dma_start3A_581] : memref<10240xf32, #tpu.memory_space<vmem_shared>> -> memref<10240xf32, #tpu.memory_space<vmem_shared>>
      tpu.enqueue_indirect_dma source(%arg7 : memref<128xf32, #tpu.memory_space<vmem>>) target(%dma_start3A_582 : memref<10240xf32, #tpu.memory_space<vmem_shared>>) offsets(%dma_start3A_580 : memref<128xi32, #tpu.memory_space<vmem>>) semaphore(%arg13 : memref<!tpu.dma_semaphore, #tpu.memory_space<semaphore_mem>>) {add = true}
      %dma_start3A_583 = arith.constant 0 : i32
      %dma_start3A_584 = tpu.memref_slice %arg8[%while3A_312, %dma_start3A_583] : memref<8x128xf32, #tpu.memory_space<vmem>> -> memref<1x128xf32, #tpu.memory_space<vmem>>
      %dma_start3A_585 = tpu.memref_squeeze %dma_start3A_584 : memref<1x128xf32, #tpu.memory_space<vmem>> -> memref<128xf32, #tpu.memory_space<vmem>>
      %dma_start3A_586 = arith.constant 0 : i32
      %dma_start3A_587 = tpu.memref_slice %arg6[%while3A_312, %dma_start3A_586] : memref<8x128xi32, #tpu.memory_space<vmem>> -> memref<1x128xi32, #tpu.memory_space<vmem>>
      %dma_start3A_588 = tpu.memref_squeeze %dma_start3A_587 : memref<1x128xi32, #tpu.memory_space<vmem>> -> memref<128xi32, #tpu.memory_space<vmem>>
      %dma_start3A_589 = arith.constant 0 : i32
      %dma_start3A_590 = tpu.memref_slice %arg11[%dma_start3A_589] : memref<10240xf32, #tpu.memory_space<vmem_shared>> -> memref<10240xf32, #tpu.memory_space<vmem_shared>>
      tpu.enqueue_indirect_dma source(%dma_start3A_585 : memref<128xf32, #tpu.memory_space<vmem>>) target(%dma_start3A_590 : memref<10240xf32, #tpu.memory_space<vmem_shared>>) offsets(%dma_start3A_588 : memref<128xi32, #tpu.memory_space<vmem>>) semaphore(%arg13 : memref<!tpu.dma_semaphore, #tpu.memory_space<semaphore_mem>>) {add = true}
      %dma_wait3A = arith.constant 0 : i32
      %dma_wait3A_591 = tpu.memref_slice %arg6[%while3A_313, %dma_wait3A] : memref<8x128xi32, #tpu.memory_space<vmem>> -> memref<1x128xi32, #tpu.memory_space<vmem>>
      %dma_wait3A_592 = tpu.memref_squeeze %dma_wait3A_591 : memref<1x128xi32, #tpu.memory_space<vmem>> -> memref<128xi32, #tpu.memory_space<vmem>>
      %dma_wait3A_593 = arith.constant 0 : i32
      %dma_wait3A_594 = tpu.memref_slice %arg10[%dma_wait3A_593] : memref<10240xf32, #tpu.memory_space<vmem_shared>> -> memref<10240xf32, #tpu.memory_space<vmem_shared>>
      tpu.wait_indirect_dma semaphore(%arg12 : memref<!tpu.dma_semaphore, #tpu.memory_space<semaphore_mem>>) src(%arg7 : memref<128xf32, #tpu.memory_space<vmem>>) dst(%dma_wait3A_594 : memref<10240xf32, #tpu.memory_space<vmem_shared>>)
      %dma_wait3A_595 = arith.constant 0 : i32
      %dma_wait3A_596 = tpu.memref_slice %arg8[%while3A_313, %dma_wait3A_595] : memref<8x128xf32, #tpu.memory_space<vmem>> -> memref<1x128xf32, #tpu.memory_space<vmem>>
      %dma_wait3A_597 = tpu.memref_squeeze %dma_wait3A_596 : memref<1x128xf32, #tpu.memory_space<vmem>> -> memref<128xf32, #tpu.memory_space<vmem>>
      %dma_wait3A_598 = arith.constant 0 : i32
      %dma_wait3A_599 = tpu.memref_slice %arg6[%while3A_313, %dma_wait3A_598] : memref<8x128xi32, #tpu.memory_space<vmem>> -> memref<1x128xi32, #tpu.memory_space<vmem>>
      %dma_wait3A_600 = tpu.memref_squeeze %dma_wait3A_599 : memref<1x128xi32, #tpu.memory_space<vmem>> -> memref<128xi32, #tpu.memory_space<vmem>>
      %dma_wait3A_601 = arith.constant 0 : i32
      %dma_wait3A_602 = tpu.memref_slice %arg11[%dma_wait3A_601] : memref<10240xf32, #tpu.memory_space<vmem_shared>> -> memref<10240xf32, #tpu.memory_space<vmem_shared>>
      tpu.wait_indirect_dma semaphore(%arg12 : memref<!tpu.dma_semaphore, #tpu.memory_space<semaphore_mem>>) src(%dma_wait3A_597 : memref<128xf32, #tpu.memory_space<vmem>>) dst(%dma_wait3A_602 : memref<10240xf32, #tpu.memory_space<vmem_shared>>)
      %add3A_603 = arith.constant 2 : i32
      %add3A_604 = arith.addi %mul3A_327, %add3A_603 : i32
      %lt3A = arith.constant 80 : i32
      %lt3A_605 = arith.cmpi slt, %add3A_604, %lt3A : i32
      %convert_element_type3A_606 = arith.extui %lt3A_605 : i1 to i32
      %cond3A = arith.constant 0 : i32
      %cond3A_607 = arith.cmpi ne, %convert_element_type3A_606, %cond3A : i32
      scf.if %cond3A_607 {
        %add3A_621 = arith.constant 2 : i32
        %add3A_622 = arith.addi %mul3A_327, %add3A_621 : i32
        %get3A_623 = arith.index_cast %add3A_622 : i32 to index
        %get3A_624 = arith.constant 0 : index
        %get3A_625 = tpu.vector_load %arg5[%get3A_623, %get3A_624] {strides = array<i32>} : memref<80x128xi32, #tpu.memory_space<vmem>>, vector<1x16xi32>,
        %get3A_626 = vector.shape_cast %get3A_625 : vector<1x16xi32> to vector<16xi32>
        %shift_right_logical3A_627 = arith.constant 14 : i32
        %shift_right_logical3A_628 = vector.broadcast %shift_right_logical3A_627 : i32 to vector<16xi32>
        %shift_right_logical3A_629 = arith.shrui %get3A_626, %shift_right_logical3A_628 : vector<16xi32>
        %and3A_630 = arith.constant 16383 : i32
        %and3A_631 = vector.broadcast %and3A_630 : i32 to vector<16xi32>
        %and3A_632 = arith.andi %get3A_626, %and3A_631 : vector<16xi32>
        %swap3A_633 = arith.constant 0 : i64
        %swap3A_634 = arith.index_cast %swap3A_633 : i64 to index
        %swap3A_635 = arith.constant 0 : index
        %swap3A_636 = tpu.vector_load %arg6[%swap3A_634, %swap3A_635] {strides = array<i32>} : memref<8x128xi32, #tpu.memory_space<vmem>>, vector<1x16xi32>,
        %swap3A_637 = vector.shape_cast %swap3A_636 : vector<1x16xi32> to vector<16xi32>
        %swap3A_638 = vector.shape_cast %shift_right_logical3A_629 : vector<16xi32> to vector<1x16xi32>
        tpu.vector_store %arg6[%swap3A_634, %swap3A_635], %swap3A_638 {strides = array<i32>} : memref<8x128xi32, #tpu.memory_space<vmem>>, vector<1x16xi32>,
        %sub3A_639 = arith.subi %shift_right_logical3A_629, %and3A_632 : vector<16xi32>
        %abs3A_640 = math.absi %sub3A_639 : vector<16xi32>
        %min3A_641 = arith.constant 1 : i32
        %min3A_642 = vector.broadcast %min3A_641 : i32 to vector<16xi32>
        %min3A_643 = arith.minsi %abs3A_640, %min3A_642 : vector<16xi32>
        %sub3A_644 = arith.constant 1 : i32
        %sub3A_645 = vector.broadcast %sub3A_644 : i32 to vector<16xi32>
        %sub3A_646 = arith.subi %sub3A_645, %min3A_643 : vector<16xi32>
        %convert_element_type3A_647 = arith.sitofp %sub3A_646 : vector<16xi32> to vector<16xf32>
        %swap3A_648 = arith.constant 0 : i64
        %swap3A_649 = arith.index_cast %swap3A_648 : i64 to index
        %swap3A_650 = arith.constant 0 : index
        %swap3A_651 = tpu.vector_load %arg8[%swap3A_649, %swap3A_650] {strides = array<i32>} : memref<8x128xf32, #tpu.memory_space<vmem>>, vector<1x16xf32>,
        %swap3A_652 = vector.shape_cast %swap3A_651 : vector<1x16xf32> to vector<16xf32>
        %swap3A_653 = vector.shape_cast %convert_element_type3A_647 : vector<16xf32> to vector<1x16xf32>
        tpu.vector_store %arg8[%swap3A_649, %swap3A_650], %swap3A_653 {strides = array<i32>} : memref<8x128xf32, #tpu.memory_space<vmem>>, vector<1x16xf32>,
        %get3A_654 = arith.index_cast %add3A_622 : i32 to index
        %get3A_655 = arith.constant 16 : index
        %get3A_656 = tpu.vector_load %arg5[%get3A_654, %get3A_655] {strides = array<i32>} : memref<80x128xi32, #tpu.memory_space<vmem>>, vector<1x16xi32>,
        %get3A_657 = vector.shape_cast %get3A_656 : vector<1x16xi32> to vector<16xi32>
        %shift_right_logical3A_658 = arith.constant 14 : i32
        %shift_right_logical3A_659 = vector.broadcast %shift_right_logical3A_658 : i32 to vector<16xi32>
        %shift_right_logical3A_660 = arith.shrui %get3A_657, %shift_right_logical3A_659 : vector<16xi32>
        %and3A_661 = arith.constant 16383 : i32
        %and3A_662 = vector.broadcast %and3A_661 : i32 to vector<16xi32>
        %and3A_663 = arith.andi %get3A_657, %and3A_662 : vector<16xi32>
        %swap3A_664 = arith.constant 0 : i64
        %swap3A_665 = arith.index_cast %swap3A_664 : i64 to index
        %swap3A_666 = arith.constant 16 : index
        %swap3A_667 = tpu.vector_load %arg6[%swap3A_665, %swap3A_666] {strides = array<i32>} : memref<8x128xi32, #tpu.memory_space<vmem>>, vector<1x16xi32>,
        %swap3A_668 = vector.shape_cast %swap3A_667 : vector<1x16xi32> to vector<16xi32>
        %swap3A_669 = vector.shape_cast %shift_right_logical3A_660 : vector<16xi32> to vector<1x16xi32>
        tpu.vector_store %arg6[%swap3A_665, %swap3A_666], %swap3A_669 {strides = array<i32>} : memref<8x128xi32, #tpu.memory_space<vmem>>, vector<1x16xi32>,
        %sub3A_670 = arith.subi %shift_right_logical3A_660, %and3A_663 : vector<16xi32>
        %abs3A_671 = math.absi %sub3A_670 : vector<16xi32>
        %min3A_672 = arith.constant 1 : i32
        %min3A_673 = vector.broadcast %min3A_672 : i32 to vector<16xi32>
        %min3A_674 = arith.minsi %abs3A_671, %min3A_673 : vector<16xi32>
        %sub3A_675 = arith.constant 1 : i32
        %sub3A_676 = vector.broadcast %sub3A_675 : i32 to vector<16xi32>
        %sub3A_677 = arith.subi %sub3A_676, %min3A_674 : vector<16xi32>
        %convert_element_type3A_678 = arith.sitofp %sub3A_677 : vector<16xi32> to vector<16xf32>
        %swap3A_679 = arith.constant 0 : i64
        %swap3A_680 = arith.index_cast %swap3A_679 : i64 to index
        %swap3A_681 = arith.constant 16 : index
        %swap3A_682 = tpu.vector_load %arg8[%swap3A_680, %swap3A_681] {strides = array<i32>} : memref<8x128xf32, #tpu.memory_space<vmem>>, vector<1x16xf32>,
        %swap3A_683 = vector.shape_cast %swap3A_682 : vector<1x16xf32> to vector<16xf32>
        %swap3A_684 = vector.shape_cast %convert_element_type3A_678 : vector<16xf32> to vector<1x16xf32>
        tpu.vector_store %arg8[%swap3A_680, %swap3A_681], %swap3A_684 {strides = array<i32>} : memref<8x128xf32, #tpu.memory_space<vmem>>, vector<1x16xf32>,
        %get3A_685 = arith.index_cast %add3A_622 : i32 to index
        %get3A_686 = arith.constant 32 : index
        %get3A_687 = tpu.vector_load %arg5[%get3A_685, %get3A_686] {strides = array<i32>} : memref<80x128xi32, #tpu.memory_space<vmem>>, vector<1x16xi32>,
        %get3A_688 = vector.shape_cast %get3A_687 : vector<1x16xi32> to vector<16xi32>
        %shift_right_logical3A_689 = arith.constant 14 : i32
        %shift_right_logical3A_690 = vector.broadcast %shift_right_logical3A_689 : i32 to vector<16xi32>
        %shift_right_logical3A_691 = arith.shrui %get3A_688, %shift_right_logical3A_690 : vector<16xi32>
        %and3A_692 = arith.constant 16383 : i32
        %and3A_693 = vector.broadcast %and3A_692 : i32 to vector<16xi32>
        %and3A_694 = arith.andi %get3A_688, %and3A_693 : vector<16xi32>
        %swap3A_695 = arith.constant 0 : i64
        %swap3A_696 = arith.index_cast %swap3A_695 : i64 to index
        %swap3A_697 = arith.constant 32 : index
        %swap3A_698 = tpu.vector_load %arg6[%swap3A_696, %swap3A_697] {strides = array<i32>} : memref<8x128xi32, #tpu.memory_space<vmem>>, vector<1x16xi32>,
        %swap3A_699 = vector.shape_cast %swap3A_698 : vector<1x16xi32> to vector<16xi32>
        %swap3A_700 = vector.shape_cast %shift_right_logical3A_691 : vector<16xi32> to vector<1x16xi32>
        tpu.vector_store %arg6[%swap3A_696, %swap3A_697], %swap3A_700 {strides = array<i32>} : memref<8x128xi32, #tpu.memory_space<vmem>>, vector<1x16xi32>,
        %sub3A_701 = arith.subi %shift_right_logical3A_691, %and3A_694 : vector<16xi32>
        %abs3A_702 = math.absi %sub3A_701 : vector<16xi32>
        %min3A_703 = arith.constant 1 : i32
        %min3A_704 = vector.broadcast %min3A_703 : i32 to vector<16xi32>
        %min3A_705 = arith.minsi %abs3A_702, %min3A_704 : vector<16xi32>
        %sub3A_706 = arith.constant 1 : i32
        %sub3A_707 = vector.broadcast %sub3A_706 : i32 to vector<16xi32>
        %sub3A_708 = arith.subi %sub3A_707, %min3A_705 : vector<16xi32>
        %convert_element_type3A_709 = arith.sitofp %sub3A_708 : vector<16xi32> to vector<16xf32>
        %swap3A_710 = arith.constant 0 : i64
        %swap3A_711 = arith.index_cast %swap3A_710 : i64 to index
        %swap3A_712 = arith.constant 32 : index
        %swap3A_713 = tpu.vector_load %arg8[%swap3A_711, %swap3A_712] {strides = array<i32>} : memref<8x128xf32, #tpu.memory_space<vmem>>, vector<1x16xf32>,
        %swap3A_714 = vector.shape_cast %swap3A_713 : vector<1x16xf32> to vector<16xf32>
        %swap3A_715 = vector.shape_cast %convert_element_type3A_709 : vector<16xf32> to vector<1x16xf32>
        tpu.vector_store %arg8[%swap3A_711, %swap3A_712], %swap3A_715 {strides = array<i32>} : memref<8x128xf32, #tpu.memory_space<vmem>>, vector<1x16xf32>,
        %get3A_716 = arith.index_cast %add3A_622 : i32 to index
        %get3A_717 = arith.constant 48 : index
        %get3A_718 = tpu.vector_load %arg5[%get3A_716, %get3A_717] {strides = array<i32>} : memref<80x128xi32, #tpu.memory_space<vmem>>, vector<1x16xi32>,
        %get3A_719 = vector.shape_cast %get3A_718 : vector<1x16xi32> to vector<16xi32>
        %shift_right_logical3A_720 = arith.constant 14 : i32
        %shift_right_logical3A_721 = vector.broadcast %shift_right_logical3A_720 : i32 to vector<16xi32>
        %shift_right_logical3A_722 = arith.shrui %get3A_719, %shift_right_logical3A_721 : vector<16xi32>
        %and3A_723 = arith.constant 16383 : i32
        %and3A_724 = vector.broadcast %and3A_723 : i32 to vector<16xi32>
        %and3A_725 = arith.andi %get3A_719, %and3A_724 : vector<16xi32>
        %swap3A_726 = arith.constant 0 : i64
        %swap3A_727 = arith.index_cast %swap3A_726 : i64 to index
        %swap3A_728 = arith.constant 48 : index
        %swap3A_729 = tpu.vector_load %arg6[%swap3A_727, %swap3A_728] {strides = array<i32>} : memref<8x128xi32, #tpu.memory_space<vmem>>, vector<1x16xi32>,
        %swap3A_730 = vector.shape_cast %swap3A_729 : vector<1x16xi32> to vector<16xi32>
        %swap3A_731 = vector.shape_cast %shift_right_logical3A_722 : vector<16xi32> to vector<1x16xi32>
        tpu.vector_store %arg6[%swap3A_727, %swap3A_728], %swap3A_731 {strides = array<i32>} : memref<8x128xi32, #tpu.memory_space<vmem>>, vector<1x16xi32>,
        %sub3A_732 = arith.subi %shift_right_logical3A_722, %and3A_725 : vector<16xi32>
        %abs3A_733 = math.absi %sub3A_732 : vector<16xi32>
        %min3A_734 = arith.constant 1 : i32
        %min3A_735 = vector.broadcast %min3A_734 : i32 to vector<16xi32>
        %min3A_736 = arith.minsi %abs3A_733, %min3A_735 : vector<16xi32>
        %sub3A_737 = arith.constant 1 : i32
        %sub3A_738 = vector.broadcast %sub3A_737 : i32 to vector<16xi32>
        %sub3A_739 = arith.subi %sub3A_738, %min3A_736 : vector<16xi32>
        %convert_element_type3A_740 = arith.sitofp %sub3A_739 : vector<16xi32> to vector<16xf32>
        %swap3A_741 = arith.constant 0 : i64
        %swap3A_742 = arith.index_cast %swap3A_741 : i64 to index
        %swap3A_743 = arith.constant 48 : index
        %swap3A_744 = tpu.vector_load %arg8[%swap3A_742, %swap3A_743] {strides = array<i32>} : memref<8x128xf32, #tpu.memory_space<vmem>>, vector<1x16xf32>,
        %swap3A_745 = vector.shape_cast %swap3A_744 : vector<1x16xf32> to vector<16xf32>
        %swap3A_746 = vector.shape_cast %convert_element_type3A_740 : vector<16xf32> to vector<1x16xf32>
        tpu.vector_store %arg8[%swap3A_742, %swap3A_743], %swap3A_746 {strides = array<i32>} : memref<8x128xf32, #tpu.memory_space<vmem>>, vector<1x16xf32>,
        %get3A_747 = arith.index_cast %add3A_622 : i32 to index
        %get3A_748 = arith.constant 64 : index
        %get3A_749 = tpu.vector_load %arg5[%get3A_747, %get3A_748] {strides = array<i32>} : memref<80x128xi32, #tpu.memory_space<vmem>>, vector<1x16xi32>,
        %get3A_750 = vector.shape_cast %get3A_749 : vector<1x16xi32> to vector<16xi32>
        %shift_right_logical3A_751 = arith.constant 14 : i32
        %shift_right_logical3A_752 = vector.broadcast %shift_right_logical3A_751 : i32 to vector<16xi32>
        %shift_right_logical3A_753 = arith.shrui %get3A_750, %shift_right_logical3A_752 : vector<16xi32>
        %and3A_754 = arith.constant 16383 : i32
        %and3A_755 = vector.broadcast %and3A_754 : i32 to vector<16xi32>
        %and3A_756 = arith.andi %get3A_750, %and3A_755 : vector<16xi32>
        %swap3A_757 = arith.constant 0 : i64
        %swap3A_758 = arith.index_cast %swap3A_757 : i64 to index
        %swap3A_759 = arith.constant 64 : index
        %swap3A_760 = tpu.vector_load %arg6[%swap3A_758, %swap3A_759] {strides = array<i32>} : memref<8x128xi32, #tpu.memory_space<vmem>>, vector<1x16xi32>,
        %swap3A_761 = vector.shape_cast %swap3A_760 : vector<1x16xi32> to vector<16xi32>
        %swap3A_762 = vector.shape_cast %shift_right_logical3A_753 : vector<16xi32> to vector<1x16xi32>
        tpu.vector_store %arg6[%swap3A_758, %swap3A_759], %swap3A_762 {strides = array<i32>} : memref<8x128xi32, #tpu.memory_space<vmem>>, vector<1x16xi32>,
        %sub3A_763 = arith.subi %shift_right_logical3A_753, %and3A_756 : vector<16xi32>
        %abs3A_764 = math.absi %sub3A_763 : vector<16xi32>
        %min3A_765 = arith.constant 1 : i32
        %min3A_766 = vector.broadcast %min3A_765 : i32 to vector<16xi32>
        %min3A_767 = arith.minsi %abs3A_764, %min3A_766 : vector<16xi32>
        %sub3A_768 = arith.constant 1 : i32
        %sub3A_769 = vector.broadcast %sub3A_768 : i32 to vector<16xi32>
        %sub3A_770 = arith.subi %sub3A_769, %min3A_767 : vector<16xi32>
        %convert_element_type3A_771 = arith.sitofp %sub3A_770 : vector<16xi32> to vector<16xf32>
        %swap3A_772 = arith.constant 0 : i64
        %swap3A_773 = arith.index_cast %swap3A_772 : i64 to index
        %swap3A_774 = arith.constant 64 : index
        %swap3A_775 = tpu.vector_load %arg8[%swap3A_773, %swap3A_774] {strides = array<i32>} : memref<8x128xf32, #tpu.memory_space<vmem>>, vector<1x16xf32>,
        %swap3A_776 = vector.shape_cast %swap3A_775 : vector<1x16xf32> to vector<16xf32>
        %swap3A_777 = vector.shape_cast %convert_element_type3A_771 : vector<16xf32> to vector<1x16xf32>
        tpu.vector_store %arg8[%swap3A_773, %swap3A_774], %swap3A_777 {strides = array<i32>} : memref<8x128xf32, #tpu.memory_space<vmem>>, vector<1x16xf32>,
        %get3A_778 = arith.index_cast %add3A_622 : i32 to index
        %get3A_779 = arith.constant 80 : index
        %get3A_780 = tpu.vector_load %arg5[%get3A_778, %get3A_779] {strides = array<i32>} : memref<80x128xi32, #tpu.memory_space<vmem>>, vector<1x16xi32>,
        %get3A_781 = vector.shape_cast %get3A_780 : vector<1x16xi32> to vector<16xi32>
        %shift_right_logical3A_782 = arith.constant 14 : i32
        %shift_right_logical3A_783 = vector.broadcast %shift_right_logical3A_782 : i32 to vector<16xi32>
        %shift_right_logical3A_784 = arith.shrui %get3A_781, %shift_right_logical3A_783 : vector<16xi32>
        %and3A_785 = arith.constant 16383 : i32
        %and3A_786 = vector.broadcast %and3A_785 : i32 to vector<16xi32>
        %and3A_787 = arith.andi %get3A_781, %and3A_786 : vector<16xi32>
        %swap3A_788 = arith.constant 0 : i64
        %swap3A_789 = arith.index_cast %swap3A_788 : i64 to index
        %swap3A_790 = arith.constant 80 : index
        %swap3A_791 = tpu.vector_load %arg6[%swap3A_789, %swap3A_790] {strides = array<i32>} : memref<8x128xi32, #tpu.memory_space<vmem>>, vector<1x16xi32>,
        %swap3A_792 = vector.shape_cast %swap3A_791 : vector<1x16xi32> to vector<16xi32>
        %swap3A_793 = vector.shape_cast %shift_right_logical3A_784 : vector<16xi32> to vector<1x16xi32>
        tpu.vector_store %arg6[%swap3A_789, %swap3A_790], %swap3A_793 {strides = array<i32>} : memref<8x128xi32, #tpu.memory_space<vmem>>, vector<1x16xi32>,
        %sub3A_794 = arith.subi %shift_right_logical3A_784, %and3A_787 : vector<16xi32>
        %abs3A_795 = math.absi %sub3A_794 : vector<16xi32>
        %min3A_796 = arith.constant 1 : i32
        %min3A_797 = vector.broadcast %min3A_796 : i32 to vector<16xi32>
        %min3A_798 = arith.minsi %abs3A_795, %min3A_797 : vector<16xi32>
        %sub3A_799 = arith.constant 1 : i32
        %sub3A_800 = vector.broadcast %sub3A_799 : i32 to vector<16xi32>
        %sub3A_801 = arith.subi %sub3A_800, %min3A_798 : vector<16xi32>
        %convert_element_type3A_802 = arith.sitofp %sub3A_801 : vector<16xi32> to vector<16xf32>
        %swap3A_803 = arith.constant 0 : i64
        %swap3A_804 = arith.index_cast %swap3A_803 : i64 to index
        %swap3A_805 = arith.constant 80 : index
        %swap3A_806 = tpu.vector_load %arg8[%swap3A_804, %swap3A_805] {strides = array<i32>} : memref<8x128xf32, #tpu.memory_space<vmem>>, vector<1x16xf32>,
        %swap3A_807 = vector.shape_cast %swap3A_806 : vector<1x16xf32> to vector<16xf32>
        %swap3A_808 = vector.shape_cast %convert_element_type3A_802 : vector<16xf32> to vector<1x16xf32>
        tpu.vector_store %arg8[%swap3A_804, %swap3A_805], %swap3A_808 {strides = array<i32>} : memref<8x128xf32, #tpu.memory_space<vmem>>, vector<1x16xf32>,
        %get3A_809 = arith.index_cast %add3A_622 : i32 to index
        %get3A_810 = arith.constant 96 : index
        %get3A_811 = tpu.vector_load %arg5[%get3A_809, %get3A_810] {strides = array<i32>} : memref<80x128xi32, #tpu.memory_space<vmem>>, vector<1x16xi32>,
        %get3A_812 = vector.shape_cast %get3A_811 : vector<1x16xi32> to vector<16xi32>
        %shift_right_logical3A_813 = arith.constant 14 : i32
        %shift_right_logical3A_814 = vector.broadcast %shift_right_logical3A_813 : i32 to vector<16xi32>
        %shift_right_logical3A_815 = arith.shrui %get3A_812, %shift_right_logical3A_814 : vector<16xi32>
        %and3A_816 = arith.constant 16383 : i32
        %and3A_817 = vector.broadcast %and3A_816 : i32 to vector<16xi32>
        %and3A_818 = arith.andi %get3A_812, %and3A_817 : vector<16xi32>
        %swap3A_819 = arith.constant 0 : i64
        %swap3A_820 = arith.index_cast %swap3A_819 : i64 to index
        %swap3A_821 = arith.constant 96 : index
        %swap3A_822 = tpu.vector_load %arg6[%swap3A_820, %swap3A_821] {strides = array<i32>} : memref<8x128xi32, #tpu.memory_space<vmem>>, vector<1x16xi32>,
        %swap3A_823 = vector.shape_cast %swap3A_822 : vector<1x16xi32> to vector<16xi32>
        %swap3A_824 = vector.shape_cast %shift_right_logical3A_815 : vector<16xi32> to vector<1x16xi32>
        tpu.vector_store %arg6[%swap3A_820, %swap3A_821], %swap3A_824 {strides = array<i32>} : memref<8x128xi32, #tpu.memory_space<vmem>>, vector<1x16xi32>,
        %sub3A_825 = arith.subi %shift_right_logical3A_815, %and3A_818 : vector<16xi32>
        %abs3A_826 = math.absi %sub3A_825 : vector<16xi32>
        %min3A_827 = arith.constant 1 : i32
        %min3A_828 = vector.broadcast %min3A_827 : i32 to vector<16xi32>
        %min3A_829 = arith.minsi %abs3A_826, %min3A_828 : vector<16xi32>
        %sub3A_830 = arith.constant 1 : i32
        %sub3A_831 = vector.broadcast %sub3A_830 : i32 to vector<16xi32>
        %sub3A_832 = arith.subi %sub3A_831, %min3A_829 : vector<16xi32>
        %convert_element_type3A_833 = arith.sitofp %sub3A_832 : vector<16xi32> to vector<16xf32>
        %swap3A_834 = arith.constant 0 : i64
        %swap3A_835 = arith.index_cast %swap3A_834 : i64 to index
        %swap3A_836 = arith.constant 96 : index
        %swap3A_837 = tpu.vector_load %arg8[%swap3A_835, %swap3A_836] {strides = array<i32>} : memref<8x128xf32, #tpu.memory_space<vmem>>, vector<1x16xf32>,
        %swap3A_838 = vector.shape_cast %swap3A_837 : vector<1x16xf32> to vector<16xf32>
        %swap3A_839 = vector.shape_cast %convert_element_type3A_833 : vector<16xf32> to vector<1x16xf32>
        tpu.vector_store %arg8[%swap3A_835, %swap3A_836], %swap3A_839 {strides = array<i32>} : memref<8x128xf32, #tpu.memory_space<vmem>>, vector<1x16xf32>,
        %get3A_840 = arith.index_cast %add3A_622 : i32 to index
        %get3A_841 = arith.constant 112 : index
        %get3A_842 = tpu.vector_load %arg5[%get3A_840, %get3A_841] {strides = array<i32>} : memref<80x128xi32, #tpu.memory_space<vmem>>, vector<1x16xi32>,
        %get3A_843 = vector.shape_cast %get3A_842 : vector<1x16xi32> to vector<16xi32>
        %shift_right_logical3A_844 = arith.constant 14 : i32
        %shift_right_logical3A_845 = vector.broadcast %shift_right_logical3A_844 : i32 to vector<16xi32>
        %shift_right_logical3A_846 = arith.shrui %get3A_843, %shift_right_logical3A_845 : vector<16xi32>
        %and3A_847 = arith.constant 16383 : i32
        %and3A_848 = vector.broadcast %and3A_847 : i32 to vector<16xi32>
        %and3A_849 = arith.andi %get3A_843, %and3A_848 : vector<16xi32>
        %swap3A_850 = arith.constant 0 : i64
        %swap3A_851 = arith.index_cast %swap3A_850 : i64 to index
        %swap3A_852 = arith.constant 112 : index
        %swap3A_853 = tpu.vector_load %arg6[%swap3A_851, %swap3A_852] {strides = array<i32>} : memref<8x128xi32, #tpu.memory_space<vmem>>, vector<1x16xi32>,
        %swap3A_854 = vector.shape_cast %swap3A_853 : vector<1x16xi32> to vector<16xi32>
        %swap3A_855 = vector.shape_cast %shift_right_logical3A_846 : vector<16xi32> to vector<1x16xi32>
        tpu.vector_store %arg6[%swap3A_851, %swap3A_852], %swap3A_855 {strides = array<i32>} : memref<8x128xi32, #tpu.memory_space<vmem>>, vector<1x16xi32>,
        %sub3A_856 = arith.subi %shift_right_logical3A_846, %and3A_849 : vector<16xi32>
        %abs3A_857 = math.absi %sub3A_856 : vector<16xi32>
        %min3A_858 = arith.constant 1 : i32
        %min3A_859 = vector.broadcast %min3A_858 : i32 to vector<16xi32>
        %min3A_860 = arith.minsi %abs3A_857, %min3A_859 : vector<16xi32>
        %sub3A_861 = arith.constant 1 : i32
        %sub3A_862 = vector.broadcast %sub3A_861 : i32 to vector<16xi32>
        %sub3A_863 = arith.subi %sub3A_862, %min3A_860 : vector<16xi32>
        %convert_element_type3A_864 = arith.sitofp %sub3A_863 : vector<16xi32> to vector<16xf32>
        %swap3A_865 = arith.constant 0 : i64
        %swap3A_866 = arith.index_cast %swap3A_865 : i64 to index
        %swap3A_867 = arith.constant 112 : index
        %swap3A_868 = tpu.vector_load %arg8[%swap3A_866, %swap3A_867] {strides = array<i32>} : memref<8x128xf32, #tpu.memory_space<vmem>>, vector<1x16xf32>,
        %swap3A_869 = vector.shape_cast %swap3A_868 : vector<1x16xf32> to vector<16xf32>
        %swap3A_870 = vector.shape_cast %convert_element_type3A_864 : vector<16xf32> to vector<1x16xf32>
        tpu.vector_store %arg8[%swap3A_866, %swap3A_867], %swap3A_870 {strides = array<i32>} : memref<8x128xf32, #tpu.memory_space<vmem>>, vector<1x16xf32>,
        %dma_start3A_871 = arith.constant 0 : i32
        %dma_start3A_872 = tpu.memref_slice %arg6[%while3A_313, %dma_start3A_871] : memref<8x128xi32, #tpu.memory_space<vmem>> -> memref<1x128xi32, #tpu.memory_space<vmem>>
        %dma_start3A_873 = tpu.memref_squeeze %dma_start3A_872 : memref<1x128xi32, #tpu.memory_space<vmem>> -> memref<128xi32, #tpu.memory_space<vmem>>
        %dma_start3A_874 = arith.constant 0 : i32
        %dma_start3A_875 = tpu.memref_slice %arg10[%dma_start3A_874] : memref<10240xf32, #tpu.memory_space<vmem_shared>> -> memref<10240xf32, #tpu.memory_space<vmem_shared>>
        tpu.enqueue_indirect_dma source(%arg7 : memref<128xf32, #tpu.memory_space<vmem>>) target(%dma_start3A_875 : memref<10240xf32, #tpu.memory_space<vmem_shared>>) offsets(%dma_start3A_873 : memref<128xi32, #tpu.memory_space<vmem>>) semaphore(%arg12 : memref<!tpu.dma_semaphore, #tpu.memory_space<semaphore_mem>>) {add = true}
        %dma_start3A_876 = arith.constant 0 : i32
        %dma_start3A_877 = tpu.memref_slice %arg8[%while3A_313, %dma_start3A_876] : memref<8x128xf32, #tpu.memory_space<vmem>> -> memref<1x128xf32, #tpu.memory_space<vmem>>
        %dma_start3A_878 = tpu.memref_squeeze %dma_start3A_877 : memref<1x128xf32, #tpu.memory_space<vmem>> -> memref<128xf32, #tpu.memory_space<vmem>>
        %dma_start3A_879 = arith.constant 0 : i32
        %dma_start3A_880 = tpu.memref_slice %arg6[%while3A_313, %dma_start3A_879] : memref<8x128xi32, #tpu.memory_space<vmem>> -> memref<1x128xi32, #tpu.memory_space<vmem>>
        %dma_start3A_881 = tpu.memref_squeeze %dma_start3A_880 : memref<1x128xi32, #tpu.memory_space<vmem>> -> memref<128xi32, #tpu.memory_space<vmem>>
        %dma_start3A_882 = arith.constant 0 : i32
        %dma_start3A_883 = tpu.memref_slice %arg11[%dma_start3A_882] : memref<10240xf32, #tpu.memory_space<vmem_shared>> -> memref<10240xf32, #tpu.memory_space<vmem_shared>>
        tpu.enqueue_indirect_dma source(%dma_start3A_878 : memref<128xf32, #tpu.memory_space<vmem>>) target(%dma_start3A_883 : memref<10240xf32, #tpu.memory_space<vmem_shared>>) offsets(%dma_start3A_881 : memref<128xi32, #tpu.memory_space<vmem>>) semaphore(%arg12 : memref<!tpu.dma_semaphore, #tpu.memory_space<semaphore_mem>>) {add = true}
      } else {
      }
      %dma_wait3A_608 = arith.constant 0 : i32
      %dma_wait3A_609 = tpu.memref_slice %arg6[%while3A_312, %dma_wait3A_608] : memref<8x128xi32, #tpu.memory_space<vmem>> -> memref<1x128xi32, #tpu.memory_space<vmem>>
      %dma_wait3A_610 = tpu.memref_squeeze %dma_wait3A_609 : memref<1x128xi32, #tpu.memory_space<vmem>> -> memref<128xi32, #tpu.memory_space<vmem>>
      %dma_wait3A_611 = arith.constant 0 : i32
      %dma_wait3A_612 = tpu.memref_slice %arg10[%dma_wait3A_611] : memref<10240xf32, #tpu.memory_space<vmem_shared>> -> memref<10240xf32, #tpu.memory_space<vmem_shared>>
      tpu.wait_indirect_dma semaphore(%arg13 : memref<!tpu.dma_semaphore, #tpu.memory_space<semaphore_mem>>) src(%arg7 : memref<128xf32, #tpu.memory_space<vmem>>) dst(%dma_wait3A_612 : memref<10240xf32, #tpu.memory_space<vmem_shared>>)
      %dma_wait3A_613 = arith.constant 0 : i32
      %dma_wait3A_614 = tpu.memref_slice %arg8[%while3A_312, %dma_wait3A_613] : memref<8x128xf32, #tpu.memory_space<vmem>> -> memref<1x128xf32, #tpu.memory_space<vmem>>
      %dma_wait3A_615 = tpu.memref_squeeze %dma_wait3A_614 : memref<1x128xf32, #tpu.memory_space<vmem>> -> memref<128xf32, #tpu.memory_space<vmem>>
      %dma_wait3A_616 = arith.constant 0 : i32
      %dma_wait3A_617 = tpu.memref_slice %arg6[%while3A_312, %dma_wait3A_616] : memref<8x128xi32, #tpu.memory_space<vmem>> -> memref<1x128xi32, #tpu.memory_space<vmem>>
      %dma_wait3A_618 = tpu.memref_squeeze %dma_wait3A_617 : memref<1x128xi32, #tpu.memory_space<vmem>> -> memref<128xi32, #tpu.memory_space<vmem>>
      %dma_wait3A_619 = arith.constant 0 : i32
      %dma_wait3A_620 = tpu.memref_slice %arg11[%dma_wait3A_619] : memref<10240xf32, #tpu.memory_space<vmem_shared>> -> memref<10240xf32, #tpu.memory_space<vmem_shared>>
      tpu.wait_indirect_dma semaphore(%arg13 : memref<!tpu.dma_semaphore, #tpu.memory_space<semaphore_mem>>) src(%dma_wait3A_615 : memref<128xf32, #tpu.memory_space<vmem>>) dst(%dma_wait3A_620 : memref<10240xf32, #tpu.memory_space<vmem_shared>>)
    }
    %barrier3A_324 = arith.constant 0 : index
    tpu.barrier barrier_id(%barrier3A_324)
    "tpu.region"() ({
      %run_scoped3A = tpu.sem_alloc : memref<!tpu.dma_semaphore, #tpu.memory_space<semaphore_mem>>
      %dma_start3A_325 = tpu.memref_slice %arg3[%arg0, %mul3A_2] : memref<2x10240xf32, #tpu.memory_space<hbm>> -> memref<1x640xf32, #tpu.memory_space<hbm>>
      %dma_start3A_326 = tpu.memref_squeeze %dma_start3A_325 : memref<1x640xf32, #tpu.memory_space<hbm>> -> memref<640xf32, #tpu.memory_space<hbm>>
      %dma_start3A_327 = tpu.memref_slice %arg10[%mul3A_2] : memref<10240xf32, #tpu.memory_space<vmem_shared>> -> memref<640xf32, #tpu.memory_space<vmem_shared>>
      tpu.enqueue_dma source(%dma_start3A_327 : memref<640xf32, #tpu.memory_space<vmem_shared>>) target(%dma_start3A_326 : memref<640xf32, #tpu.memory_space<hbm>>) target_semaphore(%run_scoped3A : memref<!tpu.dma_semaphore, #tpu.memory_space<semaphore_mem>>)
      %dma_wait3A = tpu.memref_slice %arg3[%arg0, %mul3A_2] : memref<2x10240xf32, #tpu.memory_space<hbm>> -> memref<1x640xf32, #tpu.memory_space<hbm>>
      %dma_wait3A_328 = tpu.memref_squeeze %dma_wait3A : memref<1x640xf32, #tpu.memory_space<hbm>> -> memref<640xf32, #tpu.memory_space<hbm>>
      %dma_wait3A_329 = tpu.memref_slice %arg10[%mul3A_2] : memref<10240xf32, #tpu.memory_space<vmem_shared>> -> memref<640xf32, #tpu.memory_space<vmem_shared>>
      tpu.wait_dma2 semaphore(%run_scoped3A : memref<!tpu.dma_semaphore, #tpu.memory_space<semaphore_mem>>) src(%dma_wait3A_329 : memref<640xf32, #tpu.memory_space<vmem_shared>>) dst(%dma_wait3A_328 : memref<640xf32, #tpu.memory_space<hbm>>)
      tpu.yield
    }) : () -> ()
    "tpu.region"() ({
      %run_scoped3A = tpu.sem_alloc : memref<!tpu.dma_semaphore, #tpu.memory_space<semaphore_mem>>
      %dma_start3A_325 = tpu.memref_slice %arg4[%arg0, %mul3A_2] : memref<2x10240xf32, #tpu.memory_space<hbm>> -> memref<1x640xf32, #tpu.memory_space<hbm>>
      %dma_start3A_326 = tpu.memref_squeeze %dma_start3A_325 : memref<1x640xf32, #tpu.memory_space<hbm>> -> memref<640xf32, #tpu.memory_space<hbm>>
      %dma_start3A_327 = tpu.memref_slice %arg11[%mul3A_2] : memref<10240xf32, #tpu.memory_space<vmem_shared>> -> memref<640xf32, #tpu.memory_space<vmem_shared>>
      tpu.enqueue_dma source(%dma_start3A_327 : memref<640xf32, #tpu.memory_space<vmem_shared>>) target(%dma_start3A_326 : memref<640xf32, #tpu.memory_space<hbm>>) target_semaphore(%run_scoped3A : memref<!tpu.dma_semaphore, #tpu.memory_space<semaphore_mem>>)
      %dma_wait3A = tpu.memref_slice %arg4[%arg0, %mul3A_2] : memref<2x10240xf32, #tpu.memory_space<hbm>> -> memref<1x640xf32, #tpu.memory_space<hbm>>
      %dma_wait3A_328 = tpu.memref_squeeze %dma_wait3A : memref<1x640xf32, #tpu.memory_space<hbm>> -> memref<640xf32, #tpu.memory_space<hbm>>
      %dma_wait3A_329 = tpu.memref_slice %arg11[%mul3A_2] : memref<10240xf32, #tpu.memory_space<vmem_shared>> -> memref<640xf32, #tpu.memory_space<vmem_shared>>
      tpu.wait_dma2 semaphore(%run_scoped3A : memref<!tpu.dma_semaphore, #tpu.memory_space<semaphore_mem>>) src(%dma_wait3A_329 : memref<640xf32, #tpu.memory_space<vmem_shared>>) dst(%dma_wait3A_328 : memref<640xf32, #tpu.memory_space<hbm>>)
      tpu.yield
    }) : () -> ()
    return
  }
}

module attributes {stable_mosaic.version = 14 : i64} {
  func.func @body(%arg0: i32, %arg1: memref<400x128xf32, #tpu.memory_space<vmem>>, %arg2: memref<128x128xf32, #tpu.memory_space<vmem>>, %arg3: memref<400x2xf32, #tpu.memory_space<vmem>>, %arg4: memref<400x128xf32, #tpu.memory_space<vmem>>) attributes {dimension_semantics = [#tpu.dimension_semantics<arbitrary>], iteration_bounds = array<i64: 25>, scalar_prefetch = 0 : i64, scratch_operands = 0 : i64, tpu.core_type = #tpu.core_type<tc>, window_params = [{transform_indices = @transform_0, window_bounds = array<i64: 400, 128>}, {pipeline_mode = #tpu.pipeline_mode<synchronous>, transform_indices = @transform_1, window_bounds = array<i64: 128, 128>}, {transform_indices = @transform_2, window_bounds = array<i64: 400, 2>}, {transform_indices = @transform_3, window_bounds = array<i64: 400, 128>}]} {
    %get3A = arith.constant 0 : index
    %get3A_0 = arith.constant 0 : index
    %get3A_1 = vector.load %arg3[%get3A, %get3A_0] : memref<400x2xf32, #tpu.memory_space<vmem>>, vector<400x2xf32>
    %reduce_sum3A = arith.constant dense<0.000000e+00> : vector<400xf32>
    %reduce_sum3A_2 = vector.multi_reduction <add>, %get3A_1, %reduce_sum3A [1] : vector<400x2xf32> to vector<400xf32>
    %broadcast_in_dim3A = vector.shape_cast %reduce_sum3A_2 : vector<400xf32> to vector<400x1xf32>
    %gt3A = arith.constant 0.000000e+00 : f32
    %gt3A_3 = vector.broadcast %gt3A : f32 to vector<400x1xf32>
    %gt3A_4 = arith.cmpf ogt, %broadcast_in_dim3A, %gt3A_3 : vector<400x1xf32>
    %rsqrt3A = math.rsqrt %broadcast_in_dim3A : vector<400x1xf32>
    %jit3A = arith.constant 0.000000e+00 : f64
    %convert_element_type3A = arith.truncf %jit3A : f64 to f32
    %broadcast_in_dim3A_5 = vector.broadcast %convert_element_type3A : f32 to vector<400x1xf32>
    %select_n3A = arith.select %gt3A_4, %rsqrt3A, %broadcast_in_dim3A_5 : vector<400x1xi1>, vector<400x1xf32>
    %get3A_6 = arith.constant 0 : index
    %get3A_7 = arith.constant 0 : index
    %get3A_8 = vector.load %arg1[%get3A_6, %get3A_7] : memref<400x128xf32, #tpu.memory_space<vmem>>, vector<400x128xf32>
    %get3A_9 = arith.constant 0 : index
    %get3A_10 = arith.constant 0 : index
    %get3A_11 = vector.load %arg2[%get3A_9, %get3A_10] : memref<128x128xf32, #tpu.memory_space<vmem>>, vector<128x128xf32>
    %dot_general3A = arith.constant dense<0.000000e+00> : vector<400x128xf32>
    %dot_general3A_12 = tpu.matmul %get3A_8, %get3A_11, %dot_general3A {dimension_numbers = #tpu.dot_dimension_numbers<[1], [0], [0], [1], [0, 0, 1, 1], [], []>, transpose_lhs_hint = false} : vector<400x128xf32>, vector<128x128xf32>, vector<400x128xf32> -> vector<400x128xf32>
    %mul3A = vector.broadcast %select_n3A : vector<400x1xf32> to vector<400x128xf32>
    %mul3A_13 = arith.mulf %mul3A, %dot_general3A_12 : vector<400x128xf32>
    %swap3A = arith.constant 0 : index
    %swap3A_14 = arith.constant 0 : index
    %swap3A_15 = vector.load %arg4[%swap3A, %swap3A_14] : memref<400x128xf32, #tpu.memory_space<vmem>>, vector<400x128xf32>
    tpu.vector_store %arg4[%swap3A, %swap3A_14], %mul3A_13 {strides = array<i32>} : memref<400x128xf32, #tpu.memory_space<vmem>>, vector<400x128xf32>,
    return
  }
  func.func @transform_0(%arg0: i32) -> (i32, i32) {
    %c0_i32 = arith.constant 0 : i32
    %c0_i32_0 = arith.constant 0 : i32
    return %arg0, %c0_i32 : i32, i32
  }
  func.func @transform_1(%arg0: i32) -> (i32, i32) {
    %c0_i32 = arith.constant 0 : i32
    %c0_i32_0 = arith.constant 0 : i32
    %c0_i32_1 = arith.constant 0 : i32
    return %c0_i32, %c0_i32_0 : i32, i32
  }
  func.func @transform_2(%arg0: i32) -> (i32, i32) {
    %c0_i32 = arith.constant 0 : i32
    %c0_i32_0 = arith.constant 0 : i32
    return %arg0, %c0_i32 : i32, i32
  }
  func.func @transform_3(%arg0: i32) -> (i32, i32) {
    %c0_i32 = arith.constant 0 : i32
    %c0_i32_0 = arith.constant 0 : i32
    return %arg0, %c0_i32 : i32, i32
  }
}

module attributes {stable_mosaic.version = 14 : i64} {
  func.func @body(%arg0: i32, %arg1: memref<2x400x128xf32, #tpu.memory_space<vmem>>, %arg2: memref<400x128xf32, #tpu.memory_space<vmem>>, %arg3: memref<400x2xf32, #tpu.memory_space<vmem>>, %arg4: memref<400x2xf32, #tpu.memory_space<vmem>>, %arg5: memref<1x128xf32, #tpu.memory_space<vmem>>, %arg6: memref<400x128xf32, #tpu.memory_space<vmem>>) attributes {dimension_semantics = [#tpu.dimension_semantics<arbitrary>], iteration_bounds = array<i64: 25>, scalar_prefetch = 0 : i64, scratch_operands = 0 : i64, tpu.core_type = #tpu.core_type<tc>, window_params = [{transform_indices = @transform_0, window_bounds = array<i64: 2, 400, 128>}, {transform_indices = @transform_1, window_bounds = array<i64: 400, 128>}, {transform_indices = @transform_2, window_bounds = array<i64: 400, 2>}, {transform_indices = @transform_3, window_bounds = array<i64: 400, 2>}, {pipeline_mode = #tpu.pipeline_mode<synchronous>, transform_indices = @transform_4, window_bounds = array<i64: 1, 128>}, {transform_indices = @transform_5, window_bounds = array<i64: 400, 128>}]} {
    %get3A = arith.constant 0 : index
    %get3A_0 = arith.constant 0 : index
    %get3A_1 = vector.load %arg3[%get3A, %get3A_0] : memref<400x2xf32, #tpu.memory_space<vmem>>, vector<400x2xf32>
    %reduce_sum3A = arith.constant dense<0.000000e+00> : vector<400xf32>
    %reduce_sum3A_2 = vector.multi_reduction <add>, %get3A_1, %reduce_sum3A [1] : vector<400x2xf32> to vector<400xf32>
    %broadcast_in_dim3A = vector.shape_cast %reduce_sum3A_2 : vector<400xf32> to vector<400x1xf32>
    %gt3A = arith.constant 0.000000e+00 : f32
    %gt3A_3 = vector.broadcast %gt3A : f32 to vector<400x1xf32>
    %gt3A_4 = arith.cmpf ogt, %broadcast_in_dim3A, %gt3A_3 : vector<400x1xf32>
    %rsqrt3A = math.rsqrt %broadcast_in_dim3A : vector<400x1xf32>
    %jit3A = arith.constant 0.000000e+00 : f64
    %convert_element_type3A = arith.truncf %jit3A : f64 to f32
    %broadcast_in_dim3A_5 = vector.broadcast %convert_element_type3A : f32 to vector<400x1xf32>
    %select_n3A = arith.select %gt3A_4, %rsqrt3A, %broadcast_in_dim3A_5 : vector<400x1xi1>, vector<400x1xf32>
    %get3A_6 = arith.constant 0 : index
    %get3A_7 = arith.constant 0 : index
    %get3A_8 = vector.load %arg4[%get3A_6, %get3A_7] : memref<400x2xf32, #tpu.memory_space<vmem>>, vector<400x2xf32>
    %reduce_sum3A_9 = arith.constant dense<0.000000e+00> : vector<400xf32>
    %reduce_sum3A_10 = vector.multi_reduction <add>, %get3A_8, %reduce_sum3A_9 [1] : vector<400x2xf32> to vector<400xf32>
    %broadcast_in_dim3A_11 = vector.shape_cast %reduce_sum3A_10 : vector<400xf32> to vector<400x1xf32>
    %get3A_12 = arith.constant 0 : index
    %get3A_13 = arith.constant 0 : index
    %get3A_14 = arith.constant 0 : index
    %get3A_15 = vector.load %arg1[%get3A_12, %get3A_13, %get3A_14] : memref<2x400x128xf32, #tpu.memory_space<vmem>>, vector<1x400x128xf32>
    %get3A_16 = vector.shape_cast %get3A_15 : vector<1x400x128xf32> to vector<400x128xf32>
    %get3A_17 = arith.constant 1 : index
    %get3A_18 = arith.constant 0 : index
    %get3A_19 = arith.constant 0 : index
    %get3A_20 = vector.load %arg1[%get3A_17, %get3A_18, %get3A_19] : memref<2x400x128xf32, #tpu.memory_space<vmem>>, vector<1x400x128xf32>
    %get3A_21 = vector.shape_cast %get3A_20 : vector<1x400x128xf32> to vector<400x128xf32>
    %add3A = arith.addf %get3A_16, %get3A_21 : vector<400x128xf32>
    %mul3A = vector.broadcast %select_n3A : vector<400x1xf32> to vector<400x128xf32>
    %mul3A_22 = arith.mulf %mul3A, %add3A : vector<400x128xf32>
    %sub3A = arith.constant 1.000000e+00 : f32
    %sub3A_23 = vector.broadcast %sub3A : f32 to vector<400x1xf32>
    %sub3A_24 = arith.subf %sub3A_23, %broadcast_in_dim3A_11 : vector<400x1xf32>
    %mul3A_25 = arith.mulf %sub3A_24, %select_n3A : vector<400x1xf32>
    %get3A_26 = arith.constant 0 : index
    %get3A_27 = arith.constant 0 : index
    %get3A_28 = vector.load %arg2[%get3A_26, %get3A_27] : memref<400x128xf32, #tpu.memory_space<vmem>>, vector<400x128xf32>
    %mul3A_29 = vector.broadcast %mul3A_25 : vector<400x1xf32> to vector<400x128xf32>
    %mul3A_30 = arith.mulf %mul3A_29, %get3A_28 : vector<400x128xf32>
    %add3A_31 = arith.addf %mul3A_22, %mul3A_30 : vector<400x128xf32>
    %get3A_32 = arith.constant 0 : index
    %get3A_33 = arith.constant 0 : index
    %get3A_34 = vector.load %arg5[%get3A_32, %get3A_33] : memref<1x128xf32, #tpu.memory_space<vmem>>, vector<1x128xf32>
    %add3A_35 = vector.broadcast %get3A_34 : vector<1x128xf32> to vector<400x128xf32>
    %add3A_36 = arith.addf %add3A_31, %add3A_35 : vector<400x128xf32>
    %swap3A = arith.constant 0 : index
    %swap3A_37 = arith.constant 0 : index
    %swap3A_38 = vector.load %arg6[%swap3A, %swap3A_37] : memref<400x128xf32, #tpu.memory_space<vmem>>, vector<400x128xf32>
    tpu.vector_store %arg6[%swap3A, %swap3A_37], %add3A_36 {strides = array<i32>} : memref<400x128xf32, #tpu.memory_space<vmem>>, vector<400x128xf32>,
    return
  }
  func.func @transform_0(%arg0: i32) -> (i32, i32, i32) {
    %c0_i32 = arith.constant 0 : i32
    %c0_i32_0 = arith.constant 0 : i32
    %c0_i32_1 = arith.constant 0 : i32
    return %c0_i32, %arg0, %c0_i32_0 : i32, i32, i32
  }
  func.func @transform_1(%arg0: i32) -> (i32, i32) {
    %c0_i32 = arith.constant 0 : i32
    %c0_i32_0 = arith.constant 0 : i32
    return %arg0, %c0_i32 : i32, i32
  }
  func.func @transform_2(%arg0: i32) -> (i32, i32) {
    %c0_i32 = arith.constant 0 : i32
    %c0_i32_0 = arith.constant 0 : i32
    return %arg0, %c0_i32 : i32, i32
  }
  func.func @transform_3(%arg0: i32) -> (i32, i32) {
    %c0_i32 = arith.constant 0 : i32
    %c0_i32_0 = arith.constant 0 : i32
    return %arg0, %c0_i32 : i32, i32
  }
  func.func @transform_4(%arg0: i32) -> (i32, i32) {
    %c0_i32 = arith.constant 0 : i32
    %c0_i32_0 = arith.constant 0 : i32
    %c0_i32_1 = arith.constant 0 : i32
    return %c0_i32, %c0_i32_0 : i32, i32
  }
  func.func @transform_5(%arg0: i32) -> (i32, i32) {
    %c0_i32 = arith.constant 0 : i32
    %c0_i32_0 = arith.constant 0 : i32
    return %arg0, %c0_i32 : i32, i32
  }
}

</mosaic_0001>

<sc_bundles>
// kernel: kernel.6.cloned.1.call-start
scs
__scs_entry_jumppad:
0x0: {  	(pc) =	sbr.rel $0x88, $3  }
0x1: {  	(tag) =	ssettag $0x0;
	lr =	simm.s32 $0x1  }
0x2: {  	[smem:$0x3F9D] =	sst lr;
	_ =	strace $0xD0000000  }
0x3: {  	_ = 	snop  }
0x4: {  	_ = 	snop  }
0x5: {  	_ = 	snop  }
0x6: {  	_ = 	snop  }
0x7: {  	_ = 	snop  }
__scs_overlays_trampoline_lowered:
0x8: {  	[smem:$0x3FAC] =	sst s0  }
0x9: {  	[smem:$0x3FAD] =	sst s1  }
0xa: {  	[smem:$0x3FAE] =	sst s2  }
0xb: {  	[smem:$0x3FAF] =	sst s3  }
0xc: {  	[smem:$0x3FB0] =	sst s4  }
0xd: {  	[smem:$0x3FB1] =	sst s5  }
0xe: {  	[smem:$0x3FB2] =	sst s6  }
0xf: {  	[smem:$0x3FB3] =	sst s7  }
0x10: {  	[smem:$0x3FB4] =	sst s8  }
0x11: {  	[smem:$0x3FB5] =	sst s9;
	s0 =	simm.s32 @!p0 $0x0  }
0x12: {  	s1 =	sld [smem:$0x3F9B];
	s0 =	simm.s32 @p0 $0x1  }
0x13: {  	[smem:$0x3FB6] =	sst s0;
	s0 =	simm.s32 @!p1 $0x0  }
0x14: {  	s2 =	sld [smem:$0x3F9A];
	s0 =	simm.s32 @p1 $0x1  }
0x15: {  	[smem:$0x3FB7] =	sst s0;
	s0 =	simm.s32 @!p2 $0x0  }
0x16: {  	s3 =	sld [smem:$0x3FDB];
	s0 =	simm.s32 @p2 $0x1  }
0x17: {  	s4 =	simm.s32 $0x1BF5;
	[smem:$0x3FB9] =	sst s0  }
0x18: {  	s0 =	sld [smem:$0x3F9C];
	_ =	swait.ge [sflag:s4], $0x0  }
0x19: {  	s7 =	sld [smem:$0x3F9D]  }
0x1a: {  	s8 =	sadd.s32 $0xFFFFE003, lr  }
0x1b: {  	s9 =	sadd.s32 $0xFFFFFEF7, lr;
	s5 =	simm.s32 $0xFFFFFFFF;
	p2 =	slt.u32 s8, $0xFFFFF086  }
0x1c: {  	p1 =	slt.u32 s9, $0xF7A;
	s5 =	simm.s32 @!p2 $0x0  }
0x1d: {  	s5 =	simm.s32 @p1 $0x1;
	p0 =	seq.s32 s7, s2  }
0x1e: {  	s7 =	smul.u32 @!p0 $0xF7A, s2;
	p2 =	seq.s32 @!p0 s5, $0x0  }
0x1f: {  	s9 =	smul.u32 $0xF7A, s1;
	s8 =	simm.s32 @!p0 $0x1BF5;
	p2 =	por !p2, p0  }
0x20: {  	[sflag:s8] =	ssyncset.s32 @!p0 $0xFFFFF086;
	s6 =	sadd.s32 @!p0 s3, s7;
	s7 =	simm.s32 @!p0 $0x108  }
0x21: {  	s3 =	sadd.s32 s3, s9;
	s6 =	sadd.s32 @!p0 $0x88, s6;
	s7 =	simm.s32 @p2 $0x1082  }
0x22: {  	[simem:s7], [sflag:s8] =	dma.local @!p0 [hbm:s6], $0xF7A  }
0x23: {  	s9 =	sor.u32 $0xD0000000, s2;
	s6 =	simm.s32 $0x108;
	_ =	swait.ge @!p0 [sflag:s8], $0x0  }
0x24: {  	s3 =	sadd.s32 $0x88, s3;
	s6 =	simm.s32 @!p1 $0x1082;
	[sflag:s4] =	ssyncset.s32 $0xFFFFF086  }
0x25: {  	[simem:s6], [sflag:s4] =	dma.local [hbm:s3], $0xF7A  }
0x26: {  	[smem:$0x3F9D] =	sst s1;
	(tag) =	ssettag s2;
	_ =	strace s9  }
0x27: {  	s1 =	sld [smem:$0x3FAD]  }
0x28: {  	s2 =	sld [smem:$0x3FAE]  }
0x29: {  	s4 =	sld [smem:$0x3FB0]  }
0x2a: {  	p0 =	seq.s32 s5, $0x0;
	s5 =	sld [smem:$0x3FB1]  }
0x2b: {  	s6 =	sld [smem:$0x3FB2]  }
0x2c: {  	s7 =	sld [smem:$0x3FB3]  }
0x2d: {  	s3 =	simm.s32 $0x108;
	s8 =	sld [smem:$0x3FB4]  }
0x2e: {  	s3 =	simm.s32 @!p0 $0x1082;
	s9 =	sld [smem:$0x3FB5]  }
0x2f: {  	lr =	sadd.s32 s0, s3;
	s0 =	sld [smem:$0x3FAC]  }
0x30: {  	s3 =	sld [smem:$0x3FAF]  }
0x31: {  	[smem:$0x3FB8] =	sst s10  }
0x32: {  	s10 =	sld [smem:$0x3FB6];
	_ =	sdelay $0x3  }
0x33: {  	p0 =	seq.s32 s10, $0x1;
	s10 =	sld [smem:$0x3FB8];
	_ =	sdelay $0x3  }
0x34: {  	[smem:$0x3FB8] =	sst s10  }
0x35: {  	s10 =	sld [smem:$0x3FB7];
	_ =	sdelay $0x3  }
0x36: {  	p1 =	seq.s32 s10, $0x1;
	s10 =	sld [smem:$0x3FB8];
	_ =	sdelay $0x3  }
0x37: {  	[smem:$0x3FB8] =	sst s10  }
0x38: {  	s10 =	sld [smem:$0x3FB9]  }
0x39: {  	_ = 	snop;
	(pc) =	sbr.ind lr, $3  }
0x3a: {  	_ = 	snop  }
0x3b: {  	_ = 	snop  }
0x3c: {  	p2 =	seq.s32 s10, $0x1;
	s10 =	sld [smem:$0x3FB8]  }
0x3d: {  	_ =	shalt  }
0x3e: {  	_ =	shalt  }
0x3f: {  	_ =	shalt  }
0x40: {  	_ =	shalt  }
0x41: {  	_ =	shalt  }
0x42: {  	_ =	shalt  }
0x43: {  	_ =	shalt  }
0x44: {  	_ =	shalt  }
0x45: {  	_ =	shalt  }
0x46: {  	_ =	shalt  }
0x47: {  	_ =	shalt  }
0x48: {  	_ =	shalt  }
0x49: {  	_ =	shalt  }
0x4a: {  	_ =	shalt  }
0x4b: {  	_ =	shalt  }
0x4c: {  	_ =	shalt  }
0x4d: {  	_ =	shalt  }
0x4e: {  	_ =	shalt  }
0x4f: {  	_ =	shalt  }
0x50: {  	_ =	shalt  }
0x51: {  	_ =	shalt  }
0x52: {  	_ =	shalt  }
0x53: {  	_ =	shalt  }
0x54: {  	_ =	shalt  }
0x55: {  	_ =	shalt  }
0x56: {  	_ =	shalt  }
0x57: {  	_ =	shalt  }
0x58: {  	_ =	shalt  }
0x59: {  	_ =	shalt  }
0x5a: {  	_ =	shalt  }
0x5b: {  	_ =	shalt  }
0x5c: {  	_ =	shalt  }
0x5d: {  	_ =	shalt  }
0x5e: {  	_ =	shalt  }
0x5f: {  	_ =	shalt  }
0x60: {  	_ =	shalt  }
0x61: {  	_ =	shalt  }
0x62: {  	_ =	shalt  }
0x63: {  	_ =	shalt  }
0x64: {  	_ =	shalt  }
0x65: {  	_ =	shalt  }
0x66: {  	_ =	shalt  }
0x67: {  	_ =	shalt  }
0x68: {  	_ =	shalt  }
0x69: {  	_ =	shalt  }
0x6a: {  	_ =	shalt  }
0x6b: {  	_ =	shalt  }
0x6c: {  	_ =	shalt  }
0x6d: {  	_ =	shalt  }
0x6e: {  	_ =	shalt  }
0x6f: {  	_ =	shalt  }
0x70: {  	_ =	shalt  }
0x71: {  	_ =	shalt  }
0x72: {  	_ =	shalt  }
0x73: {  	_ =	shalt  }
0x74: {  	_ =	shalt  }
0x75: {  	_ =	shalt  }
0x76: {  	_ =	shalt  }
0x77: {  	_ =	shalt  }
0x78: {  	_ =	shalt  }
0x79: {  	_ =	shalt  }
0x7a: {  	_ =	shalt  }
0x7b: {  	_ =	shalt  }
0x7c: {  	_ =	shalt  }
0x7d: {  	_ =	shalt  }
0x7e: {  	_ =	shalt  }
0x7f: {  	_ =	shalt  }
0x80: {  	_ =	shalt  }
0x81: {  	_ =	shalt  }
0x82: {  	_ =	shalt  }
0x83: {  	_ =	shalt  }
0x84: {  	_ =	shalt  }
0x85: {  	_ =	shalt  }
0x86: {  	_ =	shalt  }
0x87: {  	_ =	shalt  }
.Lfunc_end0:
.L_simem_size_0:
called_computation_lowered:
.L_overlay_start_0:
0x88: {  	s2 =	sld [smem:$0x3FD9]  }
0x89: {  	s3 =	sld [smem:$0x3FFE];
	_ =	sdelay $0x1  }
0x8a: {  	s1 =	srdreg.scid  }
0x8b: {  	s0 =	sand.u32 $0x1, s1  }
0x8c: {  	s17 =	sshll.u32 s0, $0xA;
	s2 =	sadd.s32 s3, s2  }
0x8d: {  	s2 =	sadd.s32 s2, s17  }
0x8e: {  	[smem:$0x3FC4] =	sst s2  }
0x8f: {  	_ = 	snop  }
0x90: {  	s2 =	sld [smem:$0x3FD0];
	(tm) =	ssettm $0x1  }
0x91: {  	s18 =	sld [smem:$0x3FFB];
	_ =	sdelay $0x3  }
0x92: {  	_ =	strace s18  }
0x93: {  	s3 =	sld [smem:$0x3FFC];
	_ =	sdelay $0x3  }
0x94: {  	_ =	strace s3  }
0x95: {  	s3 =	sld [smem:$0x3FFD];
	_ =	sdelay $0x3  }
0x96: {  	_ =	strace s3  }
0x97: {  	_ =	strace $0x8FFFFFFF  }
0x98: {  	s19 =	sld [smem:$0x3FDB];
	_ =	sdelay $0x1  }
0x99: {  	s4 =	simm.s32 $_scs_section_size  }
0x9a: {  	s5 =	simm.s32 $_size__tile_overlayer_lowered;
	s6 =	simm.s32 $_tile_overlayer_lowered  }
0x9b: {  	s22 =	simm.s32 $0x1BFF;
	s21 =	sshll.u32 s6, $0x1;
	s3 =	sadd.s32 s4, s19  }
0x9c: {  	s7 =	simm.s32 $0x0;
	s20 =	sshll.u32 s5, $0x1;
	s5 =	sadd.s32 s21, s3  }
0x9d: {  	[timem:s7], [sflag:s22] =	dma.local [hbm:s5], s20  }
0x9e: {  	_ =	swait.ge [sflag:s22], s20  }
0x9f: {  	s4 =	ssub.s32 $0x0, s20;
	[sflag:s22] =	ssyncset.done $0x0  }
0xa0: {  	[sflag:s22] =	ssyncadd.s32 s4;
	_ =	sdelay $0x1  }
0xa1: {  	s23 =	simm.s32 $0x1B8B  }
0xa2: {  	_ =	swait.ge [sflag:s23], $0x1  }
0xa3: {  	[sflag:s23] =	ssyncset.done $0x0  }
0xa4: {  	s25 =	simm.s32 $0x1B8E;
	s24 =	sld [smem:$0x3FFE];
	[sflag:s23] =	ssyncadd.s32 $0xFFFFFFFF  }
0xa5: {  	s26 =	simm.s32 $execute0_lowered;
	[smem:$0x3FD2] =	sst s25  }
0xa6: {  	s5 =	sshll.u32 s26, $0x1;
	_ =	strace $0x80000046;
	[dreg:$0x1] =	wrdreg $0xFFFFFFFF  }
0xa7: {  	s28 =	simm.s32 $_size_execute0_lowered;
	s3 =	sadd.s32 s3, s5;
	[dreg:$0x0] =	wrdreg $0x0  }
0xa8: {  	s5 =	sshll.u32 s28, $0x1;
	[dreg:$0x2] =	wrdreg s3  }
0xa9: {  	[dreg:$0x3] =	wrdreg s5  }
0xaa: {  	[dreg:$0x4] =	wrdreg $0xC0  }
0xab: {  	_ =	task [dreg:s7], $0x5FFFF  }
0xac: {  	[dreg:$0x1] =	wrdreg $0xFFFFFFFF  }
0xad: {  	[dreg:$0x0] =	wrdreg $0x60  }
0xae: {  	[dreg:$0x2] =	wrdreg s2  }
0xaf: {  	[dreg:$0x3] =	wrdreg s24  }
0xb0: {  	[dreg:$0x4] =	wrdreg $0x33000  }
0xb1: {  	[dreg:$0x5] =	wrdreg $0x35800  }
0xb2: {  	[dreg:$0x6] =	wrdreg $0x9  }
0xb3: {  	_ =	task.clear_ibuf [dreg:s7], $0x7FFFF;
	_ =	strace $0x90000046  }
0xb4: {  	s29 =	simm.s32 $0x9;
	_ =	strace $0x80000048  }
0xb5: {  	_ =	swait.ge [sflag:s29], $0x1  }
0xb6: {  	[sflag:s29] =	ssyncadd.s32 $0xFFFFFFFF  }
0xb7: {  	_ =	strace $0x90000048  }
0xb8: {  	_ =	sfence  }
0xb9: {  	s30 =	sld [smem:$0x0];
	_ =	sdelay $0x2  }
0xba: {  	s31 =	sshll.u32 s1, $0xD;
	s1 =	sshrl.u32 s1, $0x2  }
0xbb: {  	s3 =	sand.u32 $0x4000, s31;
	s1 =	sadd.s32 s1, s30  }
0xbc: {  	s0 =	sor.u32 s3, s0;
	s1 =	sshll.u32 s1, $0x11  }
0xbd: {  	s0 =	sor.u32 s1, s0  }
0xbe: {  	s0 =	sadd.s32 $0x8F2B, s0  }
0xbf: {  	[sflag:s0] =	ssyncadd.remote.s32 $0x1  }
0xc0: {  	_ =	sfence.sel $0xFFFF  }
0xc1: {  	[dreg:$0x0] =	wrdreg $0xFFFFFFFF;
	(pc) =	sbr.abs _section_cstart, $3  }
0xc2: {  	[dreg:$0x1] =	wrdreg $0xFFFFFFFF  }
0xc3: {  	_ =	task.clear_ibuf [dreg:s7], $0x2FFFF;
	_ =	strace $0x9FFFFFFF  }
0xc4: {  	(tm) =	ssettm $0x7FFFFFFF  }
0xc5: {  	_ =	shalt  }
tec
execute0_lowered:
.L_overlay_start_1:
0x0: {  	(tag) =	ssettag $0x1  }
0x1: {  	s7 =	rddreg [dreg:$0x0]  }
0x2: {  	s5 =	rddreg [dreg:$0x1]  }
0x3: {  	s2 =	rddreg [dreg:$0x2]  }
0x4: {  	s3 =	rddreg [dreg:$0x3]  }
0x5: {  	s0 =	rddreg [dreg:$0x4];
	s6 =	srdreg.scid  }
0x6: {  	s1 =	stileid.u32;
	s4 =	simm.s32 $0x0;
	s13 =	simm.s32 $0x80  }
0x7: {  	s14 =	simm.s32 $0x2800;
	s15 =	simm.s32 $0x2C00;
	s16 =	simm.s32 $0x2C80  }
0x8: {  	s17 =	simm.s32 $0x2880;
	s18 =	simm.s32 $0x2D00;
	s19 =	simm.s32 $0x1  }
0x9: {  	s20 =	simm.s32 $0x2;
	s23 =	simm.s32 $0x20;
	s24 =	simm.s32 $0x10  }
0xa: {  	s25 =	simm.s32 $0x0;
	s6 =	sand.u32 $0x1, s6;
	s8 =	smul.u32 $0x500, s1  }
0xb: {  	[smem:$0x7FF] =	sst s4;
	s10 =	smul.u32 $0x280, s1;
	s21 =	sshll.u32 s1, $0x6  }
0xc: {  	s9 =	sshll.u32 s6, $0x7;
	_ =	strace $0x80000047;
	s31 =	sshll.u32 s6, $0x4  }
0xd: {  	s6 =	ssub.s32 $0x2, s6;
	s21 =	sor.u32 $0x1C03, s21;
	s8 =	sor.u32 s9, s8  }
0xe: {  	s9 =	sor.u32 s1, s31;
	s11 =	sshrl.u32 s6, $0x1;
	s8 =	sshrl.u32 s8, $0x3  }
0xf: {  	s9 =	smul.u32 $0x500, s9;
	s11 =	ssub.s32 s6, s11;
	s6 =	sadd.s32 s10, s3  }
0x10: {  	s12 =	sadd.s32 s8, s5;
	s5 =	sadd.s32 s10, s2;
	s10 =	smax.u32 s11, $0x1  }
0x11: {  	s11 =	simm.s32 $0x3080;
	s7 =	sadd.s32 s7, s9;
	s8 =	sadd.s32 $0x1A00, s12  }
0x12: {  	v0 =	vimm.f32 $0.0e+00;
	v1 =	vimm.f32 $1.000000000e+00;
	v2 =	vimm.s32 $0x0;
	s9 =	sadd.s32 $0x2400, s12;
	s12 =	simm.s32 $0x3;
	s22 =	sshrl.u32 s5, $0x3  }
.LBB2_1:
0x13: {  	[tilespmem:$0x3080] =	vst v0  }
0x14: {  	[tilespmem:$0x3090] =	vst v0  }
0x15: {  	[tilespmem:$0x30A0] =	vst v0  }
0x16: {  	[tilespmem:$0x30B0] =	vst v0  }
0x17: {  	[tilespmem:$0x30C0] =	vst v0  }
0x18: {  	[tilespmem:$0x30D0] =	vst v0  }
0x19: {  	[tilespmem:$0x30E0] =	vst v0  }
0x1a: {  	[tilespmem:$0x30F0] =	vst v0  }
0x1b: {  	[tilespmem:$0x3100] =	vst v0  }
0x1c: {  	[tilespmem:$0x3110] =	vst v0  }
0x1d: {  	[tilespmem:$0x3120] =	vst v0  }
0x1e: {  	[tilespmem:$0x3130] =	vst v0  }
0x1f: {  	[tilespmem:$0x3140] =	vst v0  }
0x20: {  	[tilespmem:$0x3150] =	vst v0  }
0x21: {  	[tilespmem:$0x3160] =	vst v0  }
0x22: {  	[tilespmem:$0x3170] =	vst v0  }
0x23: {  	[tilespmem:$0x3180] =	vst v0  }
0x24: {  	[tilespmem:$0x3190] =	vst v0  }
0x25: {  	[tilespmem:$0x31A0] =	vst v0  }
0x26: {  	[tilespmem:$0x31B0] =	vst v0  }
0x27: {  	[tilespmem:$0x31C0] =	vst v0  }
0x28: {  	[tilespmem:$0x31D0] =	vst v0  }
0x29: {  	[tilespmem:$0x31E0] =	vst v0  }
0x2a: {  	[tilespmem:$0x31F0] =	vst v0  }
0x2b: {  	[tilespmem:$0x3200] =	vst v0  }
0x2c: {  	[tilespmem:$0x3210] =	vst v0  }
0x2d: {  	[tilespmem:$0x3220] =	vst v0  }
0x2e: {  	[tilespmem:$0x3230] =	vst v0  }
0x2f: {  	[tilespmem:$0x3240] =	vst v0  }
0x30: {  	[tilespmem:$0x3250] =	vst v0  }
0x31: {  	[tilespmem:$0x3260] =	vst v0  }
0x32: {  	[tilespmem:$0x3270] =	vst v0  }
0x33: {  	[tilespmem:$0x3280] =	vst v0  }
0x34: {  	[tilespmem:$0x3290] =	vst v0  }
0x35: {  	[tilespmem:$0x32A0] =	vst v0  }
0x36: {  	[tilespmem:$0x32B0] =	vst v0  }
0x37: {  	[tilespmem:$0x32C0] =	vst v0  }
0x38: {  	[tilespmem:$0x32D0] =	vst v0  }
0x39: {  	[tilespmem:$0x32E0] =	vst v0  }
0x3a: {  	[tilespmem:$0x32F0] =	vst v0  }
0x3b: {  	[tilespmem:$0x2C00] =	vst v1  }
0x3c: {  	[tilespmem:$0x2C10] =	vst v1  }
0x3d: {  	[tilespmem:$0x2C20] =	vst v1  }
0x3e: {  	[tilespmem:$0x2C30] =	vst v1  }
0x3f: {  	[tilespmem:$0x2C40] =	vst v1  }
0x40: {  	[tilespmem:$0x2C50] =	vst v1  }
0x41: {  	[tilespmem:$0x2C60] =	vst v1  }
0x42: {  	[tilespmem:$0x2C70] =	vst v1  }
0x43: {  	[spmem:s5] =	stream.linear.scatter [tilespmem:s11], [sflag:$0x3], $0x280, $0x38;
	[tilespmem:$0x3800] =	vst v63  }
0x44: {  	_ =	swait.ge [sflag:s12], $0x280  }
0x45: {  	[sflag:s12] =	ssyncset.done $0x0  }
0x46: {  	[sflag:s12] =	ssyncadd.s32 $0xFFFFFD80  }
0x47: {  	[spmem:s6] =	stream.linear.scatter [tilespmem:s11], [sflag:$0x3], $0x280, $0x38;
	[tilespmem:$0x3800] =	vst v63  }
0x48: {  	_ =	swait.ge [sflag:s12], $0x280  }
0x49: {  	[sflag:s12] =	ssyncset.done $0x0  }
0x4a: {  	[sflag:s12] =	ssyncadd.s32 $0xFFFFFD80  }
0x4b: {  	[tilespmem:s4], [sflag:$0x3] =	stream.linear.gather [hbm4b:s7+s4], $0x2800, $0x38;
	[tilespmem:$0x3800] =	vst v63  }
0x4c: {  	_ =	swait.ge [sflag:s12], $0x2800  }
0x4d: {  	[sflag:s12] =	ssyncset.done $0x0  }
0x4e: {  	[sflag:s12] =	ssyncadd.s32 $0xFFFFD800  }
0x4f: {  	[bflag:$0x0] =	sbarrier.arrive $0xFFFF  }
0x50: {  	v3 =	vld [tilespmem:$0x0]  }
0x51: {  	v4 =	vld [tilespmem:$0x10]  }
0x52: {  	v5 =	vld [tilespmem:$0x20]  }
0x53: {  	v43 =	vld [tilespmem:$0x40]  }
0x54: {  	v46 =	vld [tilespmem:$0x50]  }
0x55: {  	v51 =	vld [tilespmem:$0x70];
	v6 =	vshrl.u32 v3, $0xE;
	v3 =	vand.u32 $0x3FFF, v3  }
0x56: {  	v7 =	vshrl.u32 v4, $0xE;
	vm0 =	veq.s32 v6, v3;
	v3 =	vld [tilespmem:$0x30];
	[tilespmem:$0x2800] =	vst v6  }
0x57: {  	v45 =	vshrl.u32 v5, $0xE;
	[tilespmem:$0x2810] =	vst v7  }
0x58: {  	v50 =	vshrl.u32 v43, $0xE;
	[tilespmem:$0x2820] =	vst v45  }
0x59: {  	v4 =	vand.u32 $0x3FFF, v4;
	v5 =	vand.u32 $0x3FFF, v5;
	v53 =	vshrl.u32 v46, $0xE;
	[tilespmem:$0x2840] =	vst v50  }
0x5a: {  	v55 =	vshrl.u32 v51, $0xE;
	vm13 =	veq.s32 v7, v4;
	vm14 =	veq.s32 v45, v5;
	[tilespmem:$0x2850] =	vst v53  }
0x5b: {  	[tilespmem:$0x2870] =	vst v55;
	v42 =	vsel vm0, $0x3F800000, v2;
	v48 =	vshrl.u32 v3, $0xE;
	v3 =	vand.u32 $0x3FFF, v3  }
0x5c: {  	v4 =	vand.u32 $0x3FFF, v43;
	v44 =	vsel vm13, $0x3F800000, v2;
	[tilespmem:$0x2C80] =	vst v42;
	vm15 =	veq.s32 v48, v3;
	v3 =	vld [tilespmem:$0x60]  }
0x5d: {  	v5 =	vand.u32 $0x3FFF, v46;
	v47 =	vsel vm14, $0x3F800000, v2;
	vm4 =	veq.s32 v50, v4;
	[tilespmem:$0x2C90] =	vst v44  }
0x5e: {  	vm5 =	veq.s32 v53, v5;
	[tilespmem:$0x2CA0] =	vst v47;
	v52 =	vsel vm4, $0x3F800000, v2  }
0x5f: {  	v5 =	vsel vm5, $0x3F800000, v2;
	[tilespmem:$0x2CC0] =	vst v52  }
0x60: {  	[tilespmem:$0x2CD0] =	vst v5  }
0x61: {  	[tilespmem:$0x2830] =	vst v48;
	v49 =	vsel vm15, $0x3F800000, v2;
	v54 =	vshrl.u32 v3, $0xE;
	v3 =	vand.u32 $0x3FFF, v3  }
0x62: {  	v4 =	vand.u32 $0x3FFF, v51;
	[tilespmem:$0x2CB0] =	vst v49;
	vm6 =	veq.s32 v54, v3  }
0x63: {  	vm7 =	veq.s32 v55, v4;
	[tilespmem:$0x2860] =	vst v54;
	v3 =	vsel vm6, $0x3F800000, v2  }
0x64: {  	[tilespmem:$0x2CE0] =	vst v3;
	v3 =	vsel vm7, $0x3F800000, v2  }
0x65: {  	[tilespmem:$0x2CF0] =	vst v3  }
0x66: {  	[spmem:s2] =	stream.indirect.scatter.add.f32 [tilespmem:s15], [sflag:$0x1], $0x1, s14, s13, $0xb8;
	[tilespmem:$0x3800] =	vst v63  }
0x67: {  	s26 =	simm.s32 $0x0  }
0x68: {  	[spmem:s3] =	stream.indirect.scatter.add.f32 [tilespmem:s16], [sflag:$0x1], $0x1, s14, s13, $0xb8;
	[tilespmem:$0x3800] =	vst v63  }
0x69: {  	v3 =	vld [tilespmem:s26+$0x80];
	_ =	sdelay $0x4  }
0x6a: {  	v56 =	vshrl.u32 v3, $0xE;
	v3 =	vand.u32 $0x3FFF, v3  }
0x6b: {  	vm8 =	veq.s32 v56, v3  }
0x6c: {  	[tilespmem:$0x2880] =	vst v56;
	v3 =	vsel vm8, $0x3F800000, v2  }
0x6d: {  	[tilespmem:$0x2D00] =	vst v3  }
0x6e: {  	v3 =	vld [tilespmem:s26+$0x90];
	_ =	sdelay $0x4  }
0x6f: {  	v57 =	vshrl.u32 v3, $0xE;
	v3 =	vand.u32 $0x3FFF, v3  }
0x70: {  	vm9 =	veq.s32 v57, v3  }
0x71: {  	[tilespmem:$0x2890] =	vst v57;
	v3 =	vsel vm9, $0x3F800000, v2  }
0x72: {  	[tilespmem:$0x2D10] =	vst v3  }
0x73: {  	v3 =	vld [tilespmem:s26+$0xA0];
	_ =	sdelay $0x4  }
0x74: {  	v58 =	vshrl.u32 v3, $0xE;
	v3 =	vand.u32 $0x3FFF, v3  }
0x75: {  	vm10 =	veq.s32 v58, v3  }
0x76: {  	[tilespmem:$0x28A0] =	vst v58;
	v3 =	vsel vm10, $0x3F800000, v2  }
0x77: {  	[tilespmem:$0x2D20] =	vst v3  }
0x78: {  	v3 =	vld [tilespmem:s26+$0xB0];
	_ =	sdelay $0x4  }
0x79: {  	v59 =	vshrl.u32 v3, $0xE;
	v3 =	vand.u32 $0x3FFF, v3  }
0x7a: {  	vm11 =	veq.s32 v59, v3  }
0x7b: {  	[tilespmem:$0x28B0] =	vst v59;
	v3 =	vsel vm11, $0x3F800000, v2  }
0x7c: {  	[tilespmem:$0x2D30] =	vst v3  }
0x7d: {  	v3 =	vld [tilespmem:s26+$0xC0];
	_ =	sdelay $0x4  }
0x7e: {  	v60 =	vshrl.u32 v3, $0xE;
	v3 =	vand.u32 $0x3FFF, v3  }
0x7f: {  	vm12 =	veq.s32 v60, v3  }
0x80: {  	[tilespmem:$0x28C0] =	vst v60;
	v3 =	vsel vm12, $0x3F800000, v2  }
0x81: {  	[tilespmem:$0x2D40] =	vst v3  }
0x82: {  	v3 =	vld [tilespmem:s26+$0xD0];
	_ =	sdelay $0x4  }
0x83: {  	v61 =	vshrl.u32 v3, $0xE;
	v3 =	vand.u32 $0x3FFF, v3  }
0x84: {  	vm13 =	veq.s32 v61, v3  }
0x85: {  	[tilespmem:$0x28D0] =	vst v61;
	v3 =	vsel vm13, $0x3F800000, v2  }
0x86: {  	[tilespmem:$0x2D50] =	vst v3  }
0x87: {  	v3 =	vld [tilespmem:s26+$0xE0];
	_ =	sdelay $0x4  }
0x88: {  	v62 =	vshrl.u32 v3, $0xE;
	v3 =	vand.u32 $0x3FFF, v3  }
0x89: {  	vm14 =	veq.s32 v62, v3  }
0x8a: {  	[tilespmem:$0x28E0] =	vst v62;
	v3 =	vsel vm14, $0x3F800000, v2  }
0x8b: {  	[tilespmem:$0x2D60] =	vst v3  }
0x8c: {  	v3 =	vld [tilespmem:s26+$0xF0];
	_ =	sdelay $0x4  }
0x8d: {  	v63 =	vshrl.u32 v3, $0xE;
	v3 =	vand.u32 $0x3FFF, v3  }
0x8e: {  	vm15 =	veq.s32 v63, v3  }
0x8f: {  	[tilespmem:$0x28F0] =	vst v63;
	v3 =	vsel vm15, $0x3F800000, v2  }
0x90: {  	[tilespmem:$0x2D70] =	vst v3  }
0x91: {  	[spmem:s2] =	stream.indirect.scatter.add.f32 [tilespmem:s15], [sflag:$0x2], $0x1, s17, s13, $0xb8;
	[tilespmem:$0x3800] =	vst v63  }
0x92: {  	_ = 	snop  }
0x93: {  	[spmem:s3] =	stream.indirect.scatter.add.f32 [tilespmem:s18], [sflag:$0x2], $0x1, s17, s13, $0xb8;
	[tilespmem:$0x3800] =	vst v63  }
0x94: {  	_ =	swait.ge [sflag:s19], $0x80  }
0x95: {  	[sflag:s19] =	ssyncset.done $0x0  }
0x96: {  	[sflag:s19] =	ssyncadd.s32 $0xFFFFFF80  }
0x97: {  	_ =	swait.ge [sflag:s19], $0x80  }
0x98: {  	p0 =	por $0x0, $0x0;
	[sflag:s19] =	ssyncset.done $0x0  }
0x99: {  	s26 =	simm.s32 @!p0 $0x0;
	[sflag:s19] =	ssyncadd.s32 $0xFFFFFF80  }
0x9a: {  	v3 =	vld @!p0 [tilespmem:s26+$0x100];
	_ =	sdelay $0x4  }
0x9b: {  	v4 =	vshrl.u32 @!p0 v3, $0xE;
	v3 =	vand.u32 @!p0 $0x3FFF, v3  }
0x9c: {  	vm0 =	veq.s32 @!p0 v4, v3;
	v3 =	vimm.s32 @!p0 $0x0  }
0x9d: {  	[tilespmem:$0x2800] =	vst @!p0 v4;
	v4 =	vsel @!p0 vm0, $0x3F800000, v3  }
0x9e: {  	[tilespmem:$0x2C80] =	vst @!p0 v4  }
0x9f: {  	v4 =	vld @!p0 [tilespmem:s26+$0x110];
	_ =	sdelay $0x4  }
0xa0: {  	v5 =	vshrl.u32 @!p0 v4, $0xE;
	v4 =	vand.u32 @!p0 $0x3FFF, v4  }
0xa1: {  	vm0 =	veq.s32 @!p0 v5, v4  }
0xa2: {  	[tilespmem:$0x2810] =	vst @!p0 v5;
	v4 =	vsel @!p0 vm0, $0x3F800000, v3  }
0xa3: {  	[tilespmem:$0x2C90] =	vst @!p0 v4  }
0xa4: {  	v4 =	vld @!p0 [tilespmem:s26+$0x120];
	_ =	sdelay $0x4  }
0xa5: {  	v5 =	vshrl.u32 @!p0 v4, $0xE;
	v4 =	vand.u32 @!p0 $0x3FFF, v4  }
0xa6: {  	vm0 =	veq.s32 @!p0 v5, v4  }
0xa7: {  	[tilespmem:$0x2820] =	vst @!p0 v5;
	v4 =	vsel @!p0 vm0, $0x3F800000, v3  }
0xa8: {  	[tilespmem:$0x2CA0] =	vst @!p0 v4  }
0xa9: {  	v4 =	vld @!p0 [tilespmem:s26+$0x130];
	_ =	sdelay $0x4  }
0xaa: {  	v5 =	vshrl.u32 @!p0 v4, $0xE;
	v4 =	vand.u32 @!p0 $0x3FFF, v4  }
0xab: {  	vm0 =	veq.s32 @!p0 v5, v4  }
0xac: {  	[tilespmem:$0x2830] =	vst @!p0 v5;
	v4 =	vsel @!p0 vm0, $0x3F800000, v3  }
0xad: {  	[tilespmem:$0x2CB0] =	vst @!p0 v4  }
0xae: {  	v4 =	vld @!p0 [tilespmem:s26+$0x140];
	_ =	sdelay $0x4  }
0xaf: {  	v5 =	vshrl.u32 @!p0 v4, $0xE;
	v4 =	vand.u32 @!p0 $0x3FFF, v4  }
0xb0: {  	vm0 =	veq.s32 @!p0 v5, v4  }
0xb1: {  	[tilespmem:$0x2840] =	vst @!p0 v5;
	v4 =	vsel @!p0 vm0, $0x3F800000, v3  }
0xb2: {  	[tilespmem:$0x2CC0] =	vst @!p0 v4  }
0xb3: {  	v4 =	vld @!p0 [tilespmem:s26+$0x150];
	_ =	sdelay $0x4  }
0xb4: {  	v5 =	vshrl.u32 @!p0 v4, $0xE;
	v4 =	vand.u32 @!p0 $0x3FFF, v4  }
0xb5: {  	vm0 =	veq.s32 @!p0 v5, v4  }
0xb6: {  	[tilespmem:$0x2850] =	vst @!p0 v5;
	v4 =	vsel @!p0 vm0, $0x3F800000, v3  }
0xb7: {  	[tilespmem:$0x2CD0] =	vst @!p0 v4  }
0xb8: {  	v4 =	vld @!p0 [tilespmem:s26+$0x160];
	_ =	sdelay $0x4  }
0xb9: {  	v5 =	vshrl.u32 @!p0 v4, $0xE;
	v4 =	vand.u32 @!p0 $0x3FFF, v4  }
0xba: {  	vm0 =	veq.s32 @!p0 v5, v4  }
0xbb: {  	[tilespmem:$0x2860] =	vst @!p0 v5;
	v4 =	vsel @!p0 vm0, $0x3F800000, v3  }
0xbc: {  	[tilespmem:$0x2CE0] =	vst @!p0 v4  }
0xbd: {  	v4 =	vld @!p0 [tilespmem:s26+$0x170];
	_ =	sdelay $0x4  }
0xbe: {  	v5 =	vshrl.u32 @!p0 v4, $0xE;
	v4 =	vand.u32 @!p0 $0x3FFF, v4  }
0xbf: {  	vm0 =	veq.s32 @!p0 v5, v4  }
0xc0: {  	[tilespmem:$0x2870] =	vst @!p0 v5;
	v3 =	vsel @!p0 vm0, $0x3F800000, v3  }
0xc1: {  	s28 =	simm.s32 @!p0 $0x2800;
	s29 =	simm.s32 @!p0 $0x2C00;
	s26 =	simm.s32 @!p0 $0x80;
	[tilespmem:$0x2CF0] =	vst @!p0 v3  }
0xc2: {  	[spmem:s2] =	stream.indirect.scatter.add.f32 @!p0 [tilespmem:s29], [sflag:$0x1], $0x1, s28, s26, $0xb8;
	[tilespmem:$0x3800] =	vst v63  }
0xc3: {  	s29 =	simm.s32 @!p0 $0x2C80  }
0xc4: {  	[spmem:s3] =	stream.indirect.scatter.add.f32 @!p0 [tilespmem:s29], [sflag:$0x1], $0x1, s28, s26, $0xb8;
	[tilespmem:$0x3800] =	vst v63  }
0xc5: {  	_ =	swait.ge [sflag:s20], $0x80  }
0xc6: {  	[sflag:s20] =	ssyncset.done $0x0  }
0xc7: {  	[sflag:s20] =	ssyncadd.s32 $0xFFFFFF80  }
0xc8: {  	_ =	swait.ge [sflag:s20], $0x80  }
0xc9: {  	s26 =	simm.s32 $0x400;
	s28 =	simm.s32 $0x800;
	[sflag:s20] =	ssyncset.done $0x0  }
.LBB2_2:
0xca: {  	s30 =	sshra.s32 s26, $0x2  }
0xcb: {  	[sflag:s20] =	ssyncadd.s32 $0xFFFFFF80;
	s29 =	smov.u32 s28;
	s28 =	sadd.s32 $0x400, s28  }
0xcc: {  	p0 =	sne.s32 s28, $0xA000;
	v3 =	vld [tilespmem:s30+$0x80];
	_ =	sdelay $0x4  }
0xcd: {  	v4 =	vshrl.u32 v3, $0xE;
	v3 =	vand.u32 $0x3FFF, v3  }
0xce: {  	vm0 =	veq.s32 v4, v3  }
0xcf: {  	[tilespmem:$0x2880] =	vst v4;
	v3 =	vsel vm0, $0x3F800000, v2  }
0xd0: {  	[tilespmem:$0x2D00] =	vst v3  }
0xd1: {  	v3 =	vld [tilespmem:s30+$0x90];
	_ =	sdelay $0x4  }
0xd2: {  	v4 =	vshrl.u32 v3, $0xE;
	v3 =	vand.u32 $0x3FFF, v3  }
0xd3: {  	vm0 =	veq.s32 v4, v3  }
0xd4: {  	[tilespmem:$0x2890] =	vst v4;
	v3 =	vsel vm0, $0x3F800000, v2  }
0xd5: {  	[tilespmem:$0x2D10] =	vst v3  }
0xd6: {  	v3 =	vld [tilespmem:s30+$0xA0];
	_ =	sdelay $0x4  }
0xd7: {  	v4 =	vshrl.u32 v3, $0xE;
	v3 =	vand.u32 $0x3FFF, v3  }
0xd8: {  	vm0 =	veq.s32 v4, v3  }
0xd9: {  	[tilespmem:$0x28A0] =	vst v4;
	v3 =	vsel vm0, $0x3F800000, v2  }
0xda: {  	[tilespmem:$0x2D20] =	vst v3  }
0xdb: {  	v3 =	vld [tilespmem:s30+$0xB0];
	_ =	sdelay $0x4  }
0xdc: {  	v4 =	vshrl.u32 v3, $0xE;
	v3 =	vand.u32 $0x3FFF, v3  }
0xdd: {  	vm0 =	veq.s32 v4, v3  }
0xde: {  	[tilespmem:$0x28B0] =	vst v4;
	v3 =	vsel vm0, $0x3F800000, v2  }
0xdf: {  	[tilespmem:$0x2D30] =	vst v3  }
0xe0: {  	v3 =	vld [tilespmem:s30+$0xC0];
	_ =	sdelay $0x4  }
0xe1: {  	v4 =	vshrl.u32 v3, $0xE;
	v3 =	vand.u32 $0x3FFF, v3  }
0xe2: {  	vm0 =	veq.s32 v4, v3  }
0xe3: {  	[tilespmem:$0x28C0] =	vst v4;
	v3 =	vsel vm0, $0x3F800000, v2  }
0xe4: {  	[tilespmem:$0x2D40] =	vst v3  }
0xe5: {  	v3 =	vld [tilespmem:s30+$0xD0];
	_ =	sdelay $0x4  }
0xe6: {  	v4 =	vshrl.u32 v3, $0xE;
	v3 =	vand.u32 $0x3FFF, v3  }
0xe7: {  	[tilespmem:$0x28D0] =	vst v4;
	vm0 =	veq.s32 v4, v3  }
0xe8: {  	v3 =	vsel vm0, $0x3F800000, v2  }
0xe9: {  	[tilespmem:$0x2D50] =	vst v3  }
0xea: {  	v3 =	vld [tilespmem:s30+$0xE0];
	_ =	sdelay $0x4  }
0xeb: {  	v4 =	vshrl.u32 v3, $0xE;
	v3 =	vand.u32 $0x3FFF, v3  }
0xec: {  	[tilespmem:$0x28E0] =	vst v4;
	vm0 =	veq.s32 v4, v3  }
0xed: {  	v3 =	vsel vm0, $0x3F800000, v2  }
0xee: {  	[tilespmem:$0x2D60] =	vst v3  }
0xef: {  	v3 =	vld [tilespmem:s30+$0xF0];
	_ =	sdelay $0x4  }
0xf0: {  	v4 =	vshrl.u32 v3, $0xE;
	v3 =	vand.u32 $0x3FFF, v3  }
0xf1: {  	[tilespmem:$0x28F0] =	vst v4;
	vm0 =	veq.s32 v4, v3  }
0xf2: {  	v3 =	vsel vm0, $0x3F800000, v2  }
0xf3: {  	[tilespmem:$0x2D70] =	vst v3  }
0xf4: {  	[spmem:s2] =	stream.indirect.scatter.add.f32 [tilespmem:s15], [sflag:$0x2], $0x1, s17, s13, $0xb8;
	[tilespmem:$0x3800] =	vst v63  }
0xf5: {  	_ = 	snop  }
0xf6: {  	[spmem:s3] =	stream.indirect.scatter.add.f32 [tilespmem:s18], [sflag:$0x2], $0x1, s17, s13, $0xb8;
	[tilespmem:$0x3800] =	vst v63  }
0xf7: {  	_ =	swait.ge [sflag:s19], $0x80  }
0xf8: {  	[sflag:s19] =	ssyncset.done $0x0  }
0xf9: {  	[sflag:s19] =	ssyncadd.s32 $0xFFFFFF80  }
0xfa: {  	_ =	swait.ge [sflag:s19], $0x80  }
0xfb: {  	p1 =	seq.s32 s26, $0x9C00;
	[sflag:s19] =	ssyncset.done $0x0  }
0xfc: {  	s30 =	sshra.s32 @!p1 s26, $0x2;
	s26 =	smov.u32 s29;
	[sflag:s19] =	ssyncadd.s32 $0xFFFFFF80  }
0xfd: {  	v3 =	vld @!p1 [tilespmem:s30+$0x100];
	_ =	sdelay $0x4  }
0xfe: {  	v4 =	vshrl.u32 @!p1 v3, $0xE;
	v3 =	vand.u32 @!p1 $0x3FFF, v3  }
0xff: {  	vm0 =	veq.s32 @!p1 v4, v3;
	v3 =	vimm.s32 @!p1 $0x0  }
0x100: {  	[tilespmem:$0x2800] =	vst @!p1 v4;
	v4 =	vsel @!p1 vm0, $0x3F800000, v3  }
0x101: {  	[tilespmem:$0x2C80] =	vst @!p1 v4  }
0x102: {  	v4 =	vld @!p1 [tilespmem:s30+$0x110];
	_ =	sdelay $0x4  }
0x103: {  	v5 =	vshrl.u32 @!p1 v4, $0xE;
	v4 =	vand.u32 @!p1 $0x3FFF, v4  }
0x104: {  	vm0 =	veq.s32 @!p1 v5, v4  }
0x105: {  	[tilespmem:$0x2810] =	vst @!p1 v5;
	v4 =	vsel @!p1 vm0, $0x3F800000, v3  }
0x106: {  	[tilespmem:$0x2C90] =	vst @!p1 v4  }
0x107: {  	v4 =	vld @!p1 [tilespmem:s30+$0x120];
	_ =	sdelay $0x4  }
0x108: {  	v5 =	vshrl.u32 @!p1 v4, $0xE;
	v4 =	vand.u32 @!p1 $0x3FFF, v4  }
0x109: {  	vm0 =	veq.s32 @!p1 v5, v4  }
0x10a: {  	[tilespmem:$0x2820] =	vst @!p1 v5;
	v4 =	vsel @!p1 vm0, $0x3F800000, v3  }
0x10b: {  	[tilespmem:$0x2CA0] =	vst @!p1 v4  }
0x10c: {  	v4 =	vld @!p1 [tilespmem:s30+$0x130];
	_ =	sdelay $0x4  }
0x10d: {  	v5 =	vshrl.u32 @!p1 v4, $0xE;
	v4 =	vand.u32 @!p1 $0x3FFF, v4  }
0x10e: {  	[tilespmem:$0x2830] =	vst @!p1 v5;
	vm0 =	veq.s32 @!p1 v5, v4  }
0x10f: {  	v4 =	vsel @!p1 vm0, $0x3F800000, v3  }
0x110: {  	[tilespmem:$0x2CB0] =	vst @!p1 v4  }
0x111: {  	v4 =	vld @!p1 [tilespmem:s30+$0x140];
	_ =	sdelay $0x4  }
0x112: {  	v5 =	vshrl.u32 @!p1 v4, $0xE;
	v4 =	vand.u32 @!p1 $0x3FFF, v4  }
0x113: {  	[tilespmem:$0x2840] =	vst @!p1 v5;
	vm0 =	veq.s32 @!p1 v5, v4  }
0x114: {  	v4 =	vsel @!p1 vm0, $0x3F800000, v3  }
0x115: {  	[tilespmem:$0x2CC0] =	vst @!p1 v4  }
0x116: {  	v4 =	vld @!p1 [tilespmem:s30+$0x150];
	_ =	sdelay $0x4  }
0x117: {  	v5 =	vshrl.u32 @!p1 v4, $0xE;
	v4 =	vand.u32 @!p1 $0x3FFF, v4  }
0x118: {  	[tilespmem:$0x2850] =	vst @!p1 v5;
	vm0 =	veq.s32 @!p1 v5, v4  }
0x119: {  	v4 =	vsel @!p1 vm0, $0x3F800000, v3  }
0x11a: {  	[tilespmem:$0x2CD0] =	vst @!p1 v4  }
0x11b: {  	v4 =	vld @!p1 [tilespmem:s30+$0x160];
	_ =	sdelay $0x4  }
0x11c: {  	v5 =	vshrl.u32 @!p1 v4, $0xE;
	v4 =	vand.u32 @!p1 $0x3FFF, v4  }
0x11d: {  	[tilespmem:$0x2860] =	vst @!p1 v5;
	vm0 =	veq.s32 @!p1 v5, v4  }
0x11e: {  	v4 =	vsel @!p1 vm0, $0x3F800000, v3  }
0x11f: {  	[tilespmem:$0x2CE0] =	vst @!p1 v4  }
0x120: {  	v4 =	vld @!p1 [tilespmem:s30+$0x170];
	_ =	sdelay $0x4  }
0x121: {  	v5 =	vshrl.u32 @!p1 v4, $0xE;
	v4 =	vand.u32 @!p1 $0x3FFF, v4  }
0x122: {  	[tilespmem:$0x2870] =	vst @!p1 v5;
	vm0 =	veq.s32 @!p1 v5, v4  }
0x123: {  	v3 =	vsel @!p1 vm0, $0x3F800000, v3  }
0x124: {  	s31 =	simm.s32 @!p1 $0x2C00;
	s29 =	simm.s32 @!p1 $0x80;
	s30 =	simm.s32 @!p1 $0x2800;
	[tilespmem:$0x2CF0] =	vst @!p1 v3  }
0x125: {  	[spmem:s2] =	stream.indirect.scatter.add.f32 @!p1 [tilespmem:s31], [sflag:$0x1], $0x1, s30, s29, $0xb8;
	[tilespmem:$0x3800] =	vst v63  }
0x126: {  	s31 =	simm.s32 @!p1 $0x2C80  }
0x127: {  	[spmem:s3] =	stream.indirect.scatter.add.f32 @!p1 [tilespmem:s31], [sflag:$0x1], $0x1, s30, s29, $0xb8;
	[tilespmem:$0x3800] =	vst v63  }
.Ltmp0:
0x128: {  	_ =	swait.ge [sflag:s20], $0x80;
	(pc) =	sbr.rel @p0 .LBB2_2-.Ltmp0, $4  }
0x129: {  	[sflag:s20] =	ssyncset.done $0x0  }
0x12a: {  	[sflag:s20] =	ssyncadd.s32 $0xFFFFFF80  }
0x12b: {  	_ =	swait.ge [sflag:s20], $0x80  }
0x12c: {  	[sflag:s20] =	ssyncset.done $0x0  }
0x12d: {  	s28 =	sshra.s32 s26, $0x2;
	[sflag:s20] =	ssyncadd.s32 $0xFFFFFF80  }
0x12e: {  	v3 =	vld [tilespmem:s28+$0x80];
	_ =	sdelay $0x4  }
0x12f: {  	v4 =	vshrl.u32 v3, $0xE;
	v3 =	vand.u32 $0x3FFF, v3  }
0x130: {  	vm0 =	veq.s32 v4, v3  }
0x131: {  	[tilespmem:$0x2880] =	vst v4;
	v3 =	vsel vm0, $0x3F800000, v2  }
0x132: {  	[tilespmem:$0x2D00] =	vst v3  }
0x133: {  	v3 =	vld [tilespmem:s28+$0x90];
	_ =	sdelay $0x4  }
0x134: {  	v57 =	vshrl.u32 v3, $0xE;
	v3 =	vand.u32 $0x3FFF, v3  }
0x135: {  	vm9 =	veq.s32 v57, v3  }
0x136: {  	[tilespmem:$0x2890] =	vst v57;
	v3 =	vsel vm9, $0x3F800000, v2  }
0x137: {  	[tilespmem:$0x2D10] =	vst v3  }
0x138: {  	v3 =	vld [tilespmem:s28+$0xA0];
	_ =	sdelay $0x4  }
0x139: {  	v58 =	vshrl.u32 v3, $0xE;
	v3 =	vand.u32 $0x3FFF, v3  }
0x13a: {  	vm10 =	veq.s32 v58, v3  }
0x13b: {  	[tilespmem:$0x28A0] =	vst v58;
	v3 =	vsel vm10, $0x3F800000, v2  }
0x13c: {  	[tilespmem:$0x2D20] =	vst v3  }
0x13d: {  	v3 =	vld [tilespmem:s28+$0xB0];
	_ =	sdelay $0x4  }
0x13e: {  	v59 =	vshrl.u32 v3, $0xE;
	v3 =	vand.u32 $0x3FFF, v3  }
0x13f: {  	vm11 =	veq.s32 v59, v3  }
0x140: {  	[tilespmem:$0x28B0] =	vst v59;
	v3 =	vsel vm11, $0x3F800000, v2  }
0x141: {  	[tilespmem:$0x2D30] =	vst v3  }
0x142: {  	v3 =	vld [tilespmem:s28+$0xC0];
	_ =	sdelay $0x4  }
0x143: {  	v60 =	vshrl.u32 v3, $0xE;
	v3 =	vand.u32 $0x3FFF, v3  }
0x144: {  	vm12 =	veq.s32 v60, v3  }
0x145: {  	[tilespmem:$0x28C0] =	vst v60;
	v3 =	vsel vm12, $0x3F800000, v2  }
0x146: {  	[tilespmem:$0x2D40] =	vst v3  }
0x147: {  	v3 =	vld [tilespmem:s28+$0xD0];
	_ =	sdelay $0x4  }
0x148: {  	v61 =	vshrl.u32 v3, $0xE;
	v3 =	vand.u32 $0x3FFF, v3  }
0x149: {  	vm13 =	veq.s32 v61, v3  }
0x14a: {  	[tilespmem:$0x28D0] =	vst v61;
	v3 =	vsel vm13, $0x3F800000, v2  }
0x14b: {  	[tilespmem:$0x2D50] =	vst v3  }
0x14c: {  	v3 =	vld [tilespmem:s28+$0xE0];
	_ =	sdelay $0x4  }
0x14d: {  	v62 =	vshrl.u32 v3, $0xE;
	v3 =	vand.u32 $0x3FFF, v3  }
0x14e: {  	vm14 =	veq.s32 v62, v3  }
0x14f: {  	[tilespmem:$0x28E0] =	vst v62;
	v3 =	vsel vm14, $0x3F800000, v2  }
0x150: {  	[tilespmem:$0x2D60] =	vst v3  }
0x151: {  	v3 =	vld [tilespmem:s28+$0xF0];
	_ =	sdelay $0x4  }
0x152: {  	v63 =	vshrl.u32 v3, $0xE;
	v3 =	vand.u32 $0x3FFF, v3  }
0x153: {  	vm15 =	veq.s32 v63, v3  }
0x154: {  	[tilespmem:$0x28F0] =	vst v63;
	v3 =	vsel vm15, $0x3F800000, v2  }
0x155: {  	[tilespmem:$0x2D70] =	vst v3  }
0x156: {  	[spmem:s2] =	stream.indirect.scatter.add.f32 [tilespmem:s15], [sflag:$0x2], $0x1, s17, s13, $0xb8;
	[tilespmem:$0x3800] =	vst v63  }
0x157: {  	_ = 	snop  }
0x158: {  	[spmem:s3] =	stream.indirect.scatter.add.f32 [tilespmem:s18], [sflag:$0x2], $0x1, s17, s13, $0xb8;
	[tilespmem:$0x3800] =	vst v63  }
0x159: {  	_ =	swait.ge [sflag:s19], $0x80  }
0x15a: {  	[sflag:s19] =	ssyncset.done $0x0  }
0x15b: {  	[sflag:s19] =	ssyncadd.s32 $0xFFFFFF80  }
0x15c: {  	_ =	swait.ge [sflag:s19], $0x80  }
0x15d: {  	p0 =	seq.s32 s26, $0x9C00;
	[sflag:s19] =	ssyncset.done $0x0  }
0x15e: {  	s26 =	sshra.s32 @!p0 s26, $0x2;
	[sflag:s19] =	ssyncadd.s32 $0xFFFFFF80  }
0x15f: {  	v3 =	vld @!p0 [tilespmem:s26+$0x100];
	_ =	sdelay $0x4  }
0x160: {  	v4 =	vshrl.u32 @!p0 v3, $0xE;
	v3 =	vand.u32 @!p0 $0x3FFF, v3  }
0x161: {  	vm0 =	veq.s32 @!p0 v4, v3;
	v3 =	vimm.s32 @!p0 $0x0  }
0x162: {  	[tilespmem:$0x2800] =	vst @!p0 v4;
	v4 =	vsel @!p0 vm0, $0x3F800000, v3  }
0x163: {  	[tilespmem:$0x2C80] =	vst @!p0 v4  }
0x164: {  	v4 =	vld @!p0 [tilespmem:s26+$0x110];
	_ =	sdelay $0x4  }
0x165: {  	v5 =	vshrl.u32 @!p0 v4, $0xE;
	v4 =	vand.u32 @!p0 $0x3FFF, v4  }
0x166: {  	vm0 =	veq.s32 @!p0 v5, v4  }
0x167: {  	[tilespmem:$0x2810] =	vst @!p0 v5;
	v4 =	vsel @!p0 vm0, $0x3F800000, v3  }
0x168: {  	[tilespmem:$0x2C90] =	vst @!p0 v4  }
0x169: {  	v4 =	vld @!p0 [tilespmem:s26+$0x120];
	_ =	sdelay $0x4  }
0x16a: {  	v5 =	vshrl.u32 @!p0 v4, $0xE;
	v4 =	vand.u32 @!p0 $0x3FFF, v4  }
0x16b: {  	vm0 =	veq.s32 @!p0 v5, v4  }
0x16c: {  	[tilespmem:$0x2820] =	vst @!p0 v5;
	v4 =	vsel @!p0 vm0, $0x3F800000, v3  }
0x16d: {  	[tilespmem:$0x2CA0] =	vst @!p0 v4  }
0x16e: {  	v4 =	vld @!p0 [tilespmem:s26+$0x130];
	_ =	sdelay $0x4  }
0x16f: {  	v5 =	vshrl.u32 @!p0 v4, $0xE;
	v4 =	vand.u32 @!p0 $0x3FFF, v4  }
0x170: {  	vm0 =	veq.s32 @!p0 v5, v4  }
0x171: {  	[tilespmem:$0x2830] =	vst @!p0 v5;
	v4 =	vsel @!p0 vm0, $0x3F800000, v3  }
0x172: {  	[tilespmem:$0x2CB0] =	vst @!p0 v4  }
0x173: {  	v4 =	vld @!p0 [tilespmem:s26+$0x140];
	_ =	sdelay $0x4  }
0x174: {  	v5 =	vshrl.u32 @!p0 v4, $0xE;
	v4 =	vand.u32 @!p0 $0x3FFF, v4  }
0x175: {  	vm0 =	veq.s32 @!p0 v5, v4  }
0x176: {  	[tilespmem:$0x2840] =	vst @!p0 v5;
	v4 =	vsel @!p0 vm0, $0x3F800000, v3  }
0x177: {  	[tilespmem:$0x2CC0] =	vst @!p0 v4  }
0x178: {  	v4 =	vld @!p0 [tilespmem:s26+$0x150];
	_ =	sdelay $0x4  }
0x179: {  	v5 =	vshrl.u32 @!p0 v4, $0xE;
	v4 =	vand.u32 @!p0 $0x3FFF, v4  }
0x17a: {  	vm0 =	veq.s32 @!p0 v5, v4  }
0x17b: {  	[tilespmem:$0x2850] =	vst @!p0 v5;
	v4 =	vsel @!p0 vm0, $0x3F800000, v3  }
0x17c: {  	[tilespmem:$0x2CD0] =	vst @!p0 v4  }
0x17d: {  	v4 =	vld @!p0 [tilespmem:s26+$0x160];
	_ =	sdelay $0x4  }
0x17e: {  	v5 =	vshrl.u32 @!p0 v4, $0xE;
	v4 =	vand.u32 @!p0 $0x3FFF, v4  }
0x17f: {  	vm0 =	veq.s32 @!p0 v5, v4  }
0x180: {  	[tilespmem:$0x2860] =	vst @!p0 v5;
	v4 =	vsel @!p0 vm0, $0x3F800000, v3  }
0x181: {  	[tilespmem:$0x2CE0] =	vst @!p0 v4  }
0x182: {  	v4 =	vld @!p0 [tilespmem:s26+$0x170];
	_ =	sdelay $0x4  }
0x183: {  	v5 =	vshrl.u32 @!p0 v4, $0xE;
	v4 =	vand.u32 @!p0 $0x3FFF, v4  }
0x184: {  	vm0 =	veq.s32 @!p0 v5, v4  }
0x185: {  	[tilespmem:$0x2870] =	vst @!p0 v5;
	v3 =	vsel @!p0 vm0, $0x3F800000, v3  }
0x186: {  	s29 =	simm.s32 @!p0 $0x2C00;
	s28 =	simm.s32 @!p0 $0x2800;
	s26 =	simm.s32 @!p0 $0x80;
	[tilespmem:$0x2CF0] =	vst @!p0 v3  }
0x187: {  	[spmem:s2] =	stream.indirect.scatter.add.f32 @!p0 [tilespmem:s29], [sflag:$0x1], $0x1, s28, s26, $0xb8;
	[tilespmem:$0x3800] =	vst v63  }
0x188: {  	s29 =	simm.s32 @!p0 $0x2C80  }
0x189: {  	[spmem:s3] =	stream.indirect.scatter.add.f32 @!p0 [tilespmem:s29], [sflag:$0x1], $0x1, s28, s26, $0xb8;
	[tilespmem:$0x3800] =	vst v63  }
0x18a: {  	_ =	swait.ge [sflag:s20], $0x80  }
0x18b: {  	[sflag:s20] =	ssyncset.done $0x0  }
0x18c: {  	[sflag:s20] =	ssyncadd.s32 $0xFFFFFF80  }
0x18d: {  	_ =	swait.ge [sflag:s20], $0x80  }
0x18e: {  	[sflag:s20] =	ssyncset.done $0x0  }
0x18f: {  	[sflag:s20] =	ssyncadd.s32 $0xFFFFFF80  }
0x190: {  	[bflag:$0x0] =	sbarrier.arrive $0xFFFF  }
0x191: {  	[hbm:s8@s23], [sflag:s21] =	dma.strided [spmem:s22@s24], $0x50, s19, $0x10   }
0x192: {  	s25 =	sadd.s32 $0x1, s25;
	_ =	swait.ge [sflag:s12], $0x50  }
0x193: {  	p0 =	sne.s32 s25, s10;
	[sflag:s12] =	ssyncset.done $0x0  }
.Ltmp1:
0x194: {  	s31 =	sshrl.u32 s6, $0x3;
	[sflag:s12] =	ssyncadd.s32 $0xFFFFFFB0;
	(pc) =	sbr.rel @p0 .LBB2_1-.Ltmp1, $4  }
0x195: {  	[hbm:s9@s23], [sflag:s21] =	dma.strided [spmem:s31@s24], $0x50, s19, $0x10   }
0x196: {  	_ =	swait.ge [sflag:s12], $0x50  }
0x197: {  	[sflag:s12] =	ssyncset.done $0x0  }
0x198: {  	[sflag:s12] =	ssyncadd.s32 $0xFFFFFFB0  }
0x199: {  	_ =	sfence.sel $0x180000  }
0x19a: {  	[bflag:$0x0] =	sbarrier.arrive $0xFFFF  }
0x19b: {  	p0 =	sne.s32 s1, $0x0;
	_ =	strace $0x90000047  }
0x19c: {  	s0 =	sadd.s32 @!p0 $0x100000, s0;
	[bflag:$0x2] =	sbarrier.arrive $0xFFFF  }
0x19d: {  	[sflag:s0] =	ssyncadd.tile.s32 @!p0 $0x1;
	_ =	shalt  }
.Lfunc_end2:
_tile_overlayer_lowered:
.L_overlay_start_2:
0x19e: {  	(tag) =	ssettag $0x2  }
0x19f: {  	s0 =	rddreg [dreg:$0x0];
	s2 =	stileid.u32  }
0x1a0: {  	s1 =	rddreg [dreg:$0x1];
	p0 =	sne.s32 s2, $0x0  }
0x1a1: {  	s3 =	rddreg [dreg:$0x2];
	[bflag:$0x3] =	sbarrier.arrive $0xFFFF;
	s2 =	simm.s32 @!p0 $0x1C03  }
0x1a2: {  	[timem:s3], [sflag:s2] =	dma.local @!p0 [hbm:s0], s1  }
0x1a3: {  	s0 =	simm.s32 @!p0 $0x3  }
0x1a4: {  	_ =	swait.ge @!p0 [sflag:s0], s1  }
0x1a5: {  	s1 =	ssub.s32 @!p0 $0x0, s1;
	[sflag:s0] =	ssyncset.done @!p0 $0x0  }
0x1a6: {  	[sflag:s0] =	ssyncadd.s32 @!p0 s1  }
0x1a7: {  	[bflag:$0x3] =	sbarrier.arrive $0xFFFF  }
0x1a8: {  	_ =	shalt  }

// kernel: kernel.9.cloned.1.call-start
scs
__scs_entry_jumppad:
0x0: {  	(pc) =	sbr.rel $0x88, $3  }
0x1: {  	(tag) =	ssettag $0x0;
	lr =	simm.s32 $0x1  }
0x2: {  	[smem:$0x3F9D] =	sst lr;
	_ =	strace $0xD0000000  }
0x3: {  	_ = 	snop  }
0x4: {  	_ = 	snop  }
0x5: {  	_ = 	snop  }
0x6: {  	_ = 	snop  }
0x7: {  	_ = 	snop  }
__scs_overlays_trampoline_lowered:
0x8: {  	[smem:$0x3FAC] =	sst s0  }
0x9: {  	[smem:$0x3FAD] =	sst s1  }
0xa: {  	[smem:$0x3FAE] =	sst s2  }
0xb: {  	[smem:$0x3FAF] =	sst s3  }
0xc: {  	[smem:$0x3FB0] =	sst s4  }
0xd: {  	[smem:$0x3FB1] =	sst s5  }
0xe: {  	[smem:$0x3FB2] =	sst s6  }
0xf: {  	[smem:$0x3FB3] =	sst s7  }
0x10: {  	[smem:$0x3FB4] =	sst s8  }
0x11: {  	[smem:$0x3FB5] =	sst s9;
	s0 =	simm.s32 @!p0 $0x0  }
0x12: {  	s1 =	sld [smem:$0x3F9B];
	s0 =	simm.s32 @p0 $0x1  }
0x13: {  	[smem:$0x3FB6] =	sst s0;
	s0 =	simm.s32 @!p1 $0x0  }
0x14: {  	s2 =	sld [smem:$0x3F9A];
	s0 =	simm.s32 @p1 $0x1  }
0x15: {  	[smem:$0x3FB7] =	sst s0;
	s0 =	simm.s32 @!p2 $0x0  }
0x16: {  	s3 =	sld [smem:$0x3FDB];
	s0 =	simm.s32 @p2 $0x1  }
0x17: {  	s4 =	simm.s32 $0x1BF5;
	[smem:$0x3FB9] =	sst s0  }
0x18: {  	s0 =	sld [smem:$0x3F9C];
	_ =	swait.ge [sflag:s4], $0x0  }
0x19: {  	s7 =	sld [smem:$0x3F9D]  }
0x1a: {  	s8 =	sadd.s32 $0xFFFFE003, lr  }
0x1b: {  	s9 =	sadd.s32 $0xFFFFFEF7, lr;
	s5 =	simm.s32 $0xFFFFFFFF;
	p2 =	slt.u32 s8, $0xFFFFF086  }
0x1c: {  	p1 =	slt.u32 s9, $0xF7A;
	s5 =	simm.s32 @!p2 $0x0  }
0x1d: {  	s5 =	simm.s32 @p1 $0x1;
	p0 =	seq.s32 s7, s2  }
0x1e: {  	s7 =	smul.u32 @!p0 $0xF7A, s2;
	p2 =	seq.s32 @!p0 s5, $0x0  }
0x1f: {  	s9 =	smul.u32 $0xF7A, s1;
	s8 =	simm.s32 @!p0 $0x1BF5;
	p2 =	por !p2, p0  }
0x20: {  	[sflag:s8] =	ssyncset.s32 @!p0 $0xFFFFF086;
	s6 =	sadd.s32 @!p0 s3, s7;
	s7 =	simm.s32 @!p0 $0x108  }
0x21: {  	s3 =	sadd.s32 s3, s9;
	s6 =	sadd.s32 @!p0 $0x88, s6;
	s7 =	simm.s32 @p2 $0x1082  }
0x22: {  	[simem:s7], [sflag:s8] =	dma.local @!p0 [hbm:s6], $0xF7A  }
0x23: {  	s9 =	sor.u32 $0xD0000000, s2;
	s6 =	simm.s32 $0x108;
	_ =	swait.ge @!p0 [sflag:s8], $0x0  }
0x24: {  	s3 =	sadd.s32 $0x88, s3;
	s6 =	simm.s32 @!p1 $0x1082;
	[sflag:s4] =	ssyncset.s32 $0xFFFFF086  }
0x25: {  	[simem:s6], [sflag:s4] =	dma.local [hbm:s3], $0xF7A  }
0x26: {  	[smem:$0x3F9D] =	sst s1;
	(tag) =	ssettag s2;
	_ =	strace s9  }
0x27: {  	s1 =	sld [smem:$0x3FAD]  }
0x28: {  	s2 =	sld [smem:$0x3FAE]  }
0x29: {  	s4 =	sld [smem:$0x3FB0]  }
0x2a: {  	p0 =	seq.s32 s5, $0x0;
	s5 =	sld [smem:$0x3FB1]  }
0x2b: {  	s6 =	sld [smem:$0x3FB2]  }
0x2c: {  	s7 =	sld [smem:$0x3FB3]  }
0x2d: {  	s3 =	simm.s32 $0x108;
	s8 =	sld [smem:$0x3FB4]  }
0x2e: {  	s3 =	simm.s32 @!p0 $0x1082;
	s9 =	sld [smem:$0x3FB5]  }
0x2f: {  	lr =	sadd.s32 s0, s3;
	s0 =	sld [smem:$0x3FAC]  }
0x30: {  	s3 =	sld [smem:$0x3FAF]  }
0x31: {  	[smem:$0x3FB8] =	sst s10  }
0x32: {  	s10 =	sld [smem:$0x3FB6];
	_ =	sdelay $0x3  }
0x33: {  	p0 =	seq.s32 s10, $0x1;
	s10 =	sld [smem:$0x3FB8];
	_ =	sdelay $0x3  }
0x34: {  	[smem:$0x3FB8] =	sst s10  }
0x35: {  	s10 =	sld [smem:$0x3FB7];
	_ =	sdelay $0x3  }
0x36: {  	p1 =	seq.s32 s10, $0x1;
	s10 =	sld [smem:$0x3FB8];
	_ =	sdelay $0x3  }
0x37: {  	[smem:$0x3FB8] =	sst s10  }
0x38: {  	s10 =	sld [smem:$0x3FB9]  }
0x39: {  	_ = 	snop;
	(pc) =	sbr.ind lr, $3  }
0x3a: {  	_ = 	snop  }
0x3b: {  	_ = 	snop  }
0x3c: {  	p2 =	seq.s32 s10, $0x1;
	s10 =	sld [smem:$0x3FB8]  }
0x3d: {  	_ =	shalt  }
0x3e: {  	_ =	shalt  }
0x3f: {  	_ =	shalt  }
0x40: {  	_ =	shalt  }
0x41: {  	_ =	shalt  }
0x42: {  	_ =	shalt  }
0x43: {  	_ =	shalt  }
0x44: {  	_ =	shalt  }
0x45: {  	_ =	shalt  }
0x46: {  	_ =	shalt  }
0x47: {  	_ =	shalt  }
0x48: {  	_ =	shalt  }
0x49: {  	_ =	shalt  }
0x4a: {  	_ =	shalt  }
0x4b: {  	_ =	shalt  }
0x4c: {  	_ =	shalt  }
0x4d: {  	_ =	shalt  }
0x4e: {  	_ =	shalt  }
0x4f: {  	_ =	shalt  }
0x50: {  	_ =	shalt  }
0x51: {  	_ =	shalt  }
0x52: {  	_ =	shalt  }
0x53: {  	_ =	shalt  }
0x54: {  	_ =	shalt  }
0x55: {  	_ =	shalt  }
0x56: {  	_ =	shalt  }
0x57: {  	_ =	shalt  }
0x58: {  	_ =	shalt  }
0x59: {  	_ =	shalt  }
0x5a: {  	_ =	shalt  }
0x5b: {  	_ =	shalt  }
0x5c: {  	_ =	shalt  }
0x5d: {  	_ =	shalt  }
0x5e: {  	_ =	shalt  }
0x5f: {  	_ =	shalt  }
0x60: {  	_ =	shalt  }
0x61: {  	_ =	shalt  }
0x62: {  	_ =	shalt  }
0x63: {  	_ =	shalt  }
0x64: {  	_ =	shalt  }
0x65: {  	_ =	shalt  }
0x66: {  	_ =	shalt  }
0x67: {  	_ =	shalt  }
0x68: {  	_ =	shalt  }
0x69: {  	_ =	shalt  }
0x6a: {  	_ =	shalt  }
0x6b: {  	_ =	shalt  }
0x6c: {  	_ =	shalt  }
0x6d: {  	_ =	shalt  }
0x6e: {  	_ =	shalt  }
0x6f: {  	_ =	shalt  }
0x70: {  	_ =	shalt  }
0x71: {  	_ =	shalt  }
0x72: {  	_ =	shalt  }
0x73: {  	_ =	shalt  }
0x74: {  	_ =	shalt  }
0x75: {  	_ =	shalt  }
0x76: {  	_ =	shalt  }
0x77: {  	_ =	shalt  }
0x78: {  	_ =	shalt  }
0x79: {  	_ =	shalt  }
0x7a: {  	_ =	shalt  }
0x7b: {  	_ =	shalt  }
0x7c: {  	_ =	shalt  }
0x7d: {  	_ =	shalt  }
0x7e: {  	_ =	shalt  }
0x7f: {  	_ =	shalt  }
0x80: {  	_ =	shalt  }
0x81: {  	_ =	shalt  }
0x82: {  	_ =	shalt  }
0x83: {  	_ =	shalt  }
0x84: {  	_ =	shalt  }
0x85: {  	_ =	shalt  }
0x86: {  	_ =	shalt  }
0x87: {  	_ =	shalt  }
.Lfunc_end0:
.L_simem_size_0:
called_computation.1_lowered:
.L_overlay_start_0:
0x88: {  	s2 =	sld [smem:$0x3FD9]  }
0x89: {  	s3 =	sld [smem:$0x3FFE];
	_ =	sdelay $0x1  }
0x8a: {  	s1 =	srdreg.scid  }
0x8b: {  	s0 =	sand.u32 $0x1, s1  }
0x8c: {  	s17 =	sshll.u32 s0, $0xA;
	s2 =	sadd.s32 s3, s2  }
0x8d: {  	s2 =	sadd.s32 s2, s17  }
0x8e: {  	[smem:$0x3FC4] =	sst s2  }
0x8f: {  	_ = 	snop  }
0x90: {  	s2 =	sld [smem:$0x3FD0];
	(tm) =	ssettm $0x1  }
0x91: {  	s18 =	sld [smem:$0x3FFB];
	_ =	sdelay $0x3  }
0x92: {  	_ =	strace s18  }
0x93: {  	s3 =	sld [smem:$0x3FFC];
	_ =	sdelay $0x3  }
0x94: {  	_ =	strace s3  }
0x95: {  	s3 =	sld [smem:$0x3FFD];
	_ =	sdelay $0x3  }
0x96: {  	_ =	strace s3  }
0x97: {  	_ =	strace $0x8FFFFFFF  }
0x98: {  	s19 =	sld [smem:$0x3FDB];
	_ =	sdelay $0x1  }
0x99: {  	s4 =	simm.s32 $_scs_section_size  }
0x9a: {  	s5 =	simm.s32 $_size__tile_overlayer_lowered;
	s6 =	simm.s32 $_tile_overlayer_lowered  }
0x9b: {  	s22 =	simm.s32 $0x1BFF;
	s21 =	sshll.u32 s6, $0x1;
	s3 =	sadd.s32 s4, s19  }
0x9c: {  	s7 =	simm.s32 $0x0;
	s20 =	sshll.u32 s5, $0x1;
	s5 =	sadd.s32 s21, s3  }
0x9d: {  	[timem:s7], [sflag:s22] =	dma.local [hbm:s5], s20  }
0x9e: {  	_ =	swait.ge [sflag:s22], s20  }
0x9f: {  	s4 =	ssub.s32 $0x0, s20;
	[sflag:s22] =	ssyncset.done $0x0  }
0xa0: {  	[sflag:s22] =	ssyncadd.s32 s4;
	_ =	sdelay $0x1  }
0xa1: {  	s23 =	simm.s32 $0x1B8B  }
0xa2: {  	_ =	swait.ge [sflag:s23], $0x1  }
0xa3: {  	[sflag:s23] =	ssyncset.done $0x0  }
0xa4: {  	s25 =	simm.s32 $0x1B8E;
	s24 =	sld [smem:$0x3FFE];
	[sflag:s23] =	ssyncadd.s32 $0xFFFFFFFF  }
0xa5: {  	s26 =	simm.s32 $execute0_lowered;
	[smem:$0x3FD2] =	sst s25  }
0xa6: {  	s5 =	sshll.u32 s26, $0x1;
	_ =	strace $0x80000049;
	[dreg:$0x1] =	wrdreg $0xFFFFFFFF  }
0xa7: {  	s28 =	simm.s32 $_size_execute0_lowered;
	s3 =	sadd.s32 s3, s5;
	[dreg:$0x0] =	wrdreg $0x0  }
0xa8: {  	s5 =	sshll.u32 s28, $0x1;
	[dreg:$0x2] =	wrdreg s3  }
0xa9: {  	[dreg:$0x3] =	wrdreg s5  }
0xaa: {  	[dreg:$0x4] =	wrdreg $0xC0  }
0xab: {  	_ =	task [dreg:s7], $0x5FFFF  }
0xac: {  	[dreg:$0x1] =	wrdreg $0xFFFFFFFF  }
0xad: {  	[dreg:$0x0] =	wrdreg $0x60  }
0xae: {  	[dreg:$0x2] =	wrdreg s24  }
0xaf: {  	[dreg:$0x3] =	wrdreg s2  }
0xb0: {  	[dreg:$0x4] =	wrdreg $0xB4000  }
0xb1: {  	[dreg:$0x5] =	wrdreg $0x9  }
0xb2: {  	_ =	task.clear_ibuf [dreg:s7], $0x6FFFF;
	_ =	strace $0x90000049  }
0xb3: {  	s29 =	simm.s32 $0x9;
	_ =	strace $0x8000004B  }
0xb4: {  	_ =	swait.ge [sflag:s29], $0x1  }
0xb5: {  	[sflag:s29] =	ssyncadd.s32 $0xFFFFFFFF  }
0xb6: {  	_ =	strace $0x9000004B  }
0xb7: {  	_ =	sfence  }
0xb8: {  	s30 =	sld [smem:$0x0];
	_ =	sdelay $0x2  }
0xb9: {  	s31 =	sshll.u32 s1, $0xD;
	s1 =	sshrl.u32 s1, $0x2  }
0xba: {  	s3 =	sand.u32 $0x4000, s31;
	s1 =	sadd.s32 s1, s30  }
0xbb: {  	s0 =	sor.u32 s3, s0;
	s1 =	sshll.u32 s1, $0x11  }
0xbc: {  	s0 =	sor.u32 s1, s0  }
0xbd: {  	s0 =	sadd.s32 $0x8F2B, s0  }
0xbe: {  	[sflag:s0] =	ssyncadd.remote.s32 $0x1  }
0xbf: {  	_ =	sfence.sel $0xFFFF  }
0xc0: {  	[dreg:$0x0] =	wrdreg $0xFFFFFFFF;
	(pc) =	sbr.abs _section_cstart, $3  }
0xc1: {  	[dreg:$0x1] =	wrdreg $0xFFFFFFFF  }
0xc2: {  	_ =	task.clear_ibuf [dreg:s7], $0x2FFFF;
	_ =	strace $0x9FFFFFFF  }
0xc3: {  	(tm) =	ssettm $0x7FFFFFFF  }
tec
execute0_lowered:
.L_overlay_start_1:
0x0: {  	(tag) =	ssettag $0x1  }
0x1: {  	s5 =	rddreg [dreg:$0x0]  }
0x2: {  	s6 =	rddreg [dreg:$0x1]  }
0x3: {  	s1 =	rddreg [dreg:$0x2];
	s2 =	srdreg.scid  }
0x4: {  	s0 =	rddreg [dreg:$0x3];
	s3 =	simm.s32 $0x0;
	s12 =	simm.s32 $0x80  }
0x5: {  	s13 =	simm.s32 $0x2C00;
	s14 =	simm.s32 $0x3000;
	s15 =	simm.s32 $0x2C80  }
0x6: {  	s16 =	simm.s32 $0x7000;
	s17 =	simm.s32 $0x2800;
	s18 =	simm.s32 $0x2  }
0x7: {  	s19 =	simm.s32 $0x2880;
	s7 =	sand.u32 $0x1, s2;
	s2 =	stileid.u32  }
0x8: {  	s20 =	simm.s32 $0x0;
	[smem:$0x7FF] =	sst s3;
	s8 =	smul.u32 $0x140000, s7  }
0x9: {  	s4 =	sadd.s32 $0x2E00, s5;
	s9 =	smul.u32 $0x14000, s2;
	_ =	strace $0x8000004A  }
0xa: {  	s31 =	sshll.u32 s7, $0x4;
	s10 =	smul.u32 $0x50000, s2;
	s7 =	ssub.s32 $0x2, s7  }
0xb: {  	s11 =	sshrl.u32 s7, $0x1;
	s8 =	sadd.s32 s9, s8;
	s9 =	sor.u32 s2, s31  }
0xc: {  	s10 =	sshrl.u32 s10, $0x2;
	s8 =	sshrl.u32 s8, $0x3;
	s9 =	smul.u32 $0x500, s9  }
0xd: {  	s11 =	ssub.s32 s7, s11;
	s8 =	sadd.s32 s8, s5;
	s5 =	sadd.s32 s10, s1  }
0xe: {  	s10 =	simm.s32 $0x3;
	s6 =	sadd.s32 s6, s9;
	s7 =	sadd.s32 $0x2AE00, s8  }
0xf: {  	v0 =	vimm.f32 $0.0e+00;
	s8 =	smax.u32 s11, $0x1;
	s9 =	simm.s32 $0xB000;
	s11 =	simm.s32 $0x1  }
.LBB2_1:
0x10: {  	s21 =	simm.s32 $0x0;
	s22 =	simm.s32 $0x0  }
.LBB2_2:
0x11: {  	p0 =	sne.s32 s22, $0xFC0  }
.Ltmp0:
0x12: {  	_ = 	snop;
	(pc) =	sbr.rel @p0 .LBB2_2-.Ltmp0, $4  }
0x13: {  	s23 =	sand.u32 $0xE00, s22  }
0x14: {  	s24 =	sand.u32 $0x70, s21;
	s23 =	sshrl.u32 s23, $0x2  }
0x15: {  	s23 =	sor.u32 s24, s23  }
0x16: {  	s21 =	sadd.s32 $0x10, s21;
	s22 =	sadd.s32 $0x40, s22;
	[tilespmem:s23+$0xB000] =	vst v0  }
0x17: {  	s21 =	simm.s32 $0x1000;
	s22 =	sadd.s32 $0x0, s5  }
.LBB2_4:
0x18: {  	[spmem:s22] =	stream.linear.scatter [tilespmem:s9], [sflag:$0x1], $0x400, $0x38;
	[tilespmem:$0x1F400] =	vst v63  }
0x19: {  	s22 =	smov.u32 s21;
	p0 =	sne.s32 s21, $0x4F000  }
.Ltmp1:
0x1a: {  	s21 =	sadd.s32 $0x1000, s21;
	(pc) =	sbr.rel @p0 .LBB2_4-.Ltmp1, $3  }
0x1b: {  	_ =	sdelay $0x1  }
0x1c: {  	s22 =	sshra.s32 s22, $0x2  }
0x1d: {  	s22 =	sadd.s32 s22, s5  }
0x1e: {  	[spmem:s22] =	stream.linear.scatter [tilespmem:s9], [sflag:$0x1], $0x400, $0x38;
	[tilespmem:$0x1F400] =	vst v63  }
0x1f: {  	_ = 	snop  }
0x20: {  	[tilespmem:s3], [sflag:$0x3] =	stream.linear.gather [hbm4b:s6+s3], $0x2800, $0x38;
	[tilespmem:$0x1F400] =	vst v63  }
0x21: {  	_ =	swait.ge [sflag:s10], $0x2800  }
0x22: {  	[sflag:s10] =	ssyncset.done $0x0  }
0x23: {  	[sflag:s10] =	ssyncadd.s32 $0xFFFFD800  }
0x24: {  	_ =	swait.ge [sflag:s11], $0x400  }
0x25: {  	s21 =	simm.s32 $0x4F;
	[sflag:s11] =	ssyncset.done $0x0  }
.LBB2_6:
0x26: {  	p0 =	sne.s32 s21, $0x1;
	s21 =	sadd.s32 $0xFFFFFFFF, s21;
	[sflag:s11] =	ssyncadd.s32 $0xFFFFFC00  }
.Ltmp2:
0x27: {  	(pc) =	sbr.rel @p0 .LBB2_6-.Ltmp2, $3  }
0x28: {  	_ =	sdelay $0x1  }
0x29: {  	_ =	swait.ge [sflag:s11], $0x400  }
0x2a: {  	[sflag:s11] =	ssyncset.done $0x0  }
0x2b: {  	[sflag:s11] =	ssyncadd.s32 $0xFFFFFC00  }
0x2c: {  	[bflag:$0x0] =	sbarrier.arrive $0xFFFF  }
0x2d: {  	v1 =	vld [tilespmem:$0x0];
	_ =	sdelay $0x1  }
0x2e: {  	v2 =	vld [tilespmem:$0x10];
	_ =	sdelay $0x1  }
0x2f: {  	v3 =	vld [tilespmem:$0x20]  }
0x30: {  	v4 =	vshrl.u32 v1, $0xE  }
0x31: {  	v62 =	vld [tilespmem:$0x30];
	v1 =	vand.u32 $0x3FFF, v1;
	[tilespmem:$0x2800] =	vst v4  }
0x32: {  	[tilespmem:$0x2C00] =	vst v1;
	v1 =	vshrl.u32 v2, $0xE  }
0x33: {  	[tilespmem:$0x2810] =	vst v1;
	v1 =	vand.u32 $0x3FFF, v2;
	v2 =	vld [tilespmem:$0x40]  }
0x34: {  	[tilespmem:$0x2C10] =	vst v1;
	v1 =	vshrl.u32 v3, $0xE  }
0x35: {  	[tilespmem:$0x2820] =	vst v1;
	v1 =	vand.u32 $0x3FFF, v3;
	v3 =	vld [tilespmem:$0x50]  }
0x36: {  	[tilespmem:$0x2C20] =	vst v1;
	v1 =	vshrl.u32 v62, $0xE  }
0x37: {  	v63 =	vld [tilespmem:$0x60];
	[tilespmem:$0x2830] =	vst v1;
	v1 =	vand.u32 $0x3FFF, v62  }
0x38: {  	[tilespmem:$0x2C30] =	vst v1;
	v1 =	vshrl.u32 v2, $0xE  }
0x39: {  	[tilespmem:$0x2840] =	vst v1;
	v1 =	vand.u32 $0x3FFF, v2;
	v2 =	vld [tilespmem:$0x70]  }
0x3a: {  	[tilespmem:$0x2C40] =	vst v1;
	v1 =	vshrl.u32 v3, $0xE  }
0x3b: {  	[tilespmem:$0x2850] =	vst v1;
	v1 =	vand.u32 $0x3FFF, v3  }
0x3c: {  	[tilespmem:$0x2C50] =	vst v1;
	v1 =	vshrl.u32 v63, $0xE  }
0x3d: {  	[tilespmem:$0x2860] =	vst v1;
	v1 =	vand.u32 $0x3FFF, v63  }
0x3e: {  	[tilespmem:$0x2C60] =	vst v1;
	v1 =	vshrl.u32 v2, $0xE  }
0x3f: {  	[tilespmem:$0x2870] =	vst v1;
	v1 =	vand.u32 $0x3FFF, v2  }
0x40: {  	s21 =	simm.s32 $0x0;
	[tilespmem:$0x2C70] =	vst v1  }
0x41: {  	[tilespmem:s14], [sflag:$0x1] =	stream.indirect.gather [hbm4b:s4+s12], $0x80, s13, s12, $0xb8;
	[tilespmem:$0x1F400] =	vst v63  }
0x42: {  	v1 =	vld [tilespmem:s21+$0x80];
	_ =	sdelay $0x4  }
0x43: {  	v2 =	vshrl.u32 v1, $0xE  }
0x44: {  	v1 =	vand.u32 $0x3FFF, v1;
	[tilespmem:$0x2880] =	vst v2  }
0x45: {  	[tilespmem:$0x2C80] =	vst v1  }
0x46: {  	v1 =	vld [tilespmem:s21+$0x90];
	_ =	sdelay $0x4  }
0x47: {  	v2 =	vshrl.u32 v1, $0xE  }
0x48: {  	v1 =	vand.u32 $0x3FFF, v1;
	[tilespmem:$0x2890] =	vst v2  }
0x49: {  	[tilespmem:$0x2C90] =	vst v1  }
0x4a: {  	v1 =	vld [tilespmem:s21+$0xA0];
	_ =	sdelay $0x4  }
0x4b: {  	v2 =	vshrl.u32 v1, $0xE  }
0x4c: {  	v1 =	vand.u32 $0x3FFF, v1;
	[tilespmem:$0x28A0] =	vst v2  }
0x4d: {  	[tilespmem:$0x2CA0] =	vst v1  }
0x4e: {  	v1 =	vld [tilespmem:s21+$0xB0];
	_ =	sdelay $0x4  }
0x4f: {  	v2 =	vshrl.u32 v1, $0xE  }
0x50: {  	v1 =	vand.u32 $0x3FFF, v1;
	[tilespmem:$0x28B0] =	vst v2  }
0x51: {  	[tilespmem:$0x2CB0] =	vst v1  }
0x52: {  	v1 =	vld [tilespmem:s21+$0xC0];
	_ =	sdelay $0x4  }
0x53: {  	v2 =	vshrl.u32 v1, $0xE  }
0x54: {  	v1 =	vand.u32 $0x3FFF, v1;
	[tilespmem:$0x28C0] =	vst v2  }
0x55: {  	[tilespmem:$0x2CC0] =	vst v1  }
0x56: {  	v1 =	vld [tilespmem:s21+$0xD0];
	_ =	sdelay $0x4  }
0x57: {  	v2 =	vshrl.u32 v1, $0xE  }
0x58: {  	v1 =	vand.u32 $0x3FFF, v1;
	[tilespmem:$0x28D0] =	vst v2  }
0x59: {  	[tilespmem:$0x2CD0] =	vst v1  }
0x5a: {  	v1 =	vld [tilespmem:s21+$0xE0];
	_ =	sdelay $0x4  }
0x5b: {  	v2 =	vshrl.u32 v1, $0xE  }
0x5c: {  	v1 =	vand.u32 $0x3FFF, v1;
	[tilespmem:$0x28E0] =	vst v2  }
0x5d: {  	[tilespmem:$0x2CE0] =	vst v1  }
0x5e: {  	v1 =	vld [tilespmem:s21+$0xF0];
	_ =	sdelay $0x4  }
0x5f: {  	v2 =	vshrl.u32 v1, $0xE  }
0x60: {  	v1 =	vand.u32 $0x3FFF, v1;
	[tilespmem:$0x28F0] =	vst v2  }
0x61: {  	[tilespmem:$0x2CF0] =	vst v1  }
0x62: {  	[tilespmem:s16], [sflag:$0x2] =	stream.indirect.gather [hbm4b:s4+s12], $0x80, s15, s12, $0xb8;
	[tilespmem:$0x1F400] =	vst v63  }
0x63: {  	_ =	swait.ge [sflag:s11], $0x4000  }
0x64: {  	[sflag:s11] =	ssyncset.done $0x0  }
0x65: {  	[sflag:s11] =	ssyncadd.s32 $0xFFFFC000  }
0x66: {  	[spmem:s1] =	stream.indirect.scatter.add.f32 [tilespmem:s14], [sflag:$0x3], $0x80, s17, s12, $0xb8;
	[tilespmem:$0x1F400] =	vst v63  }
0x67: {  	_ =	swait.ge [sflag:s10], $0x4000  }
0x68: {  	p1 =	por $0x0, $0x0;
	[sflag:s10] =	ssyncset.done $0x0  }
0x69: {  	s22 =	simm.s32 @!p1 $0x0;
	[sflag:s10] =	ssyncadd.s32 $0xFFFFC000  }
0x6a: {  	v1 =	vld @!p1 [tilespmem:s22+$0x100];
	_ =	sdelay $0x4  }
0x6b: {  	v2 =	vshrl.u32 @!p1 v1, $0xE  }
0x6c: {  	v1 =	vand.u32 @!p1 $0x3FFF, v1;
	[tilespmem:$0x2800] =	vst @!p1 v2  }
0x6d: {  	[tilespmem:$0x2C00] =	vst @!p1 v1  }
0x6e: {  	v1 =	vld @!p1 [tilespmem:s22+$0x110];
	_ =	sdelay $0x4  }
0x6f: {  	v2 =	vshrl.u32 @!p1 v1, $0xE  }
0x70: {  	v1 =	vand.u32 @!p1 $0x3FFF, v1;
	[tilespmem:$0x2810] =	vst @!p1 v2  }
0x71: {  	[tilespmem:$0x2C10] =	vst @!p1 v1  }
0x72: {  	v1 =	vld @!p1 [tilespmem:s22+$0x120];
	_ =	sdelay $0x4  }
0x73: {  	v2 =	vshrl.u32 @!p1 v1, $0xE  }
0x74: {  	v1 =	vand.u32 @!p1 $0x3FFF, v1;
	[tilespmem:$0x2820] =	vst @!p1 v2  }
0x75: {  	[tilespmem:$0x2C20] =	vst @!p1 v1  }
0x76: {  	v1 =	vld @!p1 [tilespmem:s22+$0x130];
	_ =	sdelay $0x4  }
0x77: {  	v2 =	vshrl.u32 @!p1 v1, $0xE  }
0x78: {  	v1 =	vand.u32 @!p1 $0x3FFF, v1;
	[tilespmem:$0x2830] =	vst @!p1 v2  }
0x79: {  	[tilespmem:$0x2C30] =	vst @!p1 v1  }
0x7a: {  	v1 =	vld @!p1 [tilespmem:s22+$0x140];
	_ =	sdelay $0x4  }
0x7b: {  	v2 =	vshrl.u32 @!p1 v1, $0xE  }
0x7c: {  	v1 =	vand.u32 @!p1 $0x3FFF, v1;
	[tilespmem:$0x2840] =	vst @!p1 v2  }
0x7d: {  	[tilespmem:$0x2C40] =	vst @!p1 v1  }
0x7e: {  	v1 =	vld @!p1 [tilespmem:s22+$0x150];
	_ =	sdelay $0x4  }
0x7f: {  	v2 =	vshrl.u32 @!p1 v1, $0xE  }
0x80: {  	v1 =	vand.u32 @!p1 $0x3FFF, v1;
	[tilespmem:$0x2850] =	vst @!p1 v2  }
0x81: {  	[tilespmem:$0x2C50] =	vst @!p1 v1  }
0x82: {  	v1 =	vld @!p1 [tilespmem:s22+$0x160];
	_ =	sdelay $0x4  }
0x83: {  	s24 =	simm.s32 @!p1 $0x80;
	v2 =	vshrl.u32 @!p1 v1, $0xE  }
0x84: {  	s25 =	simm.s32 @!p1 $0x2C00;
	s26 =	simm.s32 @!p1 $0x3000;
	s21 =	simm.s32 $0x400;
	v1 =	vand.u32 @!p1 $0x3FFF, v1;
	[tilespmem:$0x2860] =	vst @!p1 v2  }
.LBB2_8:
0x85: {  	[tilespmem:$0x2C60] =	vst @!p1 v1;
	s23 =	smov.u32 s21;
	s21 =	sadd.s32 $0x400, s21  }
0x86: {  	p0 =	sne.s32 s21, $0xA000;
	v1 =	vld @!p1 [tilespmem:s22+$0x170];
	_ =	sdelay $0x4  }
0x87: {  	v2 =	vshrl.u32 @!p1 v1, $0xE;
	v1 =	vand.u32 @!p1 $0x3FFF, v1  }
0x88: {  	[tilespmem:$0x2870] =	vst @!p1 v2  }
0x89: {  	[tilespmem:$0x2C70] =	vst @!p1 v1  }
0x8a: {  	[tilespmem:s26], [sflag:$0x1] =	stream.indirect.gather @!p1 [hbm4b:s4+s24], $0x80, s25, s24, $0xb8;
	[tilespmem:$0x1F400] =	vst v63  }
0x8b: {  	_ =	swait.ge [sflag:s18], $0x4000  }
0x8c: {  	[sflag:s18] =	ssyncset.done $0x0  }
0x8d: {  	[sflag:s18] =	ssyncadd.s32 $0xFFFFC000  }
0x8e: {  	[spmem:s1] =	stream.indirect.scatter.add.f32 [tilespmem:s16], [sflag:$0x3], $0x80, s19, s12, $0xb8;
	[tilespmem:$0x1F400] =	vst v63  }
0x8f: {  	_ =	swait.ge [sflag:s10], $0x4000  }
0x90: {  	[sflag:s10] =	ssyncset.done $0x0  }
0x91: {  	s22 =	sshra.s32 s23, $0x2;
	[sflag:s10] =	ssyncadd.s32 $0xFFFFC000  }
0x92: {  	v1 =	vld [tilespmem:s22+$0x80];
	_ =	sdelay $0x4  }
0x93: {  	v2 =	vshrl.u32 v1, $0xE;
	v1 =	vand.u32 $0x3FFF, v1  }
0x94: {  	[tilespmem:$0x2880] =	vst v2  }
0x95: {  	[tilespmem:$0x2C80] =	vst v1  }
0x96: {  	v1 =	vld [tilespmem:s22+$0x90];
	_ =	sdelay $0x4  }
0x97: {  	v2 =	vshrl.u32 v1, $0xE;
	v1 =	vand.u32 $0x3FFF, v1  }
0x98: {  	[tilespmem:$0x2890] =	vst v2  }
0x99: {  	[tilespmem:$0x2C90] =	vst v1  }
0x9a: {  	v1 =	vld [tilespmem:s22+$0xA0];
	_ =	sdelay $0x4  }
0x9b: {  	v2 =	vshrl.u32 v1, $0xE;
	v1 =	vand.u32 $0x3FFF, v1  }
0x9c: {  	[tilespmem:$0x28A0] =	vst v2  }
0x9d: {  	[tilespmem:$0x2CA0] =	vst v1  }
0x9e: {  	v1 =	vld [tilespmem:s22+$0xB0];
	_ =	sdelay $0x4  }
0x9f: {  	v2 =	vshrl.u32 v1, $0xE;
	v1 =	vand.u32 $0x3FFF, v1  }
0xa0: {  	[tilespmem:$0x28B0] =	vst v2  }
0xa1: {  	[tilespmem:$0x2CB0] =	vst v1  }
0xa2: {  	v1 =	vld [tilespmem:s22+$0xC0];
	_ =	sdelay $0x4  }
0xa3: {  	v2 =	vshrl.u32 v1, $0xE;
	v1 =	vand.u32 $0x3FFF, v1  }
0xa4: {  	[tilespmem:$0x28C0] =	vst v2  }
0xa5: {  	[tilespmem:$0x2CC0] =	vst v1  }
0xa6: {  	v1 =	vld [tilespmem:s22+$0xD0];
	_ =	sdelay $0x4  }
0xa7: {  	v2 =	vshrl.u32 v1, $0xE;
	v1 =	vand.u32 $0x3FFF, v1  }
0xa8: {  	[tilespmem:$0x28D0] =	vst v2  }
0xa9: {  	[tilespmem:$0x2CD0] =	vst v1  }
0xaa: {  	v1 =	vld [tilespmem:s22+$0xE0];
	_ =	sdelay $0x4  }
0xab: {  	v2 =	vshrl.u32 v1, $0xE;
	v1 =	vand.u32 $0x3FFF, v1  }
0xac: {  	[tilespmem:$0x28E0] =	vst v2  }
0xad: {  	[tilespmem:$0x2CE0] =	vst v1  }
0xae: {  	v1 =	vld [tilespmem:s22+$0xF0];
	_ =	sdelay $0x4  }
0xaf: {  	v2 =	vshrl.u32 v1, $0xE;
	v1 =	vand.u32 $0x3FFF, v1  }
0xb0: {  	p1 =	seq.s32 s23, $0x9C00;
	[tilespmem:$0x28F0] =	vst v2  }
0xb1: {  	s22 =	sshra.s32 @!p1 s23, $0x2;
	[tilespmem:$0x2CF0] =	vst v1  }
0xb2: {  	[tilespmem:s16], [sflag:$0x2] =	stream.indirect.gather [hbm4b:s4+s12], $0x80, s15, s12, $0xb8;
	[tilespmem:$0x1F400] =	vst v63  }
0xb3: {  	_ =	swait.ge [sflag:s11], $0x4000  }
0xb4: {  	[sflag:s11] =	ssyncset.done $0x0  }
0xb5: {  	[sflag:s11] =	ssyncadd.s32 $0xFFFFC000  }
0xb6: {  	[spmem:s1] =	stream.indirect.scatter.add.f32 [tilespmem:s14], [sflag:$0x3], $0x80, s17, s12, $0xb8;
	[tilespmem:$0x1F400] =	vst v63  }
0xb7: {  	_ =	swait.ge [sflag:s10], $0x4000  }
0xb8: {  	[sflag:s10] =	ssyncset.done $0x0  }
0xb9: {  	[sflag:s10] =	ssyncadd.s32 $0xFFFFC000  }
0xba: {  	v1 =	vld @!p1 [tilespmem:s22+$0x100];
	_ =	sdelay $0x4  }
0xbb: {  	v2 =	vshrl.u32 @!p1 v1, $0xE;
	v1 =	vand.u32 @!p1 $0x3FFF, v1  }
0xbc: {  	[tilespmem:$0x2800] =	vst @!p1 v2  }
0xbd: {  	[tilespmem:$0x2C00] =	vst @!p1 v1  }
0xbe: {  	v1 =	vld @!p1 [tilespmem:s22+$0x110];
	_ =	sdelay $0x4  }
0xbf: {  	v2 =	vshrl.u32 @!p1 v1, $0xE;
	v1 =	vand.u32 @!p1 $0x3FFF, v1  }
0xc0: {  	[tilespmem:$0x2810] =	vst @!p1 v2  }
0xc1: {  	[tilespmem:$0x2C10] =	vst @!p1 v1  }
0xc2: {  	v1 =	vld @!p1 [tilespmem:s22+$0x120];
	_ =	sdelay $0x4  }
0xc3: {  	v2 =	vshrl.u32 @!p1 v1, $0xE;
	v1 =	vand.u32 @!p1 $0x3FFF, v1  }
0xc4: {  	[tilespmem:$0x2820] =	vst @!p1 v2  }
0xc5: {  	[tilespmem:$0x2C20] =	vst @!p1 v1  }
0xc6: {  	v1 =	vld @!p1 [tilespmem:s22+$0x130];
	_ =	sdelay $0x4  }
0xc7: {  	v2 =	vshrl.u32 @!p1 v1, $0xE;
	v1 =	vand.u32 @!p1 $0x3FFF, v1  }
0xc8: {  	[tilespmem:$0x2830] =	vst @!p1 v2  }
0xc9: {  	[tilespmem:$0x2C30] =	vst @!p1 v1  }
0xca: {  	v1 =	vld @!p1 [tilespmem:s22+$0x140];
	_ =	sdelay $0x4  }
0xcb: {  	v2 =	vshrl.u32 @!p1 v1, $0xE;
	v1 =	vand.u32 @!p1 $0x3FFF, v1  }
0xcc: {  	[tilespmem:$0x2840] =	vst @!p1 v2  }
0xcd: {  	[tilespmem:$0x2C40] =	vst @!p1 v1  }
0xce: {  	v1 =	vld @!p1 [tilespmem:s22+$0x150];
	_ =	sdelay $0x4  }
0xcf: {  	v2 =	vshrl.u32 @!p1 v1, $0xE;
	v1 =	vand.u32 @!p1 $0x3FFF, v1  }
0xd0: {  	[tilespmem:$0x2850] =	vst @!p1 v2  }
0xd1: {  	s24 =	simm.s32 @!p1 $0x80;
	s25 =	simm.s32 @!p1 $0x2C00;
	s26 =	simm.s32 @!p1 $0x3000;
	[tilespmem:$0x2C50] =	vst @!p1 v1  }
0xd2: {  	v1 =	vld @!p1 [tilespmem:s22+$0x160];
	_ =	sdelay $0x1  }
.Ltmp3:
0xd3: {  	(pc) =	sbr.rel @p0 .LBB2_8-.Ltmp3, $3  }
0xd4: {  	_ =	sdelay $0x1  }
0xd5: {  	v2 =	vshrl.u32 @!p1 v1, $0xE;
	v1 =	vand.u32 @!p1 $0x3FFF, v1  }
0xd6: {  	[tilespmem:$0x2860] =	vst @!p1 v2  }
0xd7: {  	[tilespmem:$0x2C60] =	vst @!p1 v1  }
0xd8: {  	v1 =	vld @!p1 [tilespmem:s22+$0x170];
	_ =	sdelay $0x4  }
0xd9: {  	v2 =	vshrl.u32 @!p1 v1, $0xE  }
0xda: {  	v1 =	vand.u32 @!p1 $0x3FFF, v1;
	[tilespmem:$0x2870] =	vst @!p1 v2  }
0xdb: {  	[tilespmem:$0x2C70] =	vst @!p1 v1  }
0xdc: {  	[tilespmem:s26], [sflag:$0x1] =	stream.indirect.gather @!p1 [hbm4b:s4+s24], $0x80, s25, s24, $0xb8;
	[tilespmem:$0x1F400] =	vst v63  }
0xdd: {  	_ =	swait.ge [sflag:s18], $0x4000  }
0xde: {  	[sflag:s18] =	ssyncset.done $0x0  }
0xdf: {  	[sflag:s18] =	ssyncadd.s32 $0xFFFFC000  }
0xe0: {  	[spmem:s1] =	stream.indirect.scatter.add.f32 [tilespmem:s16], [sflag:$0x3], $0x80, s19, s12, $0xb8;
	[tilespmem:$0x1F400] =	vst v63  }
0xe1: {  	_ =	swait.ge [sflag:s10], $0x4000  }
0xe2: {  	s21 =	sshll.u32 s2, $0x6;
	s20 =	sadd.s32 $0x1, s20;
	[sflag:s10] =	ssyncset.done $0x0  }
0xe3: {  	s31 =	sshrl.u32 s5, $0x3;
	p0 =	sne.s32 s20, s8;
	[sflag:s10] =	ssyncadd.s32 $0xFFFFC000  }
.Ltmp4:
0xe4: {  	s21 =	sor.u32 $0x1C03, s21;
	[bflag:$0x0] =	sbarrier.arrive $0xFFFF;
	(pc) =	sbr.rel @p0 .LBB2_1-.Ltmp4, $4  }
0xe5: {  	[hbm:s7], [sflag:s21] =	dma.local [spmem:s31], $0x2800  }
0xe6: {  	_ =	swait.ge [sflag:s10], $0x2800  }
0xe7: {  	[sflag:s10] =	ssyncset.done $0x0  }
0xe8: {  	[sflag:s10] =	ssyncadd.s32 $0xFFFFD800  }
0xe9: {  	_ =	sfence.sel $0x180000  }
0xea: {  	[bflag:$0x0] =	sbarrier.arrive $0xFFFF  }
0xeb: {  	p0 =	sne.s32 s2, $0x0;
	_ =	strace $0x9000004A  }
0xec: {  	s0 =	sadd.s32 @!p0 $0x100000, s0;
	[bflag:$0x2] =	sbarrier.arrive $0xFFFF  }
0xed: {  	[sflag:s0] =	ssyncadd.tile.s32 @!p0 $0x1;
	_ =	shalt  }
.Lfunc_end2:
_tile_overlayer_lowered:
.L_overlay_start_2:
0xee: {  	(tag) =	ssettag $0x2  }
0xef: {  	s0 =	rddreg [dreg:$0x0];
	s2 =	stileid.u32  }
0xf0: {  	s1 =	rddreg [dreg:$0x1];
	p0 =	sne.s32 s2, $0x0  }
0xf1: {  	s3 =	rddreg [dreg:$0x2];
	[bflag:$0x3] =	sbarrier.arrive $0xFFFF;
	s2 =	simm.s32 @!p0 $0x1C03  }
0xf2: {  	[timem:s3], [sflag:s2] =	dma.local @!p0 [hbm:s0], s1  }
0xf3: {  	s0 =	simm.s32 @!p0 $0x3  }
0xf4: {  	_ =	swait.ge @!p0 [sflag:s0], s1  }
0xf5: {  	s1 =	ssub.s32 @!p0 $0x0, s1;
	[sflag:s0] =	ssyncset.done @!p0 $0x0  }
0xf6: {  	[sflag:s0] =	ssyncadd.s32 @!p0 s1  }
0xf7: {  	[bflag:$0x3] =	sbarrier.arrive $0xFFFF  }
0xf8: {  	_ =	shalt  }

</sc_bundles>
